<compile_context>
chip_gen: v7x
topology: tpu7x:2x2x1
jax: 0.10.2.dev20260603
libtpu: 0.0.44.dev20260713+nightly
codegen_flags: <defaults>
</compile_context>

<pallas_src>
import functools

import jax
import jax.numpy as jnp
from jax import lax
from jax.experimental import pallas as pl
from jax.experimental.pallas import tpu as pltpu
from jax.experimental.pallas import tpu_sc as plsc

_L = 16
_NS = 16
_C = 96


def _build_sc_kernel(np_t: int, na_e: int, na_r: int, n_chunks: int,
                     half: int):
  assert n_chunks % _NS == 0 and half % _L == 0
  cpt = n_chunks // _NS
  n_slots = -(-(cpt + 1) // 6) * 6
  rows_e = na_e // _NS
  rows_r = na_r // _NS

  mesh = plsc.VectorSubcoreMesh(core_axis_name="c", subcore_axis_name="s")
  f32, i32 = jnp.float32, jnp.int32

  @functools.partial(
      pl.kernel,
      out_type=(
          jax.ShapeDtypeStruct((2 * na_e, half), f32),
          jax.ShapeDtypeStruct((2 * na_r, half), f32),
      ),
      mesh=mesh,
      compiler_params=pltpu.CompilerParams(use_tc_tiling_on_sc=False),
      scratch_types=(
          [pltpu.VMEM_SHARED((na_e + 8, half), f32),
           pltpu.VMEM_SHARED((na_r + 8, half), f32)]
          + [pltpu.VMEM((_C,), i32)] * 9
          + [pltpu.VMEM((_C,), i32)] * 3
          + [pltpu.VMEM((_C, half), f32)] * 6
          + [pltpu.VMEM((_C, half), f32)] * 2
          + [pltpu.SemaphoreType.DMA] * 6
      ),
  )
  def sc_kernel(e2, r2, hh, rr, tt, oe, out_r, acc_e, acc_r,
                ih0, ih1, ih2, ir0, ir1, ir2, it0, it1, it2, ioh, ior, iot,
                gh0, gh1, gr0, gr1, gt0, gt1, vb, mb,
                gsem0, gsem1, isem0, isem1, isem2, ssem):
    c = lax.axis_index("c")
    s = lax.axis_index("s")
    ihs, irs, its = (ih0, ih1, ih2), (ir0, ir1, ir2), (it0, it1, it2)
    ghs, grs, gts = (gh0, gh1), (gr0, gr1), (gt0, gt1)
    gsems, isems = (gsem0, gsem1), (isem0, isem1, isem2)

    coff = c * np_t
    dummy_f = e2.at[pl.ds(0, _C)]
    dummy_i = hh.at[pl.ds(0, _C)]

    pltpu.sync_copy(e2.at[pl.ds(coff + s * rows_e, rows_e)],
                    acc_e.at[pl.ds(s * rows_e, rows_e)])
    pltpu.sync_copy(r2.at[pl.ds(coff + s * rows_r, rows_r)],
                    acc_r.at[pl.ds(s * rows_r, rows_r)])
    plsc.subcore_barrier()

    def fire_idx(g, u):
      base = (g * _NS + s) * _C
      pltpu.async_copy(hh.at[pl.ds(base, _C)], ihs[u], isems[u])
      pltpu.async_copy(rr.at[pl.ds(base, _C)], irs[u], isems[u])
      pltpu.async_copy(tt.at[pl.ds(base, _C)], its[u], isems[u])

    def fire_gathers(u, p):
      for kk in range(_C // _L):
        sl = pl.ds(kk * _L, _L)
        ioh[sl] = ihs[u][sl] + coff
        ior[sl] = irs[u][sl] + coff
        iot[sl] = its[u][sl] + coff
      pltpu.async_copy(e2.at[ioh], ghs[p], gsems[p])
      pltpu.async_copy(r2.at[ior], grs[p], gsems[p])
      pltpu.async_copy(e2.at[iot], gts[p], gsems[p])

    base0 = s * _C
    pltpu.sync_copy(hh.at[pl.ds(base0, _C)], ih0)
    pltpu.sync_copy(rr.at[pl.ds(base0, _C)], ir0)
    pltpu.sync_copy(tt.at[pl.ds(base0, _C)], it0)
    fire_idx(1, 1)
    fire_gathers(0, 0)

    @pl.loop(0, n_slots // 6)
    def _slots(go):
      for b in range(6):
        g = go * 6 + b
        q, w = b % 2, b % 3
        gh, gr, gt = ghs[q], grs[q], gts[q]
        ih, ir, it = ihs[w], irs[w], its[w]

        @pl.when(g < cpt)
        def _(q=q, gh=gh, gr=gr, gt=gt):
          pltpu.make_async_copy(dummy_f, gh, gsems[q]).wait()
          pltpu.make_async_copy(dummy_f, gr, gsems[q]).wait()
          pltpu.make_async_copy(dummy_f, gt, gsems[q]).wait()

        @pl.when(g + 1 < cpt)
        def _(q=q, b=b):
          u = (b + 1) % 3
          pltpu.make_async_copy(dummy_i, ihs[u], isems[u]).wait()
          pltpu.make_async_copy(dummy_i, irs[u], isems[u]).wait()
          pltpu.make_async_copy(dummy_i, its[u], isems[u]).wait()
          fire_gathers(u, 1 - q)

        @pl.when((g >= 1) & (g - 1 < cpt))
        def _():
          pltpu.make_async_copy(dummy_f, vb, ssem).wait()
          pltpu.make_async_copy(dummy_f, vb, ssem).wait()
          pltpu.make_async_copy(dummy_f, vb, ssem).wait()

        @pl.when(g + 2 < cpt)
        def _(g=g, b=b):
          fire_idx(g + 2, (b + 2) % 3)

        @pl.when(g < cpt)
        def _(gh=gh, gr=gr, gt=gt, ih=ih, ir=ir, it=it):
          @pl.loop(0, _C)
          def _rows(row):
            for kk in range(half // _L):
              sl = pl.ds(kk * _L, _L)
              v = gh[row, sl] + gr[row, sl] - gt[row, sl]
              vb[row, sl] = v
              mb[row, sl] = -v

          pltpu.async_copy(mb, acc_e.at[ih], ssem, add=True)
          pltpu.async_copy(vb, acc_e.at[it], ssem, add=True)
          pltpu.async_copy(mb, acc_r.at[ir], ssem, add=True)

    plsc.subcore_barrier()

    def relu_out(acc, out_ref, ocoff, rows):
      done = 0
      while done < rows:
        nb = min(_C, rows - done)
        row0 = s * rows + done
        pltpu.sync_copy(acc.at[pl.ds(row0, nb)], gh0.at[pl.ds(0, nb)])

        @pl.loop(0, nb)
        def _rl(row):
          for kk in range(half // _L):
            sl = pl.ds(kk * _L, _L)
            gh0[row, sl] = jnp.maximum(gh0[row, sl], 0.0)

        pltpu.sync_copy(gh0.at[pl.ds(0, nb)],
                        out_ref.at[pl.ds(ocoff + row0, nb)])
        done += nb

    relu_out(acc_e, oe, c * na_e, rows_e)
    relu_out(acc_r, out_r, c * na_r, rows_r)

  return sc_kernel


def kernel(ent_emb, rel_emb, nei_array):
  n_nodes, d = ent_emb.shape
  n_rels = rel_emb.shape[0]
  n_edges = nei_array.shape[0]
  half = d // 2
  np_t = ((max(n_nodes, n_rels) + 1 + 7) // 8) * 8

  nei = nei_array.astype(jnp.int32)

  blk_edges = _C * _NS
  n_edges_p = -(-n_edges // blk_edges) * blk_edges

  def col(j, dummy_row):
    pad = jnp.full((n_edges_p - n_edges,), dummy_row, jnp.int32)
    return jnp.concatenate([nei[:, j], pad])

  h_idx = col(0, n_nodes)
  r_idx = col(1, n_rels)
  t_idx = col(2, n_nodes)

  def stack(tab):
    n = tab.shape[0]
    pad = jnp.zeros((np_t - n, half), jnp.float32)
    return jnp.concatenate([tab[:, :half], pad, tab[:, half:], pad], axis=0)

  e2 = stack(ent_emb)
  r2 = stack(rel_emb)

  oe2, or2 = _build_sc_kernel(np_t, n_nodes, n_rels, n_edges_p // _C, half)(
      e2, r2, h_idx, r_idx, t_idx)

  ent_out = jnp.concatenate([oe2[:n_nodes], oe2[n_nodes:]], axis=1)
  rel_out = jnp.concatenate([or2[:n_rels], or2[n_rels:]], axis=1)
  return ent_out, rel_out

# --- scband reference (transcript-rebuilt; emitter-appended) ---
"""Pipeline reference for scband-auto-rel-graph-convolution-17076789969303 (READ-ONLY COPY).

The authoritative reference and input builder live on the scoring server;
editing this copy changes nothing except your own understanding.
"""

import jax, jax.numpy as jnp
import numpy as np

ALPHA = 0.5
BETA = 0.5


def setup_inputs(seed: int = 0) -> dict:
    key = jax.random.key(seed)
    k1, k2, k3 = jax.random.split(key, 3)
    n_nodes = 10000
    n_rels = 10000
    n_edges = 160000
    d = 128
    ent_emb = jax.random.normal(k1, (n_nodes, d), dtype=jnp.float32)
    rel_emb = jax.random.normal(k2, (n_rels, d), dtype=jnp.float32)
    nei_array = jax.random.randint(k3, (n_edges, 3), 0, n_nodes, dtype=jnp.int64)
    return {"ent_emb": ent_emb, "rel_emb": rel_emb, "nei_array": nei_array}


def reference(ent_emb, rel_emb, nei_array):
    # AutoRelGraphConvolution with mode='TransE': messages are gradients of the
    # KE score loss w.r.t. entity / relation embedding tables (auto-diff message passing).
    head_idx = nei_array[:, 0]
    rel_idx = nei_array[:, 1]
    tail_idx = nei_array[:, 2]

    def loss_fn(e, r):
        ent_head = jnp.take(e, head_idx, axis=0)   # gather
        ent_tail = jnp.take(e, tail_idx, axis=0)   # gather
        rel = jnp.take(r, rel_idx, axis=0)         # gather
        return -jnp.sum((ent_head + rel - ent_tail) ** 2)

    loss, (ent_message, rel_message) = jax.value_and_grad(loss_fn, argnums=(0, 1))(ent_emb, rel_emb)
    # gradients materialize as scatter-adds over the embedding tables
    ent_out = jax.nn.relu(ent_emb + ALPHA * ent_message)
    rel_out = jax.nn.relu(rel_emb + BETA * rel_message)
    return ent_out, rel_out

if __name__ == "__main__":
    import jax
    _d = setup_inputs()
    print(jax.jit(kernel)(*tuple(_d.values())))

</pallas_src>

<mosaic_0001>
#map = affine_map<(d0, d1) -> (0, 0)>
#map1 = affine_map<(d0, d1) -> (0)>
module attributes {stable_mosaic.version = 14 : i64} {
  func.func @sc_kernel(%arg0: i32, %arg1: i32, %arg2: memref<20016x64xf32, #tpu.memory_space<hbm>>, %arg3: memref<20016x64xf32, #tpu.memory_space<hbm>>, %arg4: memref<161280xi32, #tpu.memory_space<hbm>>, %arg5: memref<161280xi32, #tpu.memory_space<hbm>>, %arg6: memref<161280xi32, #tpu.memory_space<hbm>>, %arg7: memref<20000x64xf32, #tpu.memory_space<hbm>>, %arg8: memref<20000x64xf32, #tpu.memory_space<hbm>>, %arg9: memref<10008x64xf32, #tpu.memory_space<vmem_shared>>, %arg10: memref<10008x64xf32, #tpu.memory_space<vmem_shared>>, %arg11: memref<96xi32, #tpu.memory_space<vmem>>, %arg12: memref<96xi32, #tpu.memory_space<vmem>>, %arg13: memref<96xi32, #tpu.memory_space<vmem>>, %arg14: memref<96xi32, #tpu.memory_space<vmem>>, %arg15: memref<96xi32, #tpu.memory_space<vmem>>, %arg16: memref<96xi32, #tpu.memory_space<vmem>>, %arg17: memref<96xi32, #tpu.memory_space<vmem>>, %arg18: memref<96xi32, #tpu.memory_space<vmem>>, %arg19: memref<96xi32, #tpu.memory_space<vmem>>, %arg20: memref<96xi32, #tpu.memory_space<vmem>>, %arg21: memref<96xi32, #tpu.memory_space<vmem>>, %arg22: memref<96xi32, #tpu.memory_space<vmem>>, %arg23: memref<96x64xf32, #tpu.memory_space<vmem>>, %arg24: memref<96x64xf32, #tpu.memory_space<vmem>>, %arg25: memref<96x64xf32, #tpu.memory_space<vmem>>, %arg26: memref<96x64xf32, #tpu.memory_space<vmem>>, %arg27: memref<96x64xf32, #tpu.memory_space<vmem>>, %arg28: memref<96x64xf32, #tpu.memory_space<vmem>>, %arg29: memref<96x64xf32, #tpu.memory_space<vmem>>, %arg30: memref<96x64xf32, #tpu.memory_space<vmem>>, %arg31: memref<!tpu.dma_semaphore, #tpu.memory_space<semaphore_mem>>, %arg32: memref<!tpu.dma_semaphore, #tpu.memory_space<semaphore_mem>>, %arg33: memref<!tpu.dma_semaphore, #tpu.memory_space<semaphore_mem>>, %arg34: memref<!tpu.dma_semaphore, #tpu.memory_space<semaphore_mem>>, %arg35: memref<!tpu.dma_semaphore, #tpu.memory_space<semaphore_mem>>, %arg36: memref<!tpu.dma_semaphore, #tpu.memory_space<semaphore_mem>>) attributes {dimension_semantics = [#tpu.dimension_semantics<core_parallel>, #tpu.dimension_semantics<subcore_parallel>], iteration_bounds = array<i64: 2, 16>, scalar_prefetch = 0 : i64, scratch_operands = 28 : i64, tpu.core_type = #tpu.core_type<sc_vector_subcore>, window_params = [{transform_indices = #map}, {transform_indices = #map}, {transform_indices = #map1}, {transform_indices = #map1}, {transform_indices = #map1}, {transform_indices = #map}, {transform_indices = #map}]} {
    %mul3A = arith.constant 10008 : i32
    %mul3A_0 = arith.muli %arg0, %mul3A : i32
    %mul3A_1 = arith.constant 625 : i32
    %mul3A_2 = arith.muli %arg1, %mul3A_1 : i32
    %add3A = arith.addi %mul3A_0, %mul3A_2 : i32
    %mul3A_3 = arith.constant 625 : i32
    %mul3A_4 = arith.muli %arg1, %mul3A_3 : i32
    "tpu.region"() ({
      %run_scoped3A = tpu.sem_alloc : memref<!tpu.dma_semaphore, #tpu.memory_space<semaphore_mem>>
      %dma_start3A_339 = arith.constant 0 : i32
      %dma_start3A_340 = tpu.memref_slice %arg9[%mul3A_4, %dma_start3A_339] : memref<10008x64xf32, #tpu.memory_space<vmem_shared>> -> memref<625x64xf32, #tpu.memory_space<vmem_shared>>
      %dma_start3A_341 = arith.constant 0 : i32
      %dma_start3A_342 = tpu.memref_slice %arg2[%add3A, %dma_start3A_341] : memref<20016x64xf32, #tpu.memory_space<hbm>> -> memref<625x64xf32, #tpu.memory_space<hbm>>
      tpu.enqueue_dma source(%dma_start3A_342 : memref<625x64xf32, #tpu.memory_space<hbm>>) target(%dma_start3A_340 : memref<625x64xf32, #tpu.memory_space<vmem_shared>>) target_semaphore(%run_scoped3A : memref<!tpu.dma_semaphore, #tpu.memory_space<semaphore_mem>>)
      %dma_wait3A = arith.constant 0 : i32
      %dma_wait3A_343 = tpu.memref_slice %arg9[%mul3A_4, %dma_wait3A] : memref<10008x64xf32, #tpu.memory_space<vmem_shared>> -> memref<625x64xf32, #tpu.memory_space<vmem_shared>>
      %dma_wait3A_344 = arith.constant 0 : i32
      %dma_wait3A_345 = tpu.memref_slice %arg2[%add3A, %dma_wait3A_344] : memref<20016x64xf32, #tpu.memory_space<hbm>> -> memref<625x64xf32, #tpu.memory_space<hbm>>
      tpu.wait_dma2 semaphore(%run_scoped3A : memref<!tpu.dma_semaphore, #tpu.memory_space<semaphore_mem>>) src(%dma_wait3A_345 : memref<625x64xf32, #tpu.memory_space<hbm>>) dst(%dma_wait3A_343 : memref<625x64xf32, #tpu.memory_space<vmem_shared>>)
      tpu.yield
    }) : () -> ()
    %mul3A_5 = arith.constant 625 : i32
    %mul3A_6 = arith.muli %arg1, %mul3A_5 : i32
    %add3A_7 = arith.addi %mul3A_0, %mul3A_6 : i32
    %mul3A_8 = arith.constant 625 : i32
    %mul3A_9 = arith.muli %arg1, %mul3A_8 : i32
    "tpu.region"() ({
      %run_scoped3A = tpu.sem_alloc : memref<!tpu.dma_semaphore, #tpu.memory_space<semaphore_mem>>
      %dma_start3A_339 = arith.constant 0 : i32
      %dma_start3A_340 = tpu.memref_slice %arg10[%mul3A_9, %dma_start3A_339] : memref<10008x64xf32, #tpu.memory_space<vmem_shared>> -> memref<625x64xf32, #tpu.memory_space<vmem_shared>>
      %dma_start3A_341 = arith.constant 0 : i32
      %dma_start3A_342 = tpu.memref_slice %arg3[%add3A_7, %dma_start3A_341] : memref<20016x64xf32, #tpu.memory_space<hbm>> -> memref<625x64xf32, #tpu.memory_space<hbm>>
      tpu.enqueue_dma source(%dma_start3A_342 : memref<625x64xf32, #tpu.memory_space<hbm>>) target(%dma_start3A_340 : memref<625x64xf32, #tpu.memory_space<vmem_shared>>) target_semaphore(%run_scoped3A : memref<!tpu.dma_semaphore, #tpu.memory_space<semaphore_mem>>)
      %dma_wait3A = arith.constant 0 : i32
      %dma_wait3A_343 = tpu.memref_slice %arg10[%mul3A_9, %dma_wait3A] : memref<10008x64xf32, #tpu.memory_space<vmem_shared>> -> memref<625x64xf32, #tpu.memory_space<vmem_shared>>
      %dma_wait3A_344 = arith.constant 0 : i32
      %dma_wait3A_345 = tpu.memref_slice %arg3[%add3A_7, %dma_wait3A_344] : memref<20016x64xf32, #tpu.memory_space<hbm>> -> memref<625x64xf32, #tpu.memory_space<hbm>>
      tpu.wait_dma2 semaphore(%run_scoped3A : memref<!tpu.dma_semaphore, #tpu.memory_space<semaphore_mem>>) src(%dma_wait3A_345 : memref<625x64xf32, #tpu.memory_space<hbm>>) dst(%dma_wait3A_343 : memref<625x64xf32, #tpu.memory_space<vmem_shared>>)
      tpu.yield
    }) : () -> ()
    %barrier3A = arith.constant 0 : index
    tpu.barrier barrier_id(%barrier3A)
    %mul3A_10 = arith.constant 96 : i32
    %mul3A_11 = arith.muli %arg1, %mul3A_10 : i32
    "tpu.region"() ({
      %run_scoped3A = tpu.sem_alloc : memref<!tpu.dma_semaphore, #tpu.memory_space<semaphore_mem>>
      %dma_start3A_339 = tpu.memref_slice %arg4[%mul3A_11] : memref<161280xi32, #tpu.memory_space<hbm>> -> memref<96xi32, #tpu.memory_space<hbm>>
      %dma_start3A_340 = tpu.memref_slice %arg4[%mul3A_11] : memref<161280xi32, #tpu.memory_space<hbm>> -> memref<96xi32, #tpu.memory_space<hbm>>
      tpu.enqueue_dma source(%dma_start3A_340 : memref<96xi32, #tpu.memory_space<hbm>>) target(%arg11 : memref<96xi32, #tpu.memory_space<vmem>>) target_semaphore(%run_scoped3A : memref<!tpu.dma_semaphore, #tpu.memory_space<semaphore_mem>>)
      %dma_wait3A = tpu.memref_slice %arg4[%mul3A_11] : memref<161280xi32, #tpu.memory_space<hbm>> -> memref<96xi32, #tpu.memory_space<hbm>>
      %dma_wait3A_341 = tpu.memref_slice %arg4[%mul3A_11] : memref<161280xi32, #tpu.memory_space<hbm>> -> memref<96xi32, #tpu.memory_space<hbm>>
      tpu.wait_dma2 semaphore(%run_scoped3A : memref<!tpu.dma_semaphore, #tpu.memory_space<semaphore_mem>>) src(%dma_wait3A_341 : memref<96xi32, #tpu.memory_space<hbm>>) dst(%arg11 : memref<96xi32, #tpu.memory_space<vmem>>)
      tpu.yield
    }) : () -> ()
    "tpu.region"() ({
      %run_scoped3A = tpu.sem_alloc : memref<!tpu.dma_semaphore, #tpu.memory_space<semaphore_mem>>
      %dma_start3A_339 = tpu.memref_slice %arg5[%mul3A_11] : memref<161280xi32, #tpu.memory_space<hbm>> -> memref<96xi32, #tpu.memory_space<hbm>>
      %dma_start3A_340 = tpu.memref_slice %arg5[%mul3A_11] : memref<161280xi32, #tpu.memory_space<hbm>> -> memref<96xi32, #tpu.memory_space<hbm>>
      tpu.enqueue_dma source(%dma_start3A_340 : memref<96xi32, #tpu.memory_space<hbm>>) target(%arg14 : memref<96xi32, #tpu.memory_space<vmem>>) target_semaphore(%run_scoped3A : memref<!tpu.dma_semaphore, #tpu.memory_space<semaphore_mem>>)
      %dma_wait3A = tpu.memref_slice %arg5[%mul3A_11] : memref<161280xi32, #tpu.memory_space<hbm>> -> memref<96xi32, #tpu.memory_space<hbm>>
      %dma_wait3A_341 = tpu.memref_slice %arg5[%mul3A_11] : memref<161280xi32, #tpu.memory_space<hbm>> -> memref<96xi32, #tpu.memory_space<hbm>>
      tpu.wait_dma2 semaphore(%run_scoped3A : memref<!tpu.dma_semaphore, #tpu.memory_space<semaphore_mem>>) src(%dma_wait3A_341 : memref<96xi32, #tpu.memory_space<hbm>>) dst(%arg14 : memref<96xi32, #tpu.memory_space<vmem>>)
      tpu.yield
    }) : () -> ()
    "tpu.region"() ({
      %run_scoped3A = tpu.sem_alloc : memref<!tpu.dma_semaphore, #tpu.memory_space<semaphore_mem>>
      %dma_start3A_339 = tpu.memref_slice %arg6[%mul3A_11] : memref<161280xi32, #tpu.memory_space<hbm>> -> memref<96xi32, #tpu.memory_space<hbm>>
      %dma_start3A_340 = tpu.memref_slice %arg6[%mul3A_11] : memref<161280xi32, #tpu.memory_space<hbm>> -> memref<96xi32, #tpu.memory_space<hbm>>
      tpu.enqueue_dma source(%dma_start3A_340 : memref<96xi32, #tpu.memory_space<hbm>>) target(%arg17 : memref<96xi32, #tpu.memory_space<vmem>>) target_semaphore(%run_scoped3A : memref<!tpu.dma_semaphore, #tpu.memory_space<semaphore_mem>>)
      %dma_wait3A = tpu.memref_slice %arg6[%mul3A_11] : memref<161280xi32, #tpu.memory_space<hbm>> -> memref<96xi32, #tpu.memory_space<hbm>>
      %dma_wait3A_341 = tpu.memref_slice %arg6[%mul3A_11] : memref<161280xi32, #tpu.memory_space<hbm>> -> memref<96xi32, #tpu.memory_space<hbm>>
      tpu.wait_dma2 semaphore(%run_scoped3A : memref<!tpu.dma_semaphore, #tpu.memory_space<semaphore_mem>>) src(%dma_wait3A_341 : memref<96xi32, #tpu.memory_space<hbm>>) dst(%arg17 : memref<96xi32, #tpu.memory_space<vmem>>)
      tpu.yield
    }) : () -> ()
    %add3A_12 = arith.constant 16 : i32
    %add3A_13 = arith.addi %add3A_12, %arg1 : i32
    %mul3A_14 = arith.constant 96 : i32
    %mul3A_15 = arith.muli %add3A_13, %mul3A_14 : i32
    %dma_start3A = tpu.memref_slice %arg4[%mul3A_15] : memref<161280xi32, #tpu.memory_space<hbm>> -> memref<96xi32, #tpu.memory_space<hbm>>
    %dma_start3A_16 = tpu.memref_slice %arg4[%mul3A_15] : memref<161280xi32, #tpu.memory_space<hbm>> -> memref<96xi32, #tpu.memory_space<hbm>>
    tpu.enqueue_dma source(%dma_start3A_16 : memref<96xi32, #tpu.memory_space<hbm>>) target(%arg12 : memref<96xi32, #tpu.memory_space<vmem>>) target_semaphore(%arg34 : memref<!tpu.dma_semaphore, #tpu.memory_space<semaphore_mem>>)
    %dma_start3A_17 = tpu.memref_slice %arg5[%mul3A_15] : memref<161280xi32, #tpu.memory_space<hbm>> -> memref<96xi32, #tpu.memory_space<hbm>>
    %dma_start3A_18 = tpu.memref_slice %arg5[%mul3A_15] : memref<161280xi32, #tpu.memory_space<hbm>> -> memref<96xi32, #tpu.memory_space<hbm>>
    tpu.enqueue_dma source(%dma_start3A_18 : memref<96xi32, #tpu.memory_space<hbm>>) target(%arg15 : memref<96xi32, #tpu.memory_space<vmem>>) target_semaphore(%arg34 : memref<!tpu.dma_semaphore, #tpu.memory_space<semaphore_mem>>)
    %dma_start3A_19 = tpu.memref_slice %arg6[%mul3A_15] : memref<161280xi32, #tpu.memory_space<hbm>> -> memref<96xi32, #tpu.memory_space<hbm>>
    %dma_start3A_20 = tpu.memref_slice %arg6[%mul3A_15] : memref<161280xi32, #tpu.memory_space<hbm>> -> memref<96xi32, #tpu.memory_space<hbm>>
    tpu.enqueue_dma source(%dma_start3A_20 : memref<96xi32, #tpu.memory_space<hbm>>) target(%arg18 : memref<96xi32, #tpu.memory_space<vmem>>) target_semaphore(%arg34 : memref<!tpu.dma_semaphore, #tpu.memory_space<semaphore_mem>>)
    %get3A = arith.constant 0 : index
    %get3A_21 = tpu.vector_load %arg11[%get3A] {strides = array<i32>} : memref<96xi32, #tpu.memory_space<vmem>>, vector<16xi32>,
    %get3A_22 = vector.shape_cast %get3A_21 : vector<16xi32> to vector<16xi32>
    %add3A_23 = vector.broadcast %mul3A_0 : i32 to vector<16xi32>
    %add3A_24 = arith.addi %get3A_22, %add3A_23 : vector<16xi32>
    %swap3A = arith.constant 0 : index
    %swap3A_25 = tpu.vector_load %arg20[%swap3A] {strides = array<i32>} : memref<96xi32, #tpu.memory_space<vmem>>, vector<16xi32>,
    %swap3A_26 = vector.shape_cast %swap3A_25 : vector<16xi32> to vector<16xi32>
    %swap3A_27 = vector.shape_cast %add3A_24 : vector<16xi32> to vector<16xi32>
    tpu.vector_store %arg20[%swap3A], %swap3A_27 {strides = array<i32>} : memref<96xi32, #tpu.memory_space<vmem>>, vector<16xi32>,
    %get3A_28 = arith.constant 0 : index
    %get3A_29 = tpu.vector_load %arg14[%get3A_28] {strides = array<i32>} : memref<96xi32, #tpu.memory_space<vmem>>, vector<16xi32>,
    %get3A_30 = vector.shape_cast %get3A_29 : vector<16xi32> to vector<16xi32>
    %add3A_31 = vector.broadcast %mul3A_0 : i32 to vector<16xi32>
    %add3A_32 = arith.addi %get3A_30, %add3A_31 : vector<16xi32>
    %swap3A_33 = arith.constant 0 : index
    %swap3A_34 = tpu.vector_load %arg21[%swap3A_33] {strides = array<i32>} : memref<96xi32, #tpu.memory_space<vmem>>, vector<16xi32>,
    %swap3A_35 = vector.shape_cast %swap3A_34 : vector<16xi32> to vector<16xi32>
    %swap3A_36 = vector.shape_cast %add3A_32 : vector<16xi32> to vector<16xi32>
    tpu.vector_store %arg21[%swap3A_33], %swap3A_36 {strides = array<i32>} : memref<96xi32, #tpu.memory_space<vmem>>, vector<16xi32>,
    %get3A_37 = arith.constant 0 : index
    %get3A_38 = tpu.vector_load %arg17[%get3A_37] {strides = array<i32>} : memref<96xi32, #tpu.memory_space<vmem>>, vector<16xi32>,
    %get3A_39 = vector.shape_cast %get3A_38 : vector<16xi32> to vector<16xi32>
    %add3A_40 = vector.broadcast %mul3A_0 : i32 to vector<16xi32>
    %add3A_41 = arith.addi %get3A_39, %add3A_40 : vector<16xi32>
    %swap3A_42 = arith.constant 0 : index
    %swap3A_43 = tpu.vector_load %arg22[%swap3A_42] {strides = array<i32>} : memref<96xi32, #tpu.memory_space<vmem>>, vector<16xi32>,
    %swap3A_44 = vector.shape_cast %swap3A_43 : vector<16xi32> to vector<16xi32>
    %swap3A_45 = vector.shape_cast %add3A_41 : vector<16xi32> to vector<16xi32>
    tpu.vector_store %arg22[%swap3A_42], %swap3A_45 {strides = array<i32>} : memref<96xi32, #tpu.memory_space<vmem>>, vector<16xi32>,
    %get3A_46 = arith.constant 16 : index
    %get3A_47 = tpu.vector_load %arg11[%get3A_46] {strides = array<i32>} : memref<96xi32, #tpu.memory_space<vmem>>, vector<16xi32>,
    %get3A_48 = vector.shape_cast %get3A_47 : vector<16xi32> to vector<16xi32>
    %add3A_49 = vector.broadcast %mul3A_0 : i32 to vector<16xi32>
    %add3A_50 = arith.addi %get3A_48, %add3A_49 : vector<16xi32>
    %swap3A_51 = arith.constant 16 : index
    %swap3A_52 = tpu.vector_load %arg20[%swap3A_51] {strides = array<i32>} : memref<96xi32, #tpu.memory_space<vmem>>, vector<16xi32>,
    %swap3A_53 = vector.shape_cast %swap3A_52 : vector<16xi32> to vector<16xi32>
    %swap3A_54 = vector.shape_cast %add3A_50 : vector<16xi32> to vector<16xi32>
    tpu.vector_store %arg20[%swap3A_51], %swap3A_54 {strides = array<i32>} : memref<96xi32, #tpu.memory_space<vmem>>, vector<16xi32>,
    %get3A_55 = arith.constant 16 : index
    %get3A_56 = tpu.vector_load %arg14[%get3A_55] {strides = array<i32>} : memref<96xi32, #tpu.memory_space<vmem>>, vector<16xi32>,
    %get3A_57 = vector.shape_cast %get3A_56 : vector<16xi32> to vector<16xi32>
    %add3A_58 = vector.broadcast %mul3A_0 : i32 to vector<16xi32>
    %add3A_59 = arith.addi %get3A_57, %add3A_58 : vector<16xi32>
    %swap3A_60 = arith.constant 16 : index
    %swap3A_61 = tpu.vector_load %arg21[%swap3A_60] {strides = array<i32>} : memref<96xi32, #tpu.memory_space<vmem>>, vector<16xi32>,
    %swap3A_62 = vector.shape_cast %swap3A_61 : vector<16xi32> to vector<16xi32>
    %swap3A_63 = vector.shape_cast %add3A_59 : vector<16xi32> to vector<16xi32>
    tpu.vector_store %arg21[%swap3A_60], %swap3A_63 {strides = array<i32>} : memref<96xi32, #tpu.memory_space<vmem>>, vector<16xi32>,
    %get3A_64 = arith.constant 16 : index
    %get3A_65 = tpu.vector_load %arg17[%get3A_64] {strides = array<i32>} : memref<96xi32, #tpu.memory_space<vmem>>, vector<16xi32>,
    %get3A_66 = vector.shape_cast %get3A_65 : vector<16xi32> to vector<16xi32>
    %add3A_67 = vector.broadcast %mul3A_0 : i32 to vector<16xi32>
    %add3A_68 = arith.addi %get3A_66, %add3A_67 : vector<16xi32>
    %swap3A_69 = arith.constant 16 : index
    %swap3A_70 = tpu.vector_load %arg22[%swap3A_69] {strides = array<i32>} : memref<96xi32, #tpu.memory_space<vmem>>, vector<16xi32>,
    %swap3A_71 = vector.shape_cast %swap3A_70 : vector<16xi32> to vector<16xi32>
    %swap3A_72 = vector.shape_cast %add3A_68 : vector<16xi32> to vector<16xi32>
    tpu.vector_store %arg22[%swap3A_69], %swap3A_72 {strides = array<i32>} : memref<96xi32, #tpu.memory_space<vmem>>, vector<16xi32>,
    %get3A_73 = arith.constant 32 : index
    %get3A_74 = tpu.vector_load %arg11[%get3A_73] {strides = array<i32>} : memref<96xi32, #tpu.memory_space<vmem>>, vector<16xi32>,
    %get3A_75 = vector.shape_cast %get3A_74 : vector<16xi32> to vector<16xi32>
    %add3A_76 = vector.broadcast %mul3A_0 : i32 to vector<16xi32>
    %add3A_77 = arith.addi %get3A_75, %add3A_76 : vector<16xi32>
    %swap3A_78 = arith.constant 32 : index
    %swap3A_79 = tpu.vector_load %arg20[%swap3A_78] {strides = array<i32>} : memref<96xi32, #tpu.memory_space<vmem>>, vector<16xi32>,
    %swap3A_80 = vector.shape_cast %swap3A_79 : vector<16xi32> to vector<16xi32>
    %swap3A_81 = vector.shape_cast %add3A_77 : vector<16xi32> to vector<16xi32>
    tpu.vector_store %arg20[%swap3A_78], %swap3A_81 {strides = array<i32>} : memref<96xi32, #tpu.memory_space<vmem>>, vector<16xi32>,
    %get3A_82 = arith.constant 32 : index
    %get3A_83 = tpu.vector_load %arg14[%get3A_82] {strides = array<i32>} : memref<96xi32, #tpu.memory_space<vmem>>, vector<16xi32>,
    %get3A_84 = vector.shape_cast %get3A_83 : vector<16xi32> to vector<16xi32>
    %add3A_85 = vector.broadcast %mul3A_0 : i32 to vector<16xi32>
    %add3A_86 = arith.addi %get3A_84, %add3A_85 : vector<16xi32>
    %swap3A_87 = arith.constant 32 : index
    %swap3A_88 = tpu.vector_load %arg21[%swap3A_87] {strides = array<i32>} : memref<96xi32, #tpu.memory_space<vmem>>, vector<16xi32>,
    %swap3A_89 = vector.shape_cast %swap3A_88 : vector<16xi32> to vector<16xi32>
    %swap3A_90 = vector.shape_cast %add3A_86 : vector<16xi32> to vector<16xi32>
    tpu.vector_store %arg21[%swap3A_87], %swap3A_90 {strides = array<i32>} : memref<96xi32, #tpu.memory_space<vmem>>, vector<16xi32>,
    %get3A_91 = arith.constant 32 : index
    %get3A_92 = tpu.vector_load %arg17[%get3A_91] {strides = array<i32>} : memref<96xi32, #tpu.memory_space<vmem>>, vector<16xi32>,
    %get3A_93 = vector.shape_cast %get3A_92 : vector<16xi32> to vector<16xi32>
    %add3A_94 = vector.broadcast %mul3A_0 : i32 to vector<16xi32>
    %add3A_95 = arith.addi %get3A_93, %add3A_94 : vector<16xi32>
    %swap3A_96 = arith.constant 32 : index
    %swap3A_97 = tpu.vector_load %arg22[%swap3A_96] {strides = array<i32>} : memref<96xi32, #tpu.memory_space<vmem>>, vector<16xi32>,
    %swap3A_98 = vector.shape_cast %swap3A_97 : vector<16xi32> to vector<16xi32>
    %swap3A_99 = vector.shape_cast %add3A_95 : vector<16xi32> to vector<16xi32>
    tpu.vector_store %arg22[%swap3A_96], %swap3A_99 {strides = array<i32>} : memref<96xi32, #tpu.memory_space<vmem>>, vector<16xi32>,
    %get3A_100 = arith.constant 48 : index
    %get3A_101 = tpu.vector_load %arg11[%get3A_100] {strides = array<i32>} : memref<96xi32, #tpu.memory_space<vmem>>, vector<16xi32>,
    %get3A_102 = vector.shape_cast %get3A_101 : vector<16xi32> to vector<16xi32>
    %add3A_103 = vector.broadcast %mul3A_0 : i32 to vector<16xi32>
    %add3A_104 = arith.addi %get3A_102, %add3A_103 : vector<16xi32>
    %swap3A_105 = arith.constant 48 : index
    %swap3A_106 = tpu.vector_load %arg20[%swap3A_105] {strides = array<i32>} : memref<96xi32, #tpu.memory_space<vmem>>, vector<16xi32>,
    %swap3A_107 = vector.shape_cast %swap3A_106 : vector<16xi32> to vector<16xi32>
    %swap3A_108 = vector.shape_cast %add3A_104 : vector<16xi32> to vector<16xi32>
    tpu.vector_store %arg20[%swap3A_105], %swap3A_108 {strides = array<i32>} : memref<96xi32, #tpu.memory_space<vmem>>, vector<16xi32>,
    %get3A_109 = arith.constant 48 : index
    %get3A_110 = tpu.vector_load %arg14[%get3A_109] {strides = array<i32>} : memref<96xi32, #tpu.memory_space<vmem>>, vector<16xi32>,
    %get3A_111 = vector.shape_cast %get3A_110 : vector<16xi32> to vector<16xi32>
    %add3A_112 = vector.broadcast %mul3A_0 : i32 to vector<16xi32>
    %add3A_113 = arith.addi %get3A_111, %add3A_112 : vector<16xi32>
    %swap3A_114 = arith.constant 48 : index
    %swap3A_115 = tpu.vector_load %arg21[%swap3A_114] {strides = array<i32>} : memref<96xi32, #tpu.memory_space<vmem>>, vector<16xi32>,
    %swap3A_116 = vector.shape_cast %swap3A_115 : vector<16xi32> to vector<16xi32>
    %swap3A_117 = vector.shape_cast %add3A_113 : vector<16xi32> to vector<16xi32>
    tpu.vector_store %arg21[%swap3A_114], %swap3A_117 {strides = array<i32>} : memref<96xi32, #tpu.memory_space<vmem>>, vector<16xi32>,
    %get3A_118 = arith.constant 48 : index
    %get3A_119 = tpu.vector_load %arg17[%get3A_118] {strides = array<i32>} : memref<96xi32, #tpu.memory_space<vmem>>, vector<16xi32>,
    %get3A_120 = vector.shape_cast %get3A_119 : vector<16xi32> to vector<16xi32>
    %add3A_121 = vector.broadcast %mul3A_0 : i32 to vector<16xi32>
    %add3A_122 = arith.addi %get3A_120, %add3A_121 : vector<16xi32>
    %swap3A_123 = arith.constant 48 : index
    %swap3A_124 = tpu.vector_load %arg22[%swap3A_123] {strides = array<i32>} : memref<96xi32, #tpu.memory_space<vmem>>, vector<16xi32>,
    %swap3A_125 = vector.shape_cast %swap3A_124 : vector<16xi32> to vector<16xi32>
    %swap3A_126 = vector.shape_cast %add3A_122 : vector<16xi32> to vector<16xi32>
    tpu.vector_store %arg22[%swap3A_123], %swap3A_126 {strides = array<i32>} : memref<96xi32, #tpu.memory_space<vmem>>, vector<16xi32>,
    %get3A_127 = arith.constant 64 : index
    %get3A_128 = tpu.vector_load %arg11[%get3A_127] {strides = array<i32>} : memref<96xi32, #tpu.memory_space<vmem>>, vector<16xi32>,
    %get3A_129 = vector.shape_cast %get3A_128 : vector<16xi32> to vector<16xi32>
    %add3A_130 = vector.broadcast %mul3A_0 : i32 to vector<16xi32>
    %add3A_131 = arith.addi %get3A_129, %add3A_130 : vector<16xi32>
    %swap3A_132 = arith.constant 64 : index
    %swap3A_133 = tpu.vector_load %arg20[%swap3A_132] {strides = array<i32>} : memref<96xi32, #tpu.memory_space<vmem>>, vector<16xi32>,
    %swap3A_134 = vector.shape_cast %swap3A_133 : vector<16xi32> to vector<16xi32>
    %swap3A_135 = vector.shape_cast %add3A_131 : vector<16xi32> to vector<16xi32>
    tpu.vector_store %arg20[%swap3A_132], %swap3A_135 {strides = array<i32>} : memref<96xi32, #tpu.memory_space<vmem>>, vector<16xi32>,
    %get3A_136 = arith.constant 64 : index
    %get3A_137 = tpu.vector_load %arg14[%get3A_136] {strides = array<i32>} : memref<96xi32, #tpu.memory_space<vmem>>, vector<16xi32>,
    %get3A_138 = vector.shape_cast %get3A_137 : vector<16xi32> to vector<16xi32>
    %add3A_139 = vector.broadcast %mul3A_0 : i32 to vector<16xi32>
    %add3A_140 = arith.addi %get3A_138, %add3A_139 : vector<16xi32>
    %swap3A_141 = arith.constant 64 : index
    %swap3A_142 = tpu.vector_load %arg21[%swap3A_141] {strides = array<i32>} : memref<96xi32, #tpu.memory_space<vmem>>, vector<16xi32>,
    %swap3A_143 = vector.shape_cast %swap3A_142 : vector<16xi32> to vector<16xi32>
    %swap3A_144 = vector.shape_cast %add3A_140 : vector<16xi32> to vector<16xi32>
    tpu.vector_store %arg21[%swap3A_141], %swap3A_144 {strides = array<i32>} : memref<96xi32, #tpu.memory_space<vmem>>, vector<16xi32>,
    %get3A_145 = arith.constant 64 : index
    %get3A_146 = tpu.vector_load %arg17[%get3A_145] {strides = array<i32>} : memref<96xi32, #tpu.memory_space<vmem>>, vector<16xi32>,
    %get3A_147 = vector.shape_cast %get3A_146 : vector<16xi32> to vector<16xi32>
    %add3A_148 = vector.broadcast %mul3A_0 : i32 to vector<16xi32>
    %add3A_149 = arith.addi %get3A_147, %add3A_148 : vector<16xi32>
    %swap3A_150 = arith.constant 64 : index
    %swap3A_151 = tpu.vector_load %arg22[%swap3A_150] {strides = array<i32>} : memref<96xi32, #tpu.memory_space<vmem>>, vector<16xi32>,
    %swap3A_152 = vector.shape_cast %swap3A_151 : vector<16xi32> to vector<16xi32>
    %swap3A_153 = vector.shape_cast %add3A_149 : vector<16xi32> to vector<16xi32>
    tpu.vector_store %arg22[%swap3A_150], %swap3A_153 {strides = array<i32>} : memref<96xi32, #tpu.memory_space<vmem>>, vector<16xi32>,
    %get3A_154 = arith.constant 80 : index
    %get3A_155 = tpu.vector_load %arg11[%get3A_154] {strides = array<i32>} : memref<96xi32, #tpu.memory_space<vmem>>, vector<16xi32>,
    %get3A_156 = vector.shape_cast %get3A_155 : vector<16xi32> to vector<16xi32>
    %add3A_157 = vector.broadcast %mul3A_0 : i32 to vector<16xi32>
    %add3A_158 = arith.addi %get3A_156, %add3A_157 : vector<16xi32>
    %swap3A_159 = arith.constant 80 : index
    %swap3A_160 = tpu.vector_load %arg20[%swap3A_159] {strides = array<i32>} : memref<96xi32, #tpu.memory_space<vmem>>, vector<16xi32>,
    %swap3A_161 = vector.shape_cast %swap3A_160 : vector<16xi32> to vector<16xi32>
    %swap3A_162 = vector.shape_cast %add3A_158 : vector<16xi32> to vector<16xi32>
    tpu.vector_store %arg20[%swap3A_159], %swap3A_162 {strides = array<i32>} : memref<96xi32, #tpu.memory_space<vmem>>, vector<16xi32>,
    %get3A_163 = arith.constant 80 : index
    %get3A_164 = tpu.vector_load %arg14[%get3A_163] {strides = array<i32>} : memref<96xi32, #tpu.memory_space<vmem>>, vector<16xi32>,
    %get3A_165 = vector.shape_cast %get3A_164 : vector<16xi32> to vector<16xi32>
    %add3A_166 = vector.broadcast %mul3A_0 : i32 to vector<16xi32>
    %add3A_167 = arith.addi %get3A_165, %add3A_166 : vector<16xi32>
    %swap3A_168 = arith.constant 80 : index
    %swap3A_169 = tpu.vector_load %arg21[%swap3A_168] {strides = array<i32>} : memref<96xi32, #tpu.memory_space<vmem>>, vector<16xi32>,
    %swap3A_170 = vector.shape_cast %swap3A_169 : vector<16xi32> to vector<16xi32>
    %swap3A_171 = vector.shape_cast %add3A_167 : vector<16xi32> to vector<16xi32>
    tpu.vector_store %arg21[%swap3A_168], %swap3A_171 {strides = array<i32>} : memref<96xi32, #tpu.memory_space<vmem>>, vector<16xi32>,
    %get3A_172 = arith.constant 80 : index
    %get3A_173 = tpu.vector_load %arg17[%get3A_172] {strides = array<i32>} : memref<96xi32, #tpu.memory_space<vmem>>, vector<16xi32>,
    %get3A_174 = vector.shape_cast %get3A_173 : vector<16xi32> to vector<16xi32>
    %add3A_175 = vector.broadcast %mul3A_0 : i32 to vector<16xi32>
    %add3A_176 = arith.addi %get3A_174, %add3A_175 : vector<16xi32>
    %swap3A_177 = arith.constant 80 : index
    %swap3A_178 = tpu.vector_load %arg22[%swap3A_177] {strides = array<i32>} : memref<96xi32, #tpu.memory_space<vmem>>, vector<16xi32>,
    %swap3A_179 = vector.shape_cast %swap3A_178 : vector<16xi32> to vector<16xi32>
    %swap3A_180 = vector.shape_cast %add3A_176 : vector<16xi32> to vector<16xi32>
    tpu.vector_store %arg22[%swap3A_177], %swap3A_180 {strides = array<i32>} : memref<96xi32, #tpu.memory_space<vmem>>, vector<16xi32>,
    %dma_start3A_181 = arith.constant 0 : i32
    %dma_start3A_182 = arith.constant 0 : i32
    %dma_start3A_183 = tpu.memref_slice %arg2[%dma_start3A_181, %dma_start3A_182] : memref<20016x64xf32, #tpu.memory_space<hbm>> -> memref<20016x64xf32, #tpu.memory_space<hbm>>
    tpu.enqueue_indirect_dma source(%dma_start3A_183 : memref<20016x64xf32, #tpu.memory_space<hbm>>) target(%arg23 : memref<96x64xf32, #tpu.memory_space<vmem>>) offsets(%arg20 : memref<96xi32, #tpu.memory_space<vmem>>) semaphore(%arg31 : memref<!tpu.dma_semaphore, #tpu.memory_space<semaphore_mem>>)
    %dma_start3A_184 = arith.constant 0 : i32
    %dma_start3A_185 = arith.constant 0 : i32
    %dma_start3A_186 = tpu.memref_slice %arg3[%dma_start3A_184, %dma_start3A_185] : memref<20016x64xf32, #tpu.memory_space<hbm>> -> memref<20016x64xf32, #tpu.memory_space<hbm>>
    tpu.enqueue_indirect_dma source(%dma_start3A_186 : memref<20016x64xf32, #tpu.memory_space<hbm>>) target(%arg25 : memref<96x64xf32, #tpu.memory_space<vmem>>) offsets(%arg21 : memref<96xi32, #tpu.memory_space<vmem>>) semaphore(%arg31 : memref<!tpu.dma_semaphore, #tpu.memory_space<semaphore_mem>>)
    %dma_start3A_187 = arith.constant 0 : i32
    %dma_start3A_188 = arith.constant 0 : i32
    %dma_start3A_189 = tpu.memref_slice %arg2[%dma_start3A_187, %dma_start3A_188] : memref<20016x64xf32, #tpu.memory_space<hbm>> -> memref<20016x64xf32, #tpu.memory_space<hbm>>
    tpu.enqueue_indirect_dma source(%dma_start3A_189 : memref<20016x64xf32, #tpu.memory_space<hbm>>) target(%arg27 : memref<96x64xf32, #tpu.memory_space<vmem>>) offsets(%arg22 : memref<96xi32, #tpu.memory_space<vmem>>) semaphore(%arg31 : memref<!tpu.dma_semaphore, #tpu.memory_space<semaphore_mem>>)
    %scan3A = arith.constant 0 : i32
    %scan3A_190 = arith.constant 18 : i32
    %scan3A_191 = arith.addi %scan3A, %scan3A_190 : i32
    %scan3A_192 = arith.constant 1 : i32
    scf.for %scan3A_339 = %scan3A to %scan3A_191 step %scan3A_192  : i32 {
      %mul3A_340 = arith.constant 1 : i32
      %mul3A_341 = arith.muli %scan3A_339, %mul3A_340 : i32
      %add3A_342 = arith.constant 0 : i32
      %add3A_343 = arith.addi %add3A_342, %mul3A_341 : i32
      %mul3A_344 = arith.constant 6 : i32
      %mul3A_345 = arith.muli %add3A_343, %mul3A_344 : i32
      %add3A_346 = arith.constant 0 : i32
      %add3A_347 = arith.addi %mul3A_345, %add3A_346 : i32
      %lt3A = arith.constant 105 : i32
      %lt3A_348 = arith.cmpi slt, %add3A_347, %lt3A : i32
      %convert_element_type3A = arith.extui %lt3A_348 : i1 to i32
      %cond3A = arith.constant 0 : i32
      %cond3A_349 = arith.cmpi ne, %convert_element_type3A, %cond3A : i32
      scf.if %cond3A_349 {
        %dma_wait3A = arith.constant 0 : i32
        %dma_wait3A_566 = arith.constant 0 : i32
        %dma_wait3A_567 = tpu.memref_slice %arg2[%dma_wait3A, %dma_wait3A_566] : memref<20016x64xf32, #tpu.memory_space<hbm>> -> memref<96x64xf32, #tpu.memory_space<hbm>>
        %dma_wait3A_568 = arith.constant 0 : i32
        %dma_wait3A_569 = arith.constant 0 : i32
        %dma_wait3A_570 = tpu.memref_slice %arg2[%dma_wait3A_568, %dma_wait3A_569] : memref<20016x64xf32, #tpu.memory_space<hbm>> -> memref<96x64xf32, #tpu.memory_space<hbm>>
        tpu.wait_dma2 semaphore(%arg31 : memref<!tpu.dma_semaphore, #tpu.memory_space<semaphore_mem>>) src(%dma_wait3A_570 : memref<96x64xf32, #tpu.memory_space<hbm>>) dst(%arg23 : memref<96x64xf32, #tpu.memory_space<vmem>>)
        %dma_wait3A_571 = arith.constant 0 : i32
        %dma_wait3A_572 = arith.constant 0 : i32
        %dma_wait3A_573 = tpu.memref_slice %arg2[%dma_wait3A_571, %dma_wait3A_572] : memref<20016x64xf32, #tpu.memory_space<hbm>> -> memref<96x64xf32, #tpu.memory_space<hbm>>
        %dma_wait3A_574 = arith.constant 0 : i32
        %dma_wait3A_575 = arith.constant 0 : i32
        %dma_wait3A_576 = tpu.memref_slice %arg2[%dma_wait3A_574, %dma_wait3A_575] : memref<20016x64xf32, #tpu.memory_space<hbm>> -> memref<96x64xf32, #tpu.memory_space<hbm>>
        tpu.wait_dma2 semaphore(%arg31 : memref<!tpu.dma_semaphore, #tpu.memory_space<semaphore_mem>>) src(%dma_wait3A_576 : memref<96x64xf32, #tpu.memory_space<hbm>>) dst(%arg25 : memref<96x64xf32, #tpu.memory_space<vmem>>)
        %dma_wait3A_577 = arith.constant 0 : i32
        %dma_wait3A_578 = arith.constant 0 : i32
        %dma_wait3A_579 = tpu.memref_slice %arg2[%dma_wait3A_577, %dma_wait3A_578] : memref<20016x64xf32, #tpu.memory_space<hbm>> -> memref<96x64xf32, #tpu.memory_space<hbm>>
        %dma_wait3A_580 = arith.constant 0 : i32
        %dma_wait3A_581 = arith.constant 0 : i32
        %dma_wait3A_582 = tpu.memref_slice %arg2[%dma_wait3A_580, %dma_wait3A_581] : memref<20016x64xf32, #tpu.memory_space<hbm>> -> memref<96x64xf32, #tpu.memory_space<hbm>>
        tpu.wait_dma2 semaphore(%arg31 : memref<!tpu.dma_semaphore, #tpu.memory_space<semaphore_mem>>) src(%dma_wait3A_582 : memref<96x64xf32, #tpu.memory_space<hbm>>) dst(%arg27 : memref<96x64xf32, #tpu.memory_space<vmem>>)
      } else {
      }
      %add3A_350 = arith.constant 1 : i32
      %add3A_351 = arith.addi %add3A_347, %add3A_350 : i32
      %lt3A_352 = arith.constant 105 : i32
      %lt3A_353 = arith.cmpi slt, %add3A_351, %lt3A_352 : i32
      %convert_element_type3A_354 = arith.extui %lt3A_353 : i1 to i32
      %cond3A_355 = arith.constant 0 : i32
      %cond3A_356 = arith.cmpi ne, %convert_element_type3A_354, %cond3A_355 : i32
      scf.if %cond3A_356 {
        %dma_wait3A = arith.constant 0 : i32
        %dma_wait3A_566 = tpu.memref_slice %arg4[%dma_wait3A] : memref<161280xi32, #tpu.memory_space<hbm>> -> memref<96xi32, #tpu.memory_space<hbm>>
        %dma_wait3A_567 = arith.constant 0 : i32
        %dma_wait3A_568 = tpu.memref_slice %arg4[%dma_wait3A_567] : memref<161280xi32, #tpu.memory_space<hbm>> -> memref<96xi32, #tpu.memory_space<hbm>>
        tpu.wait_dma2 semaphore(%arg34 : memref<!tpu.dma_semaphore, #tpu.memory_space<semaphore_mem>>) src(%dma_wait3A_568 : memref<96xi32, #tpu.memory_space<hbm>>) dst(%arg12 : memref<96xi32, #tpu.memory_space<vmem>>)
        %dma_wait3A_569 = arith.constant 0 : i32
        %dma_wait3A_570 = tpu.memref_slice %arg4[%dma_wait3A_569] : memref<161280xi32, #tpu.memory_space<hbm>> -> memref<96xi32, #tpu.memory_space<hbm>>
        %dma_wait3A_571 = arith.constant 0 : i32
        %dma_wait3A_572 = tpu.memref_slice %arg4[%dma_wait3A_571] : memref<161280xi32, #tpu.memory_space<hbm>> -> memref<96xi32, #tpu.memory_space<hbm>>
        tpu.wait_dma2 semaphore(%arg34 : memref<!tpu.dma_semaphore, #tpu.memory_space<semaphore_mem>>) src(%dma_wait3A_572 : memref<96xi32, #tpu.memory_space<hbm>>) dst(%arg15 : memref<96xi32, #tpu.memory_space<vmem>>)
        %dma_wait3A_573 = arith.constant 0 : i32
        %dma_wait3A_574 = tpu.memref_slice %arg4[%dma_wait3A_573] : memref<161280xi32, #tpu.memory_space<hbm>> -> memref<96xi32, #tpu.memory_space<hbm>>
        %dma_wait3A_575 = arith.constant 0 : i32
        %dma_wait3A_576 = tpu.memref_slice %arg4[%dma_wait3A_575] : memref<161280xi32, #tpu.memory_space<hbm>> -> memref<96xi32, #tpu.memory_space<hbm>>
        tpu.wait_dma2 semaphore(%arg34 : memref<!tpu.dma_semaphore, #tpu.memory_space<semaphore_mem>>) src(%dma_wait3A_576 : memref<96xi32, #tpu.memory_space<hbm>>) dst(%arg18 : memref<96xi32, #tpu.memory_space<vmem>>)
        %get3A_577 = arith.constant 0 : index
        %get3A_578 = tpu.vector_load %arg12[%get3A_577] {strides = array<i32>} : memref<96xi32, #tpu.memory_space<vmem>>, vector<16xi32>,
        %get3A_579 = vector.shape_cast %get3A_578 : vector<16xi32> to vector<16xi32>
        %add3A_580 = vector.broadcast %mul3A_0 : i32 to vector<16xi32>
        %add3A_581 = arith.addi %get3A_579, %add3A_580 : vector<16xi32>
        %swap3A_582 = arith.constant 0 : index
        %swap3A_583 = tpu.vector_load %arg20[%swap3A_582] {strides = array<i32>} : memref<96xi32, #tpu.memory_space<vmem>>, vector<16xi32>,
        %swap3A_584 = vector.shape_cast %swap3A_583 : vector<16xi32> to vector<16xi32>
        %swap3A_585 = vector.shape_cast %add3A_581 : vector<16xi32> to vector<16xi32>
        tpu.vector_store %arg20[%swap3A_582], %swap3A_585 {strides = array<i32>} : memref<96xi32, #tpu.memory_space<vmem>>, vector<16xi32>,
        %get3A_586 = arith.constant 0 : index
        %get3A_587 = tpu.vector_load %arg15[%get3A_586] {strides = array<i32>} : memref<96xi32, #tpu.memory_space<vmem>>, vector<16xi32>,
        %get3A_588 = vector.shape_cast %get3A_587 : vector<16xi32> to vector<16xi32>
        %add3A_589 = vector.broadcast %mul3A_0 : i32 to vector<16xi32>
        %add3A_590 = arith.addi %get3A_588, %add3A_589 : vector<16xi32>
        %swap3A_591 = arith.constant 0 : index
        %swap3A_592 = tpu.vector_load %arg21[%swap3A_591] {strides = array<i32>} : memref<96xi32, #tpu.memory_space<vmem>>, vector<16xi32>,
        %swap3A_593 = vector.shape_cast %swap3A_592 : vector<16xi32> to vector<16xi32>
        %swap3A_594 = vector.shape_cast %add3A_590 : vector<16xi32> to vector<16xi32>
        tpu.vector_store %arg21[%swap3A_591], %swap3A_594 {strides = array<i32>} : memref<96xi32, #tpu.memory_space<vmem>>, vector<16xi32>,
        %get3A_595 = arith.constant 0 : index
        %get3A_596 = tpu.vector_load %arg18[%get3A_595] {strides = array<i32>} : memref<96xi32, #tpu.memory_space<vmem>>, vector<16xi32>,
        %get3A_597 = vector.shape_cast %get3A_596 : vector<16xi32> to vector<16xi32>
        %add3A_598 = vector.broadcast %mul3A_0 : i32 to vector<16xi32>
        %add3A_599 = arith.addi %get3A_597, %add3A_598 : vector<16xi32>
        %swap3A_600 = arith.constant 0 : index
        %swap3A_601 = tpu.vector_load %arg22[%swap3A_600] {strides = array<i32>} : memref<96xi32, #tpu.memory_space<vmem>>, vector<16xi32>,
        %swap3A_602 = vector.shape_cast %swap3A_601 : vector<16xi32> to vector<16xi32>
        %swap3A_603 = vector.shape_cast %add3A_599 : vector<16xi32> to vector<16xi32>
        tpu.vector_store %arg22[%swap3A_600], %swap3A_603 {strides = array<i32>} : memref<96xi32, #tpu.memory_space<vmem>>, vector<16xi32>,
        %get3A_604 = arith.constant 16 : index
        %get3A_605 = tpu.vector_load %arg12[%get3A_604] {strides = array<i32>} : memref<96xi32, #tpu.memory_space<vmem>>, vector<16xi32>,
        %get3A_606 = vector.shape_cast %get3A_605 : vector<16xi32> to vector<16xi32>
        %add3A_607 = vector.broadcast %mul3A_0 : i32 to vector<16xi32>
        %add3A_608 = arith.addi %get3A_606, %add3A_607 : vector<16xi32>
        %swap3A_609 = arith.constant 16 : index
        %swap3A_610 = tpu.vector_load %arg20[%swap3A_609] {strides = array<i32>} : memref<96xi32, #tpu.memory_space<vmem>>, vector<16xi32>,
        %swap3A_611 = vector.shape_cast %swap3A_610 : vector<16xi32> to vector<16xi32>
        %swap3A_612 = vector.shape_cast %add3A_608 : vector<16xi32> to vector<16xi32>
        tpu.vector_store %arg20[%swap3A_609], %swap3A_612 {strides = array<i32>} : memref<96xi32, #tpu.memory_space<vmem>>, vector<16xi32>,
        %get3A_613 = arith.constant 16 : index
        %get3A_614 = tpu.vector_load %arg15[%get3A_613] {strides = array<i32>} : memref<96xi32, #tpu.memory_space<vmem>>, vector<16xi32>,
        %get3A_615 = vector.shape_cast %get3A_614 : vector<16xi32> to vector<16xi32>
        %add3A_616 = vector.broadcast %mul3A_0 : i32 to vector<16xi32>
        %add3A_617 = arith.addi %get3A_615, %add3A_616 : vector<16xi32>
        %swap3A_618 = arith.constant 16 : index
        %swap3A_619 = tpu.vector_load %arg21[%swap3A_618] {strides = array<i32>} : memref<96xi32, #tpu.memory_space<vmem>>, vector<16xi32>,
        %swap3A_620 = vector.shape_cast %swap3A_619 : vector<16xi32> to vector<16xi32>
        %swap3A_621 = vector.shape_cast %add3A_617 : vector<16xi32> to vector<16xi32>
        tpu.vector_store %arg21[%swap3A_618], %swap3A_621 {strides = array<i32>} : memref<96xi32, #tpu.memory_space<vmem>>, vector<16xi32>,
        %get3A_622 = arith.constant 16 : index
        %get3A_623 = tpu.vector_load %arg18[%get3A_622] {strides = array<i32>} : memref<96xi32, #tpu.memory_space<vmem>>, vector<16xi32>,
        %get3A_624 = vector.shape_cast %get3A_623 : vector<16xi32> to vector<16xi32>
        %add3A_625 = vector.broadcast %mul3A_0 : i32 to vector<16xi32>
        %add3A_626 = arith.addi %get3A_624, %add3A_625 : vector<16xi32>
        %swap3A_627 = arith.constant 16 : index
        %swap3A_628 = tpu.vector_load %arg22[%swap3A_627] {strides = array<i32>} : memref<96xi32, #tpu.memory_space<vmem>>, vector<16xi32>,
        %swap3A_629 = vector.shape_cast %swap3A_628 : vector<16xi32> to vector<16xi32>
        %swap3A_630 = vector.shape_cast %add3A_626 : vector<16xi32> to vector<16xi32>
        tpu.vector_store %arg22[%swap3A_627], %swap3A_630 {strides = array<i32>} : memref<96xi32, #tpu.memory_space<vmem>>, vector<16xi32>,
        %get3A_631 = arith.constant 32 : index
        %get3A_632 = tpu.vector_load %arg12[%get3A_631] {strides = array<i32>} : memref<96xi32, #tpu.memory_space<vmem>>, vector<16xi32>,
        %get3A_633 = vector.shape_cast %get3A_632 : vector<16xi32> to vector<16xi32>
        %add3A_634 = vector.broadcast %mul3A_0 : i32 to vector<16xi32>
        %add3A_635 = arith.addi %get3A_633, %add3A_634 : vector<16xi32>
        %swap3A_636 = arith.constant 32 : index
        %swap3A_637 = tpu.vector_load %arg20[%swap3A_636] {strides = array<i32>} : memref<96xi32, #tpu.memory_space<vmem>>, vector<16xi32>,
        %swap3A_638 = vector.shape_cast %swap3A_637 : vector<16xi32> to vector<16xi32>
        %swap3A_639 = vector.shape_cast %add3A_635 : vector<16xi32> to vector<16xi32>
        tpu.vector_store %arg20[%swap3A_636], %swap3A_639 {strides = array<i32>} : memref<96xi32, #tpu.memory_space<vmem>>, vector<16xi32>,
        %get3A_640 = arith.constant 32 : index
        %get3A_641 = tpu.vector_load %arg15[%get3A_640] {strides = array<i32>} : memref<96xi32, #tpu.memory_space<vmem>>, vector<16xi32>,
        %get3A_642 = vector.shape_cast %get3A_641 : vector<16xi32> to vector<16xi32>
        %add3A_643 = vector.broadcast %mul3A_0 : i32 to vector<16xi32>
        %add3A_644 = arith.addi %get3A_642, %add3A_643 : vector<16xi32>
        %swap3A_645 = arith.constant 32 : index
        %swap3A_646 = tpu.vector_load %arg21[%swap3A_645] {strides = array<i32>} : memref<96xi32, #tpu.memory_space<vmem>>, vector<16xi32>,
        %swap3A_647 = vector.shape_cast %swap3A_646 : vector<16xi32> to vector<16xi32>
        %swap3A_648 = vector.shape_cast %add3A_644 : vector<16xi32> to vector<16xi32>
        tpu.vector_store %arg21[%swap3A_645], %swap3A_648 {strides = array<i32>} : memref<96xi32, #tpu.memory_space<vmem>>, vector<16xi32>,
        %get3A_649 = arith.constant 32 : index
        %get3A_650 = tpu.vector_load %arg18[%get3A_649] {strides = array<i32>} : memref<96xi32, #tpu.memory_space<vmem>>, vector<16xi32>,
        %get3A_651 = vector.shape_cast %get3A_650 : vector<16xi32> to vector<16xi32>
        %add3A_652 = vector.broadcast %mul3A_0 : i32 to vector<16xi32>
        %add3A_653 = arith.addi %get3A_651, %add3A_652 : vector<16xi32>
        %swap3A_654 = arith.constant 32 : index
        %swap3A_655 = tpu.vector_load %arg22[%swap3A_654] {strides = array<i32>} : memref<96xi32, #tpu.memory_space<vmem>>, vector<16xi32>,
        %swap3A_656 = vector.shape_cast %swap3A_655 : vector<16xi32> to vector<16xi32>
        %swap3A_657 = vector.shape_cast %add3A_653 : vector<16xi32> to vector<16xi32>
        tpu.vector_store %arg22[%swap3A_654], %swap3A_657 {strides = array<i32>} : memref<96xi32, #tpu.memory_space<vmem>>, vector<16xi32>,
        %get3A_658 = arith.constant 48 : index
        %get3A_659 = tpu.vector_load %arg12[%get3A_658] {strides = array<i32>} : memref<96xi32, #tpu.memory_space<vmem>>, vector<16xi32>,
        %get3A_660 = vector.shape_cast %get3A_659 : vector<16xi32> to vector<16xi32>
        %add3A_661 = vector.broadcast %mul3A_0 : i32 to vector<16xi32>
        %add3A_662 = arith.addi %get3A_660, %add3A_661 : vector<16xi32>
        %swap3A_663 = arith.constant 48 : index
        %swap3A_664 = tpu.vector_load %arg20[%swap3A_663] {strides = array<i32>} : memref<96xi32, #tpu.memory_space<vmem>>, vector<16xi32>,
        %swap3A_665 = vector.shape_cast %swap3A_664 : vector<16xi32> to vector<16xi32>
        %swap3A_666 = vector.shape_cast %add3A_662 : vector<16xi32> to vector<16xi32>
        tpu.vector_store %arg20[%swap3A_663], %swap3A_666 {strides = array<i32>} : memref<96xi32, #tpu.memory_space<vmem>>, vector<16xi32>,
        %get3A_667 = arith.constant 48 : index
        %get3A_668 = tpu.vector_load %arg15[%get3A_667] {strides = array<i32>} : memref<96xi32, #tpu.memory_space<vmem>>, vector<16xi32>,
        %get3A_669 = vector.shape_cast %get3A_668 : vector<16xi32> to vector<16xi32>
        %add3A_670 = vector.broadcast %mul3A_0 : i32 to vector<16xi32>
        %add3A_671 = arith.addi %get3A_669, %add3A_670 : vector<16xi32>
        %swap3A_672 = arith.constant 48 : index
        %swap3A_673 = tpu.vector_load %arg21[%swap3A_672] {strides = array<i32>} : memref<96xi32, #tpu.memory_space<vmem>>, vector<16xi32>,
        %swap3A_674 = vector.shape_cast %swap3A_673 : vector<16xi32> to vector<16xi32>
        %swap3A_675 = vector.shape_cast %add3A_671 : vector<16xi32> to vector<16xi32>
        tpu.vector_store %arg21[%swap3A_672], %swap3A_675 {strides = array<i32>} : memref<96xi32, #tpu.memory_space<vmem>>, vector<16xi32>,
        %get3A_676 = arith.constant 48 : index
        %get3A_677 = tpu.vector_load %arg18[%get3A_676] {strides = array<i32>} : memref<96xi32, #tpu.memory_space<vmem>>, vector<16xi32>,
        %get3A_678 = vector.shape_cast %get3A_677 : vector<16xi32> to vector<16xi32>
        %add3A_679 = vector.broadcast %mul3A_0 : i32 to vector<16xi32>
        %add3A_680 = arith.addi %get3A_678, %add3A_679 : vector<16xi32>
        %swap3A_681 = arith.constant 48 : index
        %swap3A_682 = tpu.vector_load %arg22[%swap3A_681] {strides = array<i32>} : memref<96xi32, #tpu.memory_space<vmem>>, vector<16xi32>,
        %swap3A_683 = vector.shape_cast %swap3A_682 : vector<16xi32> to vector<16xi32>
        %swap3A_684 = vector.shape_cast %add3A_680 : vector<16xi32> to vector<16xi32>
        tpu.vector_store %arg22[%swap3A_681], %swap3A_684 {strides = array<i32>} : memref<96xi32, #tpu.memory_space<vmem>>, vector<16xi32>,
        %get3A_685 = arith.constant 64 : index
        %get3A_686 = tpu.vector_load %arg12[%get3A_685] {strides = array<i32>} : memref<96xi32, #tpu.memory_space<vmem>>, vector<16xi32>,
        %get3A_687 = vector.shape_cast %get3A_686 : vector<16xi32> to vector<16xi32>
        %add3A_688 = vector.broadcast %mul3A_0 : i32 to vector<16xi32>
        %add3A_689 = arith.addi %get3A_687, %add3A_688 : vector<16xi32>
        %swap3A_690 = arith.constant 64 : index
        %swap3A_691 = tpu.vector_load %arg20[%swap3A_690] {strides = array<i32>} : memref<96xi32, #tpu.memory_space<vmem>>, vector<16xi32>,
        %swap3A_692 = vector.shape_cast %swap3A_691 : vector<16xi32> to vector<16xi32>
        %swap3A_693 = vector.shape_cast %add3A_689 : vector<16xi32> to vector<16xi32>
        tpu.vector_store %arg20[%swap3A_690], %swap3A_693 {strides = array<i32>} : memref<96xi32, #tpu.memory_space<vmem>>, vector<16xi32>,
        %get3A_694 = arith.constant 64 : index
        %get3A_695 = tpu.vector_load %arg15[%get3A_694] {strides = array<i32>} : memref<96xi32, #tpu.memory_space<vmem>>, vector<16xi32>,
        %get3A_696 = vector.shape_cast %get3A_695 : vector<16xi32> to vector<16xi32>
        %add3A_697 = vector.broadcast %mul3A_0 : i32 to vector<16xi32>
        %add3A_698 = arith.addi %get3A_696, %add3A_697 : vector<16xi32>
        %swap3A_699 = arith.constant 64 : index
        %swap3A_700 = tpu.vector_load %arg21[%swap3A_699] {strides = array<i32>} : memref<96xi32, #tpu.memory_space<vmem>>, vector<16xi32>,
        %swap3A_701 = vector.shape_cast %swap3A_700 : vector<16xi32> to vector<16xi32>
        %swap3A_702 = vector.shape_cast %add3A_698 : vector<16xi32> to vector<16xi32>
        tpu.vector_store %arg21[%swap3A_699], %swap3A_702 {strides = array<i32>} : memref<96xi32, #tpu.memory_space<vmem>>, vector<16xi32>,
        %get3A_703 = arith.constant 64 : index
        %get3A_704 = tpu.vector_load %arg18[%get3A_703] {strides = array<i32>} : memref<96xi32, #tpu.memory_space<vmem>>, vector<16xi32>,
        %get3A_705 = vector.shape_cast %get3A_704 : vector<16xi32> to vector<16xi32>
        %add3A_706 = vector.broadcast %mul3A_0 : i32 to vector<16xi32>
        %add3A_707 = arith.addi %get3A_705, %add3A_706 : vector<16xi32>
        %swap3A_708 = arith.constant 64 : index
        %swap3A_709 = tpu.vector_load %arg22[%swap3A_708] {strides = array<i32>} : memref<96xi32, #tpu.memory_space<vmem>>, vector<16xi32>,
        %swap3A_710 = vector.shape_cast %swap3A_709 : vector<16xi32> to vector<16xi32>
        %swap3A_711 = vector.shape_cast %add3A_707 : vector<16xi32> to vector<16xi32>
        tpu.vector_store %arg22[%swap3A_708], %swap3A_711 {strides = array<i32>} : memref<96xi32, #tpu.memory_space<vmem>>, vector<16xi32>,
        %get3A_712 = arith.constant 80 : index
        %get3A_713 = tpu.vector_load %arg12[%get3A_712] {strides = array<i32>} : memref<96xi32, #tpu.memory_space<vmem>>, vector<16xi32>,
        %get3A_714 = vector.shape_cast %get3A_713 : vector<16xi32> to vector<16xi32>
        %add3A_715 = vector.broadcast %mul3A_0 : i32 to vector<16xi32>
        %add3A_716 = arith.addi %get3A_714, %add3A_715 : vector<16xi32>
        %swap3A_717 = arith.constant 80 : index
        %swap3A_718 = tpu.vector_load %arg20[%swap3A_717] {strides = array<i32>} : memref<96xi32, #tpu.memory_space<vmem>>, vector<16xi32>,
        %swap3A_719 = vector.shape_cast %swap3A_718 : vector<16xi32> to vector<16xi32>
        %swap3A_720 = vector.shape_cast %add3A_716 : vector<16xi32> to vector<16xi32>
        tpu.vector_store %arg20[%swap3A_717], %swap3A_720 {strides = array<i32>} : memref<96xi32, #tpu.memory_space<vmem>>, vector<16xi32>,
        %get3A_721 = arith.constant 80 : index
        %get3A_722 = tpu.vector_load %arg15[%get3A_721] {strides = array<i32>} : memref<96xi32, #tpu.memory_space<vmem>>, vector<16xi32>,
        %get3A_723 = vector.shape_cast %get3A_722 : vector<16xi32> to vector<16xi32>
        %add3A_724 = vector.broadcast %mul3A_0 : i32 to vector<16xi32>
        %add3A_725 = arith.addi %get3A_723, %add3A_724 : vector<16xi32>
        %swap3A_726 = arith.constant 80 : index
        %swap3A_727 = tpu.vector_load %arg21[%swap3A_726] {strides = array<i32>} : memref<96xi32, #tpu.memory_space<vmem>>, vector<16xi32>,
        %swap3A_728 = vector.shape_cast %swap3A_727 : vector<16xi32> to vector<16xi32>
        %swap3A_729 = vector.shape_cast %add3A_725 : vector<16xi32> to vector<16xi32>
        tpu.vector_store %arg21[%swap3A_726], %swap3A_729 {strides = array<i32>} : memref<96xi32, #tpu.memory_space<vmem>>, vector<16xi32>,
        %get3A_730 = arith.constant 80 : index
        %get3A_731 = tpu.vector_load %arg18[%get3A_730] {strides = array<i32>} : memref<96xi32, #tpu.memory_space<vmem>>, vector<16xi32>,
        %get3A_732 = vector.shape_cast %get3A_731 : vector<16xi32> to vector<16xi32>
        %add3A_733 = vector.broadcast %mul3A_0 : i32 to vector<16xi32>
        %add3A_734 = arith.addi %get3A_732, %add3A_733 : vector<16xi32>
        %swap3A_735 = arith.constant 80 : index
        %swap3A_736 = tpu.vector_load %arg22[%swap3A_735] {strides = array<i32>} : memref<96xi32, #tpu.memory_space<vmem>>, vector<16xi32>,
        %swap3A_737 = vector.shape_cast %swap3A_736 : vector<16xi32> to vector<16xi32>
        %swap3A_738 = vector.shape_cast %add3A_734 : vector<16xi32> to vector<16xi32>
        tpu.vector_store %arg22[%swap3A_735], %swap3A_738 {strides = array<i32>} : memref<96xi32, #tpu.memory_space<vmem>>, vector<16xi32>,
        %dma_start3A_739 = arith.constant 0 : i32
        %dma_start3A_740 = arith.constant 0 : i32
        %dma_start3A_741 = tpu.memref_slice %arg2[%dma_start3A_739, %dma_start3A_740] : memref<20016x64xf32, #tpu.memory_space<hbm>> -> memref<20016x64xf32, #tpu.memory_space<hbm>>
        tpu.enqueue_indirect_dma source(%dma_start3A_741 : memref<20016x64xf32, #tpu.memory_space<hbm>>) target(%arg24 : memref<96x64xf32, #tpu.memory_space<vmem>>) offsets(%arg20 : memref<96xi32, #tpu.memory_space<vmem>>) semaphore(%arg32 : memref<!tpu.dma_semaphore, #tpu.memory_space<semaphore_mem>>)
        %dma_start3A_742 = arith.constant 0 : i32
        %dma_start3A_743 = arith.constant 0 : i32
        %dma_start3A_744 = tpu.memref_slice %arg3[%dma_start3A_742, %dma_start3A_743] : memref<20016x64xf32, #tpu.memory_space<hbm>> -> memref<20016x64xf32, #tpu.memory_space<hbm>>
        tpu.enqueue_indirect_dma source(%dma_start3A_744 : memref<20016x64xf32, #tpu.memory_space<hbm>>) target(%arg26 : memref<96x64xf32, #tpu.memory_space<vmem>>) offsets(%arg21 : memref<96xi32, #tpu.memory_space<vmem>>) semaphore(%arg32 : memref<!tpu.dma_semaphore, #tpu.memory_space<semaphore_mem>>)
        %dma_start3A_745 = arith.constant 0 : i32
        %dma_start3A_746 = arith.constant 0 : i32
        %dma_start3A_747 = tpu.memref_slice %arg2[%dma_start3A_745, %dma_start3A_746] : memref<20016x64xf32, #tpu.memory_space<hbm>> -> memref<20016x64xf32, #tpu.memory_space<hbm>>
        tpu.enqueue_indirect_dma source(%dma_start3A_747 : memref<20016x64xf32, #tpu.memory_space<hbm>>) target(%arg28 : memref<96x64xf32, #tpu.memory_space<vmem>>) offsets(%arg22 : memref<96xi32, #tpu.memory_space<vmem>>) semaphore(%arg32 : memref<!tpu.dma_semaphore, #tpu.memory_space<semaphore_mem>>)
      } else {
      }
      %ge3A = arith.constant 1 : i32
      %ge3A_357 = arith.cmpi sge, %add3A_347, %ge3A : i32
      %sub3A = arith.constant 1 : i32
      %sub3A_358 = arith.subi %add3A_347, %sub3A : i32
      %lt3A_359 = arith.constant 105 : i32
      %lt3A_360 = arith.cmpi slt, %sub3A_358, %lt3A_359 : i32
      %and3A = arith.andi %ge3A_357, %lt3A_360 : i1
      %convert_element_type3A_361 = arith.extui %and3A : i1 to i32
      %cond3A_362 = arith.constant 0 : i32
      %cond3A_363 = arith.cmpi ne, %convert_element_type3A_361, %cond3A_362 : i32
      scf.if %cond3A_363 {
        %dma_wait3A = arith.constant 0 : i32
        %dma_wait3A_566 = arith.constant 0 : i32
        %dma_wait3A_567 = tpu.memref_slice %arg2[%dma_wait3A, %dma_wait3A_566] : memref<20016x64xf32, #tpu.memory_space<hbm>> -> memref<96x64xf32, #tpu.memory_space<hbm>>
        %dma_wait3A_568 = arith.constant 0 : i32
        %dma_wait3A_569 = arith.constant 0 : i32
        %dma_wait3A_570 = tpu.memref_slice %arg2[%dma_wait3A_568, %dma_wait3A_569] : memref<20016x64xf32, #tpu.memory_space<hbm>> -> memref<96x64xf32, #tpu.memory_space<hbm>>
        tpu.wait_dma2 semaphore(%arg36 : memref<!tpu.dma_semaphore, #tpu.memory_space<semaphore_mem>>) src(%dma_wait3A_570 : memref<96x64xf32, #tpu.memory_space<hbm>>) dst(%arg29 : memref<96x64xf32, #tpu.memory_space<vmem>>)
        %dma_wait3A_571 = arith.constant 0 : i32
        %dma_wait3A_572 = arith.constant 0 : i32
        %dma_wait3A_573 = tpu.memref_slice %arg2[%dma_wait3A_571, %dma_wait3A_572] : memref<20016x64xf32, #tpu.memory_space<hbm>> -> memref<96x64xf32, #tpu.memory_space<hbm>>
        %dma_wait3A_574 = arith.constant 0 : i32
        %dma_wait3A_575 = arith.constant 0 : i32
        %dma_wait3A_576 = tpu.memref_slice %arg2[%dma_wait3A_574, %dma_wait3A_575] : memref<20016x64xf32, #tpu.memory_space<hbm>> -> memref<96x64xf32, #tpu.memory_space<hbm>>
        tpu.wait_dma2 semaphore(%arg36 : memref<!tpu.dma_semaphore, #tpu.memory_space<semaphore_mem>>) src(%dma_wait3A_576 : memref<96x64xf32, #tpu.memory_space<hbm>>) dst(%arg29 : memref<96x64xf32, #tpu.memory_space<vmem>>)
        %dma_wait3A_577 = arith.constant 0 : i32
        %dma_wait3A_578 = arith.constant 0 : i32
        %dma_wait3A_579 = tpu.memref_slice %arg2[%dma_wait3A_577, %dma_wait3A_578] : memref<20016x64xf32, #tpu.memory_space<hbm>> -> memref<96x64xf32, #tpu.memory_space<hbm>>
        %dma_wait3A_580 = arith.constant 0 : i32
        %dma_wait3A_581 = arith.constant 0 : i32
        %dma_wait3A_582 = tpu.memref_slice %arg2[%dma_wait3A_580, %dma_wait3A_581] : memref<20016x64xf32, #tpu.memory_space<hbm>> -> memref<96x64xf32, #tpu.memory_space<hbm>>
        tpu.wait_dma2 semaphore(%arg36 : memref<!tpu.dma_semaphore, #tpu.memory_space<semaphore_mem>>) src(%dma_wait3A_582 : memref<96x64xf32, #tpu.memory_space<hbm>>) dst(%arg29 : memref<96x64xf32, #tpu.memory_space<vmem>>)
      } else {
      }
      %add3A_364 = arith.constant 2 : i32
      %add3A_365 = arith.addi %add3A_347, %add3A_364 : i32
      %lt3A_366 = arith.constant 105 : i32
      %lt3A_367 = arith.cmpi slt, %add3A_365, %lt3A_366 : i32
      %convert_element_type3A_368 = arith.extui %lt3A_367 : i1 to i32
      %cond3A_369 = arith.constant 0 : i32
      %cond3A_370 = arith.cmpi ne, %convert_element_type3A_368, %cond3A_369 : i32
      scf.if %cond3A_370 {
        %add3A_566 = arith.constant 2 : i32
        %add3A_567 = arith.addi %add3A_347, %add3A_566 : i32
        %mul3A_568 = arith.constant 16 : i32
        %mul3A_569 = arith.muli %add3A_567, %mul3A_568 : i32
        %add3A_570 = arith.addi %mul3A_569, %arg1 : i32
        %mul3A_571 = arith.constant 96 : i32
        %mul3A_572 = arith.muli %add3A_570, %mul3A_571 : i32
        %dma_start3A_573 = tpu.memref_slice %arg4[%mul3A_572] : memref<161280xi32, #tpu.memory_space<hbm>> -> memref<96xi32, #tpu.memory_space<hbm>>
        %dma_start3A_574 = tpu.memref_slice %arg4[%mul3A_572] : memref<161280xi32, #tpu.memory_space<hbm>> -> memref<96xi32, #tpu.memory_space<hbm>>
        tpu.enqueue_dma source(%dma_start3A_574 : memref<96xi32, #tpu.memory_space<hbm>>) target(%arg13 : memref<96xi32, #tpu.memory_space<vmem>>) target_semaphore(%arg35 : memref<!tpu.dma_semaphore, #tpu.memory_space<semaphore_mem>>)
        %dma_start3A_575 = tpu.memref_slice %arg5[%mul3A_572] : memref<161280xi32, #tpu.memory_space<hbm>> -> memref<96xi32, #tpu.memory_space<hbm>>
        %dma_start3A_576 = tpu.memref_slice %arg5[%mul3A_572] : memref<161280xi32, #tpu.memory_space<hbm>> -> memref<96xi32, #tpu.memory_space<hbm>>
        tpu.enqueue_dma source(%dma_start3A_576 : memref<96xi32, #tpu.memory_space<hbm>>) target(%arg16 : memref<96xi32, #tpu.memory_space<vmem>>) target_semaphore(%arg35 : memref<!tpu.dma_semaphore, #tpu.memory_space<semaphore_mem>>)
        %dma_start3A_577 = tpu.memref_slice %arg6[%mul3A_572] : memref<161280xi32, #tpu.memory_space<hbm>> -> memref<96xi32, #tpu.memory_space<hbm>>
        %dma_start3A_578 = tpu.memref_slice %arg6[%mul3A_572] : memref<161280xi32, #tpu.memory_space<hbm>> -> memref<96xi32, #tpu.memory_space<hbm>>
        tpu.enqueue_dma source(%dma_start3A_578 : memref<96xi32, #tpu.memory_space<hbm>>) target(%arg19 : memref<96xi32, #tpu.memory_space<vmem>>) target_semaphore(%arg35 : memref<!tpu.dma_semaphore, #tpu.memory_space<semaphore_mem>>)
      } else {
      }
      %lt3A_371 = arith.constant 105 : i32
      %lt3A_372 = arith.cmpi slt, %add3A_347, %lt3A_371 : i32
      %convert_element_type3A_373 = arith.extui %lt3A_372 : i1 to i32
      %cond3A_374 = arith.constant 0 : i32
      %cond3A_375 = arith.cmpi ne, %convert_element_type3A_373, %cond3A_374 : i32
      scf.if %cond3A_375 {
        %scan3A_566 = arith.constant 0 : i32
        %scan3A_567 = arith.constant 96 : i32
        %scan3A_568 = arith.addi %scan3A_566, %scan3A_567 : i32
        %scan3A_569 = arith.constant 1 : i32
        scf.for %scan3A_580 = %scan3A_566 to %scan3A_568 step %scan3A_569  : i32 {
          %mul3A_581 = arith.constant 1 : i32
          %mul3A_582 = arith.muli %scan3A_580, %mul3A_581 : i32
          %add3A_583 = arith.constant 0 : i32
          %add3A_584 = arith.addi %add3A_583, %mul3A_582 : i32
          %get3A_585 = arith.index_cast %add3A_584 : i32 to index
          %get3A_586 = arith.constant 0 : index
          %get3A_587 = tpu.vector_load %arg23[%get3A_585, %get3A_586] {strides = array<i32>} : memref<96x64xf32, #tpu.memory_space<vmem>>, vector<1x16xf32>,
          %get3A_588 = vector.shape_cast %get3A_587 : vector<1x16xf32> to vector<16xf32>
          %get3A_589 = arith.index_cast %add3A_584 : i32 to index
          %get3A_590 = arith.constant 0 : index
          %get3A_591 = tpu.vector_load %arg25[%get3A_589, %get3A_590] {strides = array<i32>} : memref<96x64xf32, #tpu.memory_space<vmem>>, vector<1x16xf32>,
          %get3A_592 = vector.shape_cast %get3A_591 : vector<1x16xf32> to vector<16xf32>
          %add3A_593 = arith.addf %get3A_588, %get3A_592 : vector<16xf32>
          %get3A_594 = arith.index_cast %add3A_584 : i32 to index
          %get3A_595 = arith.constant 0 : index
          %get3A_596 = tpu.vector_load %arg27[%get3A_594, %get3A_595] {strides = array<i32>} : memref<96x64xf32, #tpu.memory_space<vmem>>, vector<1x16xf32>,
          %get3A_597 = vector.shape_cast %get3A_596 : vector<1x16xf32> to vector<16xf32>
          %sub3A_598 = arith.subf %add3A_593, %get3A_597 : vector<16xf32>
          %swap3A_599 = arith.index_cast %add3A_584 : i32 to index
          %swap3A_600 = arith.constant 0 : index
          %swap3A_601 = tpu.vector_load %arg29[%swap3A_599, %swap3A_600] {strides = array<i32>} : memref<96x64xf32, #tpu.memory_space<vmem>>, vector<1x16xf32>,
          %swap3A_602 = vector.shape_cast %swap3A_601 : vector<1x16xf32> to vector<16xf32>
          %swap3A_603 = vector.shape_cast %sub3A_598 : vector<16xf32> to vector<1x16xf32>
          tpu.vector_store %arg29[%swap3A_599, %swap3A_600], %swap3A_603 {strides = array<i32>} : memref<96x64xf32, #tpu.memory_space<vmem>>, vector<1x16xf32>,
          %neg3A = arith.constant 0.000000e+00 : f32
          %neg3A_604 = vector.broadcast %neg3A : f32 to vector<16xf32>
          %neg3A_605 = arith.subf %neg3A_604, %sub3A_598 : vector<16xf32>
          %swap3A_606 = arith.index_cast %add3A_584 : i32 to index
          %swap3A_607 = arith.constant 0 : index
          %swap3A_608 = tpu.vector_load %arg30[%swap3A_606, %swap3A_607] {strides = array<i32>} : memref<96x64xf32, #tpu.memory_space<vmem>>, vector<1x16xf32>,
          %swap3A_609 = vector.shape_cast %swap3A_608 : vector<1x16xf32> to vector<16xf32>
          %swap3A_610 = vector.shape_cast %neg3A_605 : vector<16xf32> to vector<1x16xf32>
          tpu.vector_store %arg30[%swap3A_606, %swap3A_607], %swap3A_610 {strides = array<i32>} : memref<96x64xf32, #tpu.memory_space<vmem>>, vector<1x16xf32>,
          %get3A_611 = arith.index_cast %add3A_584 : i32 to index
          %get3A_612 = arith.constant 16 : index
          %get3A_613 = tpu.vector_load %arg23[%get3A_611, %get3A_612] {strides = array<i32>} : memref<96x64xf32, #tpu.memory_space<vmem>>, vector<1x16xf32>,
          %get3A_614 = vector.shape_cast %get3A_613 : vector<1x16xf32> to vector<16xf32>
          %get3A_615 = arith.index_cast %add3A_584 : i32 to index
          %get3A_616 = arith.constant 16 : index
          %get3A_617 = tpu.vector_load %arg25[%get3A_615, %get3A_616] {strides = array<i32>} : memref<96x64xf32, #tpu.memory_space<vmem>>, vector<1x16xf32>,
          %get3A_618 = vector.shape_cast %get3A_617 : vector<1x16xf32> to vector<16xf32>
          %add3A_619 = arith.addf %get3A_614, %get3A_618 : vector<16xf32>
          %get3A_620 = arith.index_cast %add3A_584 : i32 to index
          %get3A_621 = arith.constant 16 : index
          %get3A_622 = tpu.vector_load %arg27[%get3A_620, %get3A_621] {strides = array<i32>} : memref<96x64xf32, #tpu.memory_space<vmem>>, vector<1x16xf32>,
          %get3A_623 = vector.shape_cast %get3A_622 : vector<1x16xf32> to vector<16xf32>
          %sub3A_624 = arith.subf %add3A_619, %get3A_623 : vector<16xf32>
          %swap3A_625 = arith.index_cast %add3A_584 : i32 to index
          %swap3A_626 = arith.constant 16 : index
          %swap3A_627 = tpu.vector_load %arg29[%swap3A_625, %swap3A_626] {strides = array<i32>} : memref<96x64xf32, #tpu.memory_space<vmem>>, vector<1x16xf32>,
          %swap3A_628 = vector.shape_cast %swap3A_627 : vector<1x16xf32> to vector<16xf32>
          %swap3A_629 = vector.shape_cast %sub3A_624 : vector<16xf32> to vector<1x16xf32>
          tpu.vector_store %arg29[%swap3A_625, %swap3A_626], %swap3A_629 {strides = array<i32>} : memref<96x64xf32, #tpu.memory_space<vmem>>, vector<1x16xf32>,
          %neg3A_630 = arith.constant 0.000000e+00 : f32
          %neg3A_631 = vector.broadcast %neg3A_630 : f32 to vector<16xf32>
          %neg3A_632 = arith.subf %neg3A_631, %sub3A_624 : vector<16xf32>
          %swap3A_633 = arith.index_cast %add3A_584 : i32 to index
          %swap3A_634 = arith.constant 16 : index
          %swap3A_635 = tpu.vector_load %arg30[%swap3A_633, %swap3A_634] {strides = array<i32>} : memref<96x64xf32, #tpu.memory_space<vmem>>, vector<1x16xf32>,
          %swap3A_636 = vector.shape_cast %swap3A_635 : vector<1x16xf32> to vector<16xf32>
          %swap3A_637 = vector.shape_cast %neg3A_632 : vector<16xf32> to vector<1x16xf32>
          tpu.vector_store %arg30[%swap3A_633, %swap3A_634], %swap3A_637 {strides = array<i32>} : memref<96x64xf32, #tpu.memory_space<vmem>>, vector<1x16xf32>,
          %get3A_638 = arith.index_cast %add3A_584 : i32 to index
          %get3A_639 = arith.constant 32 : index
          %get3A_640 = tpu.vector_load %arg23[%get3A_638, %get3A_639] {strides = array<i32>} : memref<96x64xf32, #tpu.memory_space<vmem>>, vector<1x16xf32>,
          %get3A_641 = vector.shape_cast %get3A_640 : vector<1x16xf32> to vector<16xf32>
          %get3A_642 = arith.index_cast %add3A_584 : i32 to index
          %get3A_643 = arith.constant 32 : index
          %get3A_644 = tpu.vector_load %arg25[%get3A_642, %get3A_643] {strides = array<i32>} : memref<96x64xf32, #tpu.memory_space<vmem>>, vector<1x16xf32>,
          %get3A_645 = vector.shape_cast %get3A_644 : vector<1x16xf32> to vector<16xf32>
          %add3A_646 = arith.addf %get3A_641, %get3A_645 : vector<16xf32>
          %get3A_647 = arith.index_cast %add3A_584 : i32 to index
          %get3A_648 = arith.constant 32 : index
          %get3A_649 = tpu.vector_load %arg27[%get3A_647, %get3A_648] {strides = array<i32>} : memref<96x64xf32, #tpu.memory_space<vmem>>, vector<1x16xf32>,
          %get3A_650 = vector.shape_cast %get3A_649 : vector<1x16xf32> to vector<16xf32>
          %sub3A_651 = arith.subf %add3A_646, %get3A_650 : vector<16xf32>
          %swap3A_652 = arith.index_cast %add3A_584 : i32 to index
          %swap3A_653 = arith.constant 32 : index
          %swap3A_654 = tpu.vector_load %arg29[%swap3A_652, %swap3A_653] {strides = array<i32>} : memref<96x64xf32, #tpu.memory_space<vmem>>, vector<1x16xf32>,
          %swap3A_655 = vector.shape_cast %swap3A_654 : vector<1x16xf32> to vector<16xf32>
          %swap3A_656 = vector.shape_cast %sub3A_651 : vector<16xf32> to vector<1x16xf32>
          tpu.vector_store %arg29[%swap3A_652, %swap3A_653], %swap3A_656 {strides = array<i32>} : memref<96x64xf32, #tpu.memory_space<vmem>>, vector<1x16xf32>,
          %neg3A_657 = arith.constant 0.000000e+00 : f32
          %neg3A_658 = vector.broadcast %neg3A_657 : f32 to vector<16xf32>
          %neg3A_659 = arith.subf %neg3A_658, %sub3A_651 : vector<16xf32>
          %swap3A_660 = arith.index_cast %add3A_584 : i32 to index
          %swap3A_661 = arith.constant 32 : index
          %swap3A_662 = tpu.vector_load %arg30[%swap3A_660, %swap3A_661] {strides = array<i32>} : memref<96x64xf32, #tpu.memory_space<vmem>>, vector<1x16xf32>,
          %swap3A_663 = vector.shape_cast %swap3A_662 : vector<1x16xf32> to vector<16xf32>
          %swap3A_664 = vector.shape_cast %neg3A_659 : vector<16xf32> to vector<1x16xf32>
          tpu.vector_store %arg30[%swap3A_660, %swap3A_661], %swap3A_664 {strides = array<i32>} : memref<96x64xf32, #tpu.memory_space<vmem>>, vector<1x16xf32>,
          %get3A_665 = arith.index_cast %add3A_584 : i32 to index
          %get3A_666 = arith.constant 48 : index
          %get3A_667 = tpu.vector_load %arg23[%get3A_665, %get3A_666] {strides = array<i32>} : memref<96x64xf32, #tpu.memory_space<vmem>>, vector<1x16xf32>,
          %get3A_668 = vector.shape_cast %get3A_667 : vector<1x16xf32> to vector<16xf32>
          %get3A_669 = arith.index_cast %add3A_584 : i32 to index
          %get3A_670 = arith.constant 48 : index
          %get3A_671 = tpu.vector_load %arg25[%get3A_669, %get3A_670] {strides = array<i32>} : memref<96x64xf32, #tpu.memory_space<vmem>>, vector<1x16xf32>,
          %get3A_672 = vector.shape_cast %get3A_671 : vector<1x16xf32> to vector<16xf32>
          %add3A_673 = arith.addf %get3A_668, %get3A_672 : vector<16xf32>
          %get3A_674 = arith.index_cast %add3A_584 : i32 to index
          %get3A_675 = arith.constant 48 : index
          %get3A_676 = tpu.vector_load %arg27[%get3A_674, %get3A_675] {strides = array<i32>} : memref<96x64xf32, #tpu.memory_space<vmem>>, vector<1x16xf32>,
          %get3A_677 = vector.shape_cast %get3A_676 : vector<1x16xf32> to vector<16xf32>
          %sub3A_678 = arith.subf %add3A_673, %get3A_677 : vector<16xf32>
          %swap3A_679 = arith.index_cast %add3A_584 : i32 to index
          %swap3A_680 = arith.constant 48 : index
          %swap3A_681 = tpu.vector_load %arg29[%swap3A_679, %swap3A_680] {strides = array<i32>} : memref<96x64xf32, #tpu.memory_space<vmem>>, vector<1x16xf32>,
          %swap3A_682 = vector.shape_cast %swap3A_681 : vector<1x16xf32> to vector<16xf32>
          %swap3A_683 = vector.shape_cast %sub3A_678 : vector<16xf32> to vector<1x16xf32>
          tpu.vector_store %arg29[%swap3A_679, %swap3A_680], %swap3A_683 {strides = array<i32>} : memref<96x64xf32, #tpu.memory_space<vmem>>, vector<1x16xf32>,
          %neg3A_684 = arith.constant 0.000000e+00 : f32
          %neg3A_685 = vector.broadcast %neg3A_684 : f32 to vector<16xf32>
          %neg3A_686 = arith.subf %neg3A_685, %sub3A_678 : vector<16xf32>
          %swap3A_687 = arith.index_cast %add3A_584 : i32 to index
          %swap3A_688 = arith.constant 48 : index
          %swap3A_689 = tpu.vector_load %arg30[%swap3A_687, %swap3A_688] {strides = array<i32>} : memref<96x64xf32, #tpu.memory_space<vmem>>, vector<1x16xf32>,
          %swap3A_690 = vector.shape_cast %swap3A_689 : vector<1x16xf32> to vector<16xf32>
          %swap3A_691 = vector.shape_cast %neg3A_686 : vector<16xf32> to vector<1x16xf32>
          tpu.vector_store %arg30[%swap3A_687, %swap3A_688], %swap3A_691 {strides = array<i32>} : memref<96x64xf32, #tpu.memory_space<vmem>>, vector<1x16xf32>,
        }
        %scan3A_570 = arith.constant 96 : i32
        %dma_start3A_571 = arith.constant 0 : i32
        %dma_start3A_572 = arith.constant 0 : i32
        %dma_start3A_573 = tpu.memref_slice %arg9[%dma_start3A_571, %dma_start3A_572] : memref<10008x64xf32, #tpu.memory_space<vmem_shared>> -> memref<10008x64xf32, #tpu.memory_space<vmem_shared>>
        tpu.enqueue_indirect_dma source(%arg30 : memref<96x64xf32, #tpu.memory_space<vmem>>) target(%dma_start3A_573 : memref<10008x64xf32, #tpu.memory_space<vmem_shared>>) offsets(%arg11 : memref<96xi32, #tpu.memory_space<vmem>>) semaphore(%arg36 : memref<!tpu.dma_semaphore, #tpu.memory_space<semaphore_mem>>) {add = true}
        %dma_start3A_574 = arith.constant 0 : i32
        %dma_start3A_575 = arith.constant 0 : i32
        %dma_start3A_576 = tpu.memref_slice %arg9[%dma_start3A_574, %dma_start3A_575] : memref<10008x64xf32, #tpu.memory_space<vmem_shared>> -> memref<10008x64xf32, #tpu.memory_space<vmem_shared>>
        tpu.enqueue_indirect_dma source(%arg29 : memref<96x64xf32, #tpu.memory_space<vmem>>) target(%dma_start3A_576 : memref<10008x64xf32, #tpu.memory_space<vmem_shared>>) offsets(%arg17 : memref<96xi32, #tpu.memory_space<vmem>>) semaphore(%arg36 : memref<!tpu.dma_semaphore, #tpu.memory_space<semaphore_mem>>) {add = true}
        %dma_start3A_577 = arith.constant 0 : i32
        %dma_start3A_578 = arith.constant 0 : i32
        %dma_start3A_579 = tpu.memref_slice %arg10[%dma_start3A_577, %dma_start3A_578] : memref<10008x64xf32, #tpu.memory_space<vmem_shared>> -> memref<10008x64xf32, #tpu.memory_space<vmem_shared>>
        tpu.enqueue_indirect_dma source(%arg30 : memref<96x64xf32, #tpu.memory_space<vmem>>) target(%dma_start3A_579 : memref<10008x64xf32, #tpu.memory_space<vmem_shared>>) offsets(%arg14 : memref<96xi32, #tpu.memory_space<vmem>>) semaphore(%arg36 : memref<!tpu.dma_semaphore, #tpu.memory_space<semaphore_mem>>) {add = true}
      } else {
      }
      %mul3A_376 = arith.constant 6 : i32
      %mul3A_377 = arith.muli %add3A_343, %mul3A_376 : i32
      %add3A_378 = arith.constant 1 : i32
      %add3A_379 = arith.addi %mul3A_377, %add3A_378 : i32
      %lt3A_380 = arith.constant 105 : i32
      %lt3A_381 = arith.cmpi slt, %add3A_379, %lt3A_380 : i32
      %convert_element_type3A_382 = arith.extui %lt3A_381 : i1 to i32
      %cond3A_383 = arith.constant 0 : i32
      %cond3A_384 = arith.cmpi ne, %convert_element_type3A_382, %cond3A_383 : i32
      scf.if %cond3A_384 {
        %dma_wait3A = arith.constant 0 : i32
        %dma_wait3A_566 = arith.constant 0 : i32
        %dma_wait3A_567 = tpu.memref_slice %arg2[%dma_wait3A, %dma_wait3A_566] : memref<20016x64xf32, #tpu.memory_space<hbm>> -> memref<96x64xf32, #tpu.memory_space<hbm>>
        %dma_wait3A_568 = arith.constant 0 : i32
        %dma_wait3A_569 = arith.constant 0 : i32
        %dma_wait3A_570 = tpu.memref_slice %arg2[%dma_wait3A_568, %dma_wait3A_569] : memref<20016x64xf32, #tpu.memory_space<hbm>> -> memref<96x64xf32, #tpu.memory_space<hbm>>
        tpu.wait_dma2 semaphore(%arg32 : memref<!tpu.dma_semaphore, #tpu.memory_space<semaphore_mem>>) src(%dma_wait3A_570 : memref<96x64xf32, #tpu.memory_space<hbm>>) dst(%arg24 : memref<96x64xf32, #tpu.memory_space<vmem>>)
        %dma_wait3A_571 = arith.constant 0 : i32
        %dma_wait3A_572 = arith.constant 0 : i32
        %dma_wait3A_573 = tpu.memref_slice %arg2[%dma_wait3A_571, %dma_wait3A_572] : memref<20016x64xf32, #tpu.memory_space<hbm>> -> memref<96x64xf32, #tpu.memory_space<hbm>>
        %dma_wait3A_574 = arith.constant 0 : i32
        %dma_wait3A_575 = arith.constant 0 : i32
        %dma_wait3A_576 = tpu.memref_slice %arg2[%dma_wait3A_574, %dma_wait3A_575] : memref<20016x64xf32, #tpu.memory_space<hbm>> -> memref<96x64xf32, #tpu.memory_space<hbm>>
        tpu.wait_dma2 semaphore(%arg32 : memref<!tpu.dma_semaphore, #tpu.memory_space<semaphore_mem>>) src(%dma_wait3A_576 : memref<96x64xf32, #tpu.memory_space<hbm>>) dst(%arg26 : memref<96x64xf32, #tpu.memory_space<vmem>>)
        %dma_wait3A_577 = arith.constant 0 : i32
        %dma_wait3A_578 = arith.constant 0 : i32
        %dma_wait3A_579 = tpu.memref_slice %arg2[%dma_wait3A_577, %dma_wait3A_578] : memref<20016x64xf32, #tpu.memory_space<hbm>> -> memref<96x64xf32, #tpu.memory_space<hbm>>
        %dma_wait3A_580 = arith.constant 0 : i32
        %dma_wait3A_581 = arith.constant 0 : i32
        %dma_wait3A_582 = tpu.memref_slice %arg2[%dma_wait3A_580, %dma_wait3A_581] : memref<20016x64xf32, #tpu.memory_space<hbm>> -> memref<96x64xf32, #tpu.memory_space<hbm>>
        tpu.wait_dma2 semaphore(%arg32 : memref<!tpu.dma_semaphore, #tpu.memory_space<semaphore_mem>>) src(%dma_wait3A_582 : memref<96x64xf32, #tpu.memory_space<hbm>>) dst(%arg28 : memref<96x64xf32, #tpu.memory_space<vmem>>)
      } else {
      }
      %add3A_385 = arith.constant 1 : i32
      %add3A_386 = arith.addi %add3A_379, %add3A_385 : i32
      %lt3A_387 = arith.constant 105 : i32
      %lt3A_388 = arith.cmpi slt, %add3A_386, %lt3A_387 : i32
      %convert_element_type3A_389 = arith.extui %lt3A_388 : i1 to i32
      %cond3A_390 = arith.constant 0 : i32
      %cond3A_391 = arith.cmpi ne, %convert_element_type3A_389, %cond3A_390 : i32
      scf.if %cond3A_391 {
        %dma_wait3A = arith.constant 0 : i32
        %dma_wait3A_566 = tpu.memref_slice %arg4[%dma_wait3A] : memref<161280xi32, #tpu.memory_space<hbm>> -> memref<96xi32, #tpu.memory_space<hbm>>
        %dma_wait3A_567 = arith.constant 0 : i32
        %dma_wait3A_568 = tpu.memref_slice %arg4[%dma_wait3A_567] : memref<161280xi32, #tpu.memory_space<hbm>> -> memref<96xi32, #tpu.memory_space<hbm>>
        tpu.wait_dma2 semaphore(%arg35 : memref<!tpu.dma_semaphore, #tpu.memory_space<semaphore_mem>>) src(%dma_wait3A_568 : memref<96xi32, #tpu.memory_space<hbm>>) dst(%arg13 : memref<96xi32, #tpu.memory_space<vmem>>)
        %dma_wait3A_569 = arith.constant 0 : i32
        %dma_wait3A_570 = tpu.memref_slice %arg4[%dma_wait3A_569] : memref<161280xi32, #tpu.memory_space<hbm>> -> memref<96xi32, #tpu.memory_space<hbm>>
        %dma_wait3A_571 = arith.constant 0 : i32
        %dma_wait3A_572 = tpu.memref_slice %arg4[%dma_wait3A_571] : memref<161280xi32, #tpu.memory_space<hbm>> -> memref<96xi32, #tpu.memory_space<hbm>>
        tpu.wait_dma2 semaphore(%arg35 : memref<!tpu.dma_semaphore, #tpu.memory_space<semaphore_mem>>) src(%dma_wait3A_572 : memref<96xi32, #tpu.memory_space<hbm>>) dst(%arg16 : memref<96xi32, #tpu.memory_space<vmem>>)
        %dma_wait3A_573 = arith.constant 0 : i32
        %dma_wait3A_574 = tpu.memref_slice %arg4[%dma_wait3A_573] : memref<161280xi32, #tpu.memory_space<hbm>> -> memref<96xi32, #tpu.memory_space<hbm>>
        %dma_wait3A_575 = arith.constant 0 : i32
        %dma_wait3A_576 = tpu.memref_slice %arg4[%dma_wait3A_575] : memref<161280xi32, #tpu.memory_space<hbm>> -> memref<96xi32, #tpu.memory_space<hbm>>
        tpu.wait_dma2 semaphore(%arg35 : memref<!tpu.dma_semaphore, #tpu.memory_space<semaphore_mem>>) src(%dma_wait3A_576 : memref<96xi32, #tpu.memory_space<hbm>>) dst(%arg19 : memref<96xi32, #tpu.memory_space<vmem>>)
        %get3A_577 = arith.constant 0 : index
        %get3A_578 = tpu.vector_load %arg13[%get3A_577] {strides = array<i32>} : memref<96xi32, #tpu.memory_space<vmem>>, vector<16xi32>,
        %get3A_579 = vector.shape_cast %get3A_578 : vector<16xi32> to vector<16xi32>
        %add3A_580 = vector.broadcast %mul3A_0 : i32 to vector<16xi32>
        %add3A_581 = arith.addi %get3A_579, %add3A_580 : vector<16xi32>
        %swap3A_582 = arith.constant 0 : index
        %swap3A_583 = tpu.vector_load %arg20[%swap3A_582] {strides = array<i32>} : memref<96xi32, #tpu.memory_space<vmem>>, vector<16xi32>,
        %swap3A_584 = vector.shape_cast %swap3A_583 : vector<16xi32> to vector<16xi32>
        %swap3A_585 = vector.shape_cast %add3A_581 : vector<16xi32> to vector<16xi32>
        tpu.vector_store %arg20[%swap3A_582], %swap3A_585 {strides = array<i32>} : memref<96xi32, #tpu.memory_space<vmem>>, vector<16xi32>,
        %get3A_586 = arith.constant 0 : index
        %get3A_587 = tpu.vector_load %arg16[%get3A_586] {strides = array<i32>} : memref<96xi32, #tpu.memory_space<vmem>>, vector<16xi32>,
        %get3A_588 = vector.shape_cast %get3A_587 : vector<16xi32> to vector<16xi32>
        %add3A_589 = vector.broadcast %mul3A_0 : i32 to vector<16xi32>
        %add3A_590 = arith.addi %get3A_588, %add3A_589 : vector<16xi32>
        %swap3A_591 = arith.constant 0 : index
        %swap3A_592 = tpu.vector_load %arg21[%swap3A_591] {strides = array<i32>} : memref<96xi32, #tpu.memory_space<vmem>>, vector<16xi32>,
        %swap3A_593 = vector.shape_cast %swap3A_592 : vector<16xi32> to vector<16xi32>
        %swap3A_594 = vector.shape_cast %add3A_590 : vector<16xi32> to vector<16xi32>
        tpu.vector_store %arg21[%swap3A_591], %swap3A_594 {strides = array<i32>} : memref<96xi32, #tpu.memory_space<vmem>>, vector<16xi32>,
        %get3A_595 = arith.constant 0 : index
        %get3A_596 = tpu.vector_load %arg19[%get3A_595] {strides = array<i32>} : memref<96xi32, #tpu.memory_space<vmem>>, vector<16xi32>,
        %get3A_597 = vector.shape_cast %get3A_596 : vector<16xi32> to vector<16xi32>
        %add3A_598 = vector.broadcast %mul3A_0 : i32 to vector<16xi32>
        %add3A_599 = arith.addi %get3A_597, %add3A_598 : vector<16xi32>
        %swap3A_600 = arith.constant 0 : index
        %swap3A_601 = tpu.vector_load %arg22[%swap3A_600] {strides = array<i32>} : memref<96xi32, #tpu.memory_space<vmem>>, vector<16xi32>,
        %swap3A_602 = vector.shape_cast %swap3A_601 : vector<16xi32> to vector<16xi32>
        %swap3A_603 = vector.shape_cast %add3A_599 : vector<16xi32> to vector<16xi32>
        tpu.vector_store %arg22[%swap3A_600], %swap3A_603 {strides = array<i32>} : memref<96xi32, #tpu.memory_space<vmem>>, vector<16xi32>,
        %get3A_604 = arith.constant 16 : index
        %get3A_605 = tpu.vector_load %arg13[%get3A_604] {strides = array<i32>} : memref<96xi32, #tpu.memory_space<vmem>>, vector<16xi32>,
        %get3A_606 = vector.shape_cast %get3A_605 : vector<16xi32> to vector<16xi32>
        %add3A_607 = vector.broadcast %mul3A_0 : i32 to vector<16xi32>
        %add3A_608 = arith.addi %get3A_606, %add3A_607 : vector<16xi32>
        %swap3A_609 = arith.constant 16 : index
        %swap3A_610 = tpu.vector_load %arg20[%swap3A_609] {strides = array<i32>} : memref<96xi32, #tpu.memory_space<vmem>>, vector<16xi32>,
        %swap3A_611 = vector.shape_cast %swap3A_610 : vector<16xi32> to vector<16xi32>
        %swap3A_612 = vector.shape_cast %add3A_608 : vector<16xi32> to vector<16xi32>
        tpu.vector_store %arg20[%swap3A_609], %swap3A_612 {strides = array<i32>} : memref<96xi32, #tpu.memory_space<vmem>>, vector<16xi32>,
        %get3A_613 = arith.constant 16 : index
        %get3A_614 = tpu.vector_load %arg16[%get3A_613] {strides = array<i32>} : memref<96xi32, #tpu.memory_space<vmem>>, vector<16xi32>,
        %get3A_615 = vector.shape_cast %get3A_614 : vector<16xi32> to vector<16xi32>
        %add3A_616 = vector.broadcast %mul3A_0 : i32 to vector<16xi32>
        %add3A_617 = arith.addi %get3A_615, %add3A_616 : vector<16xi32>
        %swap3A_618 = arith.constant 16 : index
        %swap3A_619 = tpu.vector_load %arg21[%swap3A_618] {strides = array<i32>} : memref<96xi32, #tpu.memory_space<vmem>>, vector<16xi32>,
        %swap3A_620 = vector.shape_cast %swap3A_619 : vector<16xi32> to vector<16xi32>
        %swap3A_621 = vector.shape_cast %add3A_617 : vector<16xi32> to vector<16xi32>
        tpu.vector_store %arg21[%swap3A_618], %swap3A_621 {strides = array<i32>} : memref<96xi32, #tpu.memory_space<vmem>>, vector<16xi32>,
        %get3A_622 = arith.constant 16 : index
        %get3A_623 = tpu.vector_load %arg19[%get3A_622] {strides = array<i32>} : memref<96xi32, #tpu.memory_space<vmem>>, vector<16xi32>,
        %get3A_624 = vector.shape_cast %get3A_623 : vector<16xi32> to vector<16xi32>
        %add3A_625 = vector.broadcast %mul3A_0 : i32 to vector<16xi32>
        %add3A_626 = arith.addi %get3A_624, %add3A_625 : vector<16xi32>
        %swap3A_627 = arith.constant 16 : index
        %swap3A_628 = tpu.vector_load %arg22[%swap3A_627] {strides = array<i32>} : memref<96xi32, #tpu.memory_space<vmem>>, vector<16xi32>,
        %swap3A_629 = vector.shape_cast %swap3A_628 : vector<16xi32> to vector<16xi32>
        %swap3A_630 = vector.shape_cast %add3A_626 : vector<16xi32> to vector<16xi32>
        tpu.vector_store %arg22[%swap3A_627], %swap3A_630 {strides = array<i32>} : memref<96xi32, #tpu.memory_space<vmem>>, vector<16xi32>,
        %get3A_631 = arith.constant 32 : index
        %get3A_632 = tpu.vector_load %arg13[%get3A_631] {strides = array<i32>} : memref<96xi32, #tpu.memory_space<vmem>>, vector<16xi32>,
        %get3A_633 = vector.shape_cast %get3A_632 : vector<16xi32> to vector<16xi32>
        %add3A_634 = vector.broadcast %mul3A_0 : i32 to vector<16xi32>
        %add3A_635 = arith.addi %get3A_633, %add3A_634 : vector<16xi32>
        %swap3A_636 = arith.constant 32 : index
        %swap3A_637 = tpu.vector_load %arg20[%swap3A_636] {strides = array<i32>} : memref<96xi32, #tpu.memory_space<vmem>>, vector<16xi32>,
        %swap3A_638 = vector.shape_cast %swap3A_637 : vector<16xi32> to vector<16xi32>
        %swap3A_639 = vector.shape_cast %add3A_635 : vector<16xi32> to vector<16xi32>
        tpu.vector_store %arg20[%swap3A_636], %swap3A_639 {strides = array<i32>} : memref<96xi32, #tpu.memory_space<vmem>>, vector<16xi32>,
        %get3A_640 = arith.constant 32 : index
        %get3A_641 = tpu.vector_load %arg16[%get3A_640] {strides = array<i32>} : memref<96xi32, #tpu.memory_space<vmem>>, vector<16xi32>,
        %get3A_642 = vector.shape_cast %get3A_641 : vector<16xi32> to vector<16xi32>
        %add3A_643 = vector.broadcast %mul3A_0 : i32 to vector<16xi32>
        %add3A_644 = arith.addi %get3A_642, %add3A_643 : vector<16xi32>
        %swap3A_645 = arith.constant 32 : index
        %swap3A_646 = tpu.vector_load %arg21[%swap3A_645] {strides = array<i32>} : memref<96xi32, #tpu.memory_space<vmem>>, vector<16xi32>,
        %swap3A_647 = vector.shape_cast %swap3A_646 : vector<16xi32> to vector<16xi32>
        %swap3A_648 = vector.shape_cast %add3A_644 : vector<16xi32> to vector<16xi32>
        tpu.vector_store %arg21[%swap3A_645], %swap3A_648 {strides = array<i32>} : memref<96xi32, #tpu.memory_space<vmem>>, vector<16xi32>,
        %get3A_649 = arith.constant 32 : index
        %get3A_650 = tpu.vector_load %arg19[%get3A_649] {strides = array<i32>} : memref<96xi32, #tpu.memory_space<vmem>>, vector<16xi32>,
        %get3A_651 = vector.shape_cast %get3A_650 : vector<16xi32> to vector<16xi32>
        %add3A_652 = vector.broadcast %mul3A_0 : i32 to vector<16xi32>
        %add3A_653 = arith.addi %get3A_651, %add3A_652 : vector<16xi32>
        %swap3A_654 = arith.constant 32 : index
        %swap3A_655 = tpu.vector_load %arg22[%swap3A_654] {strides = array<i32>} : memref<96xi32, #tpu.memory_space<vmem>>, vector<16xi32>,
        %swap3A_656 = vector.shape_cast %swap3A_655 : vector<16xi32> to vector<16xi32>
        %swap3A_657 = vector.shape_cast %add3A_653 : vector<16xi32> to vector<16xi32>
        tpu.vector_store %arg22[%swap3A_654], %swap3A_657 {strides = array<i32>} : memref<96xi32, #tpu.memory_space<vmem>>, vector<16xi32>,
        %get3A_658 = arith.constant 48 : index
        %get3A_659 = tpu.vector_load %arg13[%get3A_658] {strides = array<i32>} : memref<96xi32, #tpu.memory_space<vmem>>, vector<16xi32>,
        %get3A_660 = vector.shape_cast %get3A_659 : vector<16xi32> to vector<16xi32>
        %add3A_661 = vector.broadcast %mul3A_0 : i32 to vector<16xi32>
        %add3A_662 = arith.addi %get3A_660, %add3A_661 : vector<16xi32>
        %swap3A_663 = arith.constant 48 : index
        %swap3A_664 = tpu.vector_load %arg20[%swap3A_663] {strides = array<i32>} : memref<96xi32, #tpu.memory_space<vmem>>, vector<16xi32>,
        %swap3A_665 = vector.shape_cast %swap3A_664 : vector<16xi32> to vector<16xi32>
        %swap3A_666 = vector.shape_cast %add3A_662 : vector<16xi32> to vector<16xi32>
        tpu.vector_store %arg20[%swap3A_663], %swap3A_666 {strides = array<i32>} : memref<96xi32, #tpu.memory_space<vmem>>, vector<16xi32>,
        %get3A_667 = arith.constant 48 : index
        %get3A_668 = tpu.vector_load %arg16[%get3A_667] {strides = array<i32>} : memref<96xi32, #tpu.memory_space<vmem>>, vector<16xi32>,
        %get3A_669 = vector.shape_cast %get3A_668 : vector<16xi32> to vector<16xi32>
        %add3A_670 = vector.broadcast %mul3A_0 : i32 to vector<16xi32>
        %add3A_671 = arith.addi %get3A_669, %add3A_670 : vector<16xi32>
        %swap3A_672 = arith.constant 48 : index
        %swap3A_673 = tpu.vector_load %arg21[%swap3A_672] {strides = array<i32>} : memref<96xi32, #tpu.memory_space<vmem>>, vector<16xi32>,
        %swap3A_674 = vector.shape_cast %swap3A_673 : vector<16xi32> to vector<16xi32>
        %swap3A_675 = vector.shape_cast %add3A_671 : vector<16xi32> to vector<16xi32>
        tpu.vector_store %arg21[%swap3A_672], %swap3A_675 {strides = array<i32>} : memref<96xi32, #tpu.memory_space<vmem>>, vector<16xi32>,
        %get3A_676 = arith.constant 48 : index
        %get3A_677 = tpu.vector_load %arg19[%get3A_676] {strides = array<i32>} : memref<96xi32, #tpu.memory_space<vmem>>, vector<16xi32>,
        %get3A_678 = vector.shape_cast %get3A_677 : vector<16xi32> to vector<16xi32>
        %add3A_679 = vector.broadcast %mul3A_0 : i32 to vector<16xi32>
        %add3A_680 = arith.addi %get3A_678, %add3A_679 : vector<16xi32>
        %swap3A_681 = arith.constant 48 : index
        %swap3A_682 = tpu.vector_load %arg22[%swap3A_681] {strides = array<i32>} : memref<96xi32, #tpu.memory_space<vmem>>, vector<16xi32>,
        %swap3A_683 = vector.shape_cast %swap3A_682 : vector<16xi32> to vector<16xi32>
        %swap3A_684 = vector.shape_cast %add3A_680 : vector<16xi32> to vector<16xi32>
        tpu.vector_store %arg22[%swap3A_681], %swap3A_684 {strides = array<i32>} : memref<96xi32, #tpu.memory_space<vmem>>, vector<16xi32>,
        %get3A_685 = arith.constant 64 : index
        %get3A_686 = tpu.vector_load %arg13[%get3A_685] {strides = array<i32>} : memref<96xi32, #tpu.memory_space<vmem>>, vector<16xi32>,
        %get3A_687 = vector.shape_cast %get3A_686 : vector<16xi32> to vector<16xi32>
        %add3A_688 = vector.broadcast %mul3A_0 : i32 to vector<16xi32>
        %add3A_689 = arith.addi %get3A_687, %add3A_688 : vector<16xi32>
        %swap3A_690 = arith.constant 64 : index
        %swap3A_691 = tpu.vector_load %arg20[%swap3A_690] {strides = array<i32>} : memref<96xi32, #tpu.memory_space<vmem>>, vector<16xi32>,
        %swap3A_692 = vector.shape_cast %swap3A_691 : vector<16xi32> to vector<16xi32>
        %swap3A_693 = vector.shape_cast %add3A_689 : vector<16xi32> to vector<16xi32>
        tpu.vector_store %arg20[%swap3A_690], %swap3A_693 {strides = array<i32>} : memref<96xi32, #tpu.memory_space<vmem>>, vector<16xi32>,
        %get3A_694 = arith.constant 64 : index
        %get3A_695 = tpu.vector_load %arg16[%get3A_694] {strides = array<i32>} : memref<96xi32, #tpu.memory_space<vmem>>, vector<16xi32>,
        %get3A_696 = vector.shape_cast %get3A_695 : vector<16xi32> to vector<16xi32>
        %add3A_697 = vector.broadcast %mul3A_0 : i32 to vector<16xi32>
        %add3A_698 = arith.addi %get3A_696, %add3A_697 : vector<16xi32>
        %swap3A_699 = arith.constant 64 : index
        %swap3A_700 = tpu.vector_load %arg21[%swap3A_699] {strides = array<i32>} : memref<96xi32, #tpu.memory_space<vmem>>, vector<16xi32>,
        %swap3A_701 = vector.shape_cast %swap3A_700 : vector<16xi32> to vector<16xi32>
        %swap3A_702 = vector.shape_cast %add3A_698 : vector<16xi32> to vector<16xi32>
        tpu.vector_store %arg21[%swap3A_699], %swap3A_702 {strides = array<i32>} : memref<96xi32, #tpu.memory_space<vmem>>, vector<16xi32>,
        %get3A_703 = arith.constant 64 : index
        %get3A_704 = tpu.vector_load %arg19[%get3A_703] {strides = array<i32>} : memref<96xi32, #tpu.memory_space<vmem>>, vector<16xi32>,
        %get3A_705 = vector.shape_cast %get3A_704 : vector<16xi32> to vector<16xi32>
        %add3A_706 = vector.broadcast %mul3A_0 : i32 to vector<16xi32>
        %add3A_707 = arith.addi %get3A_705, %add3A_706 : vector<16xi32>
        %swap3A_708 = arith.constant 64 : index
        %swap3A_709 = tpu.vector_load %arg22[%swap3A_708] {strides = array<i32>} : memref<96xi32, #tpu.memory_space<vmem>>, vector<16xi32>,
        %swap3A_710 = vector.shape_cast %swap3A_709 : vector<16xi32> to vector<16xi32>
        %swap3A_711 = vector.shape_cast %add3A_707 : vector<16xi32> to vector<16xi32>
        tpu.vector_store %arg22[%swap3A_708], %swap3A_711 {strides = array<i32>} : memref<96xi32, #tpu.memory_space<vmem>>, vector<16xi32>,
        %get3A_712 = arith.constant 80 : index
        %get3A_713 = tpu.vector_load %arg13[%get3A_712] {strides = array<i32>} : memref<96xi32, #tpu.memory_space<vmem>>, vector<16xi32>,
        %get3A_714 = vector.shape_cast %get3A_713 : vector<16xi32> to vector<16xi32>
        %add3A_715 = vector.broadcast %mul3A_0 : i32 to vector<16xi32>
        %add3A_716 = arith.addi %get3A_714, %add3A_715 : vector<16xi32>
        %swap3A_717 = arith.constant 80 : index
        %swap3A_718 = tpu.vector_load %arg20[%swap3A_717] {strides = array<i32>} : memref<96xi32, #tpu.memory_space<vmem>>, vector<16xi32>,
        %swap3A_719 = vector.shape_cast %swap3A_718 : vector<16xi32> to vector<16xi32>
        %swap3A_720 = vector.shape_cast %add3A_716 : vector<16xi32> to vector<16xi32>
        tpu.vector_store %arg20[%swap3A_717], %swap3A_720 {strides = array<i32>} : memref<96xi32, #tpu.memory_space<vmem>>, vector<16xi32>,
        %get3A_721 = arith.constant 80 : index
        %get3A_722 = tpu.vector_load %arg16[%get3A_721] {strides = array<i32>} : memref<96xi32, #tpu.memory_space<vmem>>, vector<16xi32>,
        %get3A_723 = vector.shape_cast %get3A_722 : vector<16xi32> to vector<16xi32>
        %add3A_724 = vector.broadcast %mul3A_0 : i32 to vector<16xi32>
        %add3A_725 = arith.addi %get3A_723, %add3A_724 : vector<16xi32>
        %swap3A_726 = arith.constant 80 : index
        %swap3A_727 = tpu.vector_load %arg21[%swap3A_726] {strides = array<i32>} : memref<96xi32, #tpu.memory_space<vmem>>, vector<16xi32>,
        %swap3A_728 = vector.shape_cast %swap3A_727 : vector<16xi32> to vector<16xi32>
        %swap3A_729 = vector.shape_cast %add3A_725 : vector<16xi32> to vector<16xi32>
        tpu.vector_store %arg21[%swap3A_726], %swap3A_729 {strides = array<i32>} : memref<96xi32, #tpu.memory_space<vmem>>, vector<16xi32>,
        %get3A_730 = arith.constant 80 : index
        %get3A_731 = tpu.vector_load %arg19[%get3A_730] {strides = array<i32>} : memref<96xi32, #tpu.memory_space<vmem>>, vector<16xi32>,
        %get3A_732 = vector.shape_cast %get3A_731 : vector<16xi32> to vector<16xi32>
        %add3A_733 = vector.broadcast %mul3A_0 : i32 to vector<16xi32>
        %add3A_734 = arith.addi %get3A_732, %add3A_733 : vector<16xi32>
        %swap3A_735 = arith.constant 80 : index
        %swap3A_736 = tpu.vector_load %arg22[%swap3A_735] {strides = array<i32>} : memref<96xi32, #tpu.memory_space<vmem>>, vector<16xi32>,
        %swap3A_737 = vector.shape_cast %swap3A_736 : vector<16xi32> to vector<16xi32>
        %swap3A_738 = vector.shape_cast %add3A_734 : vector<16xi32> to vector<16xi32>
        tpu.vector_store %arg22[%swap3A_735], %swap3A_738 {strides = array<i32>} : memref<96xi32, #tpu.memory_space<vmem>>, vector<16xi32>,
        %dma_start3A_739 = arith.constant 0 : i32
        %dma_start3A_740 = arith.constant 0 : i32
        %dma_start3A_741 = tpu.memref_slice %arg2[%dma_start3A_739, %dma_start3A_740] : memref<20016x64xf32, #tpu.memory_space<hbm>> -> memref<20016x64xf32, #tpu.memory_space<hbm>>
        tpu.enqueue_indirect_dma source(%dma_start3A_741 : memref<20016x64xf32, #tpu.memory_space<hbm>>) target(%arg23 : memref<96x64xf32, #tpu.memory_space<vmem>>) offsets(%arg20 : memref<96xi32, #tpu.memory_space<vmem>>) semaphore(%arg31 : memref<!tpu.dma_semaphore, #tpu.memory_space<semaphore_mem>>)
        %dma_start3A_742 = arith.constant 0 : i32
        %dma_start3A_743 = arith.constant 0 : i32
        %dma_start3A_744 = tpu.memref_slice %arg3[%dma_start3A_742, %dma_start3A_743] : memref<20016x64xf32, #tpu.memory_space<hbm>> -> memref<20016x64xf32, #tpu.memory_space<hbm>>
        tpu.enqueue_indirect_dma source(%dma_start3A_744 : memref<20016x64xf32, #tpu.memory_space<hbm>>) target(%arg25 : memref<96x64xf32, #tpu.memory_space<vmem>>) offsets(%arg21 : memref<96xi32, #tpu.memory_space<vmem>>) semaphore(%arg31 : memref<!tpu.dma_semaphore, #tpu.memory_space<semaphore_mem>>)
        %dma_start3A_745 = arith.constant 0 : i32
        %dma_start3A_746 = arith.constant 0 : i32
        %dma_start3A_747 = tpu.memref_slice %arg2[%dma_start3A_745, %dma_start3A_746] : memref<20016x64xf32, #tpu.memory_space<hbm>> -> memref<20016x64xf32, #tpu.memory_space<hbm>>
        tpu.enqueue_indirect_dma source(%dma_start3A_747 : memref<20016x64xf32, #tpu.memory_space<hbm>>) target(%arg27 : memref<96x64xf32, #tpu.memory_space<vmem>>) offsets(%arg22 : memref<96xi32, #tpu.memory_space<vmem>>) semaphore(%arg31 : memref<!tpu.dma_semaphore, #tpu.memory_space<semaphore_mem>>)
      } else {
      }
      %ge3A_392 = arith.constant 1 : i32
      %ge3A_393 = arith.cmpi sge, %add3A_379, %ge3A_392 : i32
      %sub3A_394 = arith.constant 1 : i32
      %sub3A_395 = arith.subi %add3A_379, %sub3A_394 : i32
      %lt3A_396 = arith.constant 105 : i32
      %lt3A_397 = arith.cmpi slt, %sub3A_395, %lt3A_396 : i32
      %and3A_398 = arith.andi %ge3A_393, %lt3A_397 : i1
      %convert_element_type3A_399 = arith.extui %and3A_398 : i1 to i32
      %cond3A_400 = arith.constant 0 : i32
      %cond3A_401 = arith.cmpi ne, %convert_element_type3A_399, %cond3A_400 : i32
      scf.if %cond3A_401 {
        %dma_wait3A = arith.constant 0 : i32
        %dma_wait3A_566 = arith.constant 0 : i32
        %dma_wait3A_567 = tpu.memref_slice %arg2[%dma_wait3A, %dma_wait3A_566] : memref<20016x64xf32, #tpu.memory_space<hbm>> -> memref<96x64xf32, #tpu.memory_space<hbm>>
        %dma_wait3A_568 = arith.constant 0 : i32
        %dma_wait3A_569 = arith.constant 0 : i32
        %dma_wait3A_570 = tpu.memref_slice %arg2[%dma_wait3A_568, %dma_wait3A_569] : memref<20016x64xf32, #tpu.memory_space<hbm>> -> memref<96x64xf32, #tpu.memory_space<hbm>>
        tpu.wait_dma2 semaphore(%arg36 : memref<!tpu.dma_semaphore, #tpu.memory_space<semaphore_mem>>) src(%dma_wait3A_570 : memref<96x64xf32, #tpu.memory_space<hbm>>) dst(%arg29 : memref<96x64xf32, #tpu.memory_space<vmem>>)
        %dma_wait3A_571 = arith.constant 0 : i32
        %dma_wait3A_572 = arith.constant 0 : i32
        %dma_wait3A_573 = tpu.memref_slice %arg2[%dma_wait3A_571, %dma_wait3A_572] : memref<20016x64xf32, #tpu.memory_space<hbm>> -> memref<96x64xf32, #tpu.memory_space<hbm>>
        %dma_wait3A_574 = arith.constant 0 : i32
        %dma_wait3A_575 = arith.constant 0 : i32
        %dma_wait3A_576 = tpu.memref_slice %arg2[%dma_wait3A_574, %dma_wait3A_575] : memref<20016x64xf32, #tpu.memory_space<hbm>> -> memref<96x64xf32, #tpu.memory_space<hbm>>
        tpu.wait_dma2 semaphore(%arg36 : memref<!tpu.dma_semaphore, #tpu.memory_space<semaphore_mem>>) src(%dma_wait3A_576 : memref<96x64xf32, #tpu.memory_space<hbm>>) dst(%arg29 : memref<96x64xf32, #tpu.memory_space<vmem>>)
        %dma_wait3A_577 = arith.constant 0 : i32
        %dma_wait3A_578 = arith.constant 0 : i32
        %dma_wait3A_579 = tpu.memref_slice %arg2[%dma_wait3A_577, %dma_wait3A_578] : memref<20016x64xf32, #tpu.memory_space<hbm>> -> memref<96x64xf32, #tpu.memory_space<hbm>>
        %dma_wait3A_580 = arith.constant 0 : i32
        %dma_wait3A_581 = arith.constant 0 : i32
        %dma_wait3A_582 = tpu.memref_slice %arg2[%dma_wait3A_580, %dma_wait3A_581] : memref<20016x64xf32, #tpu.memory_space<hbm>> -> memref<96x64xf32, #tpu.memory_space<hbm>>
        tpu.wait_dma2 semaphore(%arg36 : memref<!tpu.dma_semaphore, #tpu.memory_space<semaphore_mem>>) src(%dma_wait3A_582 : memref<96x64xf32, #tpu.memory_space<hbm>>) dst(%arg29 : memref<96x64xf32, #tpu.memory_space<vmem>>)
      } else {
      }
      %add3A_402 = arith.constant 2 : i32
      %add3A_403 = arith.addi %add3A_379, %add3A_402 : i32
      %lt3A_404 = arith.constant 105 : i32
      %lt3A_405 = arith.cmpi slt, %add3A_403, %lt3A_404 : i32
      %convert_element_type3A_406 = arith.extui %lt3A_405 : i1 to i32
      %cond3A_407 = arith.constant 0 : i32
      %cond3A_408 = arith.cmpi ne, %convert_element_type3A_406, %cond3A_407 : i32
      scf.if %cond3A_408 {
        %add3A_566 = arith.constant 2 : i32
        %add3A_567 = arith.addi %add3A_379, %add3A_566 : i32
        %mul3A_568 = arith.constant 16 : i32
        %mul3A_569 = arith.muli %add3A_567, %mul3A_568 : i32
        %add3A_570 = arith.addi %mul3A_569, %arg1 : i32
        %mul3A_571 = arith.constant 96 : i32
        %mul3A_572 = arith.muli %add3A_570, %mul3A_571 : i32
        %dma_start3A_573 = tpu.memref_slice %arg4[%mul3A_572] : memref<161280xi32, #tpu.memory_space<hbm>> -> memref<96xi32, #tpu.memory_space<hbm>>
        %dma_start3A_574 = tpu.memref_slice %arg4[%mul3A_572] : memref<161280xi32, #tpu.memory_space<hbm>> -> memref<96xi32, #tpu.memory_space<hbm>>
        tpu.enqueue_dma source(%dma_start3A_574 : memref<96xi32, #tpu.memory_space<hbm>>) target(%arg11 : memref<96xi32, #tpu.memory_space<vmem>>) target_semaphore(%arg33 : memref<!tpu.dma_semaphore, #tpu.memory_space<semaphore_mem>>)
        %dma_start3A_575 = tpu.memref_slice %arg5[%mul3A_572] : memref<161280xi32, #tpu.memory_space<hbm>> -> memref<96xi32, #tpu.memory_space<hbm>>
        %dma_start3A_576 = tpu.memref_slice %arg5[%mul3A_572] : memref<161280xi32, #tpu.memory_space<hbm>> -> memref<96xi32, #tpu.memory_space<hbm>>
        tpu.enqueue_dma source(%dma_start3A_576 : memref<96xi32, #tpu.memory_space<hbm>>) target(%arg14 : memref<96xi32, #tpu.memory_space<vmem>>) target_semaphore(%arg33 : memref<!tpu.dma_semaphore, #tpu.memory_space<semaphore_mem>>)
        %dma_start3A_577 = tpu.memref_slice %arg6[%mul3A_572] : memref<161280xi32, #tpu.memory_space<hbm>> -> memref<96xi32, #tpu.memory_space<hbm>>
        %dma_start3A_578 = tpu.memref_slice %arg6[%mul3A_572] : memref<161280xi32, #tpu.memory_space<hbm>> -> memref<96xi32, #tpu.memory_space<hbm>>
        tpu.enqueue_dma source(%dma_start3A_578 : memref<96xi32, #tpu.memory_space<hbm>>) target(%arg17 : memref<96xi32, #tpu.memory_space<vmem>>) target_semaphore(%arg33 : memref<!tpu.dma_semaphore, #tpu.memory_space<semaphore_mem>>)
      } else {
      }
      %lt3A_409 = arith.constant 105 : i32
      %lt3A_410 = arith.cmpi slt, %add3A_379, %lt3A_409 : i32
      %convert_element_type3A_411 = arith.extui %lt3A_410 : i1 to i32
      %cond3A_412 = arith.constant 0 : i32
      %cond3A_413 = arith.cmpi ne, %convert_element_type3A_411, %cond3A_412 : i32
      scf.if %cond3A_413 {
        %scan3A_566 = arith.constant 0 : i32
        %scan3A_567 = arith.constant 96 : i32
        %scan3A_568 = arith.addi %scan3A_566, %scan3A_567 : i32
        %scan3A_569 = arith.constant 1 : i32
        scf.for %scan3A_580 = %scan3A_566 to %scan3A_568 step %scan3A_569  : i32 {
          %mul3A_581 = arith.constant 1 : i32
          %mul3A_582 = arith.muli %scan3A_580, %mul3A_581 : i32
          %add3A_583 = arith.constant 0 : i32
          %add3A_584 = arith.addi %add3A_583, %mul3A_582 : i32
          %get3A_585 = arith.index_cast %add3A_584 : i32 to index
          %get3A_586 = arith.constant 0 : index
          %get3A_587 = tpu.vector_load %arg24[%get3A_585, %get3A_586] {strides = array<i32>} : memref<96x64xf32, #tpu.memory_space<vmem>>, vector<1x16xf32>,
          %get3A_588 = vector.shape_cast %get3A_587 : vector<1x16xf32> to vector<16xf32>
          %get3A_589 = arith.index_cast %add3A_584 : i32 to index
          %get3A_590 = arith.constant 0 : index
          %get3A_591 = tpu.vector_load %arg26[%get3A_589, %get3A_590] {strides = array<i32>} : memref<96x64xf32, #tpu.memory_space<vmem>>, vector<1x16xf32>,
          %get3A_592 = vector.shape_cast %get3A_591 : vector<1x16xf32> to vector<16xf32>
          %add3A_593 = arith.addf %get3A_588, %get3A_592 : vector<16xf32>
          %get3A_594 = arith.index_cast %add3A_584 : i32 to index
          %get3A_595 = arith.constant 0 : index
          %get3A_596 = tpu.vector_load %arg28[%get3A_594, %get3A_595] {strides = array<i32>} : memref<96x64xf32, #tpu.memory_space<vmem>>, vector<1x16xf32>,
          %get3A_597 = vector.shape_cast %get3A_596 : vector<1x16xf32> to vector<16xf32>
          %sub3A_598 = arith.subf %add3A_593, %get3A_597 : vector<16xf32>
          %swap3A_599 = arith.index_cast %add3A_584 : i32 to index
          %swap3A_600 = arith.constant 0 : index
          %swap3A_601 = tpu.vector_load %arg29[%swap3A_599, %swap3A_600] {strides = array<i32>} : memref<96x64xf32, #tpu.memory_space<vmem>>, vector<1x16xf32>,
          %swap3A_602 = vector.shape_cast %swap3A_601 : vector<1x16xf32> to vector<16xf32>
          %swap3A_603 = vector.shape_cast %sub3A_598 : vector<16xf32> to vector<1x16xf32>
          tpu.vector_store %arg29[%swap3A_599, %swap3A_600], %swap3A_603 {strides = array<i32>} : memref<96x64xf32, #tpu.memory_space<vmem>>, vector<1x16xf32>,
          %neg3A = arith.constant 0.000000e+00 : f32
          %neg3A_604 = vector.broadcast %neg3A : f32 to vector<16xf32>
          %neg3A_605 = arith.subf %neg3A_604, %sub3A_598 : vector<16xf32>
          %swap3A_606 = arith.index_cast %add3A_584 : i32 to index
          %swap3A_607 = arith.constant 0 : index
          %swap3A_608 = tpu.vector_load %arg30[%swap3A_606, %swap3A_607] {strides = array<i32>} : memref<96x64xf32, #tpu.memory_space<vmem>>, vector<1x16xf32>,
          %swap3A_609 = vector.shape_cast %swap3A_608 : vector<1x16xf32> to vector<16xf32>
          %swap3A_610 = vector.shape_cast %neg3A_605 : vector<16xf32> to vector<1x16xf32>
          tpu.vector_store %arg30[%swap3A_606, %swap3A_607], %swap3A_610 {strides = array<i32>} : memref<96x64xf32, #tpu.memory_space<vmem>>, vector<1x16xf32>,
          %get3A_611 = arith.index_cast %add3A_584 : i32 to index
          %get3A_612 = arith.constant 16 : index
          %get3A_613 = tpu.vector_load %arg24[%get3A_611, %get3A_612] {strides = array<i32>} : memref<96x64xf32, #tpu.memory_space<vmem>>, vector<1x16xf32>,
          %get3A_614 = vector.shape_cast %get3A_613 : vector<1x16xf32> to vector<16xf32>
          %get3A_615 = arith.index_cast %add3A_584 : i32 to index
          %get3A_616 = arith.constant 16 : index
          %get3A_617 = tpu.vector_load %arg26[%get3A_615, %get3A_616] {strides = array<i32>} : memref<96x64xf32, #tpu.memory_space<vmem>>, vector<1x16xf32>,
          %get3A_618 = vector.shape_cast %get3A_617 : vector<1x16xf32> to vector<16xf32>
          %add3A_619 = arith.addf %get3A_614, %get3A_618 : vector<16xf32>
          %get3A_620 = arith.index_cast %add3A_584 : i32 to index
          %get3A_621 = arith.constant 16 : index
          %get3A_622 = tpu.vector_load %arg28[%get3A_620, %get3A_621] {strides = array<i32>} : memref<96x64xf32, #tpu.memory_space<vmem>>, vector<1x16xf32>,
          %get3A_623 = vector.shape_cast %get3A_622 : vector<1x16xf32> to vector<16xf32>
          %sub3A_624 = arith.subf %add3A_619, %get3A_623 : vector<16xf32>
          %swap3A_625 = arith.index_cast %add3A_584 : i32 to index
          %swap3A_626 = arith.constant 16 : index
          %swap3A_627 = tpu.vector_load %arg29[%swap3A_625, %swap3A_626] {strides = array<i32>} : memref<96x64xf32, #tpu.memory_space<vmem>>, vector<1x16xf32>,
          %swap3A_628 = vector.shape_cast %swap3A_627 : vector<1x16xf32> to vector<16xf32>
          %swap3A_629 = vector.shape_cast %sub3A_624 : vector<16xf32> to vector<1x16xf32>
          tpu.vector_store %arg29[%swap3A_625, %swap3A_626], %swap3A_629 {strides = array<i32>} : memref<96x64xf32, #tpu.memory_space<vmem>>, vector<1x16xf32>,
          %neg3A_630 = arith.constant 0.000000e+00 : f32
          %neg3A_631 = vector.broadcast %neg3A_630 : f32 to vector<16xf32>
          %neg3A_632 = arith.subf %neg3A_631, %sub3A_624 : vector<16xf32>
          %swap3A_633 = arith.index_cast %add3A_584 : i32 to index
          %swap3A_634 = arith.constant 16 : index
          %swap3A_635 = tpu.vector_load %arg30[%swap3A_633, %swap3A_634] {strides = array<i32>} : memref<96x64xf32, #tpu.memory_space<vmem>>, vector<1x16xf32>,
          %swap3A_636 = vector.shape_cast %swap3A_635 : vector<1x16xf32> to vector<16xf32>
          %swap3A_637 = vector.shape_cast %neg3A_632 : vector<16xf32> to vector<1x16xf32>
          tpu.vector_store %arg30[%swap3A_633, %swap3A_634], %swap3A_637 {strides = array<i32>} : memref<96x64xf32, #tpu.memory_space<vmem>>, vector<1x16xf32>,
          %get3A_638 = arith.index_cast %add3A_584 : i32 to index
          %get3A_639 = arith.constant 32 : index
          %get3A_640 = tpu.vector_load %arg24[%get3A_638, %get3A_639] {strides = array<i32>} : memref<96x64xf32, #tpu.memory_space<vmem>>, vector<1x16xf32>,
          %get3A_641 = vector.shape_cast %get3A_640 : vector<1x16xf32> to vector<16xf32>
          %get3A_642 = arith.index_cast %add3A_584 : i32 to index
          %get3A_643 = arith.constant 32 : index
          %get3A_644 = tpu.vector_load %arg26[%get3A_642, %get3A_643] {strides = array<i32>} : memref<96x64xf32, #tpu.memory_space<vmem>>, vector<1x16xf32>,
          %get3A_645 = vector.shape_cast %get3A_644 : vector<1x16xf32> to vector<16xf32>
          %add3A_646 = arith.addf %get3A_641, %get3A_645 : vector<16xf32>
          %get3A_647 = arith.index_cast %add3A_584 : i32 to index
          %get3A_648 = arith.constant 32 : index
          %get3A_649 = tpu.vector_load %arg28[%get3A_647, %get3A_648] {strides = array<i32>} : memref<96x64xf32, #tpu.memory_space<vmem>>, vector<1x16xf32>,
          %get3A_650 = vector.shape_cast %get3A_649 : vector<1x16xf32> to vector<16xf32>
          %sub3A_651 = arith.subf %add3A_646, %get3A_650 : vector<16xf32>
          %swap3A_652 = arith.index_cast %add3A_584 : i32 to index
          %swap3A_653 = arith.constant 32 : index
          %swap3A_654 = tpu.vector_load %arg29[%swap3A_652, %swap3A_653] {strides = array<i32>} : memref<96x64xf32, #tpu.memory_space<vmem>>, vector<1x16xf32>,
          %swap3A_655 = vector.shape_cast %swap3A_654 : vector<1x16xf32> to vector<16xf32>
          %swap3A_656 = vector.shape_cast %sub3A_651 : vector<16xf32> to vector<1x16xf32>
          tpu.vector_store %arg29[%swap3A_652, %swap3A_653], %swap3A_656 {strides = array<i32>} : memref<96x64xf32, #tpu.memory_space<vmem>>, vector<1x16xf32>,
          %neg3A_657 = arith.constant 0.000000e+00 : f32
          %neg3A_658 = vector.broadcast %neg3A_657 : f32 to vector<16xf32>
          %neg3A_659 = arith.subf %neg3A_658, %sub3A_651 : vector<16xf32>
          %swap3A_660 = arith.index_cast %add3A_584 : i32 to index
          %swap3A_661 = arith.constant 32 : index
          %swap3A_662 = tpu.vector_load %arg30[%swap3A_660, %swap3A_661] {strides = array<i32>} : memref<96x64xf32, #tpu.memory_space<vmem>>, vector<1x16xf32>,
          %swap3A_663 = vector.shape_cast %swap3A_662 : vector<1x16xf32> to vector<16xf32>
          %swap3A_664 = vector.shape_cast %neg3A_659 : vector<16xf32> to vector<1x16xf32>
          tpu.vector_store %arg30[%swap3A_660, %swap3A_661], %swap3A_664 {strides = array<i32>} : memref<96x64xf32, #tpu.memory_space<vmem>>, vector<1x16xf32>,
          %get3A_665 = arith.index_cast %add3A_584 : i32 to index
          %get3A_666 = arith.constant 48 : index
          %get3A_667 = tpu.vector_load %arg24[%get3A_665, %get3A_666] {strides = array<i32>} : memref<96x64xf32, #tpu.memory_space<vmem>>, vector<1x16xf32>,
          %get3A_668 = vector.shape_cast %get3A_667 : vector<1x16xf32> to vector<16xf32>
          %get3A_669 = arith.index_cast %add3A_584 : i32 to index
          %get3A_670 = arith.constant 48 : index
          %get3A_671 = tpu.vector_load %arg26[%get3A_669, %get3A_670] {strides = array<i32>} : memref<96x64xf32, #tpu.memory_space<vmem>>, vector<1x16xf32>,
          %get3A_672 = vector.shape_cast %get3A_671 : vector<1x16xf32> to vector<16xf32>
          %add3A_673 = arith.addf %get3A_668, %get3A_672 : vector<16xf32>
          %get3A_674 = arith.index_cast %add3A_584 : i32 to index
          %get3A_675 = arith.constant 48 : index
          %get3A_676 = tpu.vector_load %arg28[%get3A_674, %get3A_675] {strides = array<i32>} : memref<96x64xf32, #tpu.memory_space<vmem>>, vector<1x16xf32>,
          %get3A_677 = vector.shape_cast %get3A_676 : vector<1x16xf32> to vector<16xf32>
          %sub3A_678 = arith.subf %add3A_673, %get3A_677 : vector<16xf32>
          %swap3A_679 = arith.index_cast %add3A_584 : i32 to index
          %swap3A_680 = arith.constant 48 : index
          %swap3A_681 = tpu.vector_load %arg29[%swap3A_679, %swap3A_680] {strides = array<i32>} : memref<96x64xf32, #tpu.memory_space<vmem>>, vector<1x16xf32>,
          %swap3A_682 = vector.shape_cast %swap3A_681 : vector<1x16xf32> to vector<16xf32>
          %swap3A_683 = vector.shape_cast %sub3A_678 : vector<16xf32> to vector<1x16xf32>
          tpu.vector_store %arg29[%swap3A_679, %swap3A_680], %swap3A_683 {strides = array<i32>} : memref<96x64xf32, #tpu.memory_space<vmem>>, vector<1x16xf32>,
          %neg3A_684 = arith.constant 0.000000e+00 : f32
          %neg3A_685 = vector.broadcast %neg3A_684 : f32 to vector<16xf32>
          %neg3A_686 = arith.subf %neg3A_685, %sub3A_678 : vector<16xf32>
          %swap3A_687 = arith.index_cast %add3A_584 : i32 to index
          %swap3A_688 = arith.constant 48 : index
          %swap3A_689 = tpu.vector_load %arg30[%swap3A_687, %swap3A_688] {strides = array<i32>} : memref<96x64xf32, #tpu.memory_space<vmem>>, vector<1x16xf32>,
          %swap3A_690 = vector.shape_cast %swap3A_689 : vector<1x16xf32> to vector<16xf32>
          %swap3A_691 = vector.shape_cast %neg3A_686 : vector<16xf32> to vector<1x16xf32>
          tpu.vector_store %arg30[%swap3A_687, %swap3A_688], %swap3A_691 {strides = array<i32>} : memref<96x64xf32, #tpu.memory_space<vmem>>, vector<1x16xf32>,
        }
        %scan3A_570 = arith.constant 96 : i32
        %dma_start3A_571 = arith.constant 0 : i32
        %dma_start3A_572 = arith.constant 0 : i32
        %dma_start3A_573 = tpu.memref_slice %arg9[%dma_start3A_571, %dma_start3A_572] : memref<10008x64xf32, #tpu.memory_space<vmem_shared>> -> memref<10008x64xf32, #tpu.memory_space<vmem_shared>>
        tpu.enqueue_indirect_dma source(%arg30 : memref<96x64xf32, #tpu.memory_space<vmem>>) target(%dma_start3A_573 : memref<10008x64xf32, #tpu.memory_space<vmem_shared>>) offsets(%arg12 : memref<96xi32, #tpu.memory_space<vmem>>) semaphore(%arg36 : memref<!tpu.dma_semaphore, #tpu.memory_space<semaphore_mem>>) {add = true}
        %dma_start3A_574 = arith.constant 0 : i32
        %dma_start3A_575 = arith.constant 0 : i32
        %dma_start3A_576 = tpu.memref_slice %arg9[%dma_start3A_574, %dma_start3A_575] : memref<10008x64xf32, #tpu.memory_space<vmem_shared>> -> memref<10008x64xf32, #tpu.memory_space<vmem_shared>>
        tpu.enqueue_indirect_dma source(%arg29 : memref<96x64xf32, #tpu.memory_space<vmem>>) target(%dma_start3A_576 : memref<10008x64xf32, #tpu.memory_space<vmem_shared>>) offsets(%arg18 : memref<96xi32, #tpu.memory_space<vmem>>) semaphore(%arg36 : memref<!tpu.dma_semaphore, #tpu.memory_space<semaphore_mem>>) {add = true}
        %dma_start3A_577 = arith.constant 0 : i32
        %dma_start3A_578 = arith.constant 0 : i32
        %dma_start3A_579 = tpu.memref_slice %arg10[%dma_start3A_577, %dma_start3A_578] : memref<10008x64xf32, #tpu.memory_space<vmem_shared>> -> memref<10008x64xf32, #tpu.memory_space<vmem_shared>>
        tpu.enqueue_indirect_dma source(%arg30 : memref<96x64xf32, #tpu.memory_space<vmem>>) target(%dma_start3A_579 : memref<10008x64xf32, #tpu.memory_space<vmem_shared>>) offsets(%arg15 : memref<96xi32, #tpu.memory_space<vmem>>) semaphore(%arg36 : memref<!tpu.dma_semaphore, #tpu.memory_space<semaphore_mem>>) {add = true}
      } else {
      }
      %mul3A_414 = arith.constant 6 : i32
      %mul3A_415 = arith.muli %add3A_343, %mul3A_414 : i32
      %add3A_416 = arith.constant 2 : i32
      %add3A_417 = arith.addi %mul3A_415, %add3A_416 : i32
      %lt3A_418 = arith.constant 105 : i32
      %lt3A_419 = arith.cmpi slt, %add3A_417, %lt3A_418 : i32
      %convert_element_type3A_420 = arith.extui %lt3A_419 : i1 to i32
      %cond3A_421 = arith.constant 0 : i32
      %cond3A_422 = arith.cmpi ne, %convert_element_type3A_420, %cond3A_421 : i32
      scf.if %cond3A_422 {
        %dma_wait3A = arith.constant 0 : i32
        %dma_wait3A_566 = arith.constant 0 : i32
        %dma_wait3A_567 = tpu.memref_slice %arg2[%dma_wait3A, %dma_wait3A_566] : memref<20016x64xf32, #tpu.memory_space<hbm>> -> memref<96x64xf32, #tpu.memory_space<hbm>>
        %dma_wait3A_568 = arith.constant 0 : i32
        %dma_wait3A_569 = arith.constant 0 : i32
        %dma_wait3A_570 = tpu.memref_slice %arg2[%dma_wait3A_568, %dma_wait3A_569] : memref<20016x64xf32, #tpu.memory_space<hbm>> -> memref<96x64xf32, #tpu.memory_space<hbm>>
        tpu.wait_dma2 semaphore(%arg31 : memref<!tpu.dma_semaphore, #tpu.memory_space<semaphore_mem>>) src(%dma_wait3A_570 : memref<96x64xf32, #tpu.memory_space<hbm>>) dst(%arg23 : memref<96x64xf32, #tpu.memory_space<vmem>>)
        %dma_wait3A_571 = arith.constant 0 : i32
        %dma_wait3A_572 = arith.constant 0 : i32
        %dma_wait3A_573 = tpu.memref_slice %arg2[%dma_wait3A_571, %dma_wait3A_572] : memref<20016x64xf32, #tpu.memory_space<hbm>> -> memref<96x64xf32, #tpu.memory_space<hbm>>
        %dma_wait3A_574 = arith.constant 0 : i32
        %dma_wait3A_575 = arith.constant 0 : i32
        %dma_wait3A_576 = tpu.memref_slice %arg2[%dma_wait3A_574, %dma_wait3A_575] : memref<20016x64xf32, #tpu.memory_space<hbm>> -> memref<96x64xf32, #tpu.memory_space<hbm>>
        tpu.wait_dma2 semaphore(%arg31 : memref<!tpu.dma_semaphore, #tpu.memory_space<semaphore_mem>>) src(%dma_wait3A_576 : memref<96x64xf32, #tpu.memory_space<hbm>>) dst(%arg25 : memref<96x64xf32, #tpu.memory_space<vmem>>)
        %dma_wait3A_577 = arith.constant 0 : i32
        %dma_wait3A_578 = arith.constant 0 : i32
        %dma_wait3A_579 = tpu.memref_slice %arg2[%dma_wait3A_577, %dma_wait3A_578] : memref<20016x64xf32, #tpu.memory_space<hbm>> -> memref<96x64xf32, #tpu.memory_space<hbm>>
        %dma_wait3A_580 = arith.constant 0 : i32
        %dma_wait3A_581 = arith.constant 0 : i32
        %dma_wait3A_582 = tpu.memref_slice %arg2[%dma_wait3A_580, %dma_wait3A_581] : memref<20016x64xf32, #tpu.memory_space<hbm>> -> memref<96x64xf32, #tpu.memory_space<hbm>>
        tpu.wait_dma2 semaphore(%arg31 : memref<!tpu.dma_semaphore, #tpu.memory_space<semaphore_mem>>) src(%dma_wait3A_582 : memref<96x64xf32, #tpu.memory_space<hbm>>) dst(%arg27 : memref<96x64xf32, #tpu.memory_space<vmem>>)
      } else {
      }
      %add3A_423 = arith.constant 1 : i32
      %add3A_424 = arith.addi %add3A_417, %add3A_423 : i32
      %lt3A_425 = arith.constant 105 : i32
      %lt3A_426 = arith.cmpi slt, %add3A_424, %lt3A_425 : i32
      %convert_element_type3A_427 = arith.extui %lt3A_426 : i1 to i32
      %cond3A_428 = arith.constant 0 : i32
      %cond3A_429 = arith.cmpi ne, %convert_element_type3A_427, %cond3A_428 : i32
      scf.if %cond3A_429 {
        %dma_wait3A = arith.constant 0 : i32
        %dma_wait3A_566 = tpu.memref_slice %arg4[%dma_wait3A] : memref<161280xi32, #tpu.memory_space<hbm>> -> memref<96xi32, #tpu.memory_space<hbm>>
        %dma_wait3A_567 = arith.constant 0 : i32
        %dma_wait3A_568 = tpu.memref_slice %arg4[%dma_wait3A_567] : memref<161280xi32, #tpu.memory_space<hbm>> -> memref<96xi32, #tpu.memory_space<hbm>>
        tpu.wait_dma2 semaphore(%arg33 : memref<!tpu.dma_semaphore, #tpu.memory_space<semaphore_mem>>) src(%dma_wait3A_568 : memref<96xi32, #tpu.memory_space<hbm>>) dst(%arg11 : memref<96xi32, #tpu.memory_space<vmem>>)
        %dma_wait3A_569 = arith.constant 0 : i32
        %dma_wait3A_570 = tpu.memref_slice %arg4[%dma_wait3A_569] : memref<161280xi32, #tpu.memory_space<hbm>> -> memref<96xi32, #tpu.memory_space<hbm>>
        %dma_wait3A_571 = arith.constant 0 : i32
        %dma_wait3A_572 = tpu.memref_slice %arg4[%dma_wait3A_571] : memref<161280xi32, #tpu.memory_space<hbm>> -> memref<96xi32, #tpu.memory_space<hbm>>
        tpu.wait_dma2 semaphore(%arg33 : memref<!tpu.dma_semaphore, #tpu.memory_space<semaphore_mem>>) src(%dma_wait3A_572 : memref<96xi32, #tpu.memory_space<hbm>>) dst(%arg14 : memref<96xi32, #tpu.memory_space<vmem>>)
        %dma_wait3A_573 = arith.constant 0 : i32
        %dma_wait3A_574 = tpu.memref_slice %arg4[%dma_wait3A_573] : memref<161280xi32, #tpu.memory_space<hbm>> -> memref<96xi32, #tpu.memory_space<hbm>>
        %dma_wait3A_575 = arith.constant 0 : i32
        %dma_wait3A_576 = tpu.memref_slice %arg4[%dma_wait3A_575] : memref<161280xi32, #tpu.memory_space<hbm>> -> memref<96xi32, #tpu.memory_space<hbm>>
        tpu.wait_dma2 semaphore(%arg33 : memref<!tpu.dma_semaphore, #tpu.memory_space<semaphore_mem>>) src(%dma_wait3A_576 : memref<96xi32, #tpu.memory_space<hbm>>) dst(%arg17 : memref<96xi32, #tpu.memory_space<vmem>>)
        %get3A_577 = arith.constant 0 : index
        %get3A_578 = tpu.vector_load %arg11[%get3A_577] {strides = array<i32>} : memref<96xi32, #tpu.memory_space<vmem>>, vector<16xi32>,
        %get3A_579 = vector.shape_cast %get3A_578 : vector<16xi32> to vector<16xi32>
        %add3A_580 = vector.broadcast %mul3A_0 : i32 to vector<16xi32>
        %add3A_581 = arith.addi %get3A_579, %add3A_580 : vector<16xi32>
        %swap3A_582 = arith.constant 0 : index
        %swap3A_583 = tpu.vector_load %arg20[%swap3A_582] {strides = array<i32>} : memref<96xi32, #tpu.memory_space<vmem>>, vector<16xi32>,
        %swap3A_584 = vector.shape_cast %swap3A_583 : vector<16xi32> to vector<16xi32>
        %swap3A_585 = vector.shape_cast %add3A_581 : vector<16xi32> to vector<16xi32>
        tpu.vector_store %arg20[%swap3A_582], %swap3A_585 {strides = array<i32>} : memref<96xi32, #tpu.memory_space<vmem>>, vector<16xi32>,
        %get3A_586 = arith.constant 0 : index
        %get3A_587 = tpu.vector_load %arg14[%get3A_586] {strides = array<i32>} : memref<96xi32, #tpu.memory_space<vmem>>, vector<16xi32>,
        %get3A_588 = vector.shape_cast %get3A_587 : vector<16xi32> to vector<16xi32>
        %add3A_589 = vector.broadcast %mul3A_0 : i32 to vector<16xi32>
        %add3A_590 = arith.addi %get3A_588, %add3A_589 : vector<16xi32>
        %swap3A_591 = arith.constant 0 : index
        %swap3A_592 = tpu.vector_load %arg21[%swap3A_591] {strides = array<i32>} : memref<96xi32, #tpu.memory_space<vmem>>, vector<16xi32>,
        %swap3A_593 = vector.shape_cast %swap3A_592 : vector<16xi32> to vector<16xi32>
        %swap3A_594 = vector.shape_cast %add3A_590 : vector<16xi32> to vector<16xi32>
        tpu.vector_store %arg21[%swap3A_591], %swap3A_594 {strides = array<i32>} : memref<96xi32, #tpu.memory_space<vmem>>, vector<16xi32>,
        %get3A_595 = arith.constant 0 : index
        %get3A_596 = tpu.vector_load %arg17[%get3A_595] {strides = array<i32>} : memref<96xi32, #tpu.memory_space<vmem>>, vector<16xi32>,
        %get3A_597 = vector.shape_cast %get3A_596 : vector<16xi32> to vector<16xi32>
        %add3A_598 = vector.broadcast %mul3A_0 : i32 to vector<16xi32>
        %add3A_599 = arith.addi %get3A_597, %add3A_598 : vector<16xi32>
        %swap3A_600 = arith.constant 0 : index
        %swap3A_601 = tpu.vector_load %arg22[%swap3A_600] {strides = array<i32>} : memref<96xi32, #tpu.memory_space<vmem>>, vector<16xi32>,
        %swap3A_602 = vector.shape_cast %swap3A_601 : vector<16xi32> to vector<16xi32>
        %swap3A_603 = vector.shape_cast %add3A_599 : vector<16xi32> to vector<16xi32>
        tpu.vector_store %arg22[%swap3A_600], %swap3A_603 {strides = array<i32>} : memref<96xi32, #tpu.memory_space<vmem>>, vector<16xi32>,
        %get3A_604 = arith.constant 16 : index
        %get3A_605 = tpu.vector_load %arg11[%get3A_604] {strides = array<i32>} : memref<96xi32, #tpu.memory_space<vmem>>, vector<16xi32>,
        %get3A_606 = vector.shape_cast %get3A_605 : vector<16xi32> to vector<16xi32>
        %add3A_607 = vector.broadcast %mul3A_0 : i32 to vector<16xi32>
        %add3A_608 = arith.addi %get3A_606, %add3A_607 : vector<16xi32>
        %swap3A_609 = arith.constant 16 : index
        %swap3A_610 = tpu.vector_load %arg20[%swap3A_609] {strides = array<i32>} : memref<96xi32, #tpu.memory_space<vmem>>, vector<16xi32>,
        %swap3A_611 = vector.shape_cast %swap3A_610 : vector<16xi32> to vector<16xi32>
        %swap3A_612 = vector.shape_cast %add3A_608 : vector<16xi32> to vector<16xi32>
        tpu.vector_store %arg20[%swap3A_609], %swap3A_612 {strides = array<i32>} : memref<96xi32, #tpu.memory_space<vmem>>, vector<16xi32>,
        %get3A_613 = arith.constant 16 : index
        %get3A_614 = tpu.vector_load %arg14[%get3A_613] {strides = array<i32>} : memref<96xi32, #tpu.memory_space<vmem>>, vector<16xi32>,
        %get3A_615 = vector.shape_cast %get3A_614 : vector<16xi32> to vector<16xi32>
        %add3A_616 = vector.broadcast %mul3A_0 : i32 to vector<16xi32>
        %add3A_617 = arith.addi %get3A_615, %add3A_616 : vector<16xi32>
        %swap3A_618 = arith.constant 16 : index
        %swap3A_619 = tpu.vector_load %arg21[%swap3A_618] {strides = array<i32>} : memref<96xi32, #tpu.memory_space<vmem>>, vector<16xi32>,
        %swap3A_620 = vector.shape_cast %swap3A_619 : vector<16xi32> to vector<16xi32>
        %swap3A_621 = vector.shape_cast %add3A_617 : vector<16xi32> to vector<16xi32>
        tpu.vector_store %arg21[%swap3A_618], %swap3A_621 {strides = array<i32>} : memref<96xi32, #tpu.memory_space<vmem>>, vector<16xi32>,
        %get3A_622 = arith.constant 16 : index
        %get3A_623 = tpu.vector_load %arg17[%get3A_622] {strides = array<i32>} : memref<96xi32, #tpu.memory_space<vmem>>, vector<16xi32>,
        %get3A_624 = vector.shape_cast %get3A_623 : vector<16xi32> to vector<16xi32>
        %add3A_625 = vector.broadcast %mul3A_0 : i32 to vector<16xi32>
        %add3A_626 = arith.addi %get3A_624, %add3A_625 : vector<16xi32>
        %swap3A_627 = arith.constant 16 : index
        %swap3A_628 = tpu.vector_load %arg22[%swap3A_627] {strides = array<i32>} : memref<96xi32, #tpu.memory_space<vmem>>, vector<16xi32>,
        %swap3A_629 = vector.shape_cast %swap3A_628 : vector<16xi32> to vector<16xi32>
        %swap3A_630 = vector.shape_cast %add3A_626 : vector<16xi32> to vector<16xi32>
        tpu.vector_store %arg22[%swap3A_627], %swap3A_630 {strides = array<i32>} : memref<96xi32, #tpu.memory_space<vmem>>, vector<16xi32>,
        %get3A_631 = arith.constant 32 : index
        %get3A_632 = tpu.vector_load %arg11[%get3A_631] {strides = array<i32>} : memref<96xi32, #tpu.memory_space<vmem>>, vector<16xi32>,
        %get3A_633 = vector.shape_cast %get3A_632 : vector<16xi32> to vector<16xi32>
        %add3A_634 = vector.broadcast %mul3A_0 : i32 to vector<16xi32>
        %add3A_635 = arith.addi %get3A_633, %add3A_634 : vector<16xi32>
        %swap3A_636 = arith.constant 32 : index
        %swap3A_637 = tpu.vector_load %arg20[%swap3A_636] {strides = array<i32>} : memref<96xi32, #tpu.memory_space<vmem>>, vector<16xi32>,
        %swap3A_638 = vector.shape_cast %swap3A_637 : vector<16xi32> to vector<16xi32>
        %swap3A_639 = vector.shape_cast %add3A_635 : vector<16xi32> to vector<16xi32>
        tpu.vector_store %arg20[%swap3A_636], %swap3A_639 {strides = array<i32>} : memref<96xi32, #tpu.memory_space<vmem>>, vector<16xi32>,
        %get3A_640 = arith.constant 32 : index
        %get3A_641 = tpu.vector_load %arg14[%get3A_640] {strides = array<i32>} : memref<96xi32, #tpu.memory_space<vmem>>, vector<16xi32>,
        %get3A_642 = vector.shape_cast %get3A_641 : vector<16xi32> to vector<16xi32>
        %add3A_643 = vector.broadcast %mul3A_0 : i32 to vector<16xi32>
        %add3A_644 = arith.addi %get3A_642, %add3A_643 : vector<16xi32>
        %swap3A_645 = arith.constant 32 : index
        %swap3A_646 = tpu.vector_load %arg21[%swap3A_645] {strides = array<i32>} : memref<96xi32, #tpu.memory_space<vmem>>, vector<16xi32>,
        %swap3A_647 = vector.shape_cast %swap3A_646 : vector<16xi32> to vector<16xi32>
        %swap3A_648 = vector.shape_cast %add3A_644 : vector<16xi32> to vector<16xi32>
        tpu.vector_store %arg21[%swap3A_645], %swap3A_648 {strides = array<i32>} : memref<96xi32, #tpu.memory_space<vmem>>, vector<16xi32>,
        %get3A_649 = arith.constant 32 : index
        %get3A_650 = tpu.vector_load %arg17[%get3A_649] {strides = array<i32>} : memref<96xi32, #tpu.memory_space<vmem>>, vector<16xi32>,
        %get3A_651 = vector.shape_cast %get3A_650 : vector<16xi32> to vector<16xi32>
        %add3A_652 = vector.broadcast %mul3A_0 : i32 to vector<16xi32>
        %add3A_653 = arith.addi %get3A_651, %add3A_652 : vector<16xi32>
        %swap3A_654 = arith.constant 32 : index
        %swap3A_655 = tpu.vector_load %arg22[%swap3A_654] {strides = array<i32>} : memref<96xi32, #tpu.memory_space<vmem>>, vector<16xi32>,
        %swap3A_656 = vector.shape_cast %swap3A_655 : vector<16xi32> to vector<16xi32>
        %swap3A_657 = vector.shape_cast %add3A_653 : vector<16xi32> to vector<16xi32>
        tpu.vector_store %arg22[%swap3A_654], %swap3A_657 {strides = array<i32>} : memref<96xi32, #tpu.memory_space<vmem>>, vector<16xi32>,
        %get3A_658 = arith.constant 48 : index
        %get3A_659 = tpu.vector_load %arg11[%get3A_658] {strides = array<i32>} : memref<96xi32, #tpu.memory_space<vmem>>, vector<16xi32>,
        %get3A_660 = vector.shape_cast %get3A_659 : vector<16xi32> to vector<16xi32>
        %add3A_661 = vector.broadcast %mul3A_0 : i32 to vector<16xi32>
        %add3A_662 = arith.addi %get3A_660, %add3A_661 : vector<16xi32>
        %swap3A_663 = arith.constant 48 : index
        %swap3A_664 = tpu.vector_load %arg20[%swap3A_663] {strides = array<i32>} : memref<96xi32, #tpu.memory_space<vmem>>, vector<16xi32>,
        %swap3A_665 = vector.shape_cast %swap3A_664 : vector<16xi32> to vector<16xi32>
        %swap3A_666 = vector.shape_cast %add3A_662 : vector<16xi32> to vector<16xi32>
        tpu.vector_store %arg20[%swap3A_663], %swap3A_666 {strides = array<i32>} : memref<96xi32, #tpu.memory_space<vmem>>, vector<16xi32>,
        %get3A_667 = arith.constant 48 : index
        %get3A_668 = tpu.vector_load %arg14[%get3A_667] {strides = array<i32>} : memref<96xi32, #tpu.memory_space<vmem>>, vector<16xi32>,
        %get3A_669 = vector.shape_cast %get3A_668 : vector<16xi32> to vector<16xi32>
        %add3A_670 = vector.broadcast %mul3A_0 : i32 to vector<16xi32>
        %add3A_671 = arith.addi %get3A_669, %add3A_670 : vector<16xi32>
        %swap3A_672 = arith.constant 48 : index
        %swap3A_673 = tpu.vector_load %arg21[%swap3A_672] {strides = array<i32>} : memref<96xi32, #tpu.memory_space<vmem>>, vector<16xi32>,
        %swap3A_674 = vector.shape_cast %swap3A_673 : vector<16xi32> to vector<16xi32>
        %swap3A_675 = vector.shape_cast %add3A_671 : vector<16xi32> to vector<16xi32>
        tpu.vector_store %arg21[%swap3A_672], %swap3A_675 {strides = array<i32>} : memref<96xi32, #tpu.memory_space<vmem>>, vector<16xi32>,
        %get3A_676 = arith.constant 48 : index
        %get3A_677 = tpu.vector_load %arg17[%get3A_676] {strides = array<i32>} : memref<96xi32, #tpu.memory_space<vmem>>, vector<16xi32>,
        %get3A_678 = vector.shape_cast %get3A_677 : vector<16xi32> to vector<16xi32>
        %add3A_679 = vector.broadcast %mul3A_0 : i32 to vector<16xi32>
        %add3A_680 = arith.addi %get3A_678, %add3A_679 : vector<16xi32>
        %swap3A_681 = arith.constant 48 : index
        %swap3A_682 = tpu.vector_load %arg22[%swap3A_681] {strides = array<i32>} : memref<96xi32, #tpu.memory_space<vmem>>, vector<16xi32>,
        %swap3A_683 = vector.shape_cast %swap3A_682 : vector<16xi32> to vector<16xi32>
        %swap3A_684 = vector.shape_cast %add3A_680 : vector<16xi32> to vector<16xi32>
        tpu.vector_store %arg22[%swap3A_681], %swap3A_684 {strides = array<i32>} : memref<96xi32, #tpu.memory_space<vmem>>, vector<16xi32>,
        %get3A_685 = arith.constant 64 : index
        %get3A_686 = tpu.vector_load %arg11[%get3A_685] {strides = array<i32>} : memref<96xi32, #tpu.memory_space<vmem>>, vector<16xi32>,
        %get3A_687 = vector.shape_cast %get3A_686 : vector<16xi32> to vector<16xi32>
        %add3A_688 = vector.broadcast %mul3A_0 : i32 to vector<16xi32>
        %add3A_689 = arith.addi %get3A_687, %add3A_688 : vector<16xi32>
        %swap3A_690 = arith.constant 64 : index
        %swap3A_691 = tpu.vector_load %arg20[%swap3A_690] {strides = array<i32>} : memref<96xi32, #tpu.memory_space<vmem>>, vector<16xi32>,
        %swap3A_692 = vector.shape_cast %swap3A_691 : vector<16xi32> to vector<16xi32>
        %swap3A_693 = vector.shape_cast %add3A_689 : vector<16xi32> to vector<16xi32>
        tpu.vector_store %arg20[%swap3A_690], %swap3A_693 {strides = array<i32>} : memref<96xi32, #tpu.memory_space<vmem>>, vector<16xi32>,
        %get3A_694 = arith.constant 64 : index
        %get3A_695 = tpu.vector_load %arg14[%get3A_694] {strides = array<i32>} : memref<96xi32, #tpu.memory_space<vmem>>, vector<16xi32>,
        %get3A_696 = vector.shape_cast %get3A_695 : vector<16xi32> to vector<16xi32>
        %add3A_697 = vector.broadcast %mul3A_0 : i32 to vector<16xi32>
        %add3A_698 = arith.addi %get3A_696, %add3A_697 : vector<16xi32>
        %swap3A_699 = arith.constant 64 : index
        %swap3A_700 = tpu.vector_load %arg21[%swap3A_699] {strides = array<i32>} : memref<96xi32, #tpu.memory_space<vmem>>, vector<16xi32>,
        %swap3A_701 = vector.shape_cast %swap3A_700 : vector<16xi32> to vector<16xi32>
        %swap3A_702 = vector.shape_cast %add3A_698 : vector<16xi32> to vector<16xi32>
        tpu.vector_store %arg21[%swap3A_699], %swap3A_702 {strides = array<i32>} : memref<96xi32, #tpu.memory_space<vmem>>, vector<16xi32>,
        %get3A_703 = arith.constant 64 : index
        %get3A_704 = tpu.vector_load %arg17[%get3A_703] {strides = array<i32>} : memref<96xi32, #tpu.memory_space<vmem>>, vector<16xi32>,
        %get3A_705 = vector.shape_cast %get3A_704 : vector<16xi32> to vector<16xi32>
        %add3A_706 = vector.broadcast %mul3A_0 : i32 to vector<16xi32>
        %add3A_707 = arith.addi %get3A_705, %add3A_706 : vector<16xi32>
        %swap3A_708 = arith.constant 64 : index
        %swap3A_709 = tpu.vector_load %arg22[%swap3A_708] {strides = array<i32>} : memref<96xi32, #tpu.memory_space<vmem>>, vector<16xi32>,
        %swap3A_710 = vector.shape_cast %swap3A_709 : vector<16xi32> to vector<16xi32>
        %swap3A_711 = vector.shape_cast %add3A_707 : vector<16xi32> to vector<16xi32>
        tpu.vector_store %arg22[%swap3A_708], %swap3A_711 {strides = array<i32>} : memref<96xi32, #tpu.memory_space<vmem>>, vector<16xi32>,
        %get3A_712 = arith.constant 80 : index
        %get3A_713 = tpu.vector_load %arg11[%get3A_712] {strides = array<i32>} : memref<96xi32, #tpu.memory_space<vmem>>, vector<16xi32>,
        %get3A_714 = vector.shape_cast %get3A_713 : vector<16xi32> to vector<16xi32>
        %add3A_715 = vector.broadcast %mul3A_0 : i32 to vector<16xi32>
        %add3A_716 = arith.addi %get3A_714, %add3A_715 : vector<16xi32>
        %swap3A_717 = arith.constant 80 : index
        %swap3A_718 = tpu.vector_load %arg20[%swap3A_717] {strides = array<i32>} : memref<96xi32, #tpu.memory_space<vmem>>, vector<16xi32>,
        %swap3A_719 = vector.shape_cast %swap3A_718 : vector<16xi32> to vector<16xi32>
        %swap3A_720 = vector.shape_cast %add3A_716 : vector<16xi32> to vector<16xi32>
        tpu.vector_store %arg20[%swap3A_717], %swap3A_720 {strides = array<i32>} : memref<96xi32, #tpu.memory_space<vmem>>, vector<16xi32>,
        %get3A_721 = arith.constant 80 : index
        %get3A_722 = tpu.vector_load %arg14[%get3A_721] {strides = array<i32>} : memref<96xi32, #tpu.memory_space<vmem>>, vector<16xi32>,
        %get3A_723 = vector.shape_cast %get3A_722 : vector<16xi32> to vector<16xi32>
        %add3A_724 = vector.broadcast %mul3A_0 : i32 to vector<16xi32>
        %add3A_725 = arith.addi %get3A_723, %add3A_724 : vector<16xi32>
        %swap3A_726 = arith.constant 80 : index
        %swap3A_727 = tpu.vector_load %arg21[%swap3A_726] {strides = array<i32>} : memref<96xi32, #tpu.memory_space<vmem>>, vector<16xi32>,
        %swap3A_728 = vector.shape_cast %swap3A_727 : vector<16xi32> to vector<16xi32>
        %swap3A_729 = vector.shape_cast %add3A_725 : vector<16xi32> to vector<16xi32>
        tpu.vector_store %arg21[%swap3A_726], %swap3A_729 {strides = array<i32>} : memref<96xi32, #tpu.memory_space<vmem>>, vector<16xi32>,
        %get3A_730 = arith.constant 80 : index
        %get3A_731 = tpu.vector_load %arg17[%get3A_730] {strides = array<i32>} : memref<96xi32, #tpu.memory_space<vmem>>, vector<16xi32>,
        %get3A_732 = vector.shape_cast %get3A_731 : vector<16xi32> to vector<16xi32>
        %add3A_733 = vector.broadcast %mul3A_0 : i32 to vector<16xi32>
        %add3A_734 = arith.addi %get3A_732, %add3A_733 : vector<16xi32>
        %swap3A_735 = arith.constant 80 : index
        %swap3A_736 = tpu.vector_load %arg22[%swap3A_735] {strides = array<i32>} : memref<96xi32, #tpu.memory_space<vmem>>, vector<16xi32>,
        %swap3A_737 = vector.shape_cast %swap3A_736 : vector<16xi32> to vector<16xi32>
        %swap3A_738 = vector.shape_cast %add3A_734 : vector<16xi32> to vector<16xi32>
        tpu.vector_store %arg22[%swap3A_735], %swap3A_738 {strides = array<i32>} : memref<96xi32, #tpu.memory_space<vmem>>, vector<16xi32>,
        %dma_start3A_739 = arith.constant 0 : i32
        %dma_start3A_740 = arith.constant 0 : i32
        %dma_start3A_741 = tpu.memref_slice %arg2[%dma_start3A_739, %dma_start3A_740] : memref<20016x64xf32, #tpu.memory_space<hbm>> -> memref<20016x64xf32, #tpu.memory_space<hbm>>
        tpu.enqueue_indirect_dma source(%dma_start3A_741 : memref<20016x64xf32, #tpu.memory_space<hbm>>) target(%arg24 : memref<96x64xf32, #tpu.memory_space<vmem>>) offsets(%arg20 : memref<96xi32, #tpu.memory_space<vmem>>) semaphore(%arg32 : memref<!tpu.dma_semaphore, #tpu.memory_space<semaphore_mem>>)
        %dma_start3A_742 = arith.constant 0 : i32
        %dma_start3A_743 = arith.constant 0 : i32
        %dma_start3A_744 = tpu.memref_slice %arg3[%dma_start3A_742, %dma_start3A_743] : memref<20016x64xf32, #tpu.memory_space<hbm>> -> memref<20016x64xf32, #tpu.memory_space<hbm>>
        tpu.enqueue_indirect_dma source(%dma_start3A_744 : memref<20016x64xf32, #tpu.memory_space<hbm>>) target(%arg26 : memref<96x64xf32, #tpu.memory_space<vmem>>) offsets(%arg21 : memref<96xi32, #tpu.memory_space<vmem>>) semaphore(%arg32 : memref<!tpu.dma_semaphore, #tpu.memory_space<semaphore_mem>>)
        %dma_start3A_745 = arith.constant 0 : i32
        %dma_start3A_746 = arith.constant 0 : i32
        %dma_start3A_747 = tpu.memref_slice %arg2[%dma_start3A_745, %dma_start3A_746] : memref<20016x64xf32, #tpu.memory_space<hbm>> -> memref<20016x64xf32, #tpu.memory_space<hbm>>
        tpu.enqueue_indirect_dma source(%dma_start3A_747 : memref<20016x64xf32, #tpu.memory_space<hbm>>) target(%arg28 : memref<96x64xf32, #tpu.memory_space<vmem>>) offsets(%arg22 : memref<96xi32, #tpu.memory_space<vmem>>) semaphore(%arg32 : memref<!tpu.dma_semaphore, #tpu.memory_space<semaphore_mem>>)
      } else {
      }
      %ge3A_430 = arith.constant 1 : i32
      %ge3A_431 = arith.cmpi sge, %add3A_417, %ge3A_430 : i32
      %sub3A_432 = arith.constant 1 : i32
      %sub3A_433 = arith.subi %add3A_417, %sub3A_432 : i32
      %lt3A_434 = arith.constant 105 : i32
      %lt3A_435 = arith.cmpi slt, %sub3A_433, %lt3A_434 : i32
      %and3A_436 = arith.andi %ge3A_431, %lt3A_435 : i1
      %convert_element_type3A_437 = arith.extui %and3A_436 : i1 to i32
      %cond3A_438 = arith.constant 0 : i32
      %cond3A_439 = arith.cmpi ne, %convert_element_type3A_437, %cond3A_438 : i32
      scf.if %cond3A_439 {
        %dma_wait3A = arith.constant 0 : i32
        %dma_wait3A_566 = arith.constant 0 : i32
        %dma_wait3A_567 = tpu.memref_slice %arg2[%dma_wait3A, %dma_wait3A_566] : memref<20016x64xf32, #tpu.memory_space<hbm>> -> memref<96x64xf32, #tpu.memory_space<hbm>>
        %dma_wait3A_568 = arith.constant 0 : i32
        %dma_wait3A_569 = arith.constant 0 : i32
        %dma_wait3A_570 = tpu.memref_slice %arg2[%dma_wait3A_568, %dma_wait3A_569] : memref<20016x64xf32, #tpu.memory_space<hbm>> -> memref<96x64xf32, #tpu.memory_space<hbm>>
        tpu.wait_dma2 semaphore(%arg36 : memref<!tpu.dma_semaphore, #tpu.memory_space<semaphore_mem>>) src(%dma_wait3A_570 : memref<96x64xf32, #tpu.memory_space<hbm>>) dst(%arg29 : memref<96x64xf32, #tpu.memory_space<vmem>>)
        %dma_wait3A_571 = arith.constant 0 : i32
        %dma_wait3A_572 = arith.constant 0 : i32
        %dma_wait3A_573 = tpu.memref_slice %arg2[%dma_wait3A_571, %dma_wait3A_572] : memref<20016x64xf32, #tpu.memory_space<hbm>> -> memref<96x64xf32, #tpu.memory_space<hbm>>
        %dma_wait3A_574 = arith.constant 0 : i32
        %dma_wait3A_575 = arith.constant 0 : i32
        %dma_wait3A_576 = tpu.memref_slice %arg2[%dma_wait3A_574, %dma_wait3A_575] : memref<20016x64xf32, #tpu.memory_space<hbm>> -> memref<96x64xf32, #tpu.memory_space<hbm>>
        tpu.wait_dma2 semaphore(%arg36 : memref<!tpu.dma_semaphore, #tpu.memory_space<semaphore_mem>>) src(%dma_wait3A_576 : memref<96x64xf32, #tpu.memory_space<hbm>>) dst(%arg29 : memref<96x64xf32, #tpu.memory_space<vmem>>)
        %dma_wait3A_577 = arith.constant 0 : i32
        %dma_wait3A_578 = arith.constant 0 : i32
        %dma_wait3A_579 = tpu.memref_slice %arg2[%dma_wait3A_577, %dma_wait3A_578] : memref<20016x64xf32, #tpu.memory_space<hbm>> -> memref<96x64xf32, #tpu.memory_space<hbm>>
        %dma_wait3A_580 = arith.constant 0 : i32
        %dma_wait3A_581 = arith.constant 0 : i32
        %dma_wait3A_582 = tpu.memref_slice %arg2[%dma_wait3A_580, %dma_wait3A_581] : memref<20016x64xf32, #tpu.memory_space<hbm>> -> memref<96x64xf32, #tpu.memory_space<hbm>>
        tpu.wait_dma2 semaphore(%arg36 : memref<!tpu.dma_semaphore, #tpu.memory_space<semaphore_mem>>) src(%dma_wait3A_582 : memref<96x64xf32, #tpu.memory_space<hbm>>) dst(%arg29 : memref<96x64xf32, #tpu.memory_space<vmem>>)
      } else {
      }
      %add3A_440 = arith.constant 2 : i32
      %add3A_441 = arith.addi %add3A_417, %add3A_440 : i32
      %lt3A_442 = arith.constant 105 : i32
      %lt3A_443 = arith.cmpi slt, %add3A_441, %lt3A_442 : i32
      %convert_element_type3A_444 = arith.extui %lt3A_443 : i1 to i32
      %cond3A_445 = arith.constant 0 : i32
      %cond3A_446 = arith.cmpi ne, %convert_element_type3A_444, %cond3A_445 : i32
      scf.if %cond3A_446 {
        %add3A_566 = arith.constant 2 : i32
        %add3A_567 = arith.addi %add3A_417, %add3A_566 : i32
        %mul3A_568 = arith.constant 16 : i32
        %mul3A_569 = arith.muli %add3A_567, %mul3A_568 : i32
        %add3A_570 = arith.addi %mul3A_569, %arg1 : i32
        %mul3A_571 = arith.constant 96 : i32
        %mul3A_572 = arith.muli %add3A_570, %mul3A_571 : i32
        %dma_start3A_573 = tpu.memref_slice %arg4[%mul3A_572] : memref<161280xi32, #tpu.memory_space<hbm>> -> memref<96xi32, #tpu.memory_space<hbm>>
        %dma_start3A_574 = tpu.memref_slice %arg4[%mul3A_572] : memref<161280xi32, #tpu.memory_space<hbm>> -> memref<96xi32, #tpu.memory_space<hbm>>
        tpu.enqueue_dma source(%dma_start3A_574 : memref<96xi32, #tpu.memory_space<hbm>>) target(%arg12 : memref<96xi32, #tpu.memory_space<vmem>>) target_semaphore(%arg34 : memref<!tpu.dma_semaphore, #tpu.memory_space<semaphore_mem>>)
        %dma_start3A_575 = tpu.memref_slice %arg5[%mul3A_572] : memref<161280xi32, #tpu.memory_space<hbm>> -> memref<96xi32, #tpu.memory_space<hbm>>
        %dma_start3A_576 = tpu.memref_slice %arg5[%mul3A_572] : memref<161280xi32, #tpu.memory_space<hbm>> -> memref<96xi32, #tpu.memory_space<hbm>>
        tpu.enqueue_dma source(%dma_start3A_576 : memref<96xi32, #tpu.memory_space<hbm>>) target(%arg15 : memref<96xi32, #tpu.memory_space<vmem>>) target_semaphore(%arg34 : memref<!tpu.dma_semaphore, #tpu.memory_space<semaphore_mem>>)
        %dma_start3A_577 = tpu.memref_slice %arg6[%mul3A_572] : memref<161280xi32, #tpu.memory_space<hbm>> -> memref<96xi32, #tpu.memory_space<hbm>>
        %dma_start3A_578 = tpu.memref_slice %arg6[%mul3A_572] : memref<161280xi32, #tpu.memory_space<hbm>> -> memref<96xi32, #tpu.memory_space<hbm>>
        tpu.enqueue_dma source(%dma_start3A_578 : memref<96xi32, #tpu.memory_space<hbm>>) target(%arg18 : memref<96xi32, #tpu.memory_space<vmem>>) target_semaphore(%arg34 : memref<!tpu.dma_semaphore, #tpu.memory_space<semaphore_mem>>)
      } else {
      }
      %lt3A_447 = arith.constant 105 : i32
      %lt3A_448 = arith.cmpi slt, %add3A_417, %lt3A_447 : i32
      %convert_element_type3A_449 = arith.extui %lt3A_448 : i1 to i32
      %cond3A_450 = arith.constant 0 : i32
      %cond3A_451 = arith.cmpi ne, %convert_element_type3A_449, %cond3A_450 : i32
      scf.if %cond3A_451 {
        %scan3A_566 = arith.constant 0 : i32
        %scan3A_567 = arith.constant 96 : i32
        %scan3A_568 = arith.addi %scan3A_566, %scan3A_567 : i32
        %scan3A_569 = arith.constant 1 : i32
        scf.for %scan3A_580 = %scan3A_566 to %scan3A_568 step %scan3A_569  : i32 {
          %mul3A_581 = arith.constant 1 : i32
          %mul3A_582 = arith.muli %scan3A_580, %mul3A_581 : i32
          %add3A_583 = arith.constant 0 : i32
          %add3A_584 = arith.addi %add3A_583, %mul3A_582 : i32
          %get3A_585 = arith.index_cast %add3A_584 : i32 to index
          %get3A_586 = arith.constant 0 : index
          %get3A_587 = tpu.vector_load %arg23[%get3A_585, %get3A_586] {strides = array<i32>} : memref<96x64xf32, #tpu.memory_space<vmem>>, vector<1x16xf32>,
          %get3A_588 = vector.shape_cast %get3A_587 : vector<1x16xf32> to vector<16xf32>
          %get3A_589 = arith.index_cast %add3A_584 : i32 to index
          %get3A_590 = arith.constant 0 : index
          %get3A_591 = tpu.vector_load %arg25[%get3A_589, %get3A_590] {strides = array<i32>} : memref<96x64xf32, #tpu.memory_space<vmem>>, vector<1x16xf32>,
          %get3A_592 = vector.shape_cast %get3A_591 : vector<1x16xf32> to vector<16xf32>
          %add3A_593 = arith.addf %get3A_588, %get3A_592 : vector<16xf32>
          %get3A_594 = arith.index_cast %add3A_584 : i32 to index
          %get3A_595 = arith.constant 0 : index
          %get3A_596 = tpu.vector_load %arg27[%get3A_594, %get3A_595] {strides = array<i32>} : memref<96x64xf32, #tpu.memory_space<vmem>>, vector<1x16xf32>,
          %get3A_597 = vector.shape_cast %get3A_596 : vector<1x16xf32> to vector<16xf32>
          %sub3A_598 = arith.subf %add3A_593, %get3A_597 : vector<16xf32>
          %swap3A_599 = arith.index_cast %add3A_584 : i32 to index
          %swap3A_600 = arith.constant 0 : index
          %swap3A_601 = tpu.vector_load %arg29[%swap3A_599, %swap3A_600] {strides = array<i32>} : memref<96x64xf32, #tpu.memory_space<vmem>>, vector<1x16xf32>,
          %swap3A_602 = vector.shape_cast %swap3A_601 : vector<1x16xf32> to vector<16xf32>
          %swap3A_603 = vector.shape_cast %sub3A_598 : vector<16xf32> to vector<1x16xf32>
          tpu.vector_store %arg29[%swap3A_599, %swap3A_600], %swap3A_603 {strides = array<i32>} : memref<96x64xf32, #tpu.memory_space<vmem>>, vector<1x16xf32>,
          %neg3A = arith.constant 0.000000e+00 : f32
          %neg3A_604 = vector.broadcast %neg3A : f32 to vector<16xf32>
          %neg3A_605 = arith.subf %neg3A_604, %sub3A_598 : vector<16xf32>
          %swap3A_606 = arith.index_cast %add3A_584 : i32 to index
          %swap3A_607 = arith.constant 0 : index
          %swap3A_608 = tpu.vector_load %arg30[%swap3A_606, %swap3A_607] {strides = array<i32>} : memref<96x64xf32, #tpu.memory_space<vmem>>, vector<1x16xf32>,
          %swap3A_609 = vector.shape_cast %swap3A_608 : vector<1x16xf32> to vector<16xf32>
          %swap3A_610 = vector.shape_cast %neg3A_605 : vector<16xf32> to vector<1x16xf32>
          tpu.vector_store %arg30[%swap3A_606, %swap3A_607], %swap3A_610 {strides = array<i32>} : memref<96x64xf32, #tpu.memory_space<vmem>>, vector<1x16xf32>,
          %get3A_611 = arith.index_cast %add3A_584 : i32 to index
          %get3A_612 = arith.constant 16 : index
          %get3A_613 = tpu.vector_load %arg23[%get3A_611, %get3A_612] {strides = array<i32>} : memref<96x64xf32, #tpu.memory_space<vmem>>, vector<1x16xf32>,
          %get3A_614 = vector.shape_cast %get3A_613 : vector<1x16xf32> to vector<16xf32>
          %get3A_615 = arith.index_cast %add3A_584 : i32 to index
          %get3A_616 = arith.constant 16 : index
          %get3A_617 = tpu.vector_load %arg25[%get3A_615, %get3A_616] {strides = array<i32>} : memref<96x64xf32, #tpu.memory_space<vmem>>, vector<1x16xf32>,
          %get3A_618 = vector.shape_cast %get3A_617 : vector<1x16xf32> to vector<16xf32>
          %add3A_619 = arith.addf %get3A_614, %get3A_618 : vector<16xf32>
          %get3A_620 = arith.index_cast %add3A_584 : i32 to index
          %get3A_621 = arith.constant 16 : index
          %get3A_622 = tpu.vector_load %arg27[%get3A_620, %get3A_621] {strides = array<i32>} : memref<96x64xf32, #tpu.memory_space<vmem>>, vector<1x16xf32>,
          %get3A_623 = vector.shape_cast %get3A_622 : vector<1x16xf32> to vector<16xf32>
          %sub3A_624 = arith.subf %add3A_619, %get3A_623 : vector<16xf32>
          %swap3A_625 = arith.index_cast %add3A_584 : i32 to index
          %swap3A_626 = arith.constant 16 : index
          %swap3A_627 = tpu.vector_load %arg29[%swap3A_625, %swap3A_626] {strides = array<i32>} : memref<96x64xf32, #tpu.memory_space<vmem>>, vector<1x16xf32>,
          %swap3A_628 = vector.shape_cast %swap3A_627 : vector<1x16xf32> to vector<16xf32>
          %swap3A_629 = vector.shape_cast %sub3A_624 : vector<16xf32> to vector<1x16xf32>
          tpu.vector_store %arg29[%swap3A_625, %swap3A_626], %swap3A_629 {strides = array<i32>} : memref<96x64xf32, #tpu.memory_space<vmem>>, vector<1x16xf32>,
          %neg3A_630 = arith.constant 0.000000e+00 : f32
          %neg3A_631 = vector.broadcast %neg3A_630 : f32 to vector<16xf32>
          %neg3A_632 = arith.subf %neg3A_631, %sub3A_624 : vector<16xf32>
          %swap3A_633 = arith.index_cast %add3A_584 : i32 to index
          %swap3A_634 = arith.constant 16 : index
          %swap3A_635 = tpu.vector_load %arg30[%swap3A_633, %swap3A_634] {strides = array<i32>} : memref<96x64xf32, #tpu.memory_space<vmem>>, vector<1x16xf32>,
          %swap3A_636 = vector.shape_cast %swap3A_635 : vector<1x16xf32> to vector<16xf32>
          %swap3A_637 = vector.shape_cast %neg3A_632 : vector<16xf32> to vector<1x16xf32>
          tpu.vector_store %arg30[%swap3A_633, %swap3A_634], %swap3A_637 {strides = array<i32>} : memref<96x64xf32, #tpu.memory_space<vmem>>, vector<1x16xf32>,
          %get3A_638 = arith.index_cast %add3A_584 : i32 to index
          %get3A_639 = arith.constant 32 : index
          %get3A_640 = tpu.vector_load %arg23[%get3A_638, %get3A_639] {strides = array<i32>} : memref<96x64xf32, #tpu.memory_space<vmem>>, vector<1x16xf32>,
          %get3A_641 = vector.shape_cast %get3A_640 : vector<1x16xf32> to vector<16xf32>
          %get3A_642 = arith.index_cast %add3A_584 : i32 to index
          %get3A_643 = arith.constant 32 : index
          %get3A_644 = tpu.vector_load %arg25[%get3A_642, %get3A_643] {strides = array<i32>} : memref<96x64xf32, #tpu.memory_space<vmem>>, vector<1x16xf32>,
          %get3A_645 = vector.shape_cast %get3A_644 : vector<1x16xf32> to vector<16xf32>
          %add3A_646 = arith.addf %get3A_641, %get3A_645 : vector<16xf32>
          %get3A_647 = arith.index_cast %add3A_584 : i32 to index
          %get3A_648 = arith.constant 32 : index
          %get3A_649 = tpu.vector_load %arg27[%get3A_647, %get3A_648] {strides = array<i32>} : memref<96x64xf32, #tpu.memory_space<vmem>>, vector<1x16xf32>,
          %get3A_650 = vector.shape_cast %get3A_649 : vector<1x16xf32> to vector<16xf32>
          %sub3A_651 = arith.subf %add3A_646, %get3A_650 : vector<16xf32>
          %swap3A_652 = arith.index_cast %add3A_584 : i32 to index
          %swap3A_653 = arith.constant 32 : index
          %swap3A_654 = tpu.vector_load %arg29[%swap3A_652, %swap3A_653] {strides = array<i32>} : memref<96x64xf32, #tpu.memory_space<vmem>>, vector<1x16xf32>,
          %swap3A_655 = vector.shape_cast %swap3A_654 : vector<1x16xf32> to vector<16xf32>
          %swap3A_656 = vector.shape_cast %sub3A_651 : vector<16xf32> to vector<1x16xf32>
          tpu.vector_store %arg29[%swap3A_652, %swap3A_653], %swap3A_656 {strides = array<i32>} : memref<96x64xf32, #tpu.memory_space<vmem>>, vector<1x16xf32>,
          %neg3A_657 = arith.constant 0.000000e+00 : f32
          %neg3A_658 = vector.broadcast %neg3A_657 : f32 to vector<16xf32>
          %neg3A_659 = arith.subf %neg3A_658, %sub3A_651 : vector<16xf32>
          %swap3A_660 = arith.index_cast %add3A_584 : i32 to index
          %swap3A_661 = arith.constant 32 : index
          %swap3A_662 = tpu.vector_load %arg30[%swap3A_660, %swap3A_661] {strides = array<i32>} : memref<96x64xf32, #tpu.memory_space<vmem>>, vector<1x16xf32>,
          %swap3A_663 = vector.shape_cast %swap3A_662 : vector<1x16xf32> to vector<16xf32>
          %swap3A_664 = vector.shape_cast %neg3A_659 : vector<16xf32> to vector<1x16xf32>
          tpu.vector_store %arg30[%swap3A_660, %swap3A_661], %swap3A_664 {strides = array<i32>} : memref<96x64xf32, #tpu.memory_space<vmem>>, vector<1x16xf32>,
          %get3A_665 = arith.index_cast %add3A_584 : i32 to index
          %get3A_666 = arith.constant 48 : index
          %get3A_667 = tpu.vector_load %arg23[%get3A_665, %get3A_666] {strides = array<i32>} : memref<96x64xf32, #tpu.memory_space<vmem>>, vector<1x16xf32>,
          %get3A_668 = vector.shape_cast %get3A_667 : vector<1x16xf32> to vector<16xf32>
          %get3A_669 = arith.index_cast %add3A_584 : i32 to index
          %get3A_670 = arith.constant 48 : index
          %get3A_671 = tpu.vector_load %arg25[%get3A_669, %get3A_670] {strides = array<i32>} : memref<96x64xf32, #tpu.memory_space<vmem>>, vector<1x16xf32>,
          %get3A_672 = vector.shape_cast %get3A_671 : vector<1x16xf32> to vector<16xf32>
          %add3A_673 = arith.addf %get3A_668, %get3A_672 : vector<16xf32>
          %get3A_674 = arith.index_cast %add3A_584 : i32 to index
          %get3A_675 = arith.constant 48 : index
          %get3A_676 = tpu.vector_load %arg27[%get3A_674, %get3A_675] {strides = array<i32>} : memref<96x64xf32, #tpu.memory_space<vmem>>, vector<1x16xf32>,
          %get3A_677 = vector.shape_cast %get3A_676 : vector<1x16xf32> to vector<16xf32>
          %sub3A_678 = arith.subf %add3A_673, %get3A_677 : vector<16xf32>
          %swap3A_679 = arith.index_cast %add3A_584 : i32 to index
          %swap3A_680 = arith.constant 48 : index
          %swap3A_681 = tpu.vector_load %arg29[%swap3A_679, %swap3A_680] {strides = array<i32>} : memref<96x64xf32, #tpu.memory_space<vmem>>, vector<1x16xf32>,
          %swap3A_682 = vector.shape_cast %swap3A_681 : vector<1x16xf32> to vector<16xf32>
          %swap3A_683 = vector.shape_cast %sub3A_678 : vector<16xf32> to vector<1x16xf32>
          tpu.vector_store %arg29[%swap3A_679, %swap3A_680], %swap3A_683 {strides = array<i32>} : memref<96x64xf32, #tpu.memory_space<vmem>>, vector<1x16xf32>,
          %neg3A_684 = arith.constant 0.000000e+00 : f32
          %neg3A_685 = vector.broadcast %neg3A_684 : f32 to vector<16xf32>
          %neg3A_686 = arith.subf %neg3A_685, %sub3A_678 : vector<16xf32>
          %swap3A_687 = arith.index_cast %add3A_584 : i32 to index
          %swap3A_688 = arith.constant 48 : index
          %swap3A_689 = tpu.vector_load %arg30[%swap3A_687, %swap3A_688] {strides = array<i32>} : memref<96x64xf32, #tpu.memory_space<vmem>>, vector<1x16xf32>,
          %swap3A_690 = vector.shape_cast %swap3A_689 : vector<1x16xf32> to vector<16xf32>
          %swap3A_691 = vector.shape_cast %neg3A_686 : vector<16xf32> to vector<1x16xf32>
          tpu.vector_store %arg30[%swap3A_687, %swap3A_688], %swap3A_691 {strides = array<i32>} : memref<96x64xf32, #tpu.memory_space<vmem>>, vector<1x16xf32>,
        }
        %scan3A_570 = arith.constant 96 : i32
        %dma_start3A_571 = arith.constant 0 : i32
        %dma_start3A_572 = arith.constant 0 : i32
        %dma_start3A_573 = tpu.memref_slice %arg9[%dma_start3A_571, %dma_start3A_572] : memref<10008x64xf32, #tpu.memory_space<vmem_shared>> -> memref<10008x64xf32, #tpu.memory_space<vmem_shared>>
        tpu.enqueue_indirect_dma source(%arg30 : memref<96x64xf32, #tpu.memory_space<vmem>>) target(%dma_start3A_573 : memref<10008x64xf32, #tpu.memory_space<vmem_shared>>) offsets(%arg13 : memref<96xi32, #tpu.memory_space<vmem>>) semaphore(%arg36 : memref<!tpu.dma_semaphore, #tpu.memory_space<semaphore_mem>>) {add = true}
        %dma_start3A_574 = arith.constant 0 : i32
        %dma_start3A_575 = arith.constant 0 : i32
        %dma_start3A_576 = tpu.memref_slice %arg9[%dma_start3A_574, %dma_start3A_575] : memref<10008x64xf32, #tpu.memory_space<vmem_shared>> -> memref<10008x64xf32, #tpu.memory_space<vmem_shared>>
        tpu.enqueue_indirect_dma source(%arg29 : memref<96x64xf32, #tpu.memory_space<vmem>>) target(%dma_start3A_576 : memref<10008x64xf32, #tpu.memory_space<vmem_shared>>) offsets(%arg19 : memref<96xi32, #tpu.memory_space<vmem>>) semaphore(%arg36 : memref<!tpu.dma_semaphore, #tpu.memory_space<semaphore_mem>>) {add = true}
        %dma_start3A_577 = arith.constant 0 : i32
        %dma_start3A_578 = arith.constant 0 : i32
        %dma_start3A_579 = tpu.memref_slice %arg10[%dma_start3A_577, %dma_start3A_578] : memref<10008x64xf32, #tpu.memory_space<vmem_shared>> -> memref<10008x64xf32, #tpu.memory_space<vmem_shared>>
        tpu.enqueue_indirect_dma source(%arg30 : memref<96x64xf32, #tpu.memory_space<vmem>>) target(%dma_start3A_579 : memref<10008x64xf32, #tpu.memory_space<vmem_shared>>) offsets(%arg16 : memref<96xi32, #tpu.memory_space<vmem>>) semaphore(%arg36 : memref<!tpu.dma_semaphore, #tpu.memory_space<semaphore_mem>>) {add = true}
      } else {
      }
      %mul3A_452 = arith.constant 6 : i32
      %mul3A_453 = arith.muli %add3A_343, %mul3A_452 : i32
      %add3A_454 = arith.constant 3 : i32
      %add3A_455 = arith.addi %mul3A_453, %add3A_454 : i32
      %lt3A_456 = arith.constant 105 : i32
      %lt3A_457 = arith.cmpi slt, %add3A_455, %lt3A_456 : i32
      %convert_element_type3A_458 = arith.extui %lt3A_457 : i1 to i32
      %cond3A_459 = arith.constant 0 : i32
      %cond3A_460 = arith.cmpi ne, %convert_element_type3A_458, %cond3A_459 : i32
      scf.if %cond3A_460 {
        %dma_wait3A = arith.constant 0 : i32
        %dma_wait3A_566 = arith.constant 0 : i32
        %dma_wait3A_567 = tpu.memref_slice %arg2[%dma_wait3A, %dma_wait3A_566] : memref<20016x64xf32, #tpu.memory_space<hbm>> -> memref<96x64xf32, #tpu.memory_space<hbm>>
        %dma_wait3A_568 = arith.constant 0 : i32
        %dma_wait3A_569 = arith.constant 0 : i32
        %dma_wait3A_570 = tpu.memref_slice %arg2[%dma_wait3A_568, %dma_wait3A_569] : memref<20016x64xf32, #tpu.memory_space<hbm>> -> memref<96x64xf32, #tpu.memory_space<hbm>>
        tpu.wait_dma2 semaphore(%arg32 : memref<!tpu.dma_semaphore, #tpu.memory_space<semaphore_mem>>) src(%dma_wait3A_570 : memref<96x64xf32, #tpu.memory_space<hbm>>) dst(%arg24 : memref<96x64xf32, #tpu.memory_space<vmem>>)
        %dma_wait3A_571 = arith.constant 0 : i32
        %dma_wait3A_572 = arith.constant 0 : i32
        %dma_wait3A_573 = tpu.memref_slice %arg2[%dma_wait3A_571, %dma_wait3A_572] : memref<20016x64xf32, #tpu.memory_space<hbm>> -> memref<96x64xf32, #tpu.memory_space<hbm>>
        %dma_wait3A_574 = arith.constant 0 : i32
        %dma_wait3A_575 = arith.constant 0 : i32
        %dma_wait3A_576 = tpu.memref_slice %arg2[%dma_wait3A_574, %dma_wait3A_575] : memref<20016x64xf32, #tpu.memory_space<hbm>> -> memref<96x64xf32, #tpu.memory_space<hbm>>
        tpu.wait_dma2 semaphore(%arg32 : memref<!tpu.dma_semaphore, #tpu.memory_space<semaphore_mem>>) src(%dma_wait3A_576 : memref<96x64xf32, #tpu.memory_space<hbm>>) dst(%arg26 : memref<96x64xf32, #tpu.memory_space<vmem>>)
        %dma_wait3A_577 = arith.constant 0 : i32
        %dma_wait3A_578 = arith.constant 0 : i32
        %dma_wait3A_579 = tpu.memref_slice %arg2[%dma_wait3A_577, %dma_wait3A_578] : memref<20016x64xf32, #tpu.memory_space<hbm>> -> memref<96x64xf32, #tpu.memory_space<hbm>>
        %dma_wait3A_580 = arith.constant 0 : i32
        %dma_wait3A_581 = arith.constant 0 : i32
        %dma_wait3A_582 = tpu.memref_slice %arg2[%dma_wait3A_580, %dma_wait3A_581] : memref<20016x64xf32, #tpu.memory_space<hbm>> -> memref<96x64xf32, #tpu.memory_space<hbm>>
        tpu.wait_dma2 semaphore(%arg32 : memref<!tpu.dma_semaphore, #tpu.memory_space<semaphore_mem>>) src(%dma_wait3A_582 : memref<96x64xf32, #tpu.memory_space<hbm>>) dst(%arg28 : memref<96x64xf32, #tpu.memory_space<vmem>>)
      } else {
      }
      %add3A_461 = arith.constant 1 : i32
      %add3A_462 = arith.addi %add3A_455, %add3A_461 : i32
      %lt3A_463 = arith.constant 105 : i32
      %lt3A_464 = arith.cmpi slt, %add3A_462, %lt3A_463 : i32
      %convert_element_type3A_465 = arith.extui %lt3A_464 : i1 to i32
      %cond3A_466 = arith.constant 0 : i32
      %cond3A_467 = arith.cmpi ne, %convert_element_type3A_465, %cond3A_466 : i32
      scf.if %cond3A_467 {
        %dma_wait3A = arith.constant 0 : i32
        %dma_wait3A_566 = tpu.memref_slice %arg4[%dma_wait3A] : memref<161280xi32, #tpu.memory_space<hbm>> -> memref<96xi32, #tpu.memory_space<hbm>>
        %dma_wait3A_567 = arith.constant 0 : i32
        %dma_wait3A_568 = tpu.memref_slice %arg4[%dma_wait3A_567] : memref<161280xi32, #tpu.memory_space<hbm>> -> memref<96xi32, #tpu.memory_space<hbm>>
        tpu.wait_dma2 semaphore(%arg34 : memref<!tpu.dma_semaphore, #tpu.memory_space<semaphore_mem>>) src(%dma_wait3A_568 : memref<96xi32, #tpu.memory_space<hbm>>) dst(%arg12 : memref<96xi32, #tpu.memory_space<vmem>>)
        %dma_wait3A_569 = arith.constant 0 : i32
        %dma_wait3A_570 = tpu.memref_slice %arg4[%dma_wait3A_569] : memref<161280xi32, #tpu.memory_space<hbm>> -> memref<96xi32, #tpu.memory_space<hbm>>
        %dma_wait3A_571 = arith.constant 0 : i32
        %dma_wait3A_572 = tpu.memref_slice %arg4[%dma_wait3A_571] : memref<161280xi32, #tpu.memory_space<hbm>> -> memref<96xi32, #tpu.memory_space<hbm>>
        tpu.wait_dma2 semaphore(%arg34 : memref<!tpu.dma_semaphore, #tpu.memory_space<semaphore_mem>>) src(%dma_wait3A_572 : memref<96xi32, #tpu.memory_space<hbm>>) dst(%arg15 : memref<96xi32, #tpu.memory_space<vmem>>)
        %dma_wait3A_573 = arith.constant 0 : i32
        %dma_wait3A_574 = tpu.memref_slice %arg4[%dma_wait3A_573] : memref<161280xi32, #tpu.memory_space<hbm>> -> memref<96xi32, #tpu.memory_space<hbm>>
        %dma_wait3A_575 = arith.constant 0 : i32
        %dma_wait3A_576 = tpu.memref_slice %arg4[%dma_wait3A_575] : memref<161280xi32, #tpu.memory_space<hbm>> -> memref<96xi32, #tpu.memory_space<hbm>>
        tpu.wait_dma2 semaphore(%arg34 : memref<!tpu.dma_semaphore, #tpu.memory_space<semaphore_mem>>) src(%dma_wait3A_576 : memref<96xi32, #tpu.memory_space<hbm>>) dst(%arg18 : memref<96xi32, #tpu.memory_space<vmem>>)
        %get3A_577 = arith.constant 0 : index
        %get3A_578 = tpu.vector_load %arg12[%get3A_577] {strides = array<i32>} : memref<96xi32, #tpu.memory_space<vmem>>, vector<16xi32>,
        %get3A_579 = vector.shape_cast %get3A_578 : vector<16xi32> to vector<16xi32>
        %add3A_580 = vector.broadcast %mul3A_0 : i32 to vector<16xi32>
        %add3A_581 = arith.addi %get3A_579, %add3A_580 : vector<16xi32>
        %swap3A_582 = arith.constant 0 : index
        %swap3A_583 = tpu.vector_load %arg20[%swap3A_582] {strides = array<i32>} : memref<96xi32, #tpu.memory_space<vmem>>, vector<16xi32>,
        %swap3A_584 = vector.shape_cast %swap3A_583 : vector<16xi32> to vector<16xi32>
        %swap3A_585 = vector.shape_cast %add3A_581 : vector<16xi32> to vector<16xi32>
        tpu.vector_store %arg20[%swap3A_582], %swap3A_585 {strides = array<i32>} : memref<96xi32, #tpu.memory_space<vmem>>, vector<16xi32>,
        %get3A_586 = arith.constant 0 : index
        %get3A_587 = tpu.vector_load %arg15[%get3A_586] {strides = array<i32>} : memref<96xi32, #tpu.memory_space<vmem>>, vector<16xi32>,
        %get3A_588 = vector.shape_cast %get3A_587 : vector<16xi32> to vector<16xi32>
        %add3A_589 = vector.broadcast %mul3A_0 : i32 to vector<16xi32>
        %add3A_590 = arith.addi %get3A_588, %add3A_589 : vector<16xi32>
        %swap3A_591 = arith.constant 0 : index
        %swap3A_592 = tpu.vector_load %arg21[%swap3A_591] {strides = array<i32>} : memref<96xi32, #tpu.memory_space<vmem>>, vector<16xi32>,
        %swap3A_593 = vector.shape_cast %swap3A_592 : vector<16xi32> to vector<16xi32>
        %swap3A_594 = vector.shape_cast %add3A_590 : vector<16xi32> to vector<16xi32>
        tpu.vector_store %arg21[%swap3A_591], %swap3A_594 {strides = array<i32>} : memref<96xi32, #tpu.memory_space<vmem>>, vector<16xi32>,
        %get3A_595 = arith.constant 0 : index
        %get3A_596 = tpu.vector_load %arg18[%get3A_595] {strides = array<i32>} : memref<96xi32, #tpu.memory_space<vmem>>, vector<16xi32>,
        %get3A_597 = vector.shape_cast %get3A_596 : vector<16xi32> to vector<16xi32>
        %add3A_598 = vector.broadcast %mul3A_0 : i32 to vector<16xi32>
        %add3A_599 = arith.addi %get3A_597, %add3A_598 : vector<16xi32>
        %swap3A_600 = arith.constant 0 : index
        %swap3A_601 = tpu.vector_load %arg22[%swap3A_600] {strides = array<i32>} : memref<96xi32, #tpu.memory_space<vmem>>, vector<16xi32>,
        %swap3A_602 = vector.shape_cast %swap3A_601 : vector<16xi32> to vector<16xi32>
        %swap3A_603 = vector.shape_cast %add3A_599 : vector<16xi32> to vector<16xi32>
        tpu.vector_store %arg22[%swap3A_600], %swap3A_603 {strides = array<i32>} : memref<96xi32, #tpu.memory_space<vmem>>, vector<16xi32>,
        %get3A_604 = arith.constant 16 : index
        %get3A_605 = tpu.vector_load %arg12[%get3A_604] {strides = array<i32>} : memref<96xi32, #tpu.memory_space<vmem>>, vector<16xi32>,
        %get3A_606 = vector.shape_cast %get3A_605 : vector<16xi32> to vector<16xi32>
        %add3A_607 = vector.broadcast %mul3A_0 : i32 to vector<16xi32>
        %add3A_608 = arith.addi %get3A_606, %add3A_607 : vector<16xi32>
        %swap3A_609 = arith.constant 16 : index
        %swap3A_610 = tpu.vector_load %arg20[%swap3A_609] {strides = array<i32>} : memref<96xi32, #tpu.memory_space<vmem>>, vector<16xi32>,
        %swap3A_611 = vector.shape_cast %swap3A_610 : vector<16xi32> to vector<16xi32>
        %swap3A_612 = vector.shape_cast %add3A_608 : vector<16xi32> to vector<16xi32>
        tpu.vector_store %arg20[%swap3A_609], %swap3A_612 {strides = array<i32>} : memref<96xi32, #tpu.memory_space<vmem>>, vector<16xi32>,
        %get3A_613 = arith.constant 16 : index
        %get3A_614 = tpu.vector_load %arg15[%get3A_613] {strides = array<i32>} : memref<96xi32, #tpu.memory_space<vmem>>, vector<16xi32>,
        %get3A_615 = vector.shape_cast %get3A_614 : vector<16xi32> to vector<16xi32>
        %add3A_616 = vector.broadcast %mul3A_0 : i32 to vector<16xi32>
        %add3A_617 = arith.addi %get3A_615, %add3A_616 : vector<16xi32>
        %swap3A_618 = arith.constant 16 : index
        %swap3A_619 = tpu.vector_load %arg21[%swap3A_618] {strides = array<i32>} : memref<96xi32, #tpu.memory_space<vmem>>, vector<16xi32>,
        %swap3A_620 = vector.shape_cast %swap3A_619 : vector<16xi32> to vector<16xi32>
        %swap3A_621 = vector.shape_cast %add3A_617 : vector<16xi32> to vector<16xi32>
        tpu.vector_store %arg21[%swap3A_618], %swap3A_621 {strides = array<i32>} : memref<96xi32, #tpu.memory_space<vmem>>, vector<16xi32>,
        %get3A_622 = arith.constant 16 : index
        %get3A_623 = tpu.vector_load %arg18[%get3A_622] {strides = array<i32>} : memref<96xi32, #tpu.memory_space<vmem>>, vector<16xi32>,
        %get3A_624 = vector.shape_cast %get3A_623 : vector<16xi32> to vector<16xi32>
        %add3A_625 = vector.broadcast %mul3A_0 : i32 to vector<16xi32>
        %add3A_626 = arith.addi %get3A_624, %add3A_625 : vector<16xi32>
        %swap3A_627 = arith.constant 16 : index
        %swap3A_628 = tpu.vector_load %arg22[%swap3A_627] {strides = array<i32>} : memref<96xi32, #tpu.memory_space<vmem>>, vector<16xi32>,
        %swap3A_629 = vector.shape_cast %swap3A_628 : vector<16xi32> to vector<16xi32>
        %swap3A_630 = vector.shape_cast %add3A_626 : vector<16xi32> to vector<16xi32>
        tpu.vector_store %arg22[%swap3A_627], %swap3A_630 {strides = array<i32>} : memref<96xi32, #tpu.memory_space<vmem>>, vector<16xi32>,
        %get3A_631 = arith.constant 32 : index
        %get3A_632 = tpu.vector_load %arg12[%get3A_631] {strides = array<i32>} : memref<96xi32, #tpu.memory_space<vmem>>, vector<16xi32>,
        %get3A_633 = vector.shape_cast %get3A_632 : vector<16xi32> to vector<16xi32>
        %add3A_634 = vector.broadcast %mul3A_0 : i32 to vector<16xi32>
        %add3A_635 = arith.addi %get3A_633, %add3A_634 : vector<16xi32>
        %swap3A_636 = arith.constant 32 : index
        %swap3A_637 = tpu.vector_load %arg20[%swap3A_636] {strides = array<i32>} : memref<96xi32, #tpu.memory_space<vmem>>, vector<16xi32>,
        %swap3A_638 = vector.shape_cast %swap3A_637 : vector<16xi32> to vector<16xi32>
        %swap3A_639 = vector.shape_cast %add3A_635 : vector<16xi32> to vector<16xi32>
        tpu.vector_store %arg20[%swap3A_636], %swap3A_639 {strides = array<i32>} : memref<96xi32, #tpu.memory_space<vmem>>, vector<16xi32>,
        %get3A_640 = arith.constant 32 : index
        %get3A_641 = tpu.vector_load %arg15[%get3A_640] {strides = array<i32>} : memref<96xi32, #tpu.memory_space<vmem>>, vector<16xi32>,
        %get3A_642 = vector.shape_cast %get3A_641 : vector<16xi32> to vector<16xi32>
        %add3A_643 = vector.broadcast %mul3A_0 : i32 to vector<16xi32>
        %add3A_644 = arith.addi %get3A_642, %add3A_643 : vector<16xi32>
        %swap3A_645 = arith.constant 32 : index
        %swap3A_646 = tpu.vector_load %arg21[%swap3A_645] {strides = array<i32>} : memref<96xi32, #tpu.memory_space<vmem>>, vector<16xi32>,
        %swap3A_647 = vector.shape_cast %swap3A_646 : vector<16xi32> to vector<16xi32>
        %swap3A_648 = vector.shape_cast %add3A_644 : vector<16xi32> to vector<16xi32>
        tpu.vector_store %arg21[%swap3A_645], %swap3A_648 {strides = array<i32>} : memref<96xi32, #tpu.memory_space<vmem>>, vector<16xi32>,
        %get3A_649 = arith.constant 32 : index
        %get3A_650 = tpu.vector_load %arg18[%get3A_649] {strides = array<i32>} : memref<96xi32, #tpu.memory_space<vmem>>, vector<16xi32>,
        %get3A_651 = vector.shape_cast %get3A_650 : vector<16xi32> to vector<16xi32>
        %add3A_652 = vector.broadcast %mul3A_0 : i32 to vector<16xi32>
        %add3A_653 = arith.addi %get3A_651, %add3A_652 : vector<16xi32>
        %swap3A_654 = arith.constant 32 : index
        %swap3A_655 = tpu.vector_load %arg22[%swap3A_654] {strides = array<i32>} : memref<96xi32, #tpu.memory_space<vmem>>, vector<16xi32>,
        %swap3A_656 = vector.shape_cast %swap3A_655 : vector<16xi32> to vector<16xi32>
        %swap3A_657 = vector.shape_cast %add3A_653 : vector<16xi32> to vector<16xi32>
        tpu.vector_store %arg22[%swap3A_654], %swap3A_657 {strides = array<i32>} : memref<96xi32, #tpu.memory_space<vmem>>, vector<16xi32>,
        %get3A_658 = arith.constant 48 : index
        %get3A_659 = tpu.vector_load %arg12[%get3A_658] {strides = array<i32>} : memref<96xi32, #tpu.memory_space<vmem>>, vector<16xi32>,
        %get3A_660 = vector.shape_cast %get3A_659 : vector<16xi32> to vector<16xi32>
        %add3A_661 = vector.broadcast %mul3A_0 : i32 to vector<16xi32>
        %add3A_662 = arith.addi %get3A_660, %add3A_661 : vector<16xi32>
        %swap3A_663 = arith.constant 48 : index
        %swap3A_664 = tpu.vector_load %arg20[%swap3A_663] {strides = array<i32>} : memref<96xi32, #tpu.memory_space<vmem>>, vector<16xi32>,
        %swap3A_665 = vector.shape_cast %swap3A_664 : vector<16xi32> to vector<16xi32>
        %swap3A_666 = vector.shape_cast %add3A_662 : vector<16xi32> to vector<16xi32>
        tpu.vector_store %arg20[%swap3A_663], %swap3A_666 {strides = array<i32>} : memref<96xi32, #tpu.memory_space<vmem>>, vector<16xi32>,
        %get3A_667 = arith.constant 48 : index
        %get3A_668 = tpu.vector_load %arg15[%get3A_667] {strides = array<i32>} : memref<96xi32, #tpu.memory_space<vmem>>, vector<16xi32>,
        %get3A_669 = vector.shape_cast %get3A_668 : vector<16xi32> to vector<16xi32>
        %add3A_670 = vector.broadcast %mul3A_0 : i32 to vector<16xi32>
        %add3A_671 = arith.addi %get3A_669, %add3A_670 : vector<16xi32>
        %swap3A_672 = arith.constant 48 : index
        %swap3A_673 = tpu.vector_load %arg21[%swap3A_672] {strides = array<i32>} : memref<96xi32, #tpu.memory_space<vmem>>, vector<16xi32>,
        %swap3A_674 = vector.shape_cast %swap3A_673 : vector<16xi32> to vector<16xi32>
        %swap3A_675 = vector.shape_cast %add3A_671 : vector<16xi32> to vector<16xi32>
        tpu.vector_store %arg21[%swap3A_672], %swap3A_675 {strides = array<i32>} : memref<96xi32, #tpu.memory_space<vmem>>, vector<16xi32>,
        %get3A_676 = arith.constant 48 : index
        %get3A_677 = tpu.vector_load %arg18[%get3A_676] {strides = array<i32>} : memref<96xi32, #tpu.memory_space<vmem>>, vector<16xi32>,
        %get3A_678 = vector.shape_cast %get3A_677 : vector<16xi32> to vector<16xi32>
        %add3A_679 = vector.broadcast %mul3A_0 : i32 to vector<16xi32>
        %add3A_680 = arith.addi %get3A_678, %add3A_679 : vector<16xi32>
        %swap3A_681 = arith.constant 48 : index
        %swap3A_682 = tpu.vector_load %arg22[%swap3A_681] {strides = array<i32>} : memref<96xi32, #tpu.memory_space<vmem>>, vector<16xi32>,
        %swap3A_683 = vector.shape_cast %swap3A_682 : vector<16xi32> to vector<16xi32>
        %swap3A_684 = vector.shape_cast %add3A_680 : vector<16xi32> to vector<16xi32>
        tpu.vector_store %arg22[%swap3A_681], %swap3A_684 {strides = array<i32>} : memref<96xi32, #tpu.memory_space<vmem>>, vector<16xi32>,
        %get3A_685 = arith.constant 64 : index
        %get3A_686 = tpu.vector_load %arg12[%get3A_685] {strides = array<i32>} : memref<96xi32, #tpu.memory_space<vmem>>, vector<16xi32>,
        %get3A_687 = vector.shape_cast %get3A_686 : vector<16xi32> to vector<16xi32>
        %add3A_688 = vector.broadcast %mul3A_0 : i32 to vector<16xi32>
        %add3A_689 = arith.addi %get3A_687, %add3A_688 : vector<16xi32>
        %swap3A_690 = arith.constant 64 : index
        %swap3A_691 = tpu.vector_load %arg20[%swap3A_690] {strides = array<i32>} : memref<96xi32, #tpu.memory_space<vmem>>, vector<16xi32>,
        %swap3A_692 = vector.shape_cast %swap3A_691 : vector<16xi32> to vector<16xi32>
        %swap3A_693 = vector.shape_cast %add3A_689 : vector<16xi32> to vector<16xi32>
        tpu.vector_store %arg20[%swap3A_690], %swap3A_693 {strides = array<i32>} : memref<96xi32, #tpu.memory_space<vmem>>, vector<16xi32>,
        %get3A_694 = arith.constant 64 : index
        %get3A_695 = tpu.vector_load %arg15[%get3A_694] {strides = array<i32>} : memref<96xi32, #tpu.memory_space<vmem>>, vector<16xi32>,
        %get3A_696 = vector.shape_cast %get3A_695 : vector<16xi32> to vector<16xi32>
        %add3A_697 = vector.broadcast %mul3A_0 : i32 to vector<16xi32>
        %add3A_698 = arith.addi %get3A_696, %add3A_697 : vector<16xi32>
        %swap3A_699 = arith.constant 64 : index
        %swap3A_700 = tpu.vector_load %arg21[%swap3A_699] {strides = array<i32>} : memref<96xi32, #tpu.memory_space<vmem>>, vector<16xi32>,
        %swap3A_701 = vector.shape_cast %swap3A_700 : vector<16xi32> to vector<16xi32>
        %swap3A_702 = vector.shape_cast %add3A_698 : vector<16xi32> to vector<16xi32>
        tpu.vector_store %arg21[%swap3A_699], %swap3A_702 {strides = array<i32>} : memref<96xi32, #tpu.memory_space<vmem>>, vector<16xi32>,
        %get3A_703 = arith.constant 64 : index
        %get3A_704 = tpu.vector_load %arg18[%get3A_703] {strides = array<i32>} : memref<96xi32, #tpu.memory_space<vmem>>, vector<16xi32>,
        %get3A_705 = vector.shape_cast %get3A_704 : vector<16xi32> to vector<16xi32>
        %add3A_706 = vector.broadcast %mul3A_0 : i32 to vector<16xi32>
        %add3A_707 = arith.addi %get3A_705, %add3A_706 : vector<16xi32>
        %swap3A_708 = arith.constant 64 : index
        %swap3A_709 = tpu.vector_load %arg22[%swap3A_708] {strides = array<i32>} : memref<96xi32, #tpu.memory_space<vmem>>, vector<16xi32>,
        %swap3A_710 = vector.shape_cast %swap3A_709 : vector<16xi32> to vector<16xi32>
        %swap3A_711 = vector.shape_cast %add3A_707 : vector<16xi32> to vector<16xi32>
        tpu.vector_store %arg22[%swap3A_708], %swap3A_711 {strides = array<i32>} : memref<96xi32, #tpu.memory_space<vmem>>, vector<16xi32>,
        %get3A_712 = arith.constant 80 : index
        %get3A_713 = tpu.vector_load %arg12[%get3A_712] {strides = array<i32>} : memref<96xi32, #tpu.memory_space<vmem>>, vector<16xi32>,
        %get3A_714 = vector.shape_cast %get3A_713 : vector<16xi32> to vector<16xi32>
        %add3A_715 = vector.broadcast %mul3A_0 : i32 to vector<16xi32>
        %add3A_716 = arith.addi %get3A_714, %add3A_715 : vector<16xi32>
        %swap3A_717 = arith.constant 80 : index
        %swap3A_718 = tpu.vector_load %arg20[%swap3A_717] {strides = array<i32>} : memref<96xi32, #tpu.memory_space<vmem>>, vector<16xi32>,
        %swap3A_719 = vector.shape_cast %swap3A_718 : vector<16xi32> to vector<16xi32>
        %swap3A_720 = vector.shape_cast %add3A_716 : vector<16xi32> to vector<16xi32>
        tpu.vector_store %arg20[%swap3A_717], %swap3A_720 {strides = array<i32>} : memref<96xi32, #tpu.memory_space<vmem>>, vector<16xi32>,
        %get3A_721 = arith.constant 80 : index
        %get3A_722 = tpu.vector_load %arg15[%get3A_721] {strides = array<i32>} : memref<96xi32, #tpu.memory_space<vmem>>, vector<16xi32>,
        %get3A_723 = vector.shape_cast %get3A_722 : vector<16xi32> to vector<16xi32>
        %add3A_724 = vector.broadcast %mul3A_0 : i32 to vector<16xi32>
        %add3A_725 = arith.addi %get3A_723, %add3A_724 : vector<16xi32>
        %swap3A_726 = arith.constant 80 : index
        %swap3A_727 = tpu.vector_load %arg21[%swap3A_726] {strides = array<i32>} : memref<96xi32, #tpu.memory_space<vmem>>, vector<16xi32>,
        %swap3A_728 = vector.shape_cast %swap3A_727 : vector<16xi32> to vector<16xi32>
        %swap3A_729 = vector.shape_cast %add3A_725 : vector<16xi32> to vector<16xi32>
        tpu.vector_store %arg21[%swap3A_726], %swap3A_729 {strides = array<i32>} : memref<96xi32, #tpu.memory_space<vmem>>, vector<16xi32>,
        %get3A_730 = arith.constant 80 : index
        %get3A_731 = tpu.vector_load %arg18[%get3A_730] {strides = array<i32>} : memref<96xi32, #tpu.memory_space<vmem>>, vector<16xi32>,
        %get3A_732 = vector.shape_cast %get3A_731 : vector<16xi32> to vector<16xi32>
        %add3A_733 = vector.broadcast %mul3A_0 : i32 to vector<16xi32>
        %add3A_734 = arith.addi %get3A_732, %add3A_733 : vector<16xi32>
        %swap3A_735 = arith.constant 80 : index
        %swap3A_736 = tpu.vector_load %arg22[%swap3A_735] {strides = array<i32>} : memref<96xi32, #tpu.memory_space<vmem>>, vector<16xi32>,
        %swap3A_737 = vector.shape_cast %swap3A_736 : vector<16xi32> to vector<16xi32>
        %swap3A_738 = vector.shape_cast %add3A_734 : vector<16xi32> to vector<16xi32>
        tpu.vector_store %arg22[%swap3A_735], %swap3A_738 {strides = array<i32>} : memref<96xi32, #tpu.memory_space<vmem>>, vector<16xi32>,
        %dma_start3A_739 = arith.constant 0 : i32
        %dma_start3A_740 = arith.constant 0 : i32
        %dma_start3A_741 = tpu.memref_slice %arg2[%dma_start3A_739, %dma_start3A_740] : memref<20016x64xf32, #tpu.memory_space<hbm>> -> memref<20016x64xf32, #tpu.memory_space<hbm>>
        tpu.enqueue_indirect_dma source(%dma_start3A_741 : memref<20016x64xf32, #tpu.memory_space<hbm>>) target(%arg23 : memref<96x64xf32, #tpu.memory_space<vmem>>) offsets(%arg20 : memref<96xi32, #tpu.memory_space<vmem>>) semaphore(%arg31 : memref<!tpu.dma_semaphore, #tpu.memory_space<semaphore_mem>>)
        %dma_start3A_742 = arith.constant 0 : i32
        %dma_start3A_743 = arith.constant 0 : i32
        %dma_start3A_744 = tpu.memref_slice %arg3[%dma_start3A_742, %dma_start3A_743] : memref<20016x64xf32, #tpu.memory_space<hbm>> -> memref<20016x64xf32, #tpu.memory_space<hbm>>
        tpu.enqueue_indirect_dma source(%dma_start3A_744 : memref<20016x64xf32, #tpu.memory_space<hbm>>) target(%arg25 : memref<96x64xf32, #tpu.memory_space<vmem>>) offsets(%arg21 : memref<96xi32, #tpu.memory_space<vmem>>) semaphore(%arg31 : memref<!tpu.dma_semaphore, #tpu.memory_space<semaphore_mem>>)
        %dma_start3A_745 = arith.constant 0 : i32
        %dma_start3A_746 = arith.constant 0 : i32
        %dma_start3A_747 = tpu.memref_slice %arg2[%dma_start3A_745, %dma_start3A_746] : memref<20016x64xf32, #tpu.memory_space<hbm>> -> memref<20016x64xf32, #tpu.memory_space<hbm>>
        tpu.enqueue_indirect_dma source(%dma_start3A_747 : memref<20016x64xf32, #tpu.memory_space<hbm>>) target(%arg27 : memref<96x64xf32, #tpu.memory_space<vmem>>) offsets(%arg22 : memref<96xi32, #tpu.memory_space<vmem>>) semaphore(%arg31 : memref<!tpu.dma_semaphore, #tpu.memory_space<semaphore_mem>>)
      } else {
      }
      %ge3A_468 = arith.constant 1 : i32
      %ge3A_469 = arith.cmpi sge, %add3A_455, %ge3A_468 : i32
      %sub3A_470 = arith.constant 1 : i32
      %sub3A_471 = arith.subi %add3A_455, %sub3A_470 : i32
      %lt3A_472 = arith.constant 105 : i32
      %lt3A_473 = arith.cmpi slt, %sub3A_471, %lt3A_472 : i32
      %and3A_474 = arith.andi %ge3A_469, %lt3A_473 : i1
      %convert_element_type3A_475 = arith.extui %and3A_474 : i1 to i32
      %cond3A_476 = arith.constant 0 : i32
      %cond3A_477 = arith.cmpi ne, %convert_element_type3A_475, %cond3A_476 : i32
      scf.if %cond3A_477 {
        %dma_wait3A = arith.constant 0 : i32
        %dma_wait3A_566 = arith.constant 0 : i32
        %dma_wait3A_567 = tpu.memref_slice %arg2[%dma_wait3A, %dma_wait3A_566] : memref<20016x64xf32, #tpu.memory_space<hbm>> -> memref<96x64xf32, #tpu.memory_space<hbm>>
        %dma_wait3A_568 = arith.constant 0 : i32
        %dma_wait3A_569 = arith.constant 0 : i32
        %dma_wait3A_570 = tpu.memref_slice %arg2[%dma_wait3A_568, %dma_wait3A_569] : memref<20016x64xf32, #tpu.memory_space<hbm>> -> memref<96x64xf32, #tpu.memory_space<hbm>>
        tpu.wait_dma2 semaphore(%arg36 : memref<!tpu.dma_semaphore, #tpu.memory_space<semaphore_mem>>) src(%dma_wait3A_570 : memref<96x64xf32, #tpu.memory_space<hbm>>) dst(%arg29 : memref<96x64xf32, #tpu.memory_space<vmem>>)
        %dma_wait3A_571 = arith.constant 0 : i32
        %dma_wait3A_572 = arith.constant 0 : i32
        %dma_wait3A_573 = tpu.memref_slice %arg2[%dma_wait3A_571, %dma_wait3A_572] : memref<20016x64xf32, #tpu.memory_space<hbm>> -> memref<96x64xf32, #tpu.memory_space<hbm>>
        %dma_wait3A_574 = arith.constant 0 : i32
        %dma_wait3A_575 = arith.constant 0 : i32
        %dma_wait3A_576 = tpu.memref_slice %arg2[%dma_wait3A_574, %dma_wait3A_575] : memref<20016x64xf32, #tpu.memory_space<hbm>> -> memref<96x64xf32, #tpu.memory_space<hbm>>
        tpu.wait_dma2 semaphore(%arg36 : memref<!tpu.dma_semaphore, #tpu.memory_space<semaphore_mem>>) src(%dma_wait3A_576 : memref<96x64xf32, #tpu.memory_space<hbm>>) dst(%arg29 : memref<96x64xf32, #tpu.memory_space<vmem>>)
        %dma_wait3A_577 = arith.constant 0 : i32
        %dma_wait3A_578 = arith.constant 0 : i32
        %dma_wait3A_579 = tpu.memref_slice %arg2[%dma_wait3A_577, %dma_wait3A_578] : memref<20016x64xf32, #tpu.memory_space<hbm>> -> memref<96x64xf32, #tpu.memory_space<hbm>>
        %dma_wait3A_580 = arith.constant 0 : i32
        %dma_wait3A_581 = arith.constant 0 : i32
        %dma_wait3A_582 = tpu.memref_slice %arg2[%dma_wait3A_580, %dma_wait3A_581] : memref<20016x64xf32, #tpu.memory_space<hbm>> -> memref<96x64xf32, #tpu.memory_space<hbm>>
        tpu.wait_dma2 semaphore(%arg36 : memref<!tpu.dma_semaphore, #tpu.memory_space<semaphore_mem>>) src(%dma_wait3A_582 : memref<96x64xf32, #tpu.memory_space<hbm>>) dst(%arg29 : memref<96x64xf32, #tpu.memory_space<vmem>>)
      } else {
      }
      %add3A_478 = arith.constant 2 : i32
      %add3A_479 = arith.addi %add3A_455, %add3A_478 : i32
      %lt3A_480 = arith.constant 105 : i32
      %lt3A_481 = arith.cmpi slt, %add3A_479, %lt3A_480 : i32
      %convert_element_type3A_482 = arith.extui %lt3A_481 : i1 to i32
      %cond3A_483 = arith.constant 0 : i32
      %cond3A_484 = arith.cmpi ne, %convert_element_type3A_482, %cond3A_483 : i32
      scf.if %cond3A_484 {
        %add3A_566 = arith.constant 2 : i32
        %add3A_567 = arith.addi %add3A_455, %add3A_566 : i32
        %mul3A_568 = arith.constant 16 : i32
        %mul3A_569 = arith.muli %add3A_567, %mul3A_568 : i32
        %add3A_570 = arith.addi %mul3A_569, %arg1 : i32
        %mul3A_571 = arith.constant 96 : i32
        %mul3A_572 = arith.muli %add3A_570, %mul3A_571 : i32
        %dma_start3A_573 = tpu.memref_slice %arg4[%mul3A_572] : memref<161280xi32, #tpu.memory_space<hbm>> -> memref<96xi32, #tpu.memory_space<hbm>>
        %dma_start3A_574 = tpu.memref_slice %arg4[%mul3A_572] : memref<161280xi32, #tpu.memory_space<hbm>> -> memref<96xi32, #tpu.memory_space<hbm>>
        tpu.enqueue_dma source(%dma_start3A_574 : memref<96xi32, #tpu.memory_space<hbm>>) target(%arg13 : memref<96xi32, #tpu.memory_space<vmem>>) target_semaphore(%arg35 : memref<!tpu.dma_semaphore, #tpu.memory_space<semaphore_mem>>)
        %dma_start3A_575 = tpu.memref_slice %arg5[%mul3A_572] : memref<161280xi32, #tpu.memory_space<hbm>> -> memref<96xi32, #tpu.memory_space<hbm>>
        %dma_start3A_576 = tpu.memref_slice %arg5[%mul3A_572] : memref<161280xi32, #tpu.memory_space<hbm>> -> memref<96xi32, #tpu.memory_space<hbm>>
        tpu.enqueue_dma source(%dma_start3A_576 : memref<96xi32, #tpu.memory_space<hbm>>) target(%arg16 : memref<96xi32, #tpu.memory_space<vmem>>) target_semaphore(%arg35 : memref<!tpu.dma_semaphore, #tpu.memory_space<semaphore_mem>>)
        %dma_start3A_577 = tpu.memref_slice %arg6[%mul3A_572] : memref<161280xi32, #tpu.memory_space<hbm>> -> memref<96xi32, #tpu.memory_space<hbm>>
        %dma_start3A_578 = tpu.memref_slice %arg6[%mul3A_572] : memref<161280xi32, #tpu.memory_space<hbm>> -> memref<96xi32, #tpu.memory_space<hbm>>
        tpu.enqueue_dma source(%dma_start3A_578 : memref<96xi32, #tpu.memory_space<hbm>>) target(%arg19 : memref<96xi32, #tpu.memory_space<vmem>>) target_semaphore(%arg35 : memref<!tpu.dma_semaphore, #tpu.memory_space<semaphore_mem>>)
      } else {
      }
      %lt3A_485 = arith.constant 105 : i32
      %lt3A_486 = arith.cmpi slt, %add3A_455, %lt3A_485 : i32
      %convert_element_type3A_487 = arith.extui %lt3A_486 : i1 to i32
      %cond3A_488 = arith.constant 0 : i32
      %cond3A_489 = arith.cmpi ne, %convert_element_type3A_487, %cond3A_488 : i32
      scf.if %cond3A_489 {
        %scan3A_566 = arith.constant 0 : i32
        %scan3A_567 = arith.constant 96 : i32
        %scan3A_568 = arith.addi %scan3A_566, %scan3A_567 : i32
        %scan3A_569 = arith.constant 1 : i32
        scf.for %scan3A_580 = %scan3A_566 to %scan3A_568 step %scan3A_569  : i32 {
          %mul3A_581 = arith.constant 1 : i32
          %mul3A_582 = arith.muli %scan3A_580, %mul3A_581 : i32
          %add3A_583 = arith.constant 0 : i32
          %add3A_584 = arith.addi %add3A_583, %mul3A_582 : i32
          %get3A_585 = arith.index_cast %add3A_584 : i32 to index
          %get3A_586 = arith.constant 0 : index
          %get3A_587 = tpu.vector_load %arg24[%get3A_585, %get3A_586] {strides = array<i32>} : memref<96x64xf32, #tpu.memory_space<vmem>>, vector<1x16xf32>,
          %get3A_588 = vector.shape_cast %get3A_587 : vector<1x16xf32> to vector<16xf32>
          %get3A_589 = arith.index_cast %add3A_584 : i32 to index
          %get3A_590 = arith.constant 0 : index
          %get3A_591 = tpu.vector_load %arg26[%get3A_589, %get3A_590] {strides = array<i32>} : memref<96x64xf32, #tpu.memory_space<vmem>>, vector<1x16xf32>,
          %get3A_592 = vector.shape_cast %get3A_591 : vector<1x16xf32> to vector<16xf32>
          %add3A_593 = arith.addf %get3A_588, %get3A_592 : vector<16xf32>
          %get3A_594 = arith.index_cast %add3A_584 : i32 to index
          %get3A_595 = arith.constant 0 : index
          %get3A_596 = tpu.vector_load %arg28[%get3A_594, %get3A_595] {strides = array<i32>} : memref<96x64xf32, #tpu.memory_space<vmem>>, vector<1x16xf32>,
          %get3A_597 = vector.shape_cast %get3A_596 : vector<1x16xf32> to vector<16xf32>
          %sub3A_598 = arith.subf %add3A_593, %get3A_597 : vector<16xf32>
          %swap3A_599 = arith.index_cast %add3A_584 : i32 to index
          %swap3A_600 = arith.constant 0 : index
          %swap3A_601 = tpu.vector_load %arg29[%swap3A_599, %swap3A_600] {strides = array<i32>} : memref<96x64xf32, #tpu.memory_space<vmem>>, vector<1x16xf32>,
          %swap3A_602 = vector.shape_cast %swap3A_601 : vector<1x16xf32> to vector<16xf32>
          %swap3A_603 = vector.shape_cast %sub3A_598 : vector<16xf32> to vector<1x16xf32>
          tpu.vector_store %arg29[%swap3A_599, %swap3A_600], %swap3A_603 {strides = array<i32>} : memref<96x64xf32, #tpu.memory_space<vmem>>, vector<1x16xf32>,
          %neg3A = arith.constant 0.000000e+00 : f32
          %neg3A_604 = vector.broadcast %neg3A : f32 to vector<16xf32>
          %neg3A_605 = arith.subf %neg3A_604, %sub3A_598 : vector<16xf32>
          %swap3A_606 = arith.index_cast %add3A_584 : i32 to index
          %swap3A_607 = arith.constant 0 : index
          %swap3A_608 = tpu.vector_load %arg30[%swap3A_606, %swap3A_607] {strides = array<i32>} : memref<96x64xf32, #tpu.memory_space<vmem>>, vector<1x16xf32>,
          %swap3A_609 = vector.shape_cast %swap3A_608 : vector<1x16xf32> to vector<16xf32>
          %swap3A_610 = vector.shape_cast %neg3A_605 : vector<16xf32> to vector<1x16xf32>
          tpu.vector_store %arg30[%swap3A_606, %swap3A_607], %swap3A_610 {strides = array<i32>} : memref<96x64xf32, #tpu.memory_space<vmem>>, vector<1x16xf32>,
          %get3A_611 = arith.index_cast %add3A_584 : i32 to index
          %get3A_612 = arith.constant 16 : index
          %get3A_613 = tpu.vector_load %arg24[%get3A_611, %get3A_612] {strides = array<i32>} : memref<96x64xf32, #tpu.memory_space<vmem>>, vector<1x16xf32>,
          %get3A_614 = vector.shape_cast %get3A_613 : vector<1x16xf32> to vector<16xf32>
          %get3A_615 = arith.index_cast %add3A_584 : i32 to index
          %get3A_616 = arith.constant 16 : index
          %get3A_617 = tpu.vector_load %arg26[%get3A_615, %get3A_616] {strides = array<i32>} : memref<96x64xf32, #tpu.memory_space<vmem>>, vector<1x16xf32>,
          %get3A_618 = vector.shape_cast %get3A_617 : vector<1x16xf32> to vector<16xf32>
          %add3A_619 = arith.addf %get3A_614, %get3A_618 : vector<16xf32>
          %get3A_620 = arith.index_cast %add3A_584 : i32 to index
          %get3A_621 = arith.constant 16 : index
          %get3A_622 = tpu.vector_load %arg28[%get3A_620, %get3A_621] {strides = array<i32>} : memref<96x64xf32, #tpu.memory_space<vmem>>, vector<1x16xf32>,
          %get3A_623 = vector.shape_cast %get3A_622 : vector<1x16xf32> to vector<16xf32>
          %sub3A_624 = arith.subf %add3A_619, %get3A_623 : vector<16xf32>
          %swap3A_625 = arith.index_cast %add3A_584 : i32 to index
          %swap3A_626 = arith.constant 16 : index
          %swap3A_627 = tpu.vector_load %arg29[%swap3A_625, %swap3A_626] {strides = array<i32>} : memref<96x64xf32, #tpu.memory_space<vmem>>, vector<1x16xf32>,
          %swap3A_628 = vector.shape_cast %swap3A_627 : vector<1x16xf32> to vector<16xf32>
          %swap3A_629 = vector.shape_cast %sub3A_624 : vector<16xf32> to vector<1x16xf32>
          tpu.vector_store %arg29[%swap3A_625, %swap3A_626], %swap3A_629 {strides = array<i32>} : memref<96x64xf32, #tpu.memory_space<vmem>>, vector<1x16xf32>,
          %neg3A_630 = arith.constant 0.000000e+00 : f32
          %neg3A_631 = vector.broadcast %neg3A_630 : f32 to vector<16xf32>
          %neg3A_632 = arith.subf %neg3A_631, %sub3A_624 : vector<16xf32>
          %swap3A_633 = arith.index_cast %add3A_584 : i32 to index
          %swap3A_634 = arith.constant 16 : index
          %swap3A_635 = tpu.vector_load %arg30[%swap3A_633, %swap3A_634] {strides = array<i32>} : memref<96x64xf32, #tpu.memory_space<vmem>>, vector<1x16xf32>,
          %swap3A_636 = vector.shape_cast %swap3A_635 : vector<1x16xf32> to vector<16xf32>
          %swap3A_637 = vector.shape_cast %neg3A_632 : vector<16xf32> to vector<1x16xf32>
          tpu.vector_store %arg30[%swap3A_633, %swap3A_634], %swap3A_637 {strides = array<i32>} : memref<96x64xf32, #tpu.memory_space<vmem>>, vector<1x16xf32>,
          %get3A_638 = arith.index_cast %add3A_584 : i32 to index
          %get3A_639 = arith.constant 32 : index
          %get3A_640 = tpu.vector_load %arg24[%get3A_638, %get3A_639] {strides = array<i32>} : memref<96x64xf32, #tpu.memory_space<vmem>>, vector<1x16xf32>,
          %get3A_641 = vector.shape_cast %get3A_640 : vector<1x16xf32> to vector<16xf32>
          %get3A_642 = arith.index_cast %add3A_584 : i32 to index
          %get3A_643 = arith.constant 32 : index
          %get3A_644 = tpu.vector_load %arg26[%get3A_642, %get3A_643] {strides = array<i32>} : memref<96x64xf32, #tpu.memory_space<vmem>>, vector<1x16xf32>,
          %get3A_645 = vector.shape_cast %get3A_644 : vector<1x16xf32> to vector<16xf32>
          %add3A_646 = arith.addf %get3A_641, %get3A_645 : vector<16xf32>
          %get3A_647 = arith.index_cast %add3A_584 : i32 to index
          %get3A_648 = arith.constant 32 : index
          %get3A_649 = tpu.vector_load %arg28[%get3A_647, %get3A_648] {strides = array<i32>} : memref<96x64xf32, #tpu.memory_space<vmem>>, vector<1x16xf32>,
          %get3A_650 = vector.shape_cast %get3A_649 : vector<1x16xf32> to vector<16xf32>
          %sub3A_651 = arith.subf %add3A_646, %get3A_650 : vector<16xf32>
          %swap3A_652 = arith.index_cast %add3A_584 : i32 to index
          %swap3A_653 = arith.constant 32 : index
          %swap3A_654 = tpu.vector_load %arg29[%swap3A_652, %swap3A_653] {strides = array<i32>} : memref<96x64xf32, #tpu.memory_space<vmem>>, vector<1x16xf32>,
          %swap3A_655 = vector.shape_cast %swap3A_654 : vector<1x16xf32> to vector<16xf32>
          %swap3A_656 = vector.shape_cast %sub3A_651 : vector<16xf32> to vector<1x16xf32>
          tpu.vector_store %arg29[%swap3A_652, %swap3A_653], %swap3A_656 {strides = array<i32>} : memref<96x64xf32, #tpu.memory_space<vmem>>, vector<1x16xf32>,
          %neg3A_657 = arith.constant 0.000000e+00 : f32
          %neg3A_658 = vector.broadcast %neg3A_657 : f32 to vector<16xf32>
          %neg3A_659 = arith.subf %neg3A_658, %sub3A_651 : vector<16xf32>
          %swap3A_660 = arith.index_cast %add3A_584 : i32 to index
          %swap3A_661 = arith.constant 32 : index
          %swap3A_662 = tpu.vector_load %arg30[%swap3A_660, %swap3A_661] {strides = array<i32>} : memref<96x64xf32, #tpu.memory_space<vmem>>, vector<1x16xf32>,
          %swap3A_663 = vector.shape_cast %swap3A_662 : vector<1x16xf32> to vector<16xf32>
          %swap3A_664 = vector.shape_cast %neg3A_659 : vector<16xf32> to vector<1x16xf32>
          tpu.vector_store %arg30[%swap3A_660, %swap3A_661], %swap3A_664 {strides = array<i32>} : memref<96x64xf32, #tpu.memory_space<vmem>>, vector<1x16xf32>,
          %get3A_665 = arith.index_cast %add3A_584 : i32 to index
          %get3A_666 = arith.constant 48 : index
          %get3A_667 = tpu.vector_load %arg24[%get3A_665, %get3A_666] {strides = array<i32>} : memref<96x64xf32, #tpu.memory_space<vmem>>, vector<1x16xf32>,
          %get3A_668 = vector.shape_cast %get3A_667 : vector<1x16xf32> to vector<16xf32>
          %get3A_669 = arith.index_cast %add3A_584 : i32 to index
          %get3A_670 = arith.constant 48 : index
          %get3A_671 = tpu.vector_load %arg26[%get3A_669, %get3A_670] {strides = array<i32>} : memref<96x64xf32, #tpu.memory_space<vmem>>, vector<1x16xf32>,
          %get3A_672 = vector.shape_cast %get3A_671 : vector<1x16xf32> to vector<16xf32>
          %add3A_673 = arith.addf %get3A_668, %get3A_672 : vector<16xf32>
          %get3A_674 = arith.index_cast %add3A_584 : i32 to index
          %get3A_675 = arith.constant 48 : index
          %get3A_676 = tpu.vector_load %arg28[%get3A_674, %get3A_675] {strides = array<i32>} : memref<96x64xf32, #tpu.memory_space<vmem>>, vector<1x16xf32>,
          %get3A_677 = vector.shape_cast %get3A_676 : vector<1x16xf32> to vector<16xf32>
          %sub3A_678 = arith.subf %add3A_673, %get3A_677 : vector<16xf32>
          %swap3A_679 = arith.index_cast %add3A_584 : i32 to index
          %swap3A_680 = arith.constant 48 : index
          %swap3A_681 = tpu.vector_load %arg29[%swap3A_679, %swap3A_680] {strides = array<i32>} : memref<96x64xf32, #tpu.memory_space<vmem>>, vector<1x16xf32>,
          %swap3A_682 = vector.shape_cast %swap3A_681 : vector<1x16xf32> to vector<16xf32>
          %swap3A_683 = vector.shape_cast %sub3A_678 : vector<16xf32> to vector<1x16xf32>
          tpu.vector_store %arg29[%swap3A_679, %swap3A_680], %swap3A_683 {strides = array<i32>} : memref<96x64xf32, #tpu.memory_space<vmem>>, vector<1x16xf32>,
          %neg3A_684 = arith.constant 0.000000e+00 : f32
          %neg3A_685 = vector.broadcast %neg3A_684 : f32 to vector<16xf32>
          %neg3A_686 = arith.subf %neg3A_685, %sub3A_678 : vector<16xf32>
          %swap3A_687 = arith.index_cast %add3A_584 : i32 to index
          %swap3A_688 = arith.constant 48 : index
          %swap3A_689 = tpu.vector_load %arg30[%swap3A_687, %swap3A_688] {strides = array<i32>} : memref<96x64xf32, #tpu.memory_space<vmem>>, vector<1x16xf32>,
          %swap3A_690 = vector.shape_cast %swap3A_689 : vector<1x16xf32> to vector<16xf32>
          %swap3A_691 = vector.shape_cast %neg3A_686 : vector<16xf32> to vector<1x16xf32>
          tpu.vector_store %arg30[%swap3A_687, %swap3A_688], %swap3A_691 {strides = array<i32>} : memref<96x64xf32, #tpu.memory_space<vmem>>, vector<1x16xf32>,
        }
        %scan3A_570 = arith.constant 96 : i32
        %dma_start3A_571 = arith.constant 0 : i32
        %dma_start3A_572 = arith.constant 0 : i32
        %dma_start3A_573 = tpu.memref_slice %arg9[%dma_start3A_571, %dma_start3A_572] : memref<10008x64xf32, #tpu.memory_space<vmem_shared>> -> memref<10008x64xf32, #tpu.memory_space<vmem_shared>>
        tpu.enqueue_indirect_dma source(%arg30 : memref<96x64xf32, #tpu.memory_space<vmem>>) target(%dma_start3A_573 : memref<10008x64xf32, #tpu.memory_space<vmem_shared>>) offsets(%arg11 : memref<96xi32, #tpu.memory_space<vmem>>) semaphore(%arg36 : memref<!tpu.dma_semaphore, #tpu.memory_space<semaphore_mem>>) {add = true}
        %dma_start3A_574 = arith.constant 0 : i32
        %dma_start3A_575 = arith.constant 0 : i32
        %dma_start3A_576 = tpu.memref_slice %arg9[%dma_start3A_574, %dma_start3A_575] : memref<10008x64xf32, #tpu.memory_space<vmem_shared>> -> memref<10008x64xf32, #tpu.memory_space<vmem_shared>>
        tpu.enqueue_indirect_dma source(%arg29 : memref<96x64xf32, #tpu.memory_space<vmem>>) target(%dma_start3A_576 : memref<10008x64xf32, #tpu.memory_space<vmem_shared>>) offsets(%arg17 : memref<96xi32, #tpu.memory_space<vmem>>) semaphore(%arg36 : memref<!tpu.dma_semaphore, #tpu.memory_space<semaphore_mem>>) {add = true}
        %dma_start3A_577 = arith.constant 0 : i32
        %dma_start3A_578 = arith.constant 0 : i32
        %dma_start3A_579 = tpu.memref_slice %arg10[%dma_start3A_577, %dma_start3A_578] : memref<10008x64xf32, #tpu.memory_space<vmem_shared>> -> memref<10008x64xf32, #tpu.memory_space<vmem_shared>>
        tpu.enqueue_indirect_dma source(%arg30 : memref<96x64xf32, #tpu.memory_space<vmem>>) target(%dma_start3A_579 : memref<10008x64xf32, #tpu.memory_space<vmem_shared>>) offsets(%arg14 : memref<96xi32, #tpu.memory_space<vmem>>) semaphore(%arg36 : memref<!tpu.dma_semaphore, #tpu.memory_space<semaphore_mem>>) {add = true}
      } else {
      }
      %mul3A_490 = arith.constant 6 : i32
      %mul3A_491 = arith.muli %add3A_343, %mul3A_490 : i32
      %add3A_492 = arith.constant 4 : i32
      %add3A_493 = arith.addi %mul3A_491, %add3A_492 : i32
      %lt3A_494 = arith.constant 105 : i32
      %lt3A_495 = arith.cmpi slt, %add3A_493, %lt3A_494 : i32
      %convert_element_type3A_496 = arith.extui %lt3A_495 : i1 to i32
      %cond3A_497 = arith.constant 0 : i32
      %cond3A_498 = arith.cmpi ne, %convert_element_type3A_496, %cond3A_497 : i32
      scf.if %cond3A_498 {
        %dma_wait3A = arith.constant 0 : i32
        %dma_wait3A_566 = arith.constant 0 : i32
        %dma_wait3A_567 = tpu.memref_slice %arg2[%dma_wait3A, %dma_wait3A_566] : memref<20016x64xf32, #tpu.memory_space<hbm>> -> memref<96x64xf32, #tpu.memory_space<hbm>>
        %dma_wait3A_568 = arith.constant 0 : i32
        %dma_wait3A_569 = arith.constant 0 : i32
        %dma_wait3A_570 = tpu.memref_slice %arg2[%dma_wait3A_568, %dma_wait3A_569] : memref<20016x64xf32, #tpu.memory_space<hbm>> -> memref<96x64xf32, #tpu.memory_space<hbm>>
        tpu.wait_dma2 semaphore(%arg31 : memref<!tpu.dma_semaphore, #tpu.memory_space<semaphore_mem>>) src(%dma_wait3A_570 : memref<96x64xf32, #tpu.memory_space<hbm>>) dst(%arg23 : memref<96x64xf32, #tpu.memory_space<vmem>>)
        %dma_wait3A_571 = arith.constant 0 : i32
        %dma_wait3A_572 = arith.constant 0 : i32
        %dma_wait3A_573 = tpu.memref_slice %arg2[%dma_wait3A_571, %dma_wait3A_572] : memref<20016x64xf32, #tpu.memory_space<hbm>> -> memref<96x64xf32, #tpu.memory_space<hbm>>
        %dma_wait3A_574 = arith.constant 0 : i32
        %dma_wait3A_575 = arith.constant 0 : i32
        %dma_wait3A_576 = tpu.memref_slice %arg2[%dma_wait3A_574, %dma_wait3A_575] : memref<20016x64xf32, #tpu.memory_space<hbm>> -> memref<96x64xf32, #tpu.memory_space<hbm>>
        tpu.wait_dma2 semaphore(%arg31 : memref<!tpu.dma_semaphore, #tpu.memory_space<semaphore_mem>>) src(%dma_wait3A_576 : memref<96x64xf32, #tpu.memory_space<hbm>>) dst(%arg25 : memref<96x64xf32, #tpu.memory_space<vmem>>)
        %dma_wait3A_577 = arith.constant 0 : i32
        %dma_wait3A_578 = arith.constant 0 : i32
        %dma_wait3A_579 = tpu.memref_slice %arg2[%dma_wait3A_577, %dma_wait3A_578] : memref<20016x64xf32, #tpu.memory_space<hbm>> -> memref<96x64xf32, #tpu.memory_space<hbm>>
        %dma_wait3A_580 = arith.constant 0 : i32
        %dma_wait3A_581 = arith.constant 0 : i32
        %dma_wait3A_582 = tpu.memref_slice %arg2[%dma_wait3A_580, %dma_wait3A_581] : memref<20016x64xf32, #tpu.memory_space<hbm>> -> memref<96x64xf32, #tpu.memory_space<hbm>>
        tpu.wait_dma2 semaphore(%arg31 : memref<!tpu.dma_semaphore, #tpu.memory_space<semaphore_mem>>) src(%dma_wait3A_582 : memref<96x64xf32, #tpu.memory_space<hbm>>) dst(%arg27 : memref<96x64xf32, #tpu.memory_space<vmem>>)
      } else {
      }
      %add3A_499 = arith.constant 1 : i32
      %add3A_500 = arith.addi %add3A_493, %add3A_499 : i32
      %lt3A_501 = arith.constant 105 : i32
      %lt3A_502 = arith.cmpi slt, %add3A_500, %lt3A_501 : i32
      %convert_element_type3A_503 = arith.extui %lt3A_502 : i1 to i32
      %cond3A_504 = arith.constant 0 : i32
      %cond3A_505 = arith.cmpi ne, %convert_element_type3A_503, %cond3A_504 : i32
      scf.if %cond3A_505 {
        %dma_wait3A = arith.constant 0 : i32
        %dma_wait3A_566 = tpu.memref_slice %arg4[%dma_wait3A] : memref<161280xi32, #tpu.memory_space<hbm>> -> memref<96xi32, #tpu.memory_space<hbm>>
        %dma_wait3A_567 = arith.constant 0 : i32
        %dma_wait3A_568 = tpu.memref_slice %arg4[%dma_wait3A_567] : memref<161280xi32, #tpu.memory_space<hbm>> -> memref<96xi32, #tpu.memory_space<hbm>>
        tpu.wait_dma2 semaphore(%arg35 : memref<!tpu.dma_semaphore, #tpu.memory_space<semaphore_mem>>) src(%dma_wait3A_568 : memref<96xi32, #tpu.memory_space<hbm>>) dst(%arg13 : memref<96xi32, #tpu.memory_space<vmem>>)
        %dma_wait3A_569 = arith.constant 0 : i32
        %dma_wait3A_570 = tpu.memref_slice %arg4[%dma_wait3A_569] : memref<161280xi32, #tpu.memory_space<hbm>> -> memref<96xi32, #tpu.memory_space<hbm>>
        %dma_wait3A_571 = arith.constant 0 : i32
        %dma_wait3A_572 = tpu.memref_slice %arg4[%dma_wait3A_571] : memref<161280xi32, #tpu.memory_space<hbm>> -> memref<96xi32, #tpu.memory_space<hbm>>
        tpu.wait_dma2 semaphore(%arg35 : memref<!tpu.dma_semaphore, #tpu.memory_space<semaphore_mem>>) src(%dma_wait3A_572 : memref<96xi32, #tpu.memory_space<hbm>>) dst(%arg16 : memref<96xi32, #tpu.memory_space<vmem>>)
        %dma_wait3A_573 = arith.constant 0 : i32
        %dma_wait3A_574 = tpu.memref_slice %arg4[%dma_wait3A_573] : memref<161280xi32, #tpu.memory_space<hbm>> -> memref<96xi32, #tpu.memory_space<hbm>>
        %dma_wait3A_575 = arith.constant 0 : i32
        %dma_wait3A_576 = tpu.memref_slice %arg4[%dma_wait3A_575] : memref<161280xi32, #tpu.memory_space<hbm>> -> memref<96xi32, #tpu.memory_space<hbm>>
        tpu.wait_dma2 semaphore(%arg35 : memref<!tpu.dma_semaphore, #tpu.memory_space<semaphore_mem>>) src(%dma_wait3A_576 : memref<96xi32, #tpu.memory_space<hbm>>) dst(%arg19 : memref<96xi32, #tpu.memory_space<vmem>>)
        %get3A_577 = arith.constant 0 : index
        %get3A_578 = tpu.vector_load %arg13[%get3A_577] {strides = array<i32>} : memref<96xi32, #tpu.memory_space<vmem>>, vector<16xi32>,
        %get3A_579 = vector.shape_cast %get3A_578 : vector<16xi32> to vector<16xi32>
        %add3A_580 = vector.broadcast %mul3A_0 : i32 to vector<16xi32>
        %add3A_581 = arith.addi %get3A_579, %add3A_580 : vector<16xi32>
        %swap3A_582 = arith.constant 0 : index
        %swap3A_583 = tpu.vector_load %arg20[%swap3A_582] {strides = array<i32>} : memref<96xi32, #tpu.memory_space<vmem>>, vector<16xi32>,
        %swap3A_584 = vector.shape_cast %swap3A_583 : vector<16xi32> to vector<16xi32>
        %swap3A_585 = vector.shape_cast %add3A_581 : vector<16xi32> to vector<16xi32>
        tpu.vector_store %arg20[%swap3A_582], %swap3A_585 {strides = array<i32>} : memref<96xi32, #tpu.memory_space<vmem>>, vector<16xi32>,
        %get3A_586 = arith.constant 0 : index
        %get3A_587 = tpu.vector_load %arg16[%get3A_586] {strides = array<i32>} : memref<96xi32, #tpu.memory_space<vmem>>, vector<16xi32>,
        %get3A_588 = vector.shape_cast %get3A_587 : vector<16xi32> to vector<16xi32>
        %add3A_589 = vector.broadcast %mul3A_0 : i32 to vector<16xi32>
        %add3A_590 = arith.addi %get3A_588, %add3A_589 : vector<16xi32>
        %swap3A_591 = arith.constant 0 : index
        %swap3A_592 = tpu.vector_load %arg21[%swap3A_591] {strides = array<i32>} : memref<96xi32, #tpu.memory_space<vmem>>, vector<16xi32>,
        %swap3A_593 = vector.shape_cast %swap3A_592 : vector<16xi32> to vector<16xi32>
        %swap3A_594 = vector.shape_cast %add3A_590 : vector<16xi32> to vector<16xi32>
        tpu.vector_store %arg21[%swap3A_591], %swap3A_594 {strides = array<i32>} : memref<96xi32, #tpu.memory_space<vmem>>, vector<16xi32>,
        %get3A_595 = arith.constant 0 : index
        %get3A_596 = tpu.vector_load %arg19[%get3A_595] {strides = array<i32>} : memref<96xi32, #tpu.memory_space<vmem>>, vector<16xi32>,
        %get3A_597 = vector.shape_cast %get3A_596 : vector<16xi32> to vector<16xi32>
        %add3A_598 = vector.broadcast %mul3A_0 : i32 to vector<16xi32>
        %add3A_599 = arith.addi %get3A_597, %add3A_598 : vector<16xi32>
        %swap3A_600 = arith.constant 0 : index
        %swap3A_601 = tpu.vector_load %arg22[%swap3A_600] {strides = array<i32>} : memref<96xi32, #tpu.memory_space<vmem>>, vector<16xi32>,
        %swap3A_602 = vector.shape_cast %swap3A_601 : vector<16xi32> to vector<16xi32>
        %swap3A_603 = vector.shape_cast %add3A_599 : vector<16xi32> to vector<16xi32>
        tpu.vector_store %arg22[%swap3A_600], %swap3A_603 {strides = array<i32>} : memref<96xi32, #tpu.memory_space<vmem>>, vector<16xi32>,
        %get3A_604 = arith.constant 16 : index
        %get3A_605 = tpu.vector_load %arg13[%get3A_604] {strides = array<i32>} : memref<96xi32, #tpu.memory_space<vmem>>, vector<16xi32>,
        %get3A_606 = vector.shape_cast %get3A_605 : vector<16xi32> to vector<16xi32>
        %add3A_607 = vector.broadcast %mul3A_0 : i32 to vector<16xi32>
        %add3A_608 = arith.addi %get3A_606, %add3A_607 : vector<16xi32>
        %swap3A_609 = arith.constant 16 : index
        %swap3A_610 = tpu.vector_load %arg20[%swap3A_609] {strides = array<i32>} : memref<96xi32, #tpu.memory_space<vmem>>, vector<16xi32>,
        %swap3A_611 = vector.shape_cast %swap3A_610 : vector<16xi32> to vector<16xi32>
        %swap3A_612 = vector.shape_cast %add3A_608 : vector<16xi32> to vector<16xi32>
        tpu.vector_store %arg20[%swap3A_609], %swap3A_612 {strides = array<i32>} : memref<96xi32, #tpu.memory_space<vmem>>, vector<16xi32>,
        %get3A_613 = arith.constant 16 : index
        %get3A_614 = tpu.vector_load %arg16[%get3A_613] {strides = array<i32>} : memref<96xi32, #tpu.memory_space<vmem>>, vector<16xi32>,
        %get3A_615 = vector.shape_cast %get3A_614 : vector<16xi32> to vector<16xi32>
        %add3A_616 = vector.broadcast %mul3A_0 : i32 to vector<16xi32>
        %add3A_617 = arith.addi %get3A_615, %add3A_616 : vector<16xi32>
        %swap3A_618 = arith.constant 16 : index
        %swap3A_619 = tpu.vector_load %arg21[%swap3A_618] {strides = array<i32>} : memref<96xi32, #tpu.memory_space<vmem>>, vector<16xi32>,
        %swap3A_620 = vector.shape_cast %swap3A_619 : vector<16xi32> to vector<16xi32>
        %swap3A_621 = vector.shape_cast %add3A_617 : vector<16xi32> to vector<16xi32>
        tpu.vector_store %arg21[%swap3A_618], %swap3A_621 {strides = array<i32>} : memref<96xi32, #tpu.memory_space<vmem>>, vector<16xi32>,
        %get3A_622 = arith.constant 16 : index
        %get3A_623 = tpu.vector_load %arg19[%get3A_622] {strides = array<i32>} : memref<96xi32, #tpu.memory_space<vmem>>, vector<16xi32>,
        %get3A_624 = vector.shape_cast %get3A_623 : vector<16xi32> to vector<16xi32>
        %add3A_625 = vector.broadcast %mul3A_0 : i32 to vector<16xi32>
        %add3A_626 = arith.addi %get3A_624, %add3A_625 : vector<16xi32>
        %swap3A_627 = arith.constant 16 : index
        %swap3A_628 = tpu.vector_load %arg22[%swap3A_627] {strides = array<i32>} : memref<96xi32, #tpu.memory_space<vmem>>, vector<16xi32>,
        %swap3A_629 = vector.shape_cast %swap3A_628 : vector<16xi32> to vector<16xi32>
        %swap3A_630 = vector.shape_cast %add3A_626 : vector<16xi32> to vector<16xi32>
        tpu.vector_store %arg22[%swap3A_627], %swap3A_630 {strides = array<i32>} : memref<96xi32, #tpu.memory_space<vmem>>, vector<16xi32>,
        %get3A_631 = arith.constant 32 : index
        %get3A_632 = tpu.vector_load %arg13[%get3A_631] {strides = array<i32>} : memref<96xi32, #tpu.memory_space<vmem>>, vector<16xi32>,
        %get3A_633 = vector.shape_cast %get3A_632 : vector<16xi32> to vector<16xi32>
        %add3A_634 = vector.broadcast %mul3A_0 : i32 to vector<16xi32>
        %add3A_635 = arith.addi %get3A_633, %add3A_634 : vector<16xi32>
        %swap3A_636 = arith.constant 32 : index
        %swap3A_637 = tpu.vector_load %arg20[%swap3A_636] {strides = array<i32>} : memref<96xi32, #tpu.memory_space<vmem>>, vector<16xi32>,
        %swap3A_638 = vector.shape_cast %swap3A_637 : vector<16xi32> to vector<16xi32>
        %swap3A_639 = vector.shape_cast %add3A_635 : vector<16xi32> to vector<16xi32>
        tpu.vector_store %arg20[%swap3A_636], %swap3A_639 {strides = array<i32>} : memref<96xi32, #tpu.memory_space<vmem>>, vector<16xi32>,
        %get3A_640 = arith.constant 32 : index
        %get3A_641 = tpu.vector_load %arg16[%get3A_640] {strides = array<i32>} : memref<96xi32, #tpu.memory_space<vmem>>, vector<16xi32>,
        %get3A_642 = vector.shape_cast %get3A_641 : vector<16xi32> to vector<16xi32>
        %add3A_643 = vector.broadcast %mul3A_0 : i32 to vector<16xi32>
        %add3A_644 = arith.addi %get3A_642, %add3A_643 : vector<16xi32>
        %swap3A_645 = arith.constant 32 : index
        %swap3A_646 = tpu.vector_load %arg21[%swap3A_645] {strides = array<i32>} : memref<96xi32, #tpu.memory_space<vmem>>, vector<16xi32>,
        %swap3A_647 = vector.shape_cast %swap3A_646 : vector<16xi32> to vector<16xi32>
        %swap3A_648 = vector.shape_cast %add3A_644 : vector<16xi32> to vector<16xi32>
        tpu.vector_store %arg21[%swap3A_645], %swap3A_648 {strides = array<i32>} : memref<96xi32, #tpu.memory_space<vmem>>, vector<16xi32>,
        %get3A_649 = arith.constant 32 : index
        %get3A_650 = tpu.vector_load %arg19[%get3A_649] {strides = array<i32>} : memref<96xi32, #tpu.memory_space<vmem>>, vector<16xi32>,
        %get3A_651 = vector.shape_cast %get3A_650 : vector<16xi32> to vector<16xi32>
        %add3A_652 = vector.broadcast %mul3A_0 : i32 to vector<16xi32>
        %add3A_653 = arith.addi %get3A_651, %add3A_652 : vector<16xi32>
        %swap3A_654 = arith.constant 32 : index
        %swap3A_655 = tpu.vector_load %arg22[%swap3A_654] {strides = array<i32>} : memref<96xi32, #tpu.memory_space<vmem>>, vector<16xi32>,
        %swap3A_656 = vector.shape_cast %swap3A_655 : vector<16xi32> to vector<16xi32>
        %swap3A_657 = vector.shape_cast %add3A_653 : vector<16xi32> to vector<16xi32>
        tpu.vector_store %arg22[%swap3A_654], %swap3A_657 {strides = array<i32>} : memref<96xi32, #tpu.memory_space<vmem>>, vector<16xi32>,
        %get3A_658 = arith.constant 48 : index
        %get3A_659 = tpu.vector_load %arg13[%get3A_658] {strides = array<i32>} : memref<96xi32, #tpu.memory_space<vmem>>, vector<16xi32>,
        %get3A_660 = vector.shape_cast %get3A_659 : vector<16xi32> to vector<16xi32>
        %add3A_661 = vector.broadcast %mul3A_0 : i32 to vector<16xi32>
        %add3A_662 = arith.addi %get3A_660, %add3A_661 : vector<16xi32>
        %swap3A_663 = arith.constant 48 : index
        %swap3A_664 = tpu.vector_load %arg20[%swap3A_663] {strides = array<i32>} : memref<96xi32, #tpu.memory_space<vmem>>, vector<16xi32>,
        %swap3A_665 = vector.shape_cast %swap3A_664 : vector<16xi32> to vector<16xi32>
        %swap3A_666 = vector.shape_cast %add3A_662 : vector<16xi32> to vector<16xi32>
        tpu.vector_store %arg20[%swap3A_663], %swap3A_666 {strides = array<i32>} : memref<96xi32, #tpu.memory_space<vmem>>, vector<16xi32>,
        %get3A_667 = arith.constant 48 : index
        %get3A_668 = tpu.vector_load %arg16[%get3A_667] {strides = array<i32>} : memref<96xi32, #tpu.memory_space<vmem>>, vector<16xi32>,
        %get3A_669 = vector.shape_cast %get3A_668 : vector<16xi32> to vector<16xi32>
        %add3A_670 = vector.broadcast %mul3A_0 : i32 to vector<16xi32>
        %add3A_671 = arith.addi %get3A_669, %add3A_670 : vector<16xi32>
        %swap3A_672 = arith.constant 48 : index
        %swap3A_673 = tpu.vector_load %arg21[%swap3A_672] {strides = array<i32>} : memref<96xi32, #tpu.memory_space<vmem>>, vector<16xi32>,
        %swap3A_674 = vector.shape_cast %swap3A_673 : vector<16xi32> to vector<16xi32>
        %swap3A_675 = vector.shape_cast %add3A_671 : vector<16xi32> to vector<16xi32>
        tpu.vector_store %arg21[%swap3A_672], %swap3A_675 {strides = array<i32>} : memref<96xi32, #tpu.memory_space<vmem>>, vector<16xi32>,
        %get3A_676 = arith.constant 48 : index
        %get3A_677 = tpu.vector_load %arg19[%get3A_676] {strides = array<i32>} : memref<96xi32, #tpu.memory_space<vmem>>, vector<16xi32>,
        %get3A_678 = vector.shape_cast %get3A_677 : vector<16xi32> to vector<16xi32>
        %add3A_679 = vector.broadcast %mul3A_0 : i32 to vector<16xi32>
        %add3A_680 = arith.addi %get3A_678, %add3A_679 : vector<16xi32>
        %swap3A_681 = arith.constant 48 : index
        %swap3A_682 = tpu.vector_load %arg22[%swap3A_681] {strides = array<i32>} : memref<96xi32, #tpu.memory_space<vmem>>, vector<16xi32>,
        %swap3A_683 = vector.shape_cast %swap3A_682 : vector<16xi32> to vector<16xi32>
        %swap3A_684 = vector.shape_cast %add3A_680 : vector<16xi32> to vector<16xi32>
        tpu.vector_store %arg22[%swap3A_681], %swap3A_684 {strides = array<i32>} : memref<96xi32, #tpu.memory_space<vmem>>, vector<16xi32>,
        %get3A_685 = arith.constant 64 : index
        %get3A_686 = tpu.vector_load %arg13[%get3A_685] {strides = array<i32>} : memref<96xi32, #tpu.memory_space<vmem>>, vector<16xi32>,
        %get3A_687 = vector.shape_cast %get3A_686 : vector<16xi32> to vector<16xi32>
        %add3A_688 = vector.broadcast %mul3A_0 : i32 to vector<16xi32>
        %add3A_689 = arith.addi %get3A_687, %add3A_688 : vector<16xi32>
        %swap3A_690 = arith.constant 64 : index
        %swap3A_691 = tpu.vector_load %arg20[%swap3A_690] {strides = array<i32>} : memref<96xi32, #tpu.memory_space<vmem>>, vector<16xi32>,
        %swap3A_692 = vector.shape_cast %swap3A_691 : vector<16xi32> to vector<16xi32>
        %swap3A_693 = vector.shape_cast %add3A_689 : vector<16xi32> to vector<16xi32>
        tpu.vector_store %arg20[%swap3A_690], %swap3A_693 {strides = array<i32>} : memref<96xi32, #tpu.memory_space<vmem>>, vector<16xi32>,
        %get3A_694 = arith.constant 64 : index
        %get3A_695 = tpu.vector_load %arg16[%get3A_694] {strides = array<i32>} : memref<96xi32, #tpu.memory_space<vmem>>, vector<16xi32>,
        %get3A_696 = vector.shape_cast %get3A_695 : vector<16xi32> to vector<16xi32>
        %add3A_697 = vector.broadcast %mul3A_0 : i32 to vector<16xi32>
        %add3A_698 = arith.addi %get3A_696, %add3A_697 : vector<16xi32>
        %swap3A_699 = arith.constant 64 : index
        %swap3A_700 = tpu.vector_load %arg21[%swap3A_699] {strides = array<i32>} : memref<96xi32, #tpu.memory_space<vmem>>, vector<16xi32>,
        %swap3A_701 = vector.shape_cast %swap3A_700 : vector<16xi32> to vector<16xi32>
        %swap3A_702 = vector.shape_cast %add3A_698 : vector<16xi32> to vector<16xi32>
        tpu.vector_store %arg21[%swap3A_699], %swap3A_702 {strides = array<i32>} : memref<96xi32, #tpu.memory_space<vmem>>, vector<16xi32>,
        %get3A_703 = arith.constant 64 : index
        %get3A_704 = tpu.vector_load %arg19[%get3A_703] {strides = array<i32>} : memref<96xi32, #tpu.memory_space<vmem>>, vector<16xi32>,
        %get3A_705 = vector.shape_cast %get3A_704 : vector<16xi32> to vector<16xi32>
        %add3A_706 = vector.broadcast %mul3A_0 : i32 to vector<16xi32>
        %add3A_707 = arith.addi %get3A_705, %add3A_706 : vector<16xi32>
        %swap3A_708 = arith.constant 64 : index
        %swap3A_709 = tpu.vector_load %arg22[%swap3A_708] {strides = array<i32>} : memref<96xi32, #tpu.memory_space<vmem>>, vector<16xi32>,
        %swap3A_710 = vector.shape_cast %swap3A_709 : vector<16xi32> to vector<16xi32>
        %swap3A_711 = vector.shape_cast %add3A_707 : vector<16xi32> to vector<16xi32>
        tpu.vector_store %arg22[%swap3A_708], %swap3A_711 {strides = array<i32>} : memref<96xi32, #tpu.memory_space<vmem>>, vector<16xi32>,
        %get3A_712 = arith.constant 80 : index
        %get3A_713 = tpu.vector_load %arg13[%get3A_712] {strides = array<i32>} : memref<96xi32, #tpu.memory_space<vmem>>, vector<16xi32>,
        %get3A_714 = vector.shape_cast %get3A_713 : vector<16xi32> to vector<16xi32>
        %add3A_715 = vector.broadcast %mul3A_0 : i32 to vector<16xi32>
        %add3A_716 = arith.addi %get3A_714, %add3A_715 : vector<16xi32>
        %swap3A_717 = arith.constant 80 : index
        %swap3A_718 = tpu.vector_load %arg20[%swap3A_717] {strides = array<i32>} : memref<96xi32, #tpu.memory_space<vmem>>, vector<16xi32>,
        %swap3A_719 = vector.shape_cast %swap3A_718 : vector<16xi32> to vector<16xi32>
        %swap3A_720 = vector.shape_cast %add3A_716 : vector<16xi32> to vector<16xi32>
        tpu.vector_store %arg20[%swap3A_717], %swap3A_720 {strides = array<i32>} : memref<96xi32, #tpu.memory_space<vmem>>, vector<16xi32>,
        %get3A_721 = arith.constant 80 : index
        %get3A_722 = tpu.vector_load %arg16[%get3A_721] {strides = array<i32>} : memref<96xi32, #tpu.memory_space<vmem>>, vector<16xi32>,
        %get3A_723 = vector.shape_cast %get3A_722 : vector<16xi32> to vector<16xi32>
        %add3A_724 = vector.broadcast %mul3A_0 : i32 to vector<16xi32>
        %add3A_725 = arith.addi %get3A_723, %add3A_724 : vector<16xi32>
        %swap3A_726 = arith.constant 80 : index
        %swap3A_727 = tpu.vector_load %arg21[%swap3A_726] {strides = array<i32>} : memref<96xi32, #tpu.memory_space<vmem>>, vector<16xi32>,
        %swap3A_728 = vector.shape_cast %swap3A_727 : vector<16xi32> to vector<16xi32>
        %swap3A_729 = vector.shape_cast %add3A_725 : vector<16xi32> to vector<16xi32>
        tpu.vector_store %arg21[%swap3A_726], %swap3A_729 {strides = array<i32>} : memref<96xi32, #tpu.memory_space<vmem>>, vector<16xi32>,
        %get3A_730 = arith.constant 80 : index
        %get3A_731 = tpu.vector_load %arg19[%get3A_730] {strides = array<i32>} : memref<96xi32, #tpu.memory_space<vmem>>, vector<16xi32>,
        %get3A_732 = vector.shape_cast %get3A_731 : vector<16xi32> to vector<16xi32>
        %add3A_733 = vector.broadcast %mul3A_0 : i32 to vector<16xi32>
        %add3A_734 = arith.addi %get3A_732, %add3A_733 : vector<16xi32>
        %swap3A_735 = arith.constant 80 : index
        %swap3A_736 = tpu.vector_load %arg22[%swap3A_735] {strides = array<i32>} : memref<96xi32, #tpu.memory_space<vmem>>, vector<16xi32>,
        %swap3A_737 = vector.shape_cast %swap3A_736 : vector<16xi32> to vector<16xi32>
        %swap3A_738 = vector.shape_cast %add3A_734 : vector<16xi32> to vector<16xi32>
        tpu.vector_store %arg22[%swap3A_735], %swap3A_738 {strides = array<i32>} : memref<96xi32, #tpu.memory_space<vmem>>, vector<16xi32>,
        %dma_start3A_739 = arith.constant 0 : i32
        %dma_start3A_740 = arith.constant 0 : i32
        %dma_start3A_741 = tpu.memref_slice %arg2[%dma_start3A_739, %dma_start3A_740] : memref<20016x64xf32, #tpu.memory_space<hbm>> -> memref<20016x64xf32, #tpu.memory_space<hbm>>
        tpu.enqueue_indirect_dma source(%dma_start3A_741 : memref<20016x64xf32, #tpu.memory_space<hbm>>) target(%arg24 : memref<96x64xf32, #tpu.memory_space<vmem>>) offsets(%arg20 : memref<96xi32, #tpu.memory_space<vmem>>) semaphore(%arg32 : memref<!tpu.dma_semaphore, #tpu.memory_space<semaphore_mem>>)
        %dma_start3A_742 = arith.constant 0 : i32
        %dma_start3A_743 = arith.constant 0 : i32
        %dma_start3A_744 = tpu.memref_slice %arg3[%dma_start3A_742, %dma_start3A_743] : memref<20016x64xf32, #tpu.memory_space<hbm>> -> memref<20016x64xf32, #tpu.memory_space<hbm>>
        tpu.enqueue_indirect_dma source(%dma_start3A_744 : memref<20016x64xf32, #tpu.memory_space<hbm>>) target(%arg26 : memref<96x64xf32, #tpu.memory_space<vmem>>) offsets(%arg21 : memref<96xi32, #tpu.memory_space<vmem>>) semaphore(%arg32 : memref<!tpu.dma_semaphore, #tpu.memory_space<semaphore_mem>>)
        %dma_start3A_745 = arith.constant 0 : i32
        %dma_start3A_746 = arith.constant 0 : i32
        %dma_start3A_747 = tpu.memref_slice %arg2[%dma_start3A_745, %dma_start3A_746] : memref<20016x64xf32, #tpu.memory_space<hbm>> -> memref<20016x64xf32, #tpu.memory_space<hbm>>
        tpu.enqueue_indirect_dma source(%dma_start3A_747 : memref<20016x64xf32, #tpu.memory_space<hbm>>) target(%arg28 : memref<96x64xf32, #tpu.memory_space<vmem>>) offsets(%arg22 : memref<96xi32, #tpu.memory_space<vmem>>) semaphore(%arg32 : memref<!tpu.dma_semaphore, #tpu.memory_space<semaphore_mem>>)
      } else {
      }
      %ge3A_506 = arith.constant 1 : i32
      %ge3A_507 = arith.cmpi sge, %add3A_493, %ge3A_506 : i32
      %sub3A_508 = arith.constant 1 : i32
      %sub3A_509 = arith.subi %add3A_493, %sub3A_508 : i32
      %lt3A_510 = arith.constant 105 : i32
      %lt3A_511 = arith.cmpi slt, %sub3A_509, %lt3A_510 : i32
      %and3A_512 = arith.andi %ge3A_507, %lt3A_511 : i1
      %convert_element_type3A_513 = arith.extui %and3A_512 : i1 to i32
      %cond3A_514 = arith.constant 0 : i32
      %cond3A_515 = arith.cmpi ne, %convert_element_type3A_513, %cond3A_514 : i32
      scf.if %cond3A_515 {
        %dma_wait3A = arith.constant 0 : i32
        %dma_wait3A_566 = arith.constant 0 : i32
        %dma_wait3A_567 = tpu.memref_slice %arg2[%dma_wait3A, %dma_wait3A_566] : memref<20016x64xf32, #tpu.memory_space<hbm>> -> memref<96x64xf32, #tpu.memory_space<hbm>>
        %dma_wait3A_568 = arith.constant 0 : i32
        %dma_wait3A_569 = arith.constant 0 : i32
        %dma_wait3A_570 = tpu.memref_slice %arg2[%dma_wait3A_568, %dma_wait3A_569] : memref<20016x64xf32, #tpu.memory_space<hbm>> -> memref<96x64xf32, #tpu.memory_space<hbm>>
        tpu.wait_dma2 semaphore(%arg36 : memref<!tpu.dma_semaphore, #tpu.memory_space<semaphore_mem>>) src(%dma_wait3A_570 : memref<96x64xf32, #tpu.memory_space<hbm>>) dst(%arg29 : memref<96x64xf32, #tpu.memory_space<vmem>>)
        %dma_wait3A_571 = arith.constant 0 : i32
        %dma_wait3A_572 = arith.constant 0 : i32
        %dma_wait3A_573 = tpu.memref_slice %arg2[%dma_wait3A_571, %dma_wait3A_572] : memref<20016x64xf32, #tpu.memory_space<hbm>> -> memref<96x64xf32, #tpu.memory_space<hbm>>
        %dma_wait3A_574 = arith.constant 0 : i32
        %dma_wait3A_575 = arith.constant 0 : i32
        %dma_wait3A_576 = tpu.memref_slice %arg2[%dma_wait3A_574, %dma_wait3A_575] : memref<20016x64xf32, #tpu.memory_space<hbm>> -> memref<96x64xf32, #tpu.memory_space<hbm>>
        tpu.wait_dma2 semaphore(%arg36 : memref<!tpu.dma_semaphore, #tpu.memory_space<semaphore_mem>>) src(%dma_wait3A_576 : memref<96x64xf32, #tpu.memory_space<hbm>>) dst(%arg29 : memref<96x64xf32, #tpu.memory_space<vmem>>)
        %dma_wait3A_577 = arith.constant 0 : i32
        %dma_wait3A_578 = arith.constant 0 : i32
        %dma_wait3A_579 = tpu.memref_slice %arg2[%dma_wait3A_577, %dma_wait3A_578] : memref<20016x64xf32, #tpu.memory_space<hbm>> -> memref<96x64xf32, #tpu.memory_space<hbm>>
        %dma_wait3A_580 = arith.constant 0 : i32
        %dma_wait3A_581 = arith.constant 0 : i32
        %dma_wait3A_582 = tpu.memref_slice %arg2[%dma_wait3A_580, %dma_wait3A_581] : memref<20016x64xf32, #tpu.memory_space<hbm>> -> memref<96x64xf32, #tpu.memory_space<hbm>>
        tpu.wait_dma2 semaphore(%arg36 : memref<!tpu.dma_semaphore, #tpu.memory_space<semaphore_mem>>) src(%dma_wait3A_582 : memref<96x64xf32, #tpu.memory_space<hbm>>) dst(%arg29 : memref<96x64xf32, #tpu.memory_space<vmem>>)
      } else {
      }
      %add3A_516 = arith.constant 2 : i32
      %add3A_517 = arith.addi %add3A_493, %add3A_516 : i32
      %lt3A_518 = arith.constant 105 : i32
      %lt3A_519 = arith.cmpi slt, %add3A_517, %lt3A_518 : i32
      %convert_element_type3A_520 = arith.extui %lt3A_519 : i1 to i32
      %cond3A_521 = arith.constant 0 : i32
      %cond3A_522 = arith.cmpi ne, %convert_element_type3A_520, %cond3A_521 : i32
      scf.if %cond3A_522 {
        %add3A_566 = arith.constant 2 : i32
        %add3A_567 = arith.addi %add3A_493, %add3A_566 : i32
        %mul3A_568 = arith.constant 16 : i32
        %mul3A_569 = arith.muli %add3A_567, %mul3A_568 : i32
        %add3A_570 = arith.addi %mul3A_569, %arg1 : i32
        %mul3A_571 = arith.constant 96 : i32
        %mul3A_572 = arith.muli %add3A_570, %mul3A_571 : i32
        %dma_start3A_573 = tpu.memref_slice %arg4[%mul3A_572] : memref<161280xi32, #tpu.memory_space<hbm>> -> memref<96xi32, #tpu.memory_space<hbm>>
        %dma_start3A_574 = tpu.memref_slice %arg4[%mul3A_572] : memref<161280xi32, #tpu.memory_space<hbm>> -> memref<96xi32, #tpu.memory_space<hbm>>
        tpu.enqueue_dma source(%dma_start3A_574 : memref<96xi32, #tpu.memory_space<hbm>>) target(%arg11 : memref<96xi32, #tpu.memory_space<vmem>>) target_semaphore(%arg33 : memref<!tpu.dma_semaphore, #tpu.memory_space<semaphore_mem>>)
        %dma_start3A_575 = tpu.memref_slice %arg5[%mul3A_572] : memref<161280xi32, #tpu.memory_space<hbm>> -> memref<96xi32, #tpu.memory_space<hbm>>
        %dma_start3A_576 = tpu.memref_slice %arg5[%mul3A_572] : memref<161280xi32, #tpu.memory_space<hbm>> -> memref<96xi32, #tpu.memory_space<hbm>>
        tpu.enqueue_dma source(%dma_start3A_576 : memref<96xi32, #tpu.memory_space<hbm>>) target(%arg14 : memref<96xi32, #tpu.memory_space<vmem>>) target_semaphore(%arg33 : memref<!tpu.dma_semaphore, #tpu.memory_space<semaphore_mem>>)
        %dma_start3A_577 = tpu.memref_slice %arg6[%mul3A_572] : memref<161280xi32, #tpu.memory_space<hbm>> -> memref<96xi32, #tpu.memory_space<hbm>>
        %dma_start3A_578 = tpu.memref_slice %arg6[%mul3A_572] : memref<161280xi32, #tpu.memory_space<hbm>> -> memref<96xi32, #tpu.memory_space<hbm>>
        tpu.enqueue_dma source(%dma_start3A_578 : memref<96xi32, #tpu.memory_space<hbm>>) target(%arg17 : memref<96xi32, #tpu.memory_space<vmem>>) target_semaphore(%arg33 : memref<!tpu.dma_semaphore, #tpu.memory_space<semaphore_mem>>)
      } else {
      }
      %lt3A_523 = arith.constant 105 : i32
      %lt3A_524 = arith.cmpi slt, %add3A_493, %lt3A_523 : i32
      %convert_element_type3A_525 = arith.extui %lt3A_524 : i1 to i32
      %cond3A_526 = arith.constant 0 : i32
      %cond3A_527 = arith.cmpi ne, %convert_element_type3A_525, %cond3A_526 : i32
      scf.if %cond3A_527 {
        %scan3A_566 = arith.constant 0 : i32
        %scan3A_567 = arith.constant 96 : i32
        %scan3A_568 = arith.addi %scan3A_566, %scan3A_567 : i32
        %scan3A_569 = arith.constant 1 : i32
        scf.for %scan3A_580 = %scan3A_566 to %scan3A_568 step %scan3A_569  : i32 {
          %mul3A_581 = arith.constant 1 : i32
          %mul3A_582 = arith.muli %scan3A_580, %mul3A_581 : i32
          %add3A_583 = arith.constant 0 : i32
          %add3A_584 = arith.addi %add3A_583, %mul3A_582 : i32
          %get3A_585 = arith.index_cast %add3A_584 : i32 to index
          %get3A_586 = arith.constant 0 : index
          %get3A_587 = tpu.vector_load %arg23[%get3A_585, %get3A_586] {strides = array<i32>} : memref<96x64xf32, #tpu.memory_space<vmem>>, vector<1x16xf32>,
          %get3A_588 = vector.shape_cast %get3A_587 : vector<1x16xf32> to vector<16xf32>
          %get3A_589 = arith.index_cast %add3A_584 : i32 to index
          %get3A_590 = arith.constant 0 : index
          %get3A_591 = tpu.vector_load %arg25[%get3A_589, %get3A_590] {strides = array<i32>} : memref<96x64xf32, #tpu.memory_space<vmem>>, vector<1x16xf32>,
          %get3A_592 = vector.shape_cast %get3A_591 : vector<1x16xf32> to vector<16xf32>
          %add3A_593 = arith.addf %get3A_588, %get3A_592 : vector<16xf32>
          %get3A_594 = arith.index_cast %add3A_584 : i32 to index
          %get3A_595 = arith.constant 0 : index
          %get3A_596 = tpu.vector_load %arg27[%get3A_594, %get3A_595] {strides = array<i32>} : memref<96x64xf32, #tpu.memory_space<vmem>>, vector<1x16xf32>,
          %get3A_597 = vector.shape_cast %get3A_596 : vector<1x16xf32> to vector<16xf32>
          %sub3A_598 = arith.subf %add3A_593, %get3A_597 : vector<16xf32>
          %swap3A_599 = arith.index_cast %add3A_584 : i32 to index
          %swap3A_600 = arith.constant 0 : index
          %swap3A_601 = tpu.vector_load %arg29[%swap3A_599, %swap3A_600] {strides = array<i32>} : memref<96x64xf32, #tpu.memory_space<vmem>>, vector<1x16xf32>,
          %swap3A_602 = vector.shape_cast %swap3A_601 : vector<1x16xf32> to vector<16xf32>
          %swap3A_603 = vector.shape_cast %sub3A_598 : vector<16xf32> to vector<1x16xf32>
          tpu.vector_store %arg29[%swap3A_599, %swap3A_600], %swap3A_603 {strides = array<i32>} : memref<96x64xf32, #tpu.memory_space<vmem>>, vector<1x16xf32>,
          %neg3A = arith.constant 0.000000e+00 : f32
          %neg3A_604 = vector.broadcast %neg3A : f32 to vector<16xf32>
          %neg3A_605 = arith.subf %neg3A_604, %sub3A_598 : vector<16xf32>
          %swap3A_606 = arith.index_cast %add3A_584 : i32 to index
          %swap3A_607 = arith.constant 0 : index
          %swap3A_608 = tpu.vector_load %arg30[%swap3A_606, %swap3A_607] {strides = array<i32>} : memref<96x64xf32, #tpu.memory_space<vmem>>, vector<1x16xf32>,
          %swap3A_609 = vector.shape_cast %swap3A_608 : vector<1x16xf32> to vector<16xf32>
          %swap3A_610 = vector.shape_cast %neg3A_605 : vector<16xf32> to vector<1x16xf32>
          tpu.vector_store %arg30[%swap3A_606, %swap3A_607], %swap3A_610 {strides = array<i32>} : memref<96x64xf32, #tpu.memory_space<vmem>>, vector<1x16xf32>,
          %get3A_611 = arith.index_cast %add3A_584 : i32 to index
          %get3A_612 = arith.constant 16 : index
          %get3A_613 = tpu.vector_load %arg23[%get3A_611, %get3A_612] {strides = array<i32>} : memref<96x64xf32, #tpu.memory_space<vmem>>, vector<1x16xf32>,
          %get3A_614 = vector.shape_cast %get3A_613 : vector<1x16xf32> to vector<16xf32>
          %get3A_615 = arith.index_cast %add3A_584 : i32 to index
          %get3A_616 = arith.constant 16 : index
          %get3A_617 = tpu.vector_load %arg25[%get3A_615, %get3A_616] {strides = array<i32>} : memref<96x64xf32, #tpu.memory_space<vmem>>, vector<1x16xf32>,
          %get3A_618 = vector.shape_cast %get3A_617 : vector<1x16xf32> to vector<16xf32>
          %add3A_619 = arith.addf %get3A_614, %get3A_618 : vector<16xf32>
          %get3A_620 = arith.index_cast %add3A_584 : i32 to index
          %get3A_621 = arith.constant 16 : index
          %get3A_622 = tpu.vector_load %arg27[%get3A_620, %get3A_621] {strides = array<i32>} : memref<96x64xf32, #tpu.memory_space<vmem>>, vector<1x16xf32>,
          %get3A_623 = vector.shape_cast %get3A_622 : vector<1x16xf32> to vector<16xf32>
          %sub3A_624 = arith.subf %add3A_619, %get3A_623 : vector<16xf32>
          %swap3A_625 = arith.index_cast %add3A_584 : i32 to index
          %swap3A_626 = arith.constant 16 : index
          %swap3A_627 = tpu.vector_load %arg29[%swap3A_625, %swap3A_626] {strides = array<i32>} : memref<96x64xf32, #tpu.memory_space<vmem>>, vector<1x16xf32>,
          %swap3A_628 = vector.shape_cast %swap3A_627 : vector<1x16xf32> to vector<16xf32>
          %swap3A_629 = vector.shape_cast %sub3A_624 : vector<16xf32> to vector<1x16xf32>
          tpu.vector_store %arg29[%swap3A_625, %swap3A_626], %swap3A_629 {strides = array<i32>} : memref<96x64xf32, #tpu.memory_space<vmem>>, vector<1x16xf32>,
          %neg3A_630 = arith.constant 0.000000e+00 : f32
          %neg3A_631 = vector.broadcast %neg3A_630 : f32 to vector<16xf32>
          %neg3A_632 = arith.subf %neg3A_631, %sub3A_624 : vector<16xf32>
          %swap3A_633 = arith.index_cast %add3A_584 : i32 to index
          %swap3A_634 = arith.constant 16 : index
          %swap3A_635 = tpu.vector_load %arg30[%swap3A_633, %swap3A_634] {strides = array<i32>} : memref<96x64xf32, #tpu.memory_space<vmem>>, vector<1x16xf32>,
          %swap3A_636 = vector.shape_cast %swap3A_635 : vector<1x16xf32> to vector<16xf32>
          %swap3A_637 = vector.shape_cast %neg3A_632 : vector<16xf32> to vector<1x16xf32>
          tpu.vector_store %arg30[%swap3A_633, %swap3A_634], %swap3A_637 {strides = array<i32>} : memref<96x64xf32, #tpu.memory_space<vmem>>, vector<1x16xf32>,
          %get3A_638 = arith.index_cast %add3A_584 : i32 to index
          %get3A_639 = arith.constant 32 : index
          %get3A_640 = tpu.vector_load %arg23[%get3A_638, %get3A_639] {strides = array<i32>} : memref<96x64xf32, #tpu.memory_space<vmem>>, vector<1x16xf32>,
          %get3A_641 = vector.shape_cast %get3A_640 : vector<1x16xf32> to vector<16xf32>
          %get3A_642 = arith.index_cast %add3A_584 : i32 to index
          %get3A_643 = arith.constant 32 : index
          %get3A_644 = tpu.vector_load %arg25[%get3A_642, %get3A_643] {strides = array<i32>} : memref<96x64xf32, #tpu.memory_space<vmem>>, vector<1x16xf32>,
          %get3A_645 = vector.shape_cast %get3A_644 : vector<1x16xf32> to vector<16xf32>
          %add3A_646 = arith.addf %get3A_641, %get3A_645 : vector<16xf32>
          %get3A_647 = arith.index_cast %add3A_584 : i32 to index
          %get3A_648 = arith.constant 32 : index
          %get3A_649 = tpu.vector_load %arg27[%get3A_647, %get3A_648] {strides = array<i32>} : memref<96x64xf32, #tpu.memory_space<vmem>>, vector<1x16xf32>,
          %get3A_650 = vector.shape_cast %get3A_649 : vector<1x16xf32> to vector<16xf32>
          %sub3A_651 = arith.subf %add3A_646, %get3A_650 : vector<16xf32>
          %swap3A_652 = arith.index_cast %add3A_584 : i32 to index
          %swap3A_653 = arith.constant 32 : index
          %swap3A_654 = tpu.vector_load %arg29[%swap3A_652, %swap3A_653] {strides = array<i32>} : memref<96x64xf32, #tpu.memory_space<vmem>>, vector<1x16xf32>,
          %swap3A_655 = vector.shape_cast %swap3A_654 : vector<1x16xf32> to vector<16xf32>
          %swap3A_656 = vector.shape_cast %sub3A_651 : vector<16xf32> to vector<1x16xf32>
          tpu.vector_store %arg29[%swap3A_652, %swap3A_653], %swap3A_656 {strides = array<i32>} : memref<96x64xf32, #tpu.memory_space<vmem>>, vector<1x16xf32>,
          %neg3A_657 = arith.constant 0.000000e+00 : f32
          %neg3A_658 = vector.broadcast %neg3A_657 : f32 to vector<16xf32>
          %neg3A_659 = arith.subf %neg3A_658, %sub3A_651 : vector<16xf32>
          %swap3A_660 = arith.index_cast %add3A_584 : i32 to index
          %swap3A_661 = arith.constant 32 : index
          %swap3A_662 = tpu.vector_load %arg30[%swap3A_660, %swap3A_661] {strides = array<i32>} : memref<96x64xf32, #tpu.memory_space<vmem>>, vector<1x16xf32>,
          %swap3A_663 = vector.shape_cast %swap3A_662 : vector<1x16xf32> to vector<16xf32>
          %swap3A_664 = vector.shape_cast %neg3A_659 : vector<16xf32> to vector<1x16xf32>
          tpu.vector_store %arg30[%swap3A_660, %swap3A_661], %swap3A_664 {strides = array<i32>} : memref<96x64xf32, #tpu.memory_space<vmem>>, vector<1x16xf32>,
          %get3A_665 = arith.index_cast %add3A_584 : i32 to index
          %get3A_666 = arith.constant 48 : index
          %get3A_667 = tpu.vector_load %arg23[%get3A_665, %get3A_666] {strides = array<i32>} : memref<96x64xf32, #tpu.memory_space<vmem>>, vector<1x16xf32>,
          %get3A_668 = vector.shape_cast %get3A_667 : vector<1x16xf32> to vector<16xf32>
          %get3A_669 = arith.index_cast %add3A_584 : i32 to index
          %get3A_670 = arith.constant 48 : index
          %get3A_671 = tpu.vector_load %arg25[%get3A_669, %get3A_670] {strides = array<i32>} : memref<96x64xf32, #tpu.memory_space<vmem>>, vector<1x16xf32>,
          %get3A_672 = vector.shape_cast %get3A_671 : vector<1x16xf32> to vector<16xf32>
          %add3A_673 = arith.addf %get3A_668, %get3A_672 : vector<16xf32>
          %get3A_674 = arith.index_cast %add3A_584 : i32 to index
          %get3A_675 = arith.constant 48 : index
          %get3A_676 = tpu.vector_load %arg27[%get3A_674, %get3A_675] {strides = array<i32>} : memref<96x64xf32, #tpu.memory_space<vmem>>, vector<1x16xf32>,
          %get3A_677 = vector.shape_cast %get3A_676 : vector<1x16xf32> to vector<16xf32>
          %sub3A_678 = arith.subf %add3A_673, %get3A_677 : vector<16xf32>
          %swap3A_679 = arith.index_cast %add3A_584 : i32 to index
          %swap3A_680 = arith.constant 48 : index
          %swap3A_681 = tpu.vector_load %arg29[%swap3A_679, %swap3A_680] {strides = array<i32>} : memref<96x64xf32, #tpu.memory_space<vmem>>, vector<1x16xf32>,
          %swap3A_682 = vector.shape_cast %swap3A_681 : vector<1x16xf32> to vector<16xf32>
          %swap3A_683 = vector.shape_cast %sub3A_678 : vector<16xf32> to vector<1x16xf32>
          tpu.vector_store %arg29[%swap3A_679, %swap3A_680], %swap3A_683 {strides = array<i32>} : memref<96x64xf32, #tpu.memory_space<vmem>>, vector<1x16xf32>,
          %neg3A_684 = arith.constant 0.000000e+00 : f32
          %neg3A_685 = vector.broadcast %neg3A_684 : f32 to vector<16xf32>
          %neg3A_686 = arith.subf %neg3A_685, %sub3A_678 : vector<16xf32>
          %swap3A_687 = arith.index_cast %add3A_584 : i32 to index
          %swap3A_688 = arith.constant 48 : index
          %swap3A_689 = tpu.vector_load %arg30[%swap3A_687, %swap3A_688] {strides = array<i32>} : memref<96x64xf32, #tpu.memory_space<vmem>>, vector<1x16xf32>,
          %swap3A_690 = vector.shape_cast %swap3A_689 : vector<1x16xf32> to vector<16xf32>
          %swap3A_691 = vector.shape_cast %neg3A_686 : vector<16xf32> to vector<1x16xf32>
          tpu.vector_store %arg30[%swap3A_687, %swap3A_688], %swap3A_691 {strides = array<i32>} : memref<96x64xf32, #tpu.memory_space<vmem>>, vector<1x16xf32>,
        }
        %scan3A_570 = arith.constant 96 : i32
        %dma_start3A_571 = arith.constant 0 : i32
        %dma_start3A_572 = arith.constant 0 : i32
        %dma_start3A_573 = tpu.memref_slice %arg9[%dma_start3A_571, %dma_start3A_572] : memref<10008x64xf32, #tpu.memory_space<vmem_shared>> -> memref<10008x64xf32, #tpu.memory_space<vmem_shared>>
        tpu.enqueue_indirect_dma source(%arg30 : memref<96x64xf32, #tpu.memory_space<vmem>>) target(%dma_start3A_573 : memref<10008x64xf32, #tpu.memory_space<vmem_shared>>) offsets(%arg12 : memref<96xi32, #tpu.memory_space<vmem>>) semaphore(%arg36 : memref<!tpu.dma_semaphore, #tpu.memory_space<semaphore_mem>>) {add = true}
        %dma_start3A_574 = arith.constant 0 : i32
        %dma_start3A_575 = arith.constant 0 : i32
        %dma_start3A_576 = tpu.memref_slice %arg9[%dma_start3A_574, %dma_start3A_575] : memref<10008x64xf32, #tpu.memory_space<vmem_shared>> -> memref<10008x64xf32, #tpu.memory_space<vmem_shared>>
        tpu.enqueue_indirect_dma source(%arg29 : memref<96x64xf32, #tpu.memory_space<vmem>>) target(%dma_start3A_576 : memref<10008x64xf32, #tpu.memory_space<vmem_shared>>) offsets(%arg18 : memref<96xi32, #tpu.memory_space<vmem>>) semaphore(%arg36 : memref<!tpu.dma_semaphore, #tpu.memory_space<semaphore_mem>>) {add = true}
        %dma_start3A_577 = arith.constant 0 : i32
        %dma_start3A_578 = arith.constant 0 : i32
        %dma_start3A_579 = tpu.memref_slice %arg10[%dma_start3A_577, %dma_start3A_578] : memref<10008x64xf32, #tpu.memory_space<vmem_shared>> -> memref<10008x64xf32, #tpu.memory_space<vmem_shared>>
        tpu.enqueue_indirect_dma source(%arg30 : memref<96x64xf32, #tpu.memory_space<vmem>>) target(%dma_start3A_579 : memref<10008x64xf32, #tpu.memory_space<vmem_shared>>) offsets(%arg15 : memref<96xi32, #tpu.memory_space<vmem>>) semaphore(%arg36 : memref<!tpu.dma_semaphore, #tpu.memory_space<semaphore_mem>>) {add = true}
      } else {
      }
      %mul3A_528 = arith.constant 6 : i32
      %mul3A_529 = arith.muli %add3A_343, %mul3A_528 : i32
      %add3A_530 = arith.constant 5 : i32
      %add3A_531 = arith.addi %mul3A_529, %add3A_530 : i32
      %lt3A_532 = arith.constant 105 : i32
      %lt3A_533 = arith.cmpi slt, %add3A_531, %lt3A_532 : i32
      %convert_element_type3A_534 = arith.extui %lt3A_533 : i1 to i32
      %cond3A_535 = arith.constant 0 : i32
      %cond3A_536 = arith.cmpi ne, %convert_element_type3A_534, %cond3A_535 : i32
      scf.if %cond3A_536 {
        %dma_wait3A = arith.constant 0 : i32
        %dma_wait3A_566 = arith.constant 0 : i32
        %dma_wait3A_567 = tpu.memref_slice %arg2[%dma_wait3A, %dma_wait3A_566] : memref<20016x64xf32, #tpu.memory_space<hbm>> -> memref<96x64xf32, #tpu.memory_space<hbm>>
        %dma_wait3A_568 = arith.constant 0 : i32
        %dma_wait3A_569 = arith.constant 0 : i32
        %dma_wait3A_570 = tpu.memref_slice %arg2[%dma_wait3A_568, %dma_wait3A_569] : memref<20016x64xf32, #tpu.memory_space<hbm>> -> memref<96x64xf32, #tpu.memory_space<hbm>>
        tpu.wait_dma2 semaphore(%arg32 : memref<!tpu.dma_semaphore, #tpu.memory_space<semaphore_mem>>) src(%dma_wait3A_570 : memref<96x64xf32, #tpu.memory_space<hbm>>) dst(%arg24 : memref<96x64xf32, #tpu.memory_space<vmem>>)
        %dma_wait3A_571 = arith.constant 0 : i32
        %dma_wait3A_572 = arith.constant 0 : i32
        %dma_wait3A_573 = tpu.memref_slice %arg2[%dma_wait3A_571, %dma_wait3A_572] : memref<20016x64xf32, #tpu.memory_space<hbm>> -> memref<96x64xf32, #tpu.memory_space<hbm>>
        %dma_wait3A_574 = arith.constant 0 : i32
        %dma_wait3A_575 = arith.constant 0 : i32
        %dma_wait3A_576 = tpu.memref_slice %arg2[%dma_wait3A_574, %dma_wait3A_575] : memref<20016x64xf32, #tpu.memory_space<hbm>> -> memref<96x64xf32, #tpu.memory_space<hbm>>
        tpu.wait_dma2 semaphore(%arg32 : memref<!tpu.dma_semaphore, #tpu.memory_space<semaphore_mem>>) src(%dma_wait3A_576 : memref<96x64xf32, #tpu.memory_space<hbm>>) dst(%arg26 : memref<96x64xf32, #tpu.memory_space<vmem>>)
        %dma_wait3A_577 = arith.constant 0 : i32
        %dma_wait3A_578 = arith.constant 0 : i32
        %dma_wait3A_579 = tpu.memref_slice %arg2[%dma_wait3A_577, %dma_wait3A_578] : memref<20016x64xf32, #tpu.memory_space<hbm>> -> memref<96x64xf32, #tpu.memory_space<hbm>>
        %dma_wait3A_580 = arith.constant 0 : i32
        %dma_wait3A_581 = arith.constant 0 : i32
        %dma_wait3A_582 = tpu.memref_slice %arg2[%dma_wait3A_580, %dma_wait3A_581] : memref<20016x64xf32, #tpu.memory_space<hbm>> -> memref<96x64xf32, #tpu.memory_space<hbm>>
        tpu.wait_dma2 semaphore(%arg32 : memref<!tpu.dma_semaphore, #tpu.memory_space<semaphore_mem>>) src(%dma_wait3A_582 : memref<96x64xf32, #tpu.memory_space<hbm>>) dst(%arg28 : memref<96x64xf32, #tpu.memory_space<vmem>>)
      } else {
      }
      %add3A_537 = arith.constant 1 : i32
      %add3A_538 = arith.addi %add3A_531, %add3A_537 : i32
      %lt3A_539 = arith.constant 105 : i32
      %lt3A_540 = arith.cmpi slt, %add3A_538, %lt3A_539 : i32
      %convert_element_type3A_541 = arith.extui %lt3A_540 : i1 to i32
      %cond3A_542 = arith.constant 0 : i32
      %cond3A_543 = arith.cmpi ne, %convert_element_type3A_541, %cond3A_542 : i32
      scf.if %cond3A_543 {
        %dma_wait3A = arith.constant 0 : i32
        %dma_wait3A_566 = tpu.memref_slice %arg4[%dma_wait3A] : memref<161280xi32, #tpu.memory_space<hbm>> -> memref<96xi32, #tpu.memory_space<hbm>>
        %dma_wait3A_567 = arith.constant 0 : i32
        %dma_wait3A_568 = tpu.memref_slice %arg4[%dma_wait3A_567] : memref<161280xi32, #tpu.memory_space<hbm>> -> memref<96xi32, #tpu.memory_space<hbm>>
        tpu.wait_dma2 semaphore(%arg33 : memref<!tpu.dma_semaphore, #tpu.memory_space<semaphore_mem>>) src(%dma_wait3A_568 : memref<96xi32, #tpu.memory_space<hbm>>) dst(%arg11 : memref<96xi32, #tpu.memory_space<vmem>>)
        %dma_wait3A_569 = arith.constant 0 : i32
        %dma_wait3A_570 = tpu.memref_slice %arg4[%dma_wait3A_569] : memref<161280xi32, #tpu.memory_space<hbm>> -> memref<96xi32, #tpu.memory_space<hbm>>
        %dma_wait3A_571 = arith.constant 0 : i32
        %dma_wait3A_572 = tpu.memref_slice %arg4[%dma_wait3A_571] : memref<161280xi32, #tpu.memory_space<hbm>> -> memref<96xi32, #tpu.memory_space<hbm>>
        tpu.wait_dma2 semaphore(%arg33 : memref<!tpu.dma_semaphore, #tpu.memory_space<semaphore_mem>>) src(%dma_wait3A_572 : memref<96xi32, #tpu.memory_space<hbm>>) dst(%arg14 : memref<96xi32, #tpu.memory_space<vmem>>)
        %dma_wait3A_573 = arith.constant 0 : i32
        %dma_wait3A_574 = tpu.memref_slice %arg4[%dma_wait3A_573] : memref<161280xi32, #tpu.memory_space<hbm>> -> memref<96xi32, #tpu.memory_space<hbm>>
        %dma_wait3A_575 = arith.constant 0 : i32
        %dma_wait3A_576 = tpu.memref_slice %arg4[%dma_wait3A_575] : memref<161280xi32, #tpu.memory_space<hbm>> -> memref<96xi32, #tpu.memory_space<hbm>>
        tpu.wait_dma2 semaphore(%arg33 : memref<!tpu.dma_semaphore, #tpu.memory_space<semaphore_mem>>) src(%dma_wait3A_576 : memref<96xi32, #tpu.memory_space<hbm>>) dst(%arg17 : memref<96xi32, #tpu.memory_space<vmem>>)
        %get3A_577 = arith.constant 0 : index
        %get3A_578 = tpu.vector_load %arg11[%get3A_577] {strides = array<i32>} : memref<96xi32, #tpu.memory_space<vmem>>, vector<16xi32>,
        %get3A_579 = vector.shape_cast %get3A_578 : vector<16xi32> to vector<16xi32>
        %add3A_580 = vector.broadcast %mul3A_0 : i32 to vector<16xi32>
        %add3A_581 = arith.addi %get3A_579, %add3A_580 : vector<16xi32>
        %swap3A_582 = arith.constant 0 : index
        %swap3A_583 = tpu.vector_load %arg20[%swap3A_582] {strides = array<i32>} : memref<96xi32, #tpu.memory_space<vmem>>, vector<16xi32>,
        %swap3A_584 = vector.shape_cast %swap3A_583 : vector<16xi32> to vector<16xi32>
        %swap3A_585 = vector.shape_cast %add3A_581 : vector<16xi32> to vector<16xi32>
        tpu.vector_store %arg20[%swap3A_582], %swap3A_585 {strides = array<i32>} : memref<96xi32, #tpu.memory_space<vmem>>, vector<16xi32>,
        %get3A_586 = arith.constant 0 : index
        %get3A_587 = tpu.vector_load %arg14[%get3A_586] {strides = array<i32>} : memref<96xi32, #tpu.memory_space<vmem>>, vector<16xi32>,
        %get3A_588 = vector.shape_cast %get3A_587 : vector<16xi32> to vector<16xi32>
        %add3A_589 = vector.broadcast %mul3A_0 : i32 to vector<16xi32>
        %add3A_590 = arith.addi %get3A_588, %add3A_589 : vector<16xi32>
        %swap3A_591 = arith.constant 0 : index
        %swap3A_592 = tpu.vector_load %arg21[%swap3A_591] {strides = array<i32>} : memref<96xi32, #tpu.memory_space<vmem>>, vector<16xi32>,
        %swap3A_593 = vector.shape_cast %swap3A_592 : vector<16xi32> to vector<16xi32>
        %swap3A_594 = vector.shape_cast %add3A_590 : vector<16xi32> to vector<16xi32>
        tpu.vector_store %arg21[%swap3A_591], %swap3A_594 {strides = array<i32>} : memref<96xi32, #tpu.memory_space<vmem>>, vector<16xi32>,
        %get3A_595 = arith.constant 0 : index
        %get3A_596 = tpu.vector_load %arg17[%get3A_595] {strides = array<i32>} : memref<96xi32, #tpu.memory_space<vmem>>, vector<16xi32>,
        %get3A_597 = vector.shape_cast %get3A_596 : vector<16xi32> to vector<16xi32>
        %add3A_598 = vector.broadcast %mul3A_0 : i32 to vector<16xi32>
        %add3A_599 = arith.addi %get3A_597, %add3A_598 : vector<16xi32>
        %swap3A_600 = arith.constant 0 : index
        %swap3A_601 = tpu.vector_load %arg22[%swap3A_600] {strides = array<i32>} : memref<96xi32, #tpu.memory_space<vmem>>, vector<16xi32>,
        %swap3A_602 = vector.shape_cast %swap3A_601 : vector<16xi32> to vector<16xi32>
        %swap3A_603 = vector.shape_cast %add3A_599 : vector<16xi32> to vector<16xi32>
        tpu.vector_store %arg22[%swap3A_600], %swap3A_603 {strides = array<i32>} : memref<96xi32, #tpu.memory_space<vmem>>, vector<16xi32>,
        %get3A_604 = arith.constant 16 : index
        %get3A_605 = tpu.vector_load %arg11[%get3A_604] {strides = array<i32>} : memref<96xi32, #tpu.memory_space<vmem>>, vector<16xi32>,
        %get3A_606 = vector.shape_cast %get3A_605 : vector<16xi32> to vector<16xi32>
        %add3A_607 = vector.broadcast %mul3A_0 : i32 to vector<16xi32>
        %add3A_608 = arith.addi %get3A_606, %add3A_607 : vector<16xi32>
        %swap3A_609 = arith.constant 16 : index
        %swap3A_610 = tpu.vector_load %arg20[%swap3A_609] {strides = array<i32>} : memref<96xi32, #tpu.memory_space<vmem>>, vector<16xi32>,
        %swap3A_611 = vector.shape_cast %swap3A_610 : vector<16xi32> to vector<16xi32>
        %swap3A_612 = vector.shape_cast %add3A_608 : vector<16xi32> to vector<16xi32>
        tpu.vector_store %arg20[%swap3A_609], %swap3A_612 {strides = array<i32>} : memref<96xi32, #tpu.memory_space<vmem>>, vector<16xi32>,
        %get3A_613 = arith.constant 16 : index
        %get3A_614 = tpu.vector_load %arg14[%get3A_613] {strides = array<i32>} : memref<96xi32, #tpu.memory_space<vmem>>, vector<16xi32>,
        %get3A_615 = vector.shape_cast %get3A_614 : vector<16xi32> to vector<16xi32>
        %add3A_616 = vector.broadcast %mul3A_0 : i32 to vector<16xi32>
        %add3A_617 = arith.addi %get3A_615, %add3A_616 : vector<16xi32>
        %swap3A_618 = arith.constant 16 : index
        %swap3A_619 = tpu.vector_load %arg21[%swap3A_618] {strides = array<i32>} : memref<96xi32, #tpu.memory_space<vmem>>, vector<16xi32>,
        %swap3A_620 = vector.shape_cast %swap3A_619 : vector<16xi32> to vector<16xi32>
        %swap3A_621 = vector.shape_cast %add3A_617 : vector<16xi32> to vector<16xi32>
        tpu.vector_store %arg21[%swap3A_618], %swap3A_621 {strides = array<i32>} : memref<96xi32, #tpu.memory_space<vmem>>, vector<16xi32>,
        %get3A_622 = arith.constant 16 : index
        %get3A_623 = tpu.vector_load %arg17[%get3A_622] {strides = array<i32>} : memref<96xi32, #tpu.memory_space<vmem>>, vector<16xi32>,
        %get3A_624 = vector.shape_cast %get3A_623 : vector<16xi32> to vector<16xi32>
        %add3A_625 = vector.broadcast %mul3A_0 : i32 to vector<16xi32>
        %add3A_626 = arith.addi %get3A_624, %add3A_625 : vector<16xi32>
        %swap3A_627 = arith.constant 16 : index
        %swap3A_628 = tpu.vector_load %arg22[%swap3A_627] {strides = array<i32>} : memref<96xi32, #tpu.memory_space<vmem>>, vector<16xi32>,
        %swap3A_629 = vector.shape_cast %swap3A_628 : vector<16xi32> to vector<16xi32>
        %swap3A_630 = vector.shape_cast %add3A_626 : vector<16xi32> to vector<16xi32>
        tpu.vector_store %arg22[%swap3A_627], %swap3A_630 {strides = array<i32>} : memref<96xi32, #tpu.memory_space<vmem>>, vector<16xi32>,
        %get3A_631 = arith.constant 32 : index
        %get3A_632 = tpu.vector_load %arg11[%get3A_631] {strides = array<i32>} : memref<96xi32, #tpu.memory_space<vmem>>, vector<16xi32>,
        %get3A_633 = vector.shape_cast %get3A_632 : vector<16xi32> to vector<16xi32>
        %add3A_634 = vector.broadcast %mul3A_0 : i32 to vector<16xi32>
        %add3A_635 = arith.addi %get3A_633, %add3A_634 : vector<16xi32>
        %swap3A_636 = arith.constant 32 : index
        %swap3A_637 = tpu.vector_load %arg20[%swap3A_636] {strides = array<i32>} : memref<96xi32, #tpu.memory_space<vmem>>, vector<16xi32>,
        %swap3A_638 = vector.shape_cast %swap3A_637 : vector<16xi32> to vector<16xi32>
        %swap3A_639 = vector.shape_cast %add3A_635 : vector<16xi32> to vector<16xi32>
        tpu.vector_store %arg20[%swap3A_636], %swap3A_639 {strides = array<i32>} : memref<96xi32, #tpu.memory_space<vmem>>, vector<16xi32>,
        %get3A_640 = arith.constant 32 : index
        %get3A_641 = tpu.vector_load %arg14[%get3A_640] {strides = array<i32>} : memref<96xi32, #tpu.memory_space<vmem>>, vector<16xi32>,
        %get3A_642 = vector.shape_cast %get3A_641 : vector<16xi32> to vector<16xi32>
        %add3A_643 = vector.broadcast %mul3A_0 : i32 to vector<16xi32>
        %add3A_644 = arith.addi %get3A_642, %add3A_643 : vector<16xi32>
        %swap3A_645 = arith.constant 32 : index
        %swap3A_646 = tpu.vector_load %arg21[%swap3A_645] {strides = array<i32>} : memref<96xi32, #tpu.memory_space<vmem>>, vector<16xi32>,
        %swap3A_647 = vector.shape_cast %swap3A_646 : vector<16xi32> to vector<16xi32>
        %swap3A_648 = vector.shape_cast %add3A_644 : vector<16xi32> to vector<16xi32>
        tpu.vector_store %arg21[%swap3A_645], %swap3A_648 {strides = array<i32>} : memref<96xi32, #tpu.memory_space<vmem>>, vector<16xi32>,
        %get3A_649 = arith.constant 32 : index
        %get3A_650 = tpu.vector_load %arg17[%get3A_649] {strides = array<i32>} : memref<96xi32, #tpu.memory_space<vmem>>, vector<16xi32>,
        %get3A_651 = vector.shape_cast %get3A_650 : vector<16xi32> to vector<16xi32>
        %add3A_652 = vector.broadcast %mul3A_0 : i32 to vector<16xi32>
        %add3A_653 = arith.addi %get3A_651, %add3A_652 : vector<16xi32>
        %swap3A_654 = arith.constant 32 : index
        %swap3A_655 = tpu.vector_load %arg22[%swap3A_654] {strides = array<i32>} : memref<96xi32, #tpu.memory_space<vmem>>, vector<16xi32>,
        %swap3A_656 = vector.shape_cast %swap3A_655 : vector<16xi32> to vector<16xi32>
        %swap3A_657 = vector.shape_cast %add3A_653 : vector<16xi32> to vector<16xi32>
        tpu.vector_store %arg22[%swap3A_654], %swap3A_657 {strides = array<i32>} : memref<96xi32, #tpu.memory_space<vmem>>, vector<16xi32>,
        %get3A_658 = arith.constant 48 : index
        %get3A_659 = tpu.vector_load %arg11[%get3A_658] {strides = array<i32>} : memref<96xi32, #tpu.memory_space<vmem>>, vector<16xi32>,
        %get3A_660 = vector.shape_cast %get3A_659 : vector<16xi32> to vector<16xi32>
        %add3A_661 = vector.broadcast %mul3A_0 : i32 to vector<16xi32>
        %add3A_662 = arith.addi %get3A_660, %add3A_661 : vector<16xi32>
        %swap3A_663 = arith.constant 48 : index
        %swap3A_664 = tpu.vector_load %arg20[%swap3A_663] {strides = array<i32>} : memref<96xi32, #tpu.memory_space<vmem>>, vector<16xi32>,
        %swap3A_665 = vector.shape_cast %swap3A_664 : vector<16xi32> to vector<16xi32>
        %swap3A_666 = vector.shape_cast %add3A_662 : vector<16xi32> to vector<16xi32>
        tpu.vector_store %arg20[%swap3A_663], %swap3A_666 {strides = array<i32>} : memref<96xi32, #tpu.memory_space<vmem>>, vector<16xi32>,
        %get3A_667 = arith.constant 48 : index
        %get3A_668 = tpu.vector_load %arg14[%get3A_667] {strides = array<i32>} : memref<96xi32, #tpu.memory_space<vmem>>, vector<16xi32>,
        %get3A_669 = vector.shape_cast %get3A_668 : vector<16xi32> to vector<16xi32>
        %add3A_670 = vector.broadcast %mul3A_0 : i32 to vector<16xi32>
        %add3A_671 = arith.addi %get3A_669, %add3A_670 : vector<16xi32>
        %swap3A_672 = arith.constant 48 : index
        %swap3A_673 = tpu.vector_load %arg21[%swap3A_672] {strides = array<i32>} : memref<96xi32, #tpu.memory_space<vmem>>, vector<16xi32>,
        %swap3A_674 = vector.shape_cast %swap3A_673 : vector<16xi32> to vector<16xi32>
        %swap3A_675 = vector.shape_cast %add3A_671 : vector<16xi32> to vector<16xi32>
        tpu.vector_store %arg21[%swap3A_672], %swap3A_675 {strides = array<i32>} : memref<96xi32, #tpu.memory_space<vmem>>, vector<16xi32>,
        %get3A_676 = arith.constant 48 : index
        %get3A_677 = tpu.vector_load %arg17[%get3A_676] {strides = array<i32>} : memref<96xi32, #tpu.memory_space<vmem>>, vector<16xi32>,
        %get3A_678 = vector.shape_cast %get3A_677 : vector<16xi32> to vector<16xi32>
        %add3A_679 = vector.broadcast %mul3A_0 : i32 to vector<16xi32>
        %add3A_680 = arith.addi %get3A_678, %add3A_679 : vector<16xi32>
        %swap3A_681 = arith.constant 48 : index
        %swap3A_682 = tpu.vector_load %arg22[%swap3A_681] {strides = array<i32>} : memref<96xi32, #tpu.memory_space<vmem>>, vector<16xi32>,
        %swap3A_683 = vector.shape_cast %swap3A_682 : vector<16xi32> to vector<16xi32>
        %swap3A_684 = vector.shape_cast %add3A_680 : vector<16xi32> to vector<16xi32>
        tpu.vector_store %arg22[%swap3A_681], %swap3A_684 {strides = array<i32>} : memref<96xi32, #tpu.memory_space<vmem>>, vector<16xi32>,
        %get3A_685 = arith.constant 64 : index
        %get3A_686 = tpu.vector_load %arg11[%get3A_685] {strides = array<i32>} : memref<96xi32, #tpu.memory_space<vmem>>, vector<16xi32>,
        %get3A_687 = vector.shape_cast %get3A_686 : vector<16xi32> to vector<16xi32>
        %add3A_688 = vector.broadcast %mul3A_0 : i32 to vector<16xi32>
        %add3A_689 = arith.addi %get3A_687, %add3A_688 : vector<16xi32>
        %swap3A_690 = arith.constant 64 : index
        %swap3A_691 = tpu.vector_load %arg20[%swap3A_690] {strides = array<i32>} : memref<96xi32, #tpu.memory_space<vmem>>, vector<16xi32>,
        %swap3A_692 = vector.shape_cast %swap3A_691 : vector<16xi32> to vector<16xi32>
        %swap3A_693 = vector.shape_cast %add3A_689 : vector<16xi32> to vector<16xi32>
        tpu.vector_store %arg20[%swap3A_690], %swap3A_693 {strides = array<i32>} : memref<96xi32, #tpu.memory_space<vmem>>, vector<16xi32>,
        %get3A_694 = arith.constant 64 : index
        %get3A_695 = tpu.vector_load %arg14[%get3A_694] {strides = array<i32>} : memref<96xi32, #tpu.memory_space<vmem>>, vector<16xi32>,
        %get3A_696 = vector.shape_cast %get3A_695 : vector<16xi32> to vector<16xi32>
        %add3A_697 = vector.broadcast %mul3A_0 : i32 to vector<16xi32>
        %add3A_698 = arith.addi %get3A_696, %add3A_697 : vector<16xi32>
        %swap3A_699 = arith.constant 64 : index
        %swap3A_700 = tpu.vector_load %arg21[%swap3A_699] {strides = array<i32>} : memref<96xi32, #tpu.memory_space<vmem>>, vector<16xi32>,
        %swap3A_701 = vector.shape_cast %swap3A_700 : vector<16xi32> to vector<16xi32>
        %swap3A_702 = vector.shape_cast %add3A_698 : vector<16xi32> to vector<16xi32>
        tpu.vector_store %arg21[%swap3A_699], %swap3A_702 {strides = array<i32>} : memref<96xi32, #tpu.memory_space<vmem>>, vector<16xi32>,
        %get3A_703 = arith.constant 64 : index
        %get3A_704 = tpu.vector_load %arg17[%get3A_703] {strides = array<i32>} : memref<96xi32, #tpu.memory_space<vmem>>, vector<16xi32>,
        %get3A_705 = vector.shape_cast %get3A_704 : vector<16xi32> to vector<16xi32>
        %add3A_706 = vector.broadcast %mul3A_0 : i32 to vector<16xi32>
        %add3A_707 = arith.addi %get3A_705, %add3A_706 : vector<16xi32>
        %swap3A_708 = arith.constant 64 : index
        %swap3A_709 = tpu.vector_load %arg22[%swap3A_708] {strides = array<i32>} : memref<96xi32, #tpu.memory_space<vmem>>, vector<16xi32>,
        %swap3A_710 = vector.shape_cast %swap3A_709 : vector<16xi32> to vector<16xi32>
        %swap3A_711 = vector.shape_cast %add3A_707 : vector<16xi32> to vector<16xi32>
        tpu.vector_store %arg22[%swap3A_708], %swap3A_711 {strides = array<i32>} : memref<96xi32, #tpu.memory_space<vmem>>, vector<16xi32>,
        %get3A_712 = arith.constant 80 : index
        %get3A_713 = tpu.vector_load %arg11[%get3A_712] {strides = array<i32>} : memref<96xi32, #tpu.memory_space<vmem>>, vector<16xi32>,
        %get3A_714 = vector.shape_cast %get3A_713 : vector<16xi32> to vector<16xi32>
        %add3A_715 = vector.broadcast %mul3A_0 : i32 to vector<16xi32>
        %add3A_716 = arith.addi %get3A_714, %add3A_715 : vector<16xi32>
        %swap3A_717 = arith.constant 80 : index
        %swap3A_718 = tpu.vector_load %arg20[%swap3A_717] {strides = array<i32>} : memref<96xi32, #tpu.memory_space<vmem>>, vector<16xi32>,
        %swap3A_719 = vector.shape_cast %swap3A_718 : vector<16xi32> to vector<16xi32>
        %swap3A_720 = vector.shape_cast %add3A_716 : vector<16xi32> to vector<16xi32>
        tpu.vector_store %arg20[%swap3A_717], %swap3A_720 {strides = array<i32>} : memref<96xi32, #tpu.memory_space<vmem>>, vector<16xi32>,
        %get3A_721 = arith.constant 80 : index
        %get3A_722 = tpu.vector_load %arg14[%get3A_721] {strides = array<i32>} : memref<96xi32, #tpu.memory_space<vmem>>, vector<16xi32>,
        %get3A_723 = vector.shape_cast %get3A_722 : vector<16xi32> to vector<16xi32>
        %add3A_724 = vector.broadcast %mul3A_0 : i32 to vector<16xi32>
        %add3A_725 = arith.addi %get3A_723, %add3A_724 : vector<16xi32>
        %swap3A_726 = arith.constant 80 : index
        %swap3A_727 = tpu.vector_load %arg21[%swap3A_726] {strides = array<i32>} : memref<96xi32, #tpu.memory_space<vmem>>, vector<16xi32>,
        %swap3A_728 = vector.shape_cast %swap3A_727 : vector<16xi32> to vector<16xi32>
        %swap3A_729 = vector.shape_cast %add3A_725 : vector<16xi32> to vector<16xi32>
        tpu.vector_store %arg21[%swap3A_726], %swap3A_729 {strides = array<i32>} : memref<96xi32, #tpu.memory_space<vmem>>, vector<16xi32>,
        %get3A_730 = arith.constant 80 : index
        %get3A_731 = tpu.vector_load %arg17[%get3A_730] {strides = array<i32>} : memref<96xi32, #tpu.memory_space<vmem>>, vector<16xi32>,
        %get3A_732 = vector.shape_cast %get3A_731 : vector<16xi32> to vector<16xi32>
        %add3A_733 = vector.broadcast %mul3A_0 : i32 to vector<16xi32>
        %add3A_734 = arith.addi %get3A_732, %add3A_733 : vector<16xi32>
        %swap3A_735 = arith.constant 80 : index
        %swap3A_736 = tpu.vector_load %arg22[%swap3A_735] {strides = array<i32>} : memref<96xi32, #tpu.memory_space<vmem>>, vector<16xi32>,
        %swap3A_737 = vector.shape_cast %swap3A_736 : vector<16xi32> to vector<16xi32>
        %swap3A_738 = vector.shape_cast %add3A_734 : vector<16xi32> to vector<16xi32>
        tpu.vector_store %arg22[%swap3A_735], %swap3A_738 {strides = array<i32>} : memref<96xi32, #tpu.memory_space<vmem>>, vector<16xi32>,
        %dma_start3A_739 = arith.constant 0 : i32
        %dma_start3A_740 = arith.constant 0 : i32
        %dma_start3A_741 = tpu.memref_slice %arg2[%dma_start3A_739, %dma_start3A_740] : memref<20016x64xf32, #tpu.memory_space<hbm>> -> memref<20016x64xf32, #tpu.memory_space<hbm>>
        tpu.enqueue_indirect_dma source(%dma_start3A_741 : memref<20016x64xf32, #tpu.memory_space<hbm>>) target(%arg23 : memref<96x64xf32, #tpu.memory_space<vmem>>) offsets(%arg20 : memref<96xi32, #tpu.memory_space<vmem>>) semaphore(%arg31 : memref<!tpu.dma_semaphore, #tpu.memory_space<semaphore_mem>>)
        %dma_start3A_742 = arith.constant 0 : i32
        %dma_start3A_743 = arith.constant 0 : i32
        %dma_start3A_744 = tpu.memref_slice %arg3[%dma_start3A_742, %dma_start3A_743] : memref<20016x64xf32, #tpu.memory_space<hbm>> -> memref<20016x64xf32, #tpu.memory_space<hbm>>
        tpu.enqueue_indirect_dma source(%dma_start3A_744 : memref<20016x64xf32, #tpu.memory_space<hbm>>) target(%arg25 : memref<96x64xf32, #tpu.memory_space<vmem>>) offsets(%arg21 : memref<96xi32, #tpu.memory_space<vmem>>) semaphore(%arg31 : memref<!tpu.dma_semaphore, #tpu.memory_space<semaphore_mem>>)
        %dma_start3A_745 = arith.constant 0 : i32
        %dma_start3A_746 = arith.constant 0 : i32
        %dma_start3A_747 = tpu.memref_slice %arg2[%dma_start3A_745, %dma_start3A_746] : memref<20016x64xf32, #tpu.memory_space<hbm>> -> memref<20016x64xf32, #tpu.memory_space<hbm>>
        tpu.enqueue_indirect_dma source(%dma_start3A_747 : memref<20016x64xf32, #tpu.memory_space<hbm>>) target(%arg27 : memref<96x64xf32, #tpu.memory_space<vmem>>) offsets(%arg22 : memref<96xi32, #tpu.memory_space<vmem>>) semaphore(%arg31 : memref<!tpu.dma_semaphore, #tpu.memory_space<semaphore_mem>>)
      } else {
      }
      %ge3A_544 = arith.constant 1 : i32
      %ge3A_545 = arith.cmpi sge, %add3A_531, %ge3A_544 : i32
      %sub3A_546 = arith.constant 1 : i32
      %sub3A_547 = arith.subi %add3A_531, %sub3A_546 : i32
      %lt3A_548 = arith.constant 105 : i32
      %lt3A_549 = arith.cmpi slt, %sub3A_547, %lt3A_548 : i32
      %and3A_550 = arith.andi %ge3A_545, %lt3A_549 : i1
      %convert_element_type3A_551 = arith.extui %and3A_550 : i1 to i32
      %cond3A_552 = arith.constant 0 : i32
      %cond3A_553 = arith.cmpi ne, %convert_element_type3A_551, %cond3A_552 : i32
      scf.if %cond3A_553 {
        %dma_wait3A = arith.constant 0 : i32
        %dma_wait3A_566 = arith.constant 0 : i32
        %dma_wait3A_567 = tpu.memref_slice %arg2[%dma_wait3A, %dma_wait3A_566] : memref<20016x64xf32, #tpu.memory_space<hbm>> -> memref<96x64xf32, #tpu.memory_space<hbm>>
        %dma_wait3A_568 = arith.constant 0 : i32
        %dma_wait3A_569 = arith.constant 0 : i32
        %dma_wait3A_570 = tpu.memref_slice %arg2[%dma_wait3A_568, %dma_wait3A_569] : memref<20016x64xf32, #tpu.memory_space<hbm>> -> memref<96x64xf32, #tpu.memory_space<hbm>>
        tpu.wait_dma2 semaphore(%arg36 : memref<!tpu.dma_semaphore, #tpu.memory_space<semaphore_mem>>) src(%dma_wait3A_570 : memref<96x64xf32, #tpu.memory_space<hbm>>) dst(%arg29 : memref<96x64xf32, #tpu.memory_space<vmem>>)
        %dma_wait3A_571 = arith.constant 0 : i32
        %dma_wait3A_572 = arith.constant 0 : i32
        %dma_wait3A_573 = tpu.memref_slice %arg2[%dma_wait3A_571, %dma_wait3A_572] : memref<20016x64xf32, #tpu.memory_space<hbm>> -> memref<96x64xf32, #tpu.memory_space<hbm>>
        %dma_wait3A_574 = arith.constant 0 : i32
        %dma_wait3A_575 = arith.constant 0 : i32
        %dma_wait3A_576 = tpu.memref_slice %arg2[%dma_wait3A_574, %dma_wait3A_575] : memref<20016x64xf32, #tpu.memory_space<hbm>> -> memref<96x64xf32, #tpu.memory_space<hbm>>
        tpu.wait_dma2 semaphore(%arg36 : memref<!tpu.dma_semaphore, #tpu.memory_space<semaphore_mem>>) src(%dma_wait3A_576 : memref<96x64xf32, #tpu.memory_space<hbm>>) dst(%arg29 : memref<96x64xf32, #tpu.memory_space<vmem>>)
        %dma_wait3A_577 = arith.constant 0 : i32
        %dma_wait3A_578 = arith.constant 0 : i32
        %dma_wait3A_579 = tpu.memref_slice %arg2[%dma_wait3A_577, %dma_wait3A_578] : memref<20016x64xf32, #tpu.memory_space<hbm>> -> memref<96x64xf32, #tpu.memory_space<hbm>>
        %dma_wait3A_580 = arith.constant 0 : i32
        %dma_wait3A_581 = arith.constant 0 : i32
        %dma_wait3A_582 = tpu.memref_slice %arg2[%dma_wait3A_580, %dma_wait3A_581] : memref<20016x64xf32, #tpu.memory_space<hbm>> -> memref<96x64xf32, #tpu.memory_space<hbm>>
        tpu.wait_dma2 semaphore(%arg36 : memref<!tpu.dma_semaphore, #tpu.memory_space<semaphore_mem>>) src(%dma_wait3A_582 : memref<96x64xf32, #tpu.memory_space<hbm>>) dst(%arg29 : memref<96x64xf32, #tpu.memory_space<vmem>>)
      } else {
      }
      %add3A_554 = arith.constant 2 : i32
      %add3A_555 = arith.addi %add3A_531, %add3A_554 : i32
      %lt3A_556 = arith.constant 105 : i32
      %lt3A_557 = arith.cmpi slt, %add3A_555, %lt3A_556 : i32
      %convert_element_type3A_558 = arith.extui %lt3A_557 : i1 to i32
      %cond3A_559 = arith.constant 0 : i32
      %cond3A_560 = arith.cmpi ne, %convert_element_type3A_558, %cond3A_559 : i32
      scf.if %cond3A_560 {
        %add3A_566 = arith.constant 2 : i32
        %add3A_567 = arith.addi %add3A_531, %add3A_566 : i32
        %mul3A_568 = arith.constant 16 : i32
        %mul3A_569 = arith.muli %add3A_567, %mul3A_568 : i32
        %add3A_570 = arith.addi %mul3A_569, %arg1 : i32
        %mul3A_571 = arith.constant 96 : i32
        %mul3A_572 = arith.muli %add3A_570, %mul3A_571 : i32
        %dma_start3A_573 = tpu.memref_slice %arg4[%mul3A_572] : memref<161280xi32, #tpu.memory_space<hbm>> -> memref<96xi32, #tpu.memory_space<hbm>>
        %dma_start3A_574 = tpu.memref_slice %arg4[%mul3A_572] : memref<161280xi32, #tpu.memory_space<hbm>> -> memref<96xi32, #tpu.memory_space<hbm>>
        tpu.enqueue_dma source(%dma_start3A_574 : memref<96xi32, #tpu.memory_space<hbm>>) target(%arg12 : memref<96xi32, #tpu.memory_space<vmem>>) target_semaphore(%arg34 : memref<!tpu.dma_semaphore, #tpu.memory_space<semaphore_mem>>)
        %dma_start3A_575 = tpu.memref_slice %arg5[%mul3A_572] : memref<161280xi32, #tpu.memory_space<hbm>> -> memref<96xi32, #tpu.memory_space<hbm>>
        %dma_start3A_576 = tpu.memref_slice %arg5[%mul3A_572] : memref<161280xi32, #tpu.memory_space<hbm>> -> memref<96xi32, #tpu.memory_space<hbm>>
        tpu.enqueue_dma source(%dma_start3A_576 : memref<96xi32, #tpu.memory_space<hbm>>) target(%arg15 : memref<96xi32, #tpu.memory_space<vmem>>) target_semaphore(%arg34 : memref<!tpu.dma_semaphore, #tpu.memory_space<semaphore_mem>>)
        %dma_start3A_577 = tpu.memref_slice %arg6[%mul3A_572] : memref<161280xi32, #tpu.memory_space<hbm>> -> memref<96xi32, #tpu.memory_space<hbm>>
        %dma_start3A_578 = tpu.memref_slice %arg6[%mul3A_572] : memref<161280xi32, #tpu.memory_space<hbm>> -> memref<96xi32, #tpu.memory_space<hbm>>
        tpu.enqueue_dma source(%dma_start3A_578 : memref<96xi32, #tpu.memory_space<hbm>>) target(%arg18 : memref<96xi32, #tpu.memory_space<vmem>>) target_semaphore(%arg34 : memref<!tpu.dma_semaphore, #tpu.memory_space<semaphore_mem>>)
      } else {
      }
      %lt3A_561 = arith.constant 105 : i32
      %lt3A_562 = arith.cmpi slt, %add3A_531, %lt3A_561 : i32
      %convert_element_type3A_563 = arith.extui %lt3A_562 : i1 to i32
      %cond3A_564 = arith.constant 0 : i32
      %cond3A_565 = arith.cmpi ne, %convert_element_type3A_563, %cond3A_564 : i32
      scf.if %cond3A_565 {
        %scan3A_566 = arith.constant 0 : i32
        %scan3A_567 = arith.constant 96 : i32
        %scan3A_568 = arith.addi %scan3A_566, %scan3A_567 : i32
        %scan3A_569 = arith.constant 1 : i32
        scf.for %scan3A_580 = %scan3A_566 to %scan3A_568 step %scan3A_569  : i32 {
          %mul3A_581 = arith.constant 1 : i32
          %mul3A_582 = arith.muli %scan3A_580, %mul3A_581 : i32
          %add3A_583 = arith.constant 0 : i32
          %add3A_584 = arith.addi %add3A_583, %mul3A_582 : i32
          %get3A_585 = arith.index_cast %add3A_584 : i32 to index
          %get3A_586 = arith.constant 0 : index
          %get3A_587 = tpu.vector_load %arg24[%get3A_585, %get3A_586] {strides = array<i32>} : memref<96x64xf32, #tpu.memory_space<vmem>>, vector<1x16xf32>,
          %get3A_588 = vector.shape_cast %get3A_587 : vector<1x16xf32> to vector<16xf32>
          %get3A_589 = arith.index_cast %add3A_584 : i32 to index
          %get3A_590 = arith.constant 0 : index
          %get3A_591 = tpu.vector_load %arg26[%get3A_589, %get3A_590] {strides = array<i32>} : memref<96x64xf32, #tpu.memory_space<vmem>>, vector<1x16xf32>,
          %get3A_592 = vector.shape_cast %get3A_591 : vector<1x16xf32> to vector<16xf32>
          %add3A_593 = arith.addf %get3A_588, %get3A_592 : vector<16xf32>
          %get3A_594 = arith.index_cast %add3A_584 : i32 to index
          %get3A_595 = arith.constant 0 : index
          %get3A_596 = tpu.vector_load %arg28[%get3A_594, %get3A_595] {strides = array<i32>} : memref<96x64xf32, #tpu.memory_space<vmem>>, vector<1x16xf32>,
          %get3A_597 = vector.shape_cast %get3A_596 : vector<1x16xf32> to vector<16xf32>
          %sub3A_598 = arith.subf %add3A_593, %get3A_597 : vector<16xf32>
          %swap3A_599 = arith.index_cast %add3A_584 : i32 to index
          %swap3A_600 = arith.constant 0 : index
          %swap3A_601 = tpu.vector_load %arg29[%swap3A_599, %swap3A_600] {strides = array<i32>} : memref<96x64xf32, #tpu.memory_space<vmem>>, vector<1x16xf32>,
          %swap3A_602 = vector.shape_cast %swap3A_601 : vector<1x16xf32> to vector<16xf32>
          %swap3A_603 = vector.shape_cast %sub3A_598 : vector<16xf32> to vector<1x16xf32>
          tpu.vector_store %arg29[%swap3A_599, %swap3A_600], %swap3A_603 {strides = array<i32>} : memref<96x64xf32, #tpu.memory_space<vmem>>, vector<1x16xf32>,
          %neg3A = arith.constant 0.000000e+00 : f32
          %neg3A_604 = vector.broadcast %neg3A : f32 to vector<16xf32>
          %neg3A_605 = arith.subf %neg3A_604, %sub3A_598 : vector<16xf32>
          %swap3A_606 = arith.index_cast %add3A_584 : i32 to index
          %swap3A_607 = arith.constant 0 : index
          %swap3A_608 = tpu.vector_load %arg30[%swap3A_606, %swap3A_607] {strides = array<i32>} : memref<96x64xf32, #tpu.memory_space<vmem>>, vector<1x16xf32>,
          %swap3A_609 = vector.shape_cast %swap3A_608 : vector<1x16xf32> to vector<16xf32>
          %swap3A_610 = vector.shape_cast %neg3A_605 : vector<16xf32> to vector<1x16xf32>
          tpu.vector_store %arg30[%swap3A_606, %swap3A_607], %swap3A_610 {strides = array<i32>} : memref<96x64xf32, #tpu.memory_space<vmem>>, vector<1x16xf32>,
          %get3A_611 = arith.index_cast %add3A_584 : i32 to index
          %get3A_612 = arith.constant 16 : index
          %get3A_613 = tpu.vector_load %arg24[%get3A_611, %get3A_612] {strides = array<i32>} : memref<96x64xf32, #tpu.memory_space<vmem>>, vector<1x16xf32>,
          %get3A_614 = vector.shape_cast %get3A_613 : vector<1x16xf32> to vector<16xf32>
          %get3A_615 = arith.index_cast %add3A_584 : i32 to index
          %get3A_616 = arith.constant 16 : index
          %get3A_617 = tpu.vector_load %arg26[%get3A_615, %get3A_616] {strides = array<i32>} : memref<96x64xf32, #tpu.memory_space<vmem>>, vector<1x16xf32>,
          %get3A_618 = vector.shape_cast %get3A_617 : vector<1x16xf32> to vector<16xf32>
          %add3A_619 = arith.addf %get3A_614, %get3A_618 : vector<16xf32>
          %get3A_620 = arith.index_cast %add3A_584 : i32 to index
          %get3A_621 = arith.constant 16 : index
          %get3A_622 = tpu.vector_load %arg28[%get3A_620, %get3A_621] {strides = array<i32>} : memref<96x64xf32, #tpu.memory_space<vmem>>, vector<1x16xf32>,
          %get3A_623 = vector.shape_cast %get3A_622 : vector<1x16xf32> to vector<16xf32>
          %sub3A_624 = arith.subf %add3A_619, %get3A_623 : vector<16xf32>
          %swap3A_625 = arith.index_cast %add3A_584 : i32 to index
          %swap3A_626 = arith.constant 16 : index
          %swap3A_627 = tpu.vector_load %arg29[%swap3A_625, %swap3A_626] {strides = array<i32>} : memref<96x64xf32, #tpu.memory_space<vmem>>, vector<1x16xf32>,
          %swap3A_628 = vector.shape_cast %swap3A_627 : vector<1x16xf32> to vector<16xf32>
          %swap3A_629 = vector.shape_cast %sub3A_624 : vector<16xf32> to vector<1x16xf32>
          tpu.vector_store %arg29[%swap3A_625, %swap3A_626], %swap3A_629 {strides = array<i32>} : memref<96x64xf32, #tpu.memory_space<vmem>>, vector<1x16xf32>,
          %neg3A_630 = arith.constant 0.000000e+00 : f32
          %neg3A_631 = vector.broadcast %neg3A_630 : f32 to vector<16xf32>
          %neg3A_632 = arith.subf %neg3A_631, %sub3A_624 : vector<16xf32>
          %swap3A_633 = arith.index_cast %add3A_584 : i32 to index
          %swap3A_634 = arith.constant 16 : index
          %swap3A_635 = tpu.vector_load %arg30[%swap3A_633, %swap3A_634] {strides = array<i32>} : memref<96x64xf32, #tpu.memory_space<vmem>>, vector<1x16xf32>,
          %swap3A_636 = vector.shape_cast %swap3A_635 : vector<1x16xf32> to vector<16xf32>
          %swap3A_637 = vector.shape_cast %neg3A_632 : vector<16xf32> to vector<1x16xf32>
          tpu.vector_store %arg30[%swap3A_633, %swap3A_634], %swap3A_637 {strides = array<i32>} : memref<96x64xf32, #tpu.memory_space<vmem>>, vector<1x16xf32>,
          %get3A_638 = arith.index_cast %add3A_584 : i32 to index
          %get3A_639 = arith.constant 32 : index
          %get3A_640 = tpu.vector_load %arg24[%get3A_638, %get3A_639] {strides = array<i32>} : memref<96x64xf32, #tpu.memory_space<vmem>>, vector<1x16xf32>,
          %get3A_641 = vector.shape_cast %get3A_640 : vector<1x16xf32> to vector<16xf32>
          %get3A_642 = arith.index_cast %add3A_584 : i32 to index
          %get3A_643 = arith.constant 32 : index
          %get3A_644 = tpu.vector_load %arg26[%get3A_642, %get3A_643] {strides = array<i32>} : memref<96x64xf32, #tpu.memory_space<vmem>>, vector<1x16xf32>,
          %get3A_645 = vector.shape_cast %get3A_644 : vector<1x16xf32> to vector<16xf32>
          %add3A_646 = arith.addf %get3A_641, %get3A_645 : vector<16xf32>
          %get3A_647 = arith.index_cast %add3A_584 : i32 to index
          %get3A_648 = arith.constant 32 : index
          %get3A_649 = tpu.vector_load %arg28[%get3A_647, %get3A_648] {strides = array<i32>} : memref<96x64xf32, #tpu.memory_space<vmem>>, vector<1x16xf32>,
          %get3A_650 = vector.shape_cast %get3A_649 : vector<1x16xf32> to vector<16xf32>
          %sub3A_651 = arith.subf %add3A_646, %get3A_650 : vector<16xf32>
          %swap3A_652 = arith.index_cast %add3A_584 : i32 to index
          %swap3A_653 = arith.constant 32 : index
          %swap3A_654 = tpu.vector_load %arg29[%swap3A_652, %swap3A_653] {strides = array<i32>} : memref<96x64xf32, #tpu.memory_space<vmem>>, vector<1x16xf32>,
          %swap3A_655 = vector.shape_cast %swap3A_654 : vector<1x16xf32> to vector<16xf32>
          %swap3A_656 = vector.shape_cast %sub3A_651 : vector<16xf32> to vector<1x16xf32>
          tpu.vector_store %arg29[%swap3A_652, %swap3A_653], %swap3A_656 {strides = array<i32>} : memref<96x64xf32, #tpu.memory_space<vmem>>, vector<1x16xf32>,
          %neg3A_657 = arith.constant 0.000000e+00 : f32
          %neg3A_658 = vector.broadcast %neg3A_657 : f32 to vector<16xf32>
          %neg3A_659 = arith.subf %neg3A_658, %sub3A_651 : vector<16xf32>
          %swap3A_660 = arith.index_cast %add3A_584 : i32 to index
          %swap3A_661 = arith.constant 32 : index
          %swap3A_662 = tpu.vector_load %arg30[%swap3A_660, %swap3A_661] {strides = array<i32>} : memref<96x64xf32, #tpu.memory_space<vmem>>, vector<1x16xf32>,
          %swap3A_663 = vector.shape_cast %swap3A_662 : vector<1x16xf32> to vector<16xf32>
          %swap3A_664 = vector.shape_cast %neg3A_659 : vector<16xf32> to vector<1x16xf32>
          tpu.vector_store %arg30[%swap3A_660, %swap3A_661], %swap3A_664 {strides = array<i32>} : memref<96x64xf32, #tpu.memory_space<vmem>>, vector<1x16xf32>,
          %get3A_665 = arith.index_cast %add3A_584 : i32 to index
          %get3A_666 = arith.constant 48 : index
          %get3A_667 = tpu.vector_load %arg24[%get3A_665, %get3A_666] {strides = array<i32>} : memref<96x64xf32, #tpu.memory_space<vmem>>, vector<1x16xf32>,
          %get3A_668 = vector.shape_cast %get3A_667 : vector<1x16xf32> to vector<16xf32>
          %get3A_669 = arith.index_cast %add3A_584 : i32 to index
          %get3A_670 = arith.constant 48 : index
          %get3A_671 = tpu.vector_load %arg26[%get3A_669, %get3A_670] {strides = array<i32>} : memref<96x64xf32, #tpu.memory_space<vmem>>, vector<1x16xf32>,
          %get3A_672 = vector.shape_cast %get3A_671 : vector<1x16xf32> to vector<16xf32>
          %add3A_673 = arith.addf %get3A_668, %get3A_672 : vector<16xf32>
          %get3A_674 = arith.index_cast %add3A_584 : i32 to index
          %get3A_675 = arith.constant 48 : index
          %get3A_676 = tpu.vector_load %arg28[%get3A_674, %get3A_675] {strides = array<i32>} : memref<96x64xf32, #tpu.memory_space<vmem>>, vector<1x16xf32>,
          %get3A_677 = vector.shape_cast %get3A_676 : vector<1x16xf32> to vector<16xf32>
          %sub3A_678 = arith.subf %add3A_673, %get3A_677 : vector<16xf32>
          %swap3A_679 = arith.index_cast %add3A_584 : i32 to index
          %swap3A_680 = arith.constant 48 : index
          %swap3A_681 = tpu.vector_load %arg29[%swap3A_679, %swap3A_680] {strides = array<i32>} : memref<96x64xf32, #tpu.memory_space<vmem>>, vector<1x16xf32>,
          %swap3A_682 = vector.shape_cast %swap3A_681 : vector<1x16xf32> to vector<16xf32>
          %swap3A_683 = vector.shape_cast %sub3A_678 : vector<16xf32> to vector<1x16xf32>
          tpu.vector_store %arg29[%swap3A_679, %swap3A_680], %swap3A_683 {strides = array<i32>} : memref<96x64xf32, #tpu.memory_space<vmem>>, vector<1x16xf32>,
          %neg3A_684 = arith.constant 0.000000e+00 : f32
          %neg3A_685 = vector.broadcast %neg3A_684 : f32 to vector<16xf32>
          %neg3A_686 = arith.subf %neg3A_685, %sub3A_678 : vector<16xf32>
          %swap3A_687 = arith.index_cast %add3A_584 : i32 to index
          %swap3A_688 = arith.constant 48 : index
          %swap3A_689 = tpu.vector_load %arg30[%swap3A_687, %swap3A_688] {strides = array<i32>} : memref<96x64xf32, #tpu.memory_space<vmem>>, vector<1x16xf32>,
          %swap3A_690 = vector.shape_cast %swap3A_689 : vector<1x16xf32> to vector<16xf32>
          %swap3A_691 = vector.shape_cast %neg3A_686 : vector<16xf32> to vector<1x16xf32>
          tpu.vector_store %arg30[%swap3A_687, %swap3A_688], %swap3A_691 {strides = array<i32>} : memref<96x64xf32, #tpu.memory_space<vmem>>, vector<1x16xf32>,
        }
        %scan3A_570 = arith.constant 96 : i32
        %dma_start3A_571 = arith.constant 0 : i32
        %dma_start3A_572 = arith.constant 0 : i32
        %dma_start3A_573 = tpu.memref_slice %arg9[%dma_start3A_571, %dma_start3A_572] : memref<10008x64xf32, #tpu.memory_space<vmem_shared>> -> memref<10008x64xf32, #tpu.memory_space<vmem_shared>>
        tpu.enqueue_indirect_dma source(%arg30 : memref<96x64xf32, #tpu.memory_space<vmem>>) target(%dma_start3A_573 : memref<10008x64xf32, #tpu.memory_space<vmem_shared>>) offsets(%arg13 : memref<96xi32, #tpu.memory_space<vmem>>) semaphore(%arg36 : memref<!tpu.dma_semaphore, #tpu.memory_space<semaphore_mem>>) {add = true}
        %dma_start3A_574 = arith.constant 0 : i32
        %dma_start3A_575 = arith.constant 0 : i32
        %dma_start3A_576 = tpu.memref_slice %arg9[%dma_start3A_574, %dma_start3A_575] : memref<10008x64xf32, #tpu.memory_space<vmem_shared>> -> memref<10008x64xf32, #tpu.memory_space<vmem_shared>>
        tpu.enqueue_indirect_dma source(%arg29 : memref<96x64xf32, #tpu.memory_space<vmem>>) target(%dma_start3A_576 : memref<10008x64xf32, #tpu.memory_space<vmem_shared>>) offsets(%arg19 : memref<96xi32, #tpu.memory_space<vmem>>) semaphore(%arg36 : memref<!tpu.dma_semaphore, #tpu.memory_space<semaphore_mem>>) {add = true}
        %dma_start3A_577 = arith.constant 0 : i32
        %dma_start3A_578 = arith.constant 0 : i32
        %dma_start3A_579 = tpu.memref_slice %arg10[%dma_start3A_577, %dma_start3A_578] : memref<10008x64xf32, #tpu.memory_space<vmem_shared>> -> memref<10008x64xf32, #tpu.memory_space<vmem_shared>>
        tpu.enqueue_indirect_dma source(%arg30 : memref<96x64xf32, #tpu.memory_space<vmem>>) target(%dma_start3A_579 : memref<10008x64xf32, #tpu.memory_space<vmem_shared>>) offsets(%arg16 : memref<96xi32, #tpu.memory_space<vmem>>) semaphore(%arg36 : memref<!tpu.dma_semaphore, #tpu.memory_space<semaphore_mem>>) {add = true}
      } else {
      }
    }
    %scan3A_193 = arith.constant 18 : i32
    %barrier3A_194 = arith.constant 0 : index
    tpu.barrier barrier_id(%barrier3A_194)
    %mul3A_195 = arith.constant 10000 : i32
    %mul3A_196 = arith.muli %arg0, %mul3A_195 : i32
    %mul3A_197 = arith.constant 625 : i32
    %mul3A_198 = arith.muli %arg1, %mul3A_197 : i32
    %add3A_199 = arith.constant 0 : i32
    %add3A_200 = arith.addi %mul3A_198, %add3A_199 : i32
    "tpu.region"() ({
      %run_scoped3A = tpu.sem_alloc : memref<!tpu.dma_semaphore, #tpu.memory_space<semaphore_mem>>
      %dma_start3A_339 = arith.constant 0 : i32
      %dma_start3A_340 = arith.constant 0 : i32
      %dma_start3A_341 = tpu.memref_slice %arg23[%dma_start3A_339, %dma_start3A_340] : memref<96x64xf32, #tpu.memory_space<vmem>> -> memref<96x64xf32, #tpu.memory_space<vmem>>
      %dma_start3A_342 = arith.constant 0 : i32
      %dma_start3A_343 = tpu.memref_slice %arg9[%add3A_200, %dma_start3A_342] : memref<10008x64xf32, #tpu.memory_space<vmem_shared>> -> memref<96x64xf32, #tpu.memory_space<vmem_shared>>
      %dma_start3A_344 = arith.constant 0 : i32
      %dma_start3A_345 = arith.constant 0 : i32
      %dma_start3A_346 = tpu.memref_slice %arg23[%dma_start3A_344, %dma_start3A_345] : memref<96x64xf32, #tpu.memory_space<vmem>> -> memref<96x64xf32, #tpu.memory_space<vmem>>
      %dma_start3A_347 = arith.constant 0 : i32
      %dma_start3A_348 = tpu.memref_slice %arg9[%add3A_200, %dma_start3A_347] : memref<10008x64xf32, #tpu.memory_space<vmem_shared>> -> memref<96x64xf32, #tpu.memory_space<vmem_shared>>
      tpu.enqueue_dma source(%dma_start3A_348 : memref<96x64xf32, #tpu.memory_space<vmem_shared>>) target(%dma_start3A_346 : memref<96x64xf32, #tpu.memory_space<vmem>>) target_semaphore(%run_scoped3A : memref<!tpu.dma_semaphore, #tpu.memory_space<semaphore_mem>>)
      %dma_wait3A = arith.constant 0 : i32
      %dma_wait3A_349 = arith.constant 0 : i32
      %dma_wait3A_350 = tpu.memref_slice %arg23[%dma_wait3A, %dma_wait3A_349] : memref<96x64xf32, #tpu.memory_space<vmem>> -> memref<96x64xf32, #tpu.memory_space<vmem>>
      %dma_wait3A_351 = arith.constant 0 : i32
      %dma_wait3A_352 = tpu.memref_slice %arg9[%add3A_200, %dma_wait3A_351] : memref<10008x64xf32, #tpu.memory_space<vmem_shared>> -> memref<96x64xf32, #tpu.memory_space<vmem_shared>>
      %dma_wait3A_353 = arith.constant 0 : i32
      %dma_wait3A_354 = arith.constant 0 : i32
      %dma_wait3A_355 = tpu.memref_slice %arg23[%dma_wait3A_353, %dma_wait3A_354] : memref<96x64xf32, #tpu.memory_space<vmem>> -> memref<96x64xf32, #tpu.memory_space<vmem>>
      %dma_wait3A_356 = arith.constant 0 : i32
      %dma_wait3A_357 = tpu.memref_slice %arg9[%add3A_200, %dma_wait3A_356] : memref<10008x64xf32, #tpu.memory_space<vmem_shared>> -> memref<96x64xf32, #tpu.memory_space<vmem_shared>>
      tpu.wait_dma2 semaphore(%run_scoped3A : memref<!tpu.dma_semaphore, #tpu.memory_space<semaphore_mem>>) src(%dma_wait3A_357 : memref<96x64xf32, #tpu.memory_space<vmem_shared>>) dst(%dma_wait3A_355 : memref<96x64xf32, #tpu.memory_space<vmem>>)
      tpu.yield
    }) : () -> ()
    %scan3A_201 = arith.constant 0 : i32
    %scan3A_202 = arith.constant 96 : i32
    %scan3A_203 = arith.addi %scan3A_201, %scan3A_202 : i32
    %scan3A_204 = arith.constant 1 : i32
    scf.for %scan3A_339 = %scan3A_201 to %scan3A_203 step %scan3A_204  : i32 {
      %mul3A_340 = arith.constant 1 : i32
      %mul3A_341 = arith.muli %scan3A_339, %mul3A_340 : i32
      %add3A_342 = arith.constant 0 : i32
      %add3A_343 = arith.addi %add3A_342, %mul3A_341 : i32
      %get3A_344 = arith.index_cast %add3A_343 : i32 to index
      %get3A_345 = arith.constant 0 : index
      %get3A_346 = tpu.vector_load %arg23[%get3A_344, %get3A_345] {strides = array<i32>} : memref<96x64xf32, #tpu.memory_space<vmem>>, vector<1x16xf32>,
      %get3A_347 = vector.shape_cast %get3A_346 : vector<1x16xf32> to vector<16xf32>
      %max3A = arith.constant 0.000000e+00 : f32
      %max3A_348 = vector.broadcast %max3A : f32 to vector<16xf32>
      %max3A_349 = arith.maximumf %get3A_347, %max3A_348 : vector<16xf32>
      %swap3A_350 = arith.index_cast %add3A_343 : i32 to index
      %swap3A_351 = arith.constant 0 : index
      %swap3A_352 = tpu.vector_load %arg23[%swap3A_350, %swap3A_351] {strides = array<i32>} : memref<96x64xf32, #tpu.memory_space<vmem>>, vector<1x16xf32>,
      %swap3A_353 = vector.shape_cast %swap3A_352 : vector<1x16xf32> to vector<16xf32>
      %swap3A_354 = vector.shape_cast %max3A_349 : vector<16xf32> to vector<1x16xf32>
      tpu.vector_store %arg23[%swap3A_350, %swap3A_351], %swap3A_354 {strides = array<i32>} : memref<96x64xf32, #tpu.memory_space<vmem>>, vector<1x16xf32>,
      %get3A_355 = arith.index_cast %add3A_343 : i32 to index
      %get3A_356 = arith.constant 16 : index
      %get3A_357 = tpu.vector_load %arg23[%get3A_355, %get3A_356] {strides = array<i32>} : memref<96x64xf32, #tpu.memory_space<vmem>>, vector<1x16xf32>,
      %get3A_358 = vector.shape_cast %get3A_357 : vector<1x16xf32> to vector<16xf32>
      %max3A_359 = arith.constant 0.000000e+00 : f32
      %max3A_360 = vector.broadcast %max3A_359 : f32 to vector<16xf32>
      %max3A_361 = arith.maximumf %get3A_358, %max3A_360 : vector<16xf32>
      %swap3A_362 = arith.index_cast %add3A_343 : i32 to index
      %swap3A_363 = arith.constant 16 : index
      %swap3A_364 = tpu.vector_load %arg23[%swap3A_362, %swap3A_363] {strides = array<i32>} : memref<96x64xf32, #tpu.memory_space<vmem>>, vector<1x16xf32>,
      %swap3A_365 = vector.shape_cast %swap3A_364 : vector<1x16xf32> to vector<16xf32>
      %swap3A_366 = vector.shape_cast %max3A_361 : vector<16xf32> to vector<1x16xf32>
      tpu.vector_store %arg23[%swap3A_362, %swap3A_363], %swap3A_366 {strides = array<i32>} : memref<96x64xf32, #tpu.memory_space<vmem>>, vector<1x16xf32>,
      %get3A_367 = arith.index_cast %add3A_343 : i32 to index
      %get3A_368 = arith.constant 32 : index
      %get3A_369 = tpu.vector_load %arg23[%get3A_367, %get3A_368] {strides = array<i32>} : memref<96x64xf32, #tpu.memory_space<vmem>>, vector<1x16xf32>,
      %get3A_370 = vector.shape_cast %get3A_369 : vector<1x16xf32> to vector<16xf32>
      %max3A_371 = arith.constant 0.000000e+00 : f32
      %max3A_372 = vector.broadcast %max3A_371 : f32 to vector<16xf32>
      %max3A_373 = arith.maximumf %get3A_370, %max3A_372 : vector<16xf32>
      %swap3A_374 = arith.index_cast %add3A_343 : i32 to index
      %swap3A_375 = arith.constant 32 : index
      %swap3A_376 = tpu.vector_load %arg23[%swap3A_374, %swap3A_375] {strides = array<i32>} : memref<96x64xf32, #tpu.memory_space<vmem>>, vector<1x16xf32>,
      %swap3A_377 = vector.shape_cast %swap3A_376 : vector<1x16xf32> to vector<16xf32>
      %swap3A_378 = vector.shape_cast %max3A_373 : vector<16xf32> to vector<1x16xf32>
      tpu.vector_store %arg23[%swap3A_374, %swap3A_375], %swap3A_378 {strides = array<i32>} : memref<96x64xf32, #tpu.memory_space<vmem>>, vector<1x16xf32>,
      %get3A_379 = arith.index_cast %add3A_343 : i32 to index
      %get3A_380 = arith.constant 48 : index
      %get3A_381 = tpu.vector_load %arg23[%get3A_379, %get3A_380] {strides = array<i32>} : memref<96x64xf32, #tpu.memory_space<vmem>>, vector<1x16xf32>,
      %get3A_382 = vector.shape_cast %get3A_381 : vector<1x16xf32> to vector<16xf32>
      %max3A_383 = arith.constant 0.000000e+00 : f32
      %max3A_384 = vector.broadcast %max3A_383 : f32 to vector<16xf32>
      %max3A_385 = arith.maximumf %get3A_382, %max3A_384 : vector<16xf32>
      %swap3A_386 = arith.index_cast %add3A_343 : i32 to index
      %swap3A_387 = arith.constant 48 : index
      %swap3A_388 = tpu.vector_load %arg23[%swap3A_386, %swap3A_387] {strides = array<i32>} : memref<96x64xf32, #tpu.memory_space<vmem>>, vector<1x16xf32>,
      %swap3A_389 = vector.shape_cast %swap3A_388 : vector<1x16xf32> to vector<16xf32>
      %swap3A_390 = vector.shape_cast %max3A_385 : vector<16xf32> to vector<1x16xf32>
      tpu.vector_store %arg23[%swap3A_386, %swap3A_387], %swap3A_390 {strides = array<i32>} : memref<96x64xf32, #tpu.memory_space<vmem>>, vector<1x16xf32>,
    }
    %scan3A_205 = arith.constant 96 : i32
    %add3A_206 = arith.addi %mul3A_196, %add3A_200 : i32
    "tpu.region"() ({
      %run_scoped3A = tpu.sem_alloc : memref<!tpu.dma_semaphore, #tpu.memory_space<semaphore_mem>>
      %dma_start3A_339 = arith.constant 0 : i32
      %dma_start3A_340 = arith.constant 0 : i32
      %dma_start3A_341 = tpu.memref_slice %arg23[%dma_start3A_339, %dma_start3A_340] : memref<96x64xf32, #tpu.memory_space<vmem>> -> memref<96x64xf32, #tpu.memory_space<vmem>>
      %dma_start3A_342 = arith.constant 0 : i32
      %dma_start3A_343 = tpu.memref_slice %arg7[%add3A_206, %dma_start3A_342] : memref<20000x64xf32, #tpu.memory_space<hbm>> -> memref<96x64xf32, #tpu.memory_space<hbm>>
      %dma_start3A_344 = arith.constant 0 : i32
      %dma_start3A_345 = tpu.memref_slice %arg7[%add3A_206, %dma_start3A_344] : memref<20000x64xf32, #tpu.memory_space<hbm>> -> memref<96x64xf32, #tpu.memory_space<hbm>>
      %dma_start3A_346 = arith.constant 0 : i32
      %dma_start3A_347 = arith.constant 0 : i32
      %dma_start3A_348 = tpu.memref_slice %arg23[%dma_start3A_346, %dma_start3A_347] : memref<96x64xf32, #tpu.memory_space<vmem>> -> memref<96x64xf32, #tpu.memory_space<vmem>>
      tpu.enqueue_dma source(%dma_start3A_348 : memref<96x64xf32, #tpu.memory_space<vmem>>) target(%dma_start3A_345 : memref<96x64xf32, #tpu.memory_space<hbm>>) target_semaphore(%run_scoped3A : memref<!tpu.dma_semaphore, #tpu.memory_space<semaphore_mem>>)
      %dma_wait3A = arith.constant 0 : i32
      %dma_wait3A_349 = arith.constant 0 : i32
      %dma_wait3A_350 = tpu.memref_slice %arg23[%dma_wait3A, %dma_wait3A_349] : memref<96x64xf32, #tpu.memory_space<vmem>> -> memref<96x64xf32, #tpu.memory_space<vmem>>
      %dma_wait3A_351 = arith.constant 0 : i32
      %dma_wait3A_352 = tpu.memref_slice %arg7[%add3A_206, %dma_wait3A_351] : memref<20000x64xf32, #tpu.memory_space<hbm>> -> memref<96x64xf32, #tpu.memory_space<hbm>>
      %dma_wait3A_353 = arith.constant 0 : i32
      %dma_wait3A_354 = tpu.memref_slice %arg7[%add3A_206, %dma_wait3A_353] : memref<20000x64xf32, #tpu.memory_space<hbm>> -> memref<96x64xf32, #tpu.memory_space<hbm>>
      %dma_wait3A_355 = arith.constant 0 : i32
      %dma_wait3A_356 = arith.constant 0 : i32
      %dma_wait3A_357 = tpu.memref_slice %arg23[%dma_wait3A_355, %dma_wait3A_356] : memref<96x64xf32, #tpu.memory_space<vmem>> -> memref<96x64xf32, #tpu.memory_space<vmem>>
      tpu.wait_dma2 semaphore(%run_scoped3A : memref<!tpu.dma_semaphore, #tpu.memory_space<semaphore_mem>>) src(%dma_wait3A_357 : memref<96x64xf32, #tpu.memory_space<vmem>>) dst(%dma_wait3A_354 : memref<96x64xf32, #tpu.memory_space<hbm>>)
      tpu.yield
    }) : () -> ()
    %mul3A_207 = arith.constant 625 : i32
    %mul3A_208 = arith.muli %arg1, %mul3A_207 : i32
    %add3A_209 = arith.constant 96 : i32
    %add3A_210 = arith.addi %mul3A_208, %add3A_209 : i32
    "tpu.region"() ({
      %run_scoped3A = tpu.sem_alloc : memref<!tpu.dma_semaphore, #tpu.memory_space<semaphore_mem>>
      %dma_start3A_339 = arith.constant 0 : i32
      %dma_start3A_340 = arith.constant 0 : i32
      %dma_start3A_341 = tpu.memref_slice %arg23[%dma_start3A_339, %dma_start3A_340] : memref<96x64xf32, #tpu.memory_space<vmem>> -> memref<96x64xf32, #tpu.memory_space<vmem>>
      %dma_start3A_342 = arith.constant 0 : i32
      %dma_start3A_343 = tpu.memref_slice %arg9[%add3A_210, %dma_start3A_342] : memref<10008x64xf32, #tpu.memory_space<vmem_shared>> -> memref<96x64xf32, #tpu.memory_space<vmem_shared>>
      %dma_start3A_344 = arith.constant 0 : i32
      %dma_start3A_345 = arith.constant 0 : i32
      %dma_start3A_346 = tpu.memref_slice %arg23[%dma_start3A_344, %dma_start3A_345] : memref<96x64xf32, #tpu.memory_space<vmem>> -> memref<96x64xf32, #tpu.memory_space<vmem>>
      %dma_start3A_347 = arith.constant 0 : i32
      %dma_start3A_348 = tpu.memref_slice %arg9[%add3A_210, %dma_start3A_347] : memref<10008x64xf32, #tpu.memory_space<vmem_shared>> -> memref<96x64xf32, #tpu.memory_space<vmem_shared>>
      tpu.enqueue_dma source(%dma_start3A_348 : memref<96x64xf32, #tpu.memory_space<vmem_shared>>) target(%dma_start3A_346 : memref<96x64xf32, #tpu.memory_space<vmem>>) target_semaphore(%run_scoped3A : memref<!tpu.dma_semaphore, #tpu.memory_space<semaphore_mem>>)
      %dma_wait3A = arith.constant 0 : i32
      %dma_wait3A_349 = arith.constant 0 : i32
      %dma_wait3A_350 = tpu.memref_slice %arg23[%dma_wait3A, %dma_wait3A_349] : memref<96x64xf32, #tpu.memory_space<vmem>> -> memref<96x64xf32, #tpu.memory_space<vmem>>
      %dma_wait3A_351 = arith.constant 0 : i32
      %dma_wait3A_352 = tpu.memref_slice %arg9[%add3A_210, %dma_wait3A_351] : memref<10008x64xf32, #tpu.memory_space<vmem_shared>> -> memref<96x64xf32, #tpu.memory_space<vmem_shared>>
      %dma_wait3A_353 = arith.constant 0 : i32
      %dma_wait3A_354 = arith.constant 0 : i32
      %dma_wait3A_355 = tpu.memref_slice %arg23[%dma_wait3A_353, %dma_wait3A_354] : memref<96x64xf32, #tpu.memory_space<vmem>> -> memref<96x64xf32, #tpu.memory_space<vmem>>
      %dma_wait3A_356 = arith.constant 0 : i32
      %dma_wait3A_357 = tpu.memref_slice %arg9[%add3A_210, %dma_wait3A_356] : memref<10008x64xf32, #tpu.memory_space<vmem_shared>> -> memref<96x64xf32, #tpu.memory_space<vmem_shared>>
      tpu.wait_dma2 semaphore(%run_scoped3A : memref<!tpu.dma_semaphore, #tpu.memory_space<semaphore_mem>>) src(%dma_wait3A_357 : memref<96x64xf32, #tpu.memory_space<vmem_shared>>) dst(%dma_wait3A_355 : memref<96x64xf32, #tpu.memory_space<vmem>>)
      tpu.yield
    }) : () -> ()
    %scan3A_211 = arith.constant 0 : i32
    %scan3A_212 = arith.constant 96 : i32
    %scan3A_213 = arith.addi %scan3A_211, %scan3A_212 : i32
    %scan3A_214 = arith.constant 1 : i32
    scf.for %scan3A_339 = %scan3A_211 to %scan3A_213 step %scan3A_214  : i32 {
      %mul3A_340 = arith.constant 1 : i32
      %mul3A_341 = arith.muli %scan3A_339, %mul3A_340 : i32
      %add3A_342 = arith.constant 0 : i32
      %add3A_343 = arith.addi %add3A_342, %mul3A_341 : i32
      %get3A_344 = arith.index_cast %add3A_343 : i32 to index
      %get3A_345 = arith.constant 0 : index
      %get3A_346 = tpu.vector_load %arg23[%get3A_344, %get3A_345] {strides = array<i32>} : memref<96x64xf32, #tpu.memory_space<vmem>>, vector<1x16xf32>,
      %get3A_347 = vector.shape_cast %get3A_346 : vector<1x16xf32> to vector<16xf32>
      %max3A = arith.constant 0.000000e+00 : f32
      %max3A_348 = vector.broadcast %max3A : f32 to vector<16xf32>
      %max3A_349 = arith.maximumf %get3A_347, %max3A_348 : vector<16xf32>
      %swap3A_350 = arith.index_cast %add3A_343 : i32 to index
      %swap3A_351 = arith.constant 0 : index
      %swap3A_352 = tpu.vector_load %arg23[%swap3A_350, %swap3A_351] {strides = array<i32>} : memref<96x64xf32, #tpu.memory_space<vmem>>, vector<1x16xf32>,
      %swap3A_353 = vector.shape_cast %swap3A_352 : vector<1x16xf32> to vector<16xf32>
      %swap3A_354 = vector.shape_cast %max3A_349 : vector<16xf32> to vector<1x16xf32>
      tpu.vector_store %arg23[%swap3A_350, %swap3A_351], %swap3A_354 {strides = array<i32>} : memref<96x64xf32, #tpu.memory_space<vmem>>, vector<1x16xf32>,
      %get3A_355 = arith.index_cast %add3A_343 : i32 to index
      %get3A_356 = arith.constant 16 : index
      %get3A_357 = tpu.vector_load %arg23[%get3A_355, %get3A_356] {strides = array<i32>} : memref<96x64xf32, #tpu.memory_space<vmem>>, vector<1x16xf32>,
      %get3A_358 = vector.shape_cast %get3A_357 : vector<1x16xf32> to vector<16xf32>
      %max3A_359 = arith.constant 0.000000e+00 : f32
      %max3A_360 = vector.broadcast %max3A_359 : f32 to vector<16xf32>
      %max3A_361 = arith.maximumf %get3A_358, %max3A_360 : vector<16xf32>
      %swap3A_362 = arith.index_cast %add3A_343 : i32 to index
      %swap3A_363 = arith.constant 16 : index
      %swap3A_364 = tpu.vector_load %arg23[%swap3A_362, %swap3A_363] {strides = array<i32>} : memref<96x64xf32, #tpu.memory_space<vmem>>, vector<1x16xf32>,
      %swap3A_365 = vector.shape_cast %swap3A_364 : vector<1x16xf32> to vector<16xf32>
      %swap3A_366 = vector.shape_cast %max3A_361 : vector<16xf32> to vector<1x16xf32>
      tpu.vector_store %arg23[%swap3A_362, %swap3A_363], %swap3A_366 {strides = array<i32>} : memref<96x64xf32, #tpu.memory_space<vmem>>, vector<1x16xf32>,
      %get3A_367 = arith.index_cast %add3A_343 : i32 to index
      %get3A_368 = arith.constant 32 : index
      %get3A_369 = tpu.vector_load %arg23[%get3A_367, %get3A_368] {strides = array<i32>} : memref<96x64xf32, #tpu.memory_space<vmem>>, vector<1x16xf32>,
      %get3A_370 = vector.shape_cast %get3A_369 : vector<1x16xf32> to vector<16xf32>
      %max3A_371 = arith.constant 0.000000e+00 : f32
      %max3A_372 = vector.broadcast %max3A_371 : f32 to vector<16xf32>
      %max3A_373 = arith.maximumf %get3A_370, %max3A_372 : vector<16xf32>
      %swap3A_374 = arith.index_cast %add3A_343 : i32 to index
      %swap3A_375 = arith.constant 32 : index
      %swap3A_376 = tpu.vector_load %arg23[%swap3A_374, %swap3A_375] {strides = array<i32>} : memref<96x64xf32, #tpu.memory_space<vmem>>, vector<1x16xf32>,
      %swap3A_377 = vector.shape_cast %swap3A_376 : vector<1x16xf32> to vector<16xf32>
      %swap3A_378 = vector.shape_cast %max3A_373 : vector<16xf32> to vector<1x16xf32>
      tpu.vector_store %arg23[%swap3A_374, %swap3A_375], %swap3A_378 {strides = array<i32>} : memref<96x64xf32, #tpu.memory_space<vmem>>, vector<1x16xf32>,
      %get3A_379 = arith.index_cast %add3A_343 : i32 to index
      %get3A_380 = arith.constant 48 : index
      %get3A_381 = tpu.vector_load %arg23[%get3A_379, %get3A_380] {strides = array<i32>} : memref<96x64xf32, #tpu.memory_space<vmem>>, vector<1x16xf32>,
      %get3A_382 = vector.shape_cast %get3A_381 : vector<1x16xf32> to vector<16xf32>
      %max3A_383 = arith.constant 0.000000e+00 : f32
      %max3A_384 = vector.broadcast %max3A_383 : f32 to vector<16xf32>
      %max3A_385 = arith.maximumf %get3A_382, %max3A_384 : vector<16xf32>
      %swap3A_386 = arith.index_cast %add3A_343 : i32 to index
      %swap3A_387 = arith.constant 48 : index
      %swap3A_388 = tpu.vector_load %arg23[%swap3A_386, %swap3A_387] {strides = array<i32>} : memref<96x64xf32, #tpu.memory_space<vmem>>, vector<1x16xf32>,
      %swap3A_389 = vector.shape_cast %swap3A_388 : vector<1x16xf32> to vector<16xf32>
      %swap3A_390 = vector.shape_cast %max3A_385 : vector<16xf32> to vector<1x16xf32>
      tpu.vector_store %arg23[%swap3A_386, %swap3A_387], %swap3A_390 {strides = array<i32>} : memref<96x64xf32, #tpu.memory_space<vmem>>, vector<1x16xf32>,
    }
    %scan3A_215 = arith.constant 96 : i32
    %add3A_216 = arith.addi %mul3A_196, %add3A_210 : i32
    "tpu.region"() ({
      %run_scoped3A = tpu.sem_alloc : memref<!tpu.dma_semaphore, #tpu.memory_space<semaphore_mem>>
      %dma_start3A_339 = arith.constant 0 : i32
      %dma_start3A_340 = arith.constant 0 : i32
      %dma_start3A_341 = tpu.memref_slice %arg23[%dma_start3A_339, %dma_start3A_340] : memref<96x64xf32, #tpu.memory_space<vmem>> -> memref<96x64xf32, #tpu.memory_space<vmem>>
      %dma_start3A_342 = arith.constant 0 : i32
      %dma_start3A_343 = tpu.memref_slice %arg7[%add3A_216, %dma_start3A_342] : memref<20000x64xf32, #tpu.memory_space<hbm>> -> memref<96x64xf32, #tpu.memory_space<hbm>>
      %dma_start3A_344 = arith.constant 0 : i32
      %dma_start3A_345 = tpu.memref_slice %arg7[%add3A_216, %dma_start3A_344] : memref<20000x64xf32, #tpu.memory_space<hbm>> -> memref<96x64xf32, #tpu.memory_space<hbm>>
      %dma_start3A_346 = arith.constant 0 : i32
      %dma_start3A_347 = arith.constant 0 : i32
      %dma_start3A_348 = tpu.memref_slice %arg23[%dma_start3A_346, %dma_start3A_347] : memref<96x64xf32, #tpu.memory_space<vmem>> -> memref<96x64xf32, #tpu.memory_space<vmem>>
      tpu.enqueue_dma source(%dma_start3A_348 : memref<96x64xf32, #tpu.memory_space<vmem>>) target(%dma_start3A_345 : memref<96x64xf32, #tpu.memory_space<hbm>>) target_semaphore(%run_scoped3A : memref<!tpu.dma_semaphore, #tpu.memory_space<semaphore_mem>>)
      %dma_wait3A = arith.constant 0 : i32
      %dma_wait3A_349 = arith.constant 0 : i32
      %dma_wait3A_350 = tpu.memref_slice %arg23[%dma_wait3A, %dma_wait3A_349] : memref<96x64xf32, #tpu.memory_space<vmem>> -> memref<96x64xf32, #tpu.memory_space<vmem>>
      %dma_wait3A_351 = arith.constant 0 : i32
      %dma_wait3A_352 = tpu.memref_slice %arg7[%add3A_216, %dma_wait3A_351] : memref<20000x64xf32, #tpu.memory_space<hbm>> -> memref<96x64xf32, #tpu.memory_space<hbm>>
      %dma_wait3A_353 = arith.constant 0 : i32
      %dma_wait3A_354 = tpu.memref_slice %arg7[%add3A_216, %dma_wait3A_353] : memref<20000x64xf32, #tpu.memory_space<hbm>> -> memref<96x64xf32, #tpu.memory_space<hbm>>
      %dma_wait3A_355 = arith.constant 0 : i32
      %dma_wait3A_356 = arith.constant 0 : i32
      %dma_wait3A_357 = tpu.memref_slice %arg23[%dma_wait3A_355, %dma_wait3A_356] : memref<96x64xf32, #tpu.memory_space<vmem>> -> memref<96x64xf32, #tpu.memory_space<vmem>>
      tpu.wait_dma2 semaphore(%run_scoped3A : memref<!tpu.dma_semaphore, #tpu.memory_space<semaphore_mem>>) src(%dma_wait3A_357 : memref<96x64xf32, #tpu.memory_space<vmem>>) dst(%dma_wait3A_354 : memref<96x64xf32, #tpu.memory_space<hbm>>)
      tpu.yield
    }) : () -> ()
    %mul3A_217 = arith.constant 625 : i32
    %mul3A_218 = arith.muli %arg1, %mul3A_217 : i32
    %add3A_219 = arith.constant 192 : i32
    %add3A_220 = arith.addi %mul3A_218, %add3A_219 : i32
    "tpu.region"() ({
      %run_scoped3A = tpu.sem_alloc : memref<!tpu.dma_semaphore, #tpu.memory_space<semaphore_mem>>
      %dma_start3A_339 = arith.constant 0 : i32
      %dma_start3A_340 = arith.constant 0 : i32
      %dma_start3A_341 = tpu.memref_slice %arg23[%dma_start3A_339, %dma_start3A_340] : memref<96x64xf32, #tpu.memory_space<vmem>> -> memref<96x64xf32, #tpu.memory_space<vmem>>
      %dma_start3A_342 = arith.constant 0 : i32
      %dma_start3A_343 = tpu.memref_slice %arg9[%add3A_220, %dma_start3A_342] : memref<10008x64xf32, #tpu.memory_space<vmem_shared>> -> memref<96x64xf32, #tpu.memory_space<vmem_shared>>
      %dma_start3A_344 = arith.constant 0 : i32
      %dma_start3A_345 = arith.constant 0 : i32
      %dma_start3A_346 = tpu.memref_slice %arg23[%dma_start3A_344, %dma_start3A_345] : memref<96x64xf32, #tpu.memory_space<vmem>> -> memref<96x64xf32, #tpu.memory_space<vmem>>
      %dma_start3A_347 = arith.constant 0 : i32
      %dma_start3A_348 = tpu.memref_slice %arg9[%add3A_220, %dma_start3A_347] : memref<10008x64xf32, #tpu.memory_space<vmem_shared>> -> memref<96x64xf32, #tpu.memory_space<vmem_shared>>
      tpu.enqueue_dma source(%dma_start3A_348 : memref<96x64xf32, #tpu.memory_space<vmem_shared>>) target(%dma_start3A_346 : memref<96x64xf32, #tpu.memory_space<vmem>>) target_semaphore(%run_scoped3A : memref<!tpu.dma_semaphore, #tpu.memory_space<semaphore_mem>>)
      %dma_wait3A = arith.constant 0 : i32
      %dma_wait3A_349 = arith.constant 0 : i32
      %dma_wait3A_350 = tpu.memref_slice %arg23[%dma_wait3A, %dma_wait3A_349] : memref<96x64xf32, #tpu.memory_space<vmem>> -> memref<96x64xf32, #tpu.memory_space<vmem>>
      %dma_wait3A_351 = arith.constant 0 : i32
      %dma_wait3A_352 = tpu.memref_slice %arg9[%add3A_220, %dma_wait3A_351] : memref<10008x64xf32, #tpu.memory_space<vmem_shared>> -> memref<96x64xf32, #tpu.memory_space<vmem_shared>>
      %dma_wait3A_353 = arith.constant 0 : i32
      %dma_wait3A_354 = arith.constant 0 : i32
      %dma_wait3A_355 = tpu.memref_slice %arg23[%dma_wait3A_353, %dma_wait3A_354] : memref<96x64xf32, #tpu.memory_space<vmem>> -> memref<96x64xf32, #tpu.memory_space<vmem>>
      %dma_wait3A_356 = arith.constant 0 : i32
      %dma_wait3A_357 = tpu.memref_slice %arg9[%add3A_220, %dma_wait3A_356] : memref<10008x64xf32, #tpu.memory_space<vmem_shared>> -> memref<96x64xf32, #tpu.memory_space<vmem_shared>>
      tpu.wait_dma2 semaphore(%run_scoped3A : memref<!tpu.dma_semaphore, #tpu.memory_space<semaphore_mem>>) src(%dma_wait3A_357 : memref<96x64xf32, #tpu.memory_space<vmem_shared>>) dst(%dma_wait3A_355 : memref<96x64xf32, #tpu.memory_space<vmem>>)
      tpu.yield
    }) : () -> ()
    %scan3A_221 = arith.constant 0 : i32
    %scan3A_222 = arith.constant 96 : i32
    %scan3A_223 = arith.addi %scan3A_221, %scan3A_222 : i32
    %scan3A_224 = arith.constant 1 : i32
    scf.for %scan3A_339 = %scan3A_221 to %scan3A_223 step %scan3A_224  : i32 {
      %mul3A_340 = arith.constant 1 : i32
      %mul3A_341 = arith.muli %scan3A_339, %mul3A_340 : i32
      %add3A_342 = arith.constant 0 : i32
      %add3A_343 = arith.addi %add3A_342, %mul3A_341 : i32
      %get3A_344 = arith.index_cast %add3A_343 : i32 to index
      %get3A_345 = arith.constant 0 : index
      %get3A_346 = tpu.vector_load %arg23[%get3A_344, %get3A_345] {strides = array<i32>} : memref<96x64xf32, #tpu.memory_space<vmem>>, vector<1x16xf32>,
      %get3A_347 = vector.shape_cast %get3A_346 : vector<1x16xf32> to vector<16xf32>
      %max3A = arith.constant 0.000000e+00 : f32
      %max3A_348 = vector.broadcast %max3A : f32 to vector<16xf32>
      %max3A_349 = arith.maximumf %get3A_347, %max3A_348 : vector<16xf32>
      %swap3A_350 = arith.index_cast %add3A_343 : i32 to index
      %swap3A_351 = arith.constant 0 : index
      %swap3A_352 = tpu.vector_load %arg23[%swap3A_350, %swap3A_351] {strides = array<i32>} : memref<96x64xf32, #tpu.memory_space<vmem>>, vector<1x16xf32>,
      %swap3A_353 = vector.shape_cast %swap3A_352 : vector<1x16xf32> to vector<16xf32>
      %swap3A_354 = vector.shape_cast %max3A_349 : vector<16xf32> to vector<1x16xf32>
      tpu.vector_store %arg23[%swap3A_350, %swap3A_351], %swap3A_354 {strides = array<i32>} : memref<96x64xf32, #tpu.memory_space<vmem>>, vector<1x16xf32>,
      %get3A_355 = arith.index_cast %add3A_343 : i32 to index
      %get3A_356 = arith.constant 16 : index
      %get3A_357 = tpu.vector_load %arg23[%get3A_355, %get3A_356] {strides = array<i32>} : memref<96x64xf32, #tpu.memory_space<vmem>>, vector<1x16xf32>,
      %get3A_358 = vector.shape_cast %get3A_357 : vector<1x16xf32> to vector<16xf32>
      %max3A_359 = arith.constant 0.000000e+00 : f32
      %max3A_360 = vector.broadcast %max3A_359 : f32 to vector<16xf32>
      %max3A_361 = arith.maximumf %get3A_358, %max3A_360 : vector<16xf32>
      %swap3A_362 = arith.index_cast %add3A_343 : i32 to index
      %swap3A_363 = arith.constant 16 : index
      %swap3A_364 = tpu.vector_load %arg23[%swap3A_362, %swap3A_363] {strides = array<i32>} : memref<96x64xf32, #tpu.memory_space<vmem>>, vector<1x16xf32>,
      %swap3A_365 = vector.shape_cast %swap3A_364 : vector<1x16xf32> to vector<16xf32>
      %swap3A_366 = vector.shape_cast %max3A_361 : vector<16xf32> to vector<1x16xf32>
      tpu.vector_store %arg23[%swap3A_362, %swap3A_363], %swap3A_366 {strides = array<i32>} : memref<96x64xf32, #tpu.memory_space<vmem>>, vector<1x16xf32>,
      %get3A_367 = arith.index_cast %add3A_343 : i32 to index
      %get3A_368 = arith.constant 32 : index
      %get3A_369 = tpu.vector_load %arg23[%get3A_367, %get3A_368] {strides = array<i32>} : memref<96x64xf32, #tpu.memory_space<vmem>>, vector<1x16xf32>,
      %get3A_370 = vector.shape_cast %get3A_369 : vector<1x16xf32> to vector<16xf32>
      %max3A_371 = arith.constant 0.000000e+00 : f32
      %max3A_372 = vector.broadcast %max3A_371 : f32 to vector<16xf32>
      %max3A_373 = arith.maximumf %get3A_370, %max3A_372 : vector<16xf32>
      %swap3A_374 = arith.index_cast %add3A_343 : i32 to index
      %swap3A_375 = arith.constant 32 : index
      %swap3A_376 = tpu.vector_load %arg23[%swap3A_374, %swap3A_375] {strides = array<i32>} : memref<96x64xf32, #tpu.memory_space<vmem>>, vector<1x16xf32>,
      %swap3A_377 = vector.shape_cast %swap3A_376 : vector<1x16xf32> to vector<16xf32>
      %swap3A_378 = vector.shape_cast %max3A_373 : vector<16xf32> to vector<1x16xf32>
      tpu.vector_store %arg23[%swap3A_374, %swap3A_375], %swap3A_378 {strides = array<i32>} : memref<96x64xf32, #tpu.memory_space<vmem>>, vector<1x16xf32>,
      %get3A_379 = arith.index_cast %add3A_343 : i32 to index
      %get3A_380 = arith.constant 48 : index
      %get3A_381 = tpu.vector_load %arg23[%get3A_379, %get3A_380] {strides = array<i32>} : memref<96x64xf32, #tpu.memory_space<vmem>>, vector<1x16xf32>,
      %get3A_382 = vector.shape_cast %get3A_381 : vector<1x16xf32> to vector<16xf32>
      %max3A_383 = arith.constant 0.000000e+00 : f32
      %max3A_384 = vector.broadcast %max3A_383 : f32 to vector<16xf32>
      %max3A_385 = arith.maximumf %get3A_382, %max3A_384 : vector<16xf32>
      %swap3A_386 = arith.index_cast %add3A_343 : i32 to index
      %swap3A_387 = arith.constant 48 : index
      %swap3A_388 = tpu.vector_load %arg23[%swap3A_386, %swap3A_387] {strides = array<i32>} : memref<96x64xf32, #tpu.memory_space<vmem>>, vector<1x16xf32>,
      %swap3A_389 = vector.shape_cast %swap3A_388 : vector<1x16xf32> to vector<16xf32>
      %swap3A_390 = vector.shape_cast %max3A_385 : vector<16xf32> to vector<1x16xf32>
      tpu.vector_store %arg23[%swap3A_386, %swap3A_387], %swap3A_390 {strides = array<i32>} : memref<96x64xf32, #tpu.memory_space<vmem>>, vector<1x16xf32>,
    }
    %scan3A_225 = arith.constant 96 : i32
    %add3A_226 = arith.addi %mul3A_196, %add3A_220 : i32
    "tpu.region"() ({
      %run_scoped3A = tpu.sem_alloc : memref<!tpu.dma_semaphore, #tpu.memory_space<semaphore_mem>>
      %dma_start3A_339 = arith.constant 0 : i32
      %dma_start3A_340 = arith.constant 0 : i32
      %dma_start3A_341 = tpu.memref_slice %arg23[%dma_start3A_339, %dma_start3A_340] : memref<96x64xf32, #tpu.memory_space<vmem>> -> memref<96x64xf32, #tpu.memory_space<vmem>>
      %dma_start3A_342 = arith.constant 0 : i32
      %dma_start3A_343 = tpu.memref_slice %arg7[%add3A_226, %dma_start3A_342] : memref<20000x64xf32, #tpu.memory_space<hbm>> -> memref<96x64xf32, #tpu.memory_space<hbm>>
      %dma_start3A_344 = arith.constant 0 : i32
      %dma_start3A_345 = tpu.memref_slice %arg7[%add3A_226, %dma_start3A_344] : memref<20000x64xf32, #tpu.memory_space<hbm>> -> memref<96x64xf32, #tpu.memory_space<hbm>>
      %dma_start3A_346 = arith.constant 0 : i32
      %dma_start3A_347 = arith.constant 0 : i32
      %dma_start3A_348 = tpu.memref_slice %arg23[%dma_start3A_346, %dma_start3A_347] : memref<96x64xf32, #tpu.memory_space<vmem>> -> memref<96x64xf32, #tpu.memory_space<vmem>>
      tpu.enqueue_dma source(%dma_start3A_348 : memref<96x64xf32, #tpu.memory_space<vmem>>) target(%dma_start3A_345 : memref<96x64xf32, #tpu.memory_space<hbm>>) target_semaphore(%run_scoped3A : memref<!tpu.dma_semaphore, #tpu.memory_space<semaphore_mem>>)
      %dma_wait3A = arith.constant 0 : i32
      %dma_wait3A_349 = arith.constant 0 : i32
      %dma_wait3A_350 = tpu.memref_slice %arg23[%dma_wait3A, %dma_wait3A_349] : memref<96x64xf32, #tpu.memory_space<vmem>> -> memref<96x64xf32, #tpu.memory_space<vmem>>
      %dma_wait3A_351 = arith.constant 0 : i32
      %dma_wait3A_352 = tpu.memref_slice %arg7[%add3A_226, %dma_wait3A_351] : memref<20000x64xf32, #tpu.memory_space<hbm>> -> memref<96x64xf32, #tpu.memory_space<hbm>>
      %dma_wait3A_353 = arith.constant 0 : i32
      %dma_wait3A_354 = tpu.memref_slice %arg7[%add3A_226, %dma_wait3A_353] : memref<20000x64xf32, #tpu.memory_space<hbm>> -> memref<96x64xf32, #tpu.memory_space<hbm>>
      %dma_wait3A_355 = arith.constant 0 : i32
      %dma_wait3A_356 = arith.constant 0 : i32
      %dma_wait3A_357 = tpu.memref_slice %arg23[%dma_wait3A_355, %dma_wait3A_356] : memref<96x64xf32, #tpu.memory_space<vmem>> -> memref<96x64xf32, #tpu.memory_space<vmem>>
      tpu.wait_dma2 semaphore(%run_scoped3A : memref<!tpu.dma_semaphore, #tpu.memory_space<semaphore_mem>>) src(%dma_wait3A_357 : memref<96x64xf32, #tpu.memory_space<vmem>>) dst(%dma_wait3A_354 : memref<96x64xf32, #tpu.memory_space<hbm>>)
      tpu.yield
    }) : () -> ()
    %mul3A_227 = arith.constant 625 : i32
    %mul3A_228 = arith.muli %arg1, %mul3A_227 : i32
    %add3A_229 = arith.constant 288 : i32
    %add3A_230 = arith.addi %mul3A_228, %add3A_229 : i32
    "tpu.region"() ({
      %run_scoped3A = tpu.sem_alloc : memref<!tpu.dma_semaphore, #tpu.memory_space<semaphore_mem>>
      %dma_start3A_339 = arith.constant 0 : i32
      %dma_start3A_340 = arith.constant 0 : i32
      %dma_start3A_341 = tpu.memref_slice %arg23[%dma_start3A_339, %dma_start3A_340] : memref<96x64xf32, #tpu.memory_space<vmem>> -> memref<96x64xf32, #tpu.memory_space<vmem>>
      %dma_start3A_342 = arith.constant 0 : i32
      %dma_start3A_343 = tpu.memref_slice %arg9[%add3A_230, %dma_start3A_342] : memref<10008x64xf32, #tpu.memory_space<vmem_shared>> -> memref<96x64xf32, #tpu.memory_space<vmem_shared>>
      %dma_start3A_344 = arith.constant 0 : i32
      %dma_start3A_345 = arith.constant 0 : i32
      %dma_start3A_346 = tpu.memref_slice %arg23[%dma_start3A_344, %dma_start3A_345] : memref<96x64xf32, #tpu.memory_space<vmem>> -> memref<96x64xf32, #tpu.memory_space<vmem>>
      %dma_start3A_347 = arith.constant 0 : i32
      %dma_start3A_348 = tpu.memref_slice %arg9[%add3A_230, %dma_start3A_347] : memref<10008x64xf32, #tpu.memory_space<vmem_shared>> -> memref<96x64xf32, #tpu.memory_space<vmem_shared>>
      tpu.enqueue_dma source(%dma_start3A_348 : memref<96x64xf32, #tpu.memory_space<vmem_shared>>) target(%dma_start3A_346 : memref<96x64xf32, #tpu.memory_space<vmem>>) target_semaphore(%run_scoped3A : memref<!tpu.dma_semaphore, #tpu.memory_space<semaphore_mem>>)
      %dma_wait3A = arith.constant 0 : i32
      %dma_wait3A_349 = arith.constant 0 : i32
      %dma_wait3A_350 = tpu.memref_slice %arg23[%dma_wait3A, %dma_wait3A_349] : memref<96x64xf32, #tpu.memory_space<vmem>> -> memref<96x64xf32, #tpu.memory_space<vmem>>
      %dma_wait3A_351 = arith.constant 0 : i32
      %dma_wait3A_352 = tpu.memref_slice %arg9[%add3A_230, %dma_wait3A_351] : memref<10008x64xf32, #tpu.memory_space<vmem_shared>> -> memref<96x64xf32, #tpu.memory_space<vmem_shared>>
      %dma_wait3A_353 = arith.constant 0 : i32
      %dma_wait3A_354 = arith.constant 0 : i32
      %dma_wait3A_355 = tpu.memref_slice %arg23[%dma_wait3A_353, %dma_wait3A_354] : memref<96x64xf32, #tpu.memory_space<vmem>> -> memref<96x64xf32, #tpu.memory_space<vmem>>
      %dma_wait3A_356 = arith.constant 0 : i32
      %dma_wait3A_357 = tpu.memref_slice %arg9[%add3A_230, %dma_wait3A_356] : memref<10008x64xf32, #tpu.memory_space<vmem_shared>> -> memref<96x64xf32, #tpu.memory_space<vmem_shared>>
      tpu.wait_dma2 semaphore(%run_scoped3A : memref<!tpu.dma_semaphore, #tpu.memory_space<semaphore_mem>>) src(%dma_wait3A_357 : memref<96x64xf32, #tpu.memory_space<vmem_shared>>) dst(%dma_wait3A_355 : memref<96x64xf32, #tpu.memory_space<vmem>>)
      tpu.yield
    }) : () -> ()
    %scan3A_231 = arith.constant 0 : i32
    %scan3A_232 = arith.constant 96 : i32
    %scan3A_233 = arith.addi %scan3A_231, %scan3A_232 : i32
    %scan3A_234 = arith.constant 1 : i32
    scf.for %scan3A_339 = %scan3A_231 to %scan3A_233 step %scan3A_234  : i32 {
      %mul3A_340 = arith.constant 1 : i32
      %mul3A_341 = arith.muli %scan3A_339, %mul3A_340 : i32
      %add3A_342 = arith.constant 0 : i32
      %add3A_343 = arith.addi %add3A_342, %mul3A_341 : i32
      %get3A_344 = arith.index_cast %add3A_343 : i32 to index
      %get3A_345 = arith.constant 0 : index
      %get3A_346 = tpu.vector_load %arg23[%get3A_344, %get3A_345] {strides = array<i32>} : memref<96x64xf32, #tpu.memory_space<vmem>>, vector<1x16xf32>,
      %get3A_347 = vector.shape_cast %get3A_346 : vector<1x16xf32> to vector<16xf32>
      %max3A = arith.constant 0.000000e+00 : f32
      %max3A_348 = vector.broadcast %max3A : f32 to vector<16xf32>
      %max3A_349 = arith.maximumf %get3A_347, %max3A_348 : vector<16xf32>
      %swap3A_350 = arith.index_cast %add3A_343 : i32 to index
      %swap3A_351 = arith.constant 0 : index
      %swap3A_352 = tpu.vector_load %arg23[%swap3A_350, %swap3A_351] {strides = array<i32>} : memref<96x64xf32, #tpu.memory_space<vmem>>, vector<1x16xf32>,
      %swap3A_353 = vector.shape_cast %swap3A_352 : vector<1x16xf32> to vector<16xf32>
      %swap3A_354 = vector.shape_cast %max3A_349 : vector<16xf32> to vector<1x16xf32>
      tpu.vector_store %arg23[%swap3A_350, %swap3A_351], %swap3A_354 {strides = array<i32>} : memref<96x64xf32, #tpu.memory_space<vmem>>, vector<1x16xf32>,
      %get3A_355 = arith.index_cast %add3A_343 : i32 to index
      %get3A_356 = arith.constant 16 : index
      %get3A_357 = tpu.vector_load %arg23[%get3A_355, %get3A_356] {strides = array<i32>} : memref<96x64xf32, #tpu.memory_space<vmem>>, vector<1x16xf32>,
      %get3A_358 = vector.shape_cast %get3A_357 : vector<1x16xf32> to vector<16xf32>
      %max3A_359 = arith.constant 0.000000e+00 : f32
      %max3A_360 = vector.broadcast %max3A_359 : f32 to vector<16xf32>
      %max3A_361 = arith.maximumf %get3A_358, %max3A_360 : vector<16xf32>
      %swap3A_362 = arith.index_cast %add3A_343 : i32 to index
      %swap3A_363 = arith.constant 16 : index
      %swap3A_364 = tpu.vector_load %arg23[%swap3A_362, %swap3A_363] {strides = array<i32>} : memref<96x64xf32, #tpu.memory_space<vmem>>, vector<1x16xf32>,
      %swap3A_365 = vector.shape_cast %swap3A_364 : vector<1x16xf32> to vector<16xf32>
      %swap3A_366 = vector.shape_cast %max3A_361 : vector<16xf32> to vector<1x16xf32>
      tpu.vector_store %arg23[%swap3A_362, %swap3A_363], %swap3A_366 {strides = array<i32>} : memref<96x64xf32, #tpu.memory_space<vmem>>, vector<1x16xf32>,
      %get3A_367 = arith.index_cast %add3A_343 : i32 to index
      %get3A_368 = arith.constant 32 : index
      %get3A_369 = tpu.vector_load %arg23[%get3A_367, %get3A_368] {strides = array<i32>} : memref<96x64xf32, #tpu.memory_space<vmem>>, vector<1x16xf32>,
      %get3A_370 = vector.shape_cast %get3A_369 : vector<1x16xf32> to vector<16xf32>
      %max3A_371 = arith.constant 0.000000e+00 : f32
      %max3A_372 = vector.broadcast %max3A_371 : f32 to vector<16xf32>
      %max3A_373 = arith.maximumf %get3A_370, %max3A_372 : vector<16xf32>
      %swap3A_374 = arith.index_cast %add3A_343 : i32 to index
      %swap3A_375 = arith.constant 32 : index
      %swap3A_376 = tpu.vector_load %arg23[%swap3A_374, %swap3A_375] {strides = array<i32>} : memref<96x64xf32, #tpu.memory_space<vmem>>, vector<1x16xf32>,
      %swap3A_377 = vector.shape_cast %swap3A_376 : vector<1x16xf32> to vector<16xf32>
      %swap3A_378 = vector.shape_cast %max3A_373 : vector<16xf32> to vector<1x16xf32>
      tpu.vector_store %arg23[%swap3A_374, %swap3A_375], %swap3A_378 {strides = array<i32>} : memref<96x64xf32, #tpu.memory_space<vmem>>, vector<1x16xf32>,
      %get3A_379 = arith.index_cast %add3A_343 : i32 to index
      %get3A_380 = arith.constant 48 : index
      %get3A_381 = tpu.vector_load %arg23[%get3A_379, %get3A_380] {strides = array<i32>} : memref<96x64xf32, #tpu.memory_space<vmem>>, vector<1x16xf32>,
      %get3A_382 = vector.shape_cast %get3A_381 : vector<1x16xf32> to vector<16xf32>
      %max3A_383 = arith.constant 0.000000e+00 : f32
      %max3A_384 = vector.broadcast %max3A_383 : f32 to vector<16xf32>
      %max3A_385 = arith.maximumf %get3A_382, %max3A_384 : vector<16xf32>
      %swap3A_386 = arith.index_cast %add3A_343 : i32 to index
      %swap3A_387 = arith.constant 48 : index
      %swap3A_388 = tpu.vector_load %arg23[%swap3A_386, %swap3A_387] {strides = array<i32>} : memref<96x64xf32, #tpu.memory_space<vmem>>, vector<1x16xf32>,
      %swap3A_389 = vector.shape_cast %swap3A_388 : vector<1x16xf32> to vector<16xf32>
      %swap3A_390 = vector.shape_cast %max3A_385 : vector<16xf32> to vector<1x16xf32>
      tpu.vector_store %arg23[%swap3A_386, %swap3A_387], %swap3A_390 {strides = array<i32>} : memref<96x64xf32, #tpu.memory_space<vmem>>, vector<1x16xf32>,
    }
    %scan3A_235 = arith.constant 96 : i32
    %add3A_236 = arith.addi %mul3A_196, %add3A_230 : i32
    "tpu.region"() ({
      %run_scoped3A = tpu.sem_alloc : memref<!tpu.dma_semaphore, #tpu.memory_space<semaphore_mem>>
      %dma_start3A_339 = arith.constant 0 : i32
      %dma_start3A_340 = arith.constant 0 : i32
      %dma_start3A_341 = tpu.memref_slice %arg23[%dma_start3A_339, %dma_start3A_340] : memref<96x64xf32, #tpu.memory_space<vmem>> -> memref<96x64xf32, #tpu.memory_space<vmem>>
      %dma_start3A_342 = arith.constant 0 : i32
      %dma_start3A_343 = tpu.memref_slice %arg7[%add3A_236, %dma_start3A_342] : memref<20000x64xf32, #tpu.memory_space<hbm>> -> memref<96x64xf32, #tpu.memory_space<hbm>>
      %dma_start3A_344 = arith.constant 0 : i32
      %dma_start3A_345 = tpu.memref_slice %arg7[%add3A_236, %dma_start3A_344] : memref<20000x64xf32, #tpu.memory_space<hbm>> -> memref<96x64xf32, #tpu.memory_space<hbm>>
      %dma_start3A_346 = arith.constant 0 : i32
      %dma_start3A_347 = arith.constant 0 : i32
      %dma_start3A_348 = tpu.memref_slice %arg23[%dma_start3A_346, %dma_start3A_347] : memref<96x64xf32, #tpu.memory_space<vmem>> -> memref<96x64xf32, #tpu.memory_space<vmem>>
      tpu.enqueue_dma source(%dma_start3A_348 : memref<96x64xf32, #tpu.memory_space<vmem>>) target(%dma_start3A_345 : memref<96x64xf32, #tpu.memory_space<hbm>>) target_semaphore(%run_scoped3A : memref<!tpu.dma_semaphore, #tpu.memory_space<semaphore_mem>>)
      %dma_wait3A = arith.constant 0 : i32
      %dma_wait3A_349 = arith.constant 0 : i32
      %dma_wait3A_350 = tpu.memref_slice %arg23[%dma_wait3A, %dma_wait3A_349] : memref<96x64xf32, #tpu.memory_space<vmem>> -> memref<96x64xf32, #tpu.memory_space<vmem>>
      %dma_wait3A_351 = arith.constant 0 : i32
      %dma_wait3A_352 = tpu.memref_slice %arg7[%add3A_236, %dma_wait3A_351] : memref<20000x64xf32, #tpu.memory_space<hbm>> -> memref<96x64xf32, #tpu.memory_space<hbm>>
      %dma_wait3A_353 = arith.constant 0 : i32
      %dma_wait3A_354 = tpu.memref_slice %arg7[%add3A_236, %dma_wait3A_353] : memref<20000x64xf32, #tpu.memory_space<hbm>> -> memref<96x64xf32, #tpu.memory_space<hbm>>
      %dma_wait3A_355 = arith.constant 0 : i32
      %dma_wait3A_356 = arith.constant 0 : i32
      %dma_wait3A_357 = tpu.memref_slice %arg23[%dma_wait3A_355, %dma_wait3A_356] : memref<96x64xf32, #tpu.memory_space<vmem>> -> memref<96x64xf32, #tpu.memory_space<vmem>>
      tpu.wait_dma2 semaphore(%run_scoped3A : memref<!tpu.dma_semaphore, #tpu.memory_space<semaphore_mem>>) src(%dma_wait3A_357 : memref<96x64xf32, #tpu.memory_space<vmem>>) dst(%dma_wait3A_354 : memref<96x64xf32, #tpu.memory_space<hbm>>)
      tpu.yield
    }) : () -> ()
    %mul3A_237 = arith.constant 625 : i32
    %mul3A_238 = arith.muli %arg1, %mul3A_237 : i32
    %add3A_239 = arith.constant 384 : i32
    %add3A_240 = arith.addi %mul3A_238, %add3A_239 : i32
    "tpu.region"() ({
      %run_scoped3A = tpu.sem_alloc : memref<!tpu.dma_semaphore, #tpu.memory_space<semaphore_mem>>
      %dma_start3A_339 = arith.constant 0 : i32
      %dma_start3A_340 = arith.constant 0 : i32
      %dma_start3A_341 = tpu.memref_slice %arg23[%dma_start3A_339, %dma_start3A_340] : memref<96x64xf32, #tpu.memory_space<vmem>> -> memref<96x64xf32, #tpu.memory_space<vmem>>
      %dma_start3A_342 = arith.constant 0 : i32
      %dma_start3A_343 = tpu.memref_slice %arg9[%add3A_240, %dma_start3A_342] : memref<10008x64xf32, #tpu.memory_space<vmem_shared>> -> memref<96x64xf32, #tpu.memory_space<vmem_shared>>
      %dma_start3A_344 = arith.constant 0 : i32
      %dma_start3A_345 = arith.constant 0 : i32
      %dma_start3A_346 = tpu.memref_slice %arg23[%dma_start3A_344, %dma_start3A_345] : memref<96x64xf32, #tpu.memory_space<vmem>> -> memref<96x64xf32, #tpu.memory_space<vmem>>
      %dma_start3A_347 = arith.constant 0 : i32
      %dma_start3A_348 = tpu.memref_slice %arg9[%add3A_240, %dma_start3A_347] : memref<10008x64xf32, #tpu.memory_space<vmem_shared>> -> memref<96x64xf32, #tpu.memory_space<vmem_shared>>
      tpu.enqueue_dma source(%dma_start3A_348 : memref<96x64xf32, #tpu.memory_space<vmem_shared>>) target(%dma_start3A_346 : memref<96x64xf32, #tpu.memory_space<vmem>>) target_semaphore(%run_scoped3A : memref<!tpu.dma_semaphore, #tpu.memory_space<semaphore_mem>>)
      %dma_wait3A = arith.constant 0 : i32
      %dma_wait3A_349 = arith.constant 0 : i32
      %dma_wait3A_350 = tpu.memref_slice %arg23[%dma_wait3A, %dma_wait3A_349] : memref<96x64xf32, #tpu.memory_space<vmem>> -> memref<96x64xf32, #tpu.memory_space<vmem>>
      %dma_wait3A_351 = arith.constant 0 : i32
      %dma_wait3A_352 = tpu.memref_slice %arg9[%add3A_240, %dma_wait3A_351] : memref<10008x64xf32, #tpu.memory_space<vmem_shared>> -> memref<96x64xf32, #tpu.memory_space<vmem_shared>>
      %dma_wait3A_353 = arith.constant 0 : i32
      %dma_wait3A_354 = arith.constant 0 : i32
      %dma_wait3A_355 = tpu.memref_slice %arg23[%dma_wait3A_353, %dma_wait3A_354] : memref<96x64xf32, #tpu.memory_space<vmem>> -> memref<96x64xf32, #tpu.memory_space<vmem>>
      %dma_wait3A_356 = arith.constant 0 : i32
      %dma_wait3A_357 = tpu.memref_slice %arg9[%add3A_240, %dma_wait3A_356] : memref<10008x64xf32, #tpu.memory_space<vmem_shared>> -> memref<96x64xf32, #tpu.memory_space<vmem_shared>>
      tpu.wait_dma2 semaphore(%run_scoped3A : memref<!tpu.dma_semaphore, #tpu.memory_space<semaphore_mem>>) src(%dma_wait3A_357 : memref<96x64xf32, #tpu.memory_space<vmem_shared>>) dst(%dma_wait3A_355 : memref<96x64xf32, #tpu.memory_space<vmem>>)
      tpu.yield
    }) : () -> ()
    %scan3A_241 = arith.constant 0 : i32
    %scan3A_242 = arith.constant 96 : i32
    %scan3A_243 = arith.addi %scan3A_241, %scan3A_242 : i32
    %scan3A_244 = arith.constant 1 : i32
    scf.for %scan3A_339 = %scan3A_241 to %scan3A_243 step %scan3A_244  : i32 {
      %mul3A_340 = arith.constant 1 : i32
      %mul3A_341 = arith.muli %scan3A_339, %mul3A_340 : i32
      %add3A_342 = arith.constant 0 : i32
      %add3A_343 = arith.addi %add3A_342, %mul3A_341 : i32
      %get3A_344 = arith.index_cast %add3A_343 : i32 to index
      %get3A_345 = arith.constant 0 : index
      %get3A_346 = tpu.vector_load %arg23[%get3A_344, %get3A_345] {strides = array<i32>} : memref<96x64xf32, #tpu.memory_space<vmem>>, vector<1x16xf32>,
      %get3A_347 = vector.shape_cast %get3A_346 : vector<1x16xf32> to vector<16xf32>
      %max3A = arith.constant 0.000000e+00 : f32
      %max3A_348 = vector.broadcast %max3A : f32 to vector<16xf32>
      %max3A_349 = arith.maximumf %get3A_347, %max3A_348 : vector<16xf32>
      %swap3A_350 = arith.index_cast %add3A_343 : i32 to index
      %swap3A_351 = arith.constant 0 : index
      %swap3A_352 = tpu.vector_load %arg23[%swap3A_350, %swap3A_351] {strides = array<i32>} : memref<96x64xf32, #tpu.memory_space<vmem>>, vector<1x16xf32>,
      %swap3A_353 = vector.shape_cast %swap3A_352 : vector<1x16xf32> to vector<16xf32>
      %swap3A_354 = vector.shape_cast %max3A_349 : vector<16xf32> to vector<1x16xf32>
      tpu.vector_store %arg23[%swap3A_350, %swap3A_351], %swap3A_354 {strides = array<i32>} : memref<96x64xf32, #tpu.memory_space<vmem>>, vector<1x16xf32>,
      %get3A_355 = arith.index_cast %add3A_343 : i32 to index
      %get3A_356 = arith.constant 16 : index
      %get3A_357 = tpu.vector_load %arg23[%get3A_355, %get3A_356] {strides = array<i32>} : memref<96x64xf32, #tpu.memory_space<vmem>>, vector<1x16xf32>,
      %get3A_358 = vector.shape_cast %get3A_357 : vector<1x16xf32> to vector<16xf32>
      %max3A_359 = arith.constant 0.000000e+00 : f32
      %max3A_360 = vector.broadcast %max3A_359 : f32 to vector<16xf32>
      %max3A_361 = arith.maximumf %get3A_358, %max3A_360 : vector<16xf32>
      %swap3A_362 = arith.index_cast %add3A_343 : i32 to index
      %swap3A_363 = arith.constant 16 : index
      %swap3A_364 = tpu.vector_load %arg23[%swap3A_362, %swap3A_363] {strides = array<i32>} : memref<96x64xf32, #tpu.memory_space<vmem>>, vector<1x16xf32>,
      %swap3A_365 = vector.shape_cast %swap3A_364 : vector<1x16xf32> to vector<16xf32>
      %swap3A_366 = vector.shape_cast %max3A_361 : vector<16xf32> to vector<1x16xf32>
      tpu.vector_store %arg23[%swap3A_362, %swap3A_363], %swap3A_366 {strides = array<i32>} : memref<96x64xf32, #tpu.memory_space<vmem>>, vector<1x16xf32>,
      %get3A_367 = arith.index_cast %add3A_343 : i32 to index
      %get3A_368 = arith.constant 32 : index
      %get3A_369 = tpu.vector_load %arg23[%get3A_367, %get3A_368] {strides = array<i32>} : memref<96x64xf32, #tpu.memory_space<vmem>>, vector<1x16xf32>,
      %get3A_370 = vector.shape_cast %get3A_369 : vector<1x16xf32> to vector<16xf32>
      %max3A_371 = arith.constant 0.000000e+00 : f32
      %max3A_372 = vector.broadcast %max3A_371 : f32 to vector<16xf32>
      %max3A_373 = arith.maximumf %get3A_370, %max3A_372 : vector<16xf32>
      %swap3A_374 = arith.index_cast %add3A_343 : i32 to index
      %swap3A_375 = arith.constant 32 : index
      %swap3A_376 = tpu.vector_load %arg23[%swap3A_374, %swap3A_375] {strides = array<i32>} : memref<96x64xf32, #tpu.memory_space<vmem>>, vector<1x16xf32>,
      %swap3A_377 = vector.shape_cast %swap3A_376 : vector<1x16xf32> to vector<16xf32>
      %swap3A_378 = vector.shape_cast %max3A_373 : vector<16xf32> to vector<1x16xf32>
      tpu.vector_store %arg23[%swap3A_374, %swap3A_375], %swap3A_378 {strides = array<i32>} : memref<96x64xf32, #tpu.memory_space<vmem>>, vector<1x16xf32>,
      %get3A_379 = arith.index_cast %add3A_343 : i32 to index
      %get3A_380 = arith.constant 48 : index
      %get3A_381 = tpu.vector_load %arg23[%get3A_379, %get3A_380] {strides = array<i32>} : memref<96x64xf32, #tpu.memory_space<vmem>>, vector<1x16xf32>,
      %get3A_382 = vector.shape_cast %get3A_381 : vector<1x16xf32> to vector<16xf32>
      %max3A_383 = arith.constant 0.000000e+00 : f32
      %max3A_384 = vector.broadcast %max3A_383 : f32 to vector<16xf32>
      %max3A_385 = arith.maximumf %get3A_382, %max3A_384 : vector<16xf32>
      %swap3A_386 = arith.index_cast %add3A_343 : i32 to index
      %swap3A_387 = arith.constant 48 : index
      %swap3A_388 = tpu.vector_load %arg23[%swap3A_386, %swap3A_387] {strides = array<i32>} : memref<96x64xf32, #tpu.memory_space<vmem>>, vector<1x16xf32>,
      %swap3A_389 = vector.shape_cast %swap3A_388 : vector<1x16xf32> to vector<16xf32>
      %swap3A_390 = vector.shape_cast %max3A_385 : vector<16xf32> to vector<1x16xf32>
      tpu.vector_store %arg23[%swap3A_386, %swap3A_387], %swap3A_390 {strides = array<i32>} : memref<96x64xf32, #tpu.memory_space<vmem>>, vector<1x16xf32>,
    }
    %scan3A_245 = arith.constant 96 : i32
    %add3A_246 = arith.addi %mul3A_196, %add3A_240 : i32
    "tpu.region"() ({
      %run_scoped3A = tpu.sem_alloc : memref<!tpu.dma_semaphore, #tpu.memory_space<semaphore_mem>>
      %dma_start3A_339 = arith.constant 0 : i32
      %dma_start3A_340 = arith.constant 0 : i32
      %dma_start3A_341 = tpu.memref_slice %arg23[%dma_start3A_339, %dma_start3A_340] : memref<96x64xf32, #tpu.memory_space<vmem>> -> memref<96x64xf32, #tpu.memory_space<vmem>>
      %dma_start3A_342 = arith.constant 0 : i32
      %dma_start3A_343 = tpu.memref_slice %arg7[%add3A_246, %dma_start3A_342] : memref<20000x64xf32, #tpu.memory_space<hbm>> -> memref<96x64xf32, #tpu.memory_space<hbm>>
      %dma_start3A_344 = arith.constant 0 : i32
      %dma_start3A_345 = tpu.memref_slice %arg7[%add3A_246, %dma_start3A_344] : memref<20000x64xf32, #tpu.memory_space<hbm>> -> memref<96x64xf32, #tpu.memory_space<hbm>>
      %dma_start3A_346 = arith.constant 0 : i32
      %dma_start3A_347 = arith.constant 0 : i32
      %dma_start3A_348 = tpu.memref_slice %arg23[%dma_start3A_346, %dma_start3A_347] : memref<96x64xf32, #tpu.memory_space<vmem>> -> memref<96x64xf32, #tpu.memory_space<vmem>>
      tpu.enqueue_dma source(%dma_start3A_348 : memref<96x64xf32, #tpu.memory_space<vmem>>) target(%dma_start3A_345 : memref<96x64xf32, #tpu.memory_space<hbm>>) target_semaphore(%run_scoped3A : memref<!tpu.dma_semaphore, #tpu.memory_space<semaphore_mem>>)
      %dma_wait3A = arith.constant 0 : i32
      %dma_wait3A_349 = arith.constant 0 : i32
      %dma_wait3A_350 = tpu.memref_slice %arg23[%dma_wait3A, %dma_wait3A_349] : memref<96x64xf32, #tpu.memory_space<vmem>> -> memref<96x64xf32, #tpu.memory_space<vmem>>
      %dma_wait3A_351 = arith.constant 0 : i32
      %dma_wait3A_352 = tpu.memref_slice %arg7[%add3A_246, %dma_wait3A_351] : memref<20000x64xf32, #tpu.memory_space<hbm>> -> memref<96x64xf32, #tpu.memory_space<hbm>>
      %dma_wait3A_353 = arith.constant 0 : i32
      %dma_wait3A_354 = tpu.memref_slice %arg7[%add3A_246, %dma_wait3A_353] : memref<20000x64xf32, #tpu.memory_space<hbm>> -> memref<96x64xf32, #tpu.memory_space<hbm>>
      %dma_wait3A_355 = arith.constant 0 : i32
      %dma_wait3A_356 = arith.constant 0 : i32
      %dma_wait3A_357 = tpu.memref_slice %arg23[%dma_wait3A_355, %dma_wait3A_356] : memref<96x64xf32, #tpu.memory_space<vmem>> -> memref<96x64xf32, #tpu.memory_space<vmem>>
      tpu.wait_dma2 semaphore(%run_scoped3A : memref<!tpu.dma_semaphore, #tpu.memory_space<semaphore_mem>>) src(%dma_wait3A_357 : memref<96x64xf32, #tpu.memory_space<vmem>>) dst(%dma_wait3A_354 : memref<96x64xf32, #tpu.memory_space<hbm>>)
      tpu.yield
    }) : () -> ()
    %mul3A_247 = arith.constant 625 : i32
    %mul3A_248 = arith.muli %arg1, %mul3A_247 : i32
    %add3A_249 = arith.constant 480 : i32
    %add3A_250 = arith.addi %mul3A_248, %add3A_249 : i32
    "tpu.region"() ({
      %run_scoped3A = tpu.sem_alloc : memref<!tpu.dma_semaphore, #tpu.memory_space<semaphore_mem>>
      %dma_start3A_339 = arith.constant 0 : i32
      %dma_start3A_340 = arith.constant 0 : i32
      %dma_start3A_341 = tpu.memref_slice %arg23[%dma_start3A_339, %dma_start3A_340] : memref<96x64xf32, #tpu.memory_space<vmem>> -> memref<96x64xf32, #tpu.memory_space<vmem>>
      %dma_start3A_342 = arith.constant 0 : i32
      %dma_start3A_343 = tpu.memref_slice %arg9[%add3A_250, %dma_start3A_342] : memref<10008x64xf32, #tpu.memory_space<vmem_shared>> -> memref<96x64xf32, #tpu.memory_space<vmem_shared>>
      %dma_start3A_344 = arith.constant 0 : i32
      %dma_start3A_345 = arith.constant 0 : i32
      %dma_start3A_346 = tpu.memref_slice %arg23[%dma_start3A_344, %dma_start3A_345] : memref<96x64xf32, #tpu.memory_space<vmem>> -> memref<96x64xf32, #tpu.memory_space<vmem>>
      %dma_start3A_347 = arith.constant 0 : i32
      %dma_start3A_348 = tpu.memref_slice %arg9[%add3A_250, %dma_start3A_347] : memref<10008x64xf32, #tpu.memory_space<vmem_shared>> -> memref<96x64xf32, #tpu.memory_space<vmem_shared>>
      tpu.enqueue_dma source(%dma_start3A_348 : memref<96x64xf32, #tpu.memory_space<vmem_shared>>) target(%dma_start3A_346 : memref<96x64xf32, #tpu.memory_space<vmem>>) target_semaphore(%run_scoped3A : memref<!tpu.dma_semaphore, #tpu.memory_space<semaphore_mem>>)
      %dma_wait3A = arith.constant 0 : i32
      %dma_wait3A_349 = arith.constant 0 : i32
      %dma_wait3A_350 = tpu.memref_slice %arg23[%dma_wait3A, %dma_wait3A_349] : memref<96x64xf32, #tpu.memory_space<vmem>> -> memref<96x64xf32, #tpu.memory_space<vmem>>
      %dma_wait3A_351 = arith.constant 0 : i32
      %dma_wait3A_352 = tpu.memref_slice %arg9[%add3A_250, %dma_wait3A_351] : memref<10008x64xf32, #tpu.memory_space<vmem_shared>> -> memref<96x64xf32, #tpu.memory_space<vmem_shared>>
      %dma_wait3A_353 = arith.constant 0 : i32
      %dma_wait3A_354 = arith.constant 0 : i32
      %dma_wait3A_355 = tpu.memref_slice %arg23[%dma_wait3A_353, %dma_wait3A_354] : memref<96x64xf32, #tpu.memory_space<vmem>> -> memref<96x64xf32, #tpu.memory_space<vmem>>
      %dma_wait3A_356 = arith.constant 0 : i32
      %dma_wait3A_357 = tpu.memref_slice %arg9[%add3A_250, %dma_wait3A_356] : memref<10008x64xf32, #tpu.memory_space<vmem_shared>> -> memref<96x64xf32, #tpu.memory_space<vmem_shared>>
      tpu.wait_dma2 semaphore(%run_scoped3A : memref<!tpu.dma_semaphore, #tpu.memory_space<semaphore_mem>>) src(%dma_wait3A_357 : memref<96x64xf32, #tpu.memory_space<vmem_shared>>) dst(%dma_wait3A_355 : memref<96x64xf32, #tpu.memory_space<vmem>>)
      tpu.yield
    }) : () -> ()
    %scan3A_251 = arith.constant 0 : i32
    %scan3A_252 = arith.constant 96 : i32
    %scan3A_253 = arith.addi %scan3A_251, %scan3A_252 : i32
    %scan3A_254 = arith.constant 1 : i32
    scf.for %scan3A_339 = %scan3A_251 to %scan3A_253 step %scan3A_254  : i32 {
      %mul3A_340 = arith.constant 1 : i32
      %mul3A_341 = arith.muli %scan3A_339, %mul3A_340 : i32
      %add3A_342 = arith.constant 0 : i32
      %add3A_343 = arith.addi %add3A_342, %mul3A_341 : i32
      %get3A_344 = arith.index_cast %add3A_343 : i32 to index
      %get3A_345 = arith.constant 0 : index
      %get3A_346 = tpu.vector_load %arg23[%get3A_344, %get3A_345] {strides = array<i32>} : memref<96x64xf32, #tpu.memory_space<vmem>>, vector<1x16xf32>,
      %get3A_347 = vector.shape_cast %get3A_346 : vector<1x16xf32> to vector<16xf32>
      %max3A = arith.constant 0.000000e+00 : f32
      %max3A_348 = vector.broadcast %max3A : f32 to vector<16xf32>
      %max3A_349 = arith.maximumf %get3A_347, %max3A_348 : vector<16xf32>
      %swap3A_350 = arith.index_cast %add3A_343 : i32 to index
      %swap3A_351 = arith.constant 0 : index
      %swap3A_352 = tpu.vector_load %arg23[%swap3A_350, %swap3A_351] {strides = array<i32>} : memref<96x64xf32, #tpu.memory_space<vmem>>, vector<1x16xf32>,
      %swap3A_353 = vector.shape_cast %swap3A_352 : vector<1x16xf32> to vector<16xf32>
      %swap3A_354 = vector.shape_cast %max3A_349 : vector<16xf32> to vector<1x16xf32>
      tpu.vector_store %arg23[%swap3A_350, %swap3A_351], %swap3A_354 {strides = array<i32>} : memref<96x64xf32, #tpu.memory_space<vmem>>, vector<1x16xf32>,
      %get3A_355 = arith.index_cast %add3A_343 : i32 to index
      %get3A_356 = arith.constant 16 : index
      %get3A_357 = tpu.vector_load %arg23[%get3A_355, %get3A_356] {strides = array<i32>} : memref<96x64xf32, #tpu.memory_space<vmem>>, vector<1x16xf32>,
      %get3A_358 = vector.shape_cast %get3A_357 : vector<1x16xf32> to vector<16xf32>
      %max3A_359 = arith.constant 0.000000e+00 : f32
      %max3A_360 = vector.broadcast %max3A_359 : f32 to vector<16xf32>
      %max3A_361 = arith.maximumf %get3A_358, %max3A_360 : vector<16xf32>
      %swap3A_362 = arith.index_cast %add3A_343 : i32 to index
      %swap3A_363 = arith.constant 16 : index
      %swap3A_364 = tpu.vector_load %arg23[%swap3A_362, %swap3A_363] {strides = array<i32>} : memref<96x64xf32, #tpu.memory_space<vmem>>, vector<1x16xf32>,
      %swap3A_365 = vector.shape_cast %swap3A_364 : vector<1x16xf32> to vector<16xf32>
      %swap3A_366 = vector.shape_cast %max3A_361 : vector<16xf32> to vector<1x16xf32>
      tpu.vector_store %arg23[%swap3A_362, %swap3A_363], %swap3A_366 {strides = array<i32>} : memref<96x64xf32, #tpu.memory_space<vmem>>, vector<1x16xf32>,
      %get3A_367 = arith.index_cast %add3A_343 : i32 to index
      %get3A_368 = arith.constant 32 : index
      %get3A_369 = tpu.vector_load %arg23[%get3A_367, %get3A_368] {strides = array<i32>} : memref<96x64xf32, #tpu.memory_space<vmem>>, vector<1x16xf32>,
      %get3A_370 = vector.shape_cast %get3A_369 : vector<1x16xf32> to vector<16xf32>
      %max3A_371 = arith.constant 0.000000e+00 : f32
      %max3A_372 = vector.broadcast %max3A_371 : f32 to vector<16xf32>
      %max3A_373 = arith.maximumf %get3A_370, %max3A_372 : vector<16xf32>
      %swap3A_374 = arith.index_cast %add3A_343 : i32 to index
      %swap3A_375 = arith.constant 32 : index
      %swap3A_376 = tpu.vector_load %arg23[%swap3A_374, %swap3A_375] {strides = array<i32>} : memref<96x64xf32, #tpu.memory_space<vmem>>, vector<1x16xf32>,
      %swap3A_377 = vector.shape_cast %swap3A_376 : vector<1x16xf32> to vector<16xf32>
      %swap3A_378 = vector.shape_cast %max3A_373 : vector<16xf32> to vector<1x16xf32>
      tpu.vector_store %arg23[%swap3A_374, %swap3A_375], %swap3A_378 {strides = array<i32>} : memref<96x64xf32, #tpu.memory_space<vmem>>, vector<1x16xf32>,
      %get3A_379 = arith.index_cast %add3A_343 : i32 to index
      %get3A_380 = arith.constant 48 : index
      %get3A_381 = tpu.vector_load %arg23[%get3A_379, %get3A_380] {strides = array<i32>} : memref<96x64xf32, #tpu.memory_space<vmem>>, vector<1x16xf32>,
      %get3A_382 = vector.shape_cast %get3A_381 : vector<1x16xf32> to vector<16xf32>
      %max3A_383 = arith.constant 0.000000e+00 : f32
      %max3A_384 = vector.broadcast %max3A_383 : f32 to vector<16xf32>
      %max3A_385 = arith.maximumf %get3A_382, %max3A_384 : vector<16xf32>
      %swap3A_386 = arith.index_cast %add3A_343 : i32 to index
      %swap3A_387 = arith.constant 48 : index
      %swap3A_388 = tpu.vector_load %arg23[%swap3A_386, %swap3A_387] {strides = array<i32>} : memref<96x64xf32, #tpu.memory_space<vmem>>, vector<1x16xf32>,
      %swap3A_389 = vector.shape_cast %swap3A_388 : vector<1x16xf32> to vector<16xf32>
      %swap3A_390 = vector.shape_cast %max3A_385 : vector<16xf32> to vector<1x16xf32>
      tpu.vector_store %arg23[%swap3A_386, %swap3A_387], %swap3A_390 {strides = array<i32>} : memref<96x64xf32, #tpu.memory_space<vmem>>, vector<1x16xf32>,
    }
    %scan3A_255 = arith.constant 96 : i32
    %add3A_256 = arith.addi %mul3A_196, %add3A_250 : i32
    "tpu.region"() ({
      %run_scoped3A = tpu.sem_alloc : memref<!tpu.dma_semaphore, #tpu.memory_space<semaphore_mem>>
      %dma_start3A_339 = arith.constant 0 : i32
      %dma_start3A_340 = arith.constant 0 : i32
      %dma_start3A_341 = tpu.memref_slice %arg23[%dma_start3A_339, %dma_start3A_340] : memref<96x64xf32, #tpu.memory_space<vmem>> -> memref<96x64xf32, #tpu.memory_space<vmem>>
      %dma_start3A_342 = arith.constant 0 : i32
      %dma_start3A_343 = tpu.memref_slice %arg7[%add3A_256, %dma_start3A_342] : memref<20000x64xf32, #tpu.memory_space<hbm>> -> memref<96x64xf32, #tpu.memory_space<hbm>>
      %dma_start3A_344 = arith.constant 0 : i32
      %dma_start3A_345 = tpu.memref_slice %arg7[%add3A_256, %dma_start3A_344] : memref<20000x64xf32, #tpu.memory_space<hbm>> -> memref<96x64xf32, #tpu.memory_space<hbm>>
      %dma_start3A_346 = arith.constant 0 : i32
      %dma_start3A_347 = arith.constant 0 : i32
      %dma_start3A_348 = tpu.memref_slice %arg23[%dma_start3A_346, %dma_start3A_347] : memref<96x64xf32, #tpu.memory_space<vmem>> -> memref<96x64xf32, #tpu.memory_space<vmem>>
      tpu.enqueue_dma source(%dma_start3A_348 : memref<96x64xf32, #tpu.memory_space<vmem>>) target(%dma_start3A_345 : memref<96x64xf32, #tpu.memory_space<hbm>>) target_semaphore(%run_scoped3A : memref<!tpu.dma_semaphore, #tpu.memory_space<semaphore_mem>>)
      %dma_wait3A = arith.constant 0 : i32
      %dma_wait3A_349 = arith.constant 0 : i32
      %dma_wait3A_350 = tpu.memref_slice %arg23[%dma_wait3A, %dma_wait3A_349] : memref<96x64xf32, #tpu.memory_space<vmem>> -> memref<96x64xf32, #tpu.memory_space<vmem>>
      %dma_wait3A_351 = arith.constant 0 : i32
      %dma_wait3A_352 = tpu.memref_slice %arg7[%add3A_256, %dma_wait3A_351] : memref<20000x64xf32, #tpu.memory_space<hbm>> -> memref<96x64xf32, #tpu.memory_space<hbm>>
      %dma_wait3A_353 = arith.constant 0 : i32
      %dma_wait3A_354 = tpu.memref_slice %arg7[%add3A_256, %dma_wait3A_353] : memref<20000x64xf32, #tpu.memory_space<hbm>> -> memref<96x64xf32, #tpu.memory_space<hbm>>
      %dma_wait3A_355 = arith.constant 0 : i32
      %dma_wait3A_356 = arith.constant 0 : i32
      %dma_wait3A_357 = tpu.memref_slice %arg23[%dma_wait3A_355, %dma_wait3A_356] : memref<96x64xf32, #tpu.memory_space<vmem>> -> memref<96x64xf32, #tpu.memory_space<vmem>>
      tpu.wait_dma2 semaphore(%run_scoped3A : memref<!tpu.dma_semaphore, #tpu.memory_space<semaphore_mem>>) src(%dma_wait3A_357 : memref<96x64xf32, #tpu.memory_space<vmem>>) dst(%dma_wait3A_354 : memref<96x64xf32, #tpu.memory_space<hbm>>)
      tpu.yield
    }) : () -> ()
    %mul3A_257 = arith.constant 625 : i32
    %mul3A_258 = arith.muli %arg1, %mul3A_257 : i32
    %add3A_259 = arith.constant 576 : i32
    %add3A_260 = arith.addi %mul3A_258, %add3A_259 : i32
    "tpu.region"() ({
      %run_scoped3A = tpu.sem_alloc : memref<!tpu.dma_semaphore, #tpu.memory_space<semaphore_mem>>
      %dma_start3A_339 = arith.constant 0 : i32
      %dma_start3A_340 = arith.constant 0 : i32
      %dma_start3A_341 = tpu.memref_slice %arg23[%dma_start3A_339, %dma_start3A_340] : memref<96x64xf32, #tpu.memory_space<vmem>> -> memref<49x64xf32, #tpu.memory_space<vmem>>
      %dma_start3A_342 = arith.constant 0 : i32
      %dma_start3A_343 = tpu.memref_slice %arg9[%add3A_260, %dma_start3A_342] : memref<10008x64xf32, #tpu.memory_space<vmem_shared>> -> memref<49x64xf32, #tpu.memory_space<vmem_shared>>
      %dma_start3A_344 = arith.constant 0 : i32
      %dma_start3A_345 = arith.constant 0 : i32
      %dma_start3A_346 = tpu.memref_slice %arg23[%dma_start3A_344, %dma_start3A_345] : memref<96x64xf32, #tpu.memory_space<vmem>> -> memref<49x64xf32, #tpu.memory_space<vmem>>
      %dma_start3A_347 = arith.constant 0 : i32
      %dma_start3A_348 = tpu.memref_slice %arg9[%add3A_260, %dma_start3A_347] : memref<10008x64xf32, #tpu.memory_space<vmem_shared>> -> memref<49x64xf32, #tpu.memory_space<vmem_shared>>
      tpu.enqueue_dma source(%dma_start3A_348 : memref<49x64xf32, #tpu.memory_space<vmem_shared>>) target(%dma_start3A_346 : memref<49x64xf32, #tpu.memory_space<vmem>>) target_semaphore(%run_scoped3A : memref<!tpu.dma_semaphore, #tpu.memory_space<semaphore_mem>>)
      %dma_wait3A = arith.constant 0 : i32
      %dma_wait3A_349 = arith.constant 0 : i32
      %dma_wait3A_350 = tpu.memref_slice %arg23[%dma_wait3A, %dma_wait3A_349] : memref<96x64xf32, #tpu.memory_space<vmem>> -> memref<49x64xf32, #tpu.memory_space<vmem>>
      %dma_wait3A_351 = arith.constant 0 : i32
      %dma_wait3A_352 = tpu.memref_slice %arg9[%add3A_260, %dma_wait3A_351] : memref<10008x64xf32, #tpu.memory_space<vmem_shared>> -> memref<49x64xf32, #tpu.memory_space<vmem_shared>>
      %dma_wait3A_353 = arith.constant 0 : i32
      %dma_wait3A_354 = arith.constant 0 : i32
      %dma_wait3A_355 = tpu.memref_slice %arg23[%dma_wait3A_353, %dma_wait3A_354] : memref<96x64xf32, #tpu.memory_space<vmem>> -> memref<49x64xf32, #tpu.memory_space<vmem>>
      %dma_wait3A_356 = arith.constant 0 : i32
      %dma_wait3A_357 = tpu.memref_slice %arg9[%add3A_260, %dma_wait3A_356] : memref<10008x64xf32, #tpu.memory_space<vmem_shared>> -> memref<49x64xf32, #tpu.memory_space<vmem_shared>>
      tpu.wait_dma2 semaphore(%run_scoped3A : memref<!tpu.dma_semaphore, #tpu.memory_space<semaphore_mem>>) src(%dma_wait3A_357 : memref<49x64xf32, #tpu.memory_space<vmem_shared>>) dst(%dma_wait3A_355 : memref<49x64xf32, #tpu.memory_space<vmem>>)
      tpu.yield
    }) : () -> ()
    %scan3A_261 = arith.constant 0 : i32
    %scan3A_262 = arith.constant 49 : i32
    %scan3A_263 = arith.addi %scan3A_261, %scan3A_262 : i32
    %scan3A_264 = arith.constant 1 : i32
    scf.for %scan3A_339 = %scan3A_261 to %scan3A_263 step %scan3A_264  : i32 {
      %mul3A_340 = arith.constant 1 : i32
      %mul3A_341 = arith.muli %scan3A_339, %mul3A_340 : i32
      %add3A_342 = arith.constant 0 : i32
      %add3A_343 = arith.addi %add3A_342, %mul3A_341 : i32
      %get3A_344 = arith.index_cast %add3A_343 : i32 to index
      %get3A_345 = arith.constant 0 : index
      %get3A_346 = tpu.vector_load %arg23[%get3A_344, %get3A_345] {strides = array<i32>} : memref<96x64xf32, #tpu.memory_space<vmem>>, vector<1x16xf32>,
      %get3A_347 = vector.shape_cast %get3A_346 : vector<1x16xf32> to vector<16xf32>
      %max3A = arith.constant 0.000000e+00 : f32
      %max3A_348 = vector.broadcast %max3A : f32 to vector<16xf32>
      %max3A_349 = arith.maximumf %get3A_347, %max3A_348 : vector<16xf32>
      %swap3A_350 = arith.index_cast %add3A_343 : i32 to index
      %swap3A_351 = arith.constant 0 : index
      %swap3A_352 = tpu.vector_load %arg23[%swap3A_350, %swap3A_351] {strides = array<i32>} : memref<96x64xf32, #tpu.memory_space<vmem>>, vector<1x16xf32>,
      %swap3A_353 = vector.shape_cast %swap3A_352 : vector<1x16xf32> to vector<16xf32>
      %swap3A_354 = vector.shape_cast %max3A_349 : vector<16xf32> to vector<1x16xf32>
      tpu.vector_store %arg23[%swap3A_350, %swap3A_351], %swap3A_354 {strides = array<i32>} : memref<96x64xf32, #tpu.memory_space<vmem>>, vector<1x16xf32>,
      %get3A_355 = arith.index_cast %add3A_343 : i32 to index
      %get3A_356 = arith.constant 16 : index
      %get3A_357 = tpu.vector_load %arg23[%get3A_355, %get3A_356] {strides = array<i32>} : memref<96x64xf32, #tpu.memory_space<vmem>>, vector<1x16xf32>,
      %get3A_358 = vector.shape_cast %get3A_357 : vector<1x16xf32> to vector<16xf32>
      %max3A_359 = arith.constant 0.000000e+00 : f32
      %max3A_360 = vector.broadcast %max3A_359 : f32 to vector<16xf32>
      %max3A_361 = arith.maximumf %get3A_358, %max3A_360 : vector<16xf32>
      %swap3A_362 = arith.index_cast %add3A_343 : i32 to index
      %swap3A_363 = arith.constant 16 : index
      %swap3A_364 = tpu.vector_load %arg23[%swap3A_362, %swap3A_363] {strides = array<i32>} : memref<96x64xf32, #tpu.memory_space<vmem>>, vector<1x16xf32>,
      %swap3A_365 = vector.shape_cast %swap3A_364 : vector<1x16xf32> to vector<16xf32>
      %swap3A_366 = vector.shape_cast %max3A_361 : vector<16xf32> to vector<1x16xf32>
      tpu.vector_store %arg23[%swap3A_362, %swap3A_363], %swap3A_366 {strides = array<i32>} : memref<96x64xf32, #tpu.memory_space<vmem>>, vector<1x16xf32>,
      %get3A_367 = arith.index_cast %add3A_343 : i32 to index
      %get3A_368 = arith.constant 32 : index
      %get3A_369 = tpu.vector_load %arg23[%get3A_367, %get3A_368] {strides = array<i32>} : memref<96x64xf32, #tpu.memory_space<vmem>>, vector<1x16xf32>,
      %get3A_370 = vector.shape_cast %get3A_369 : vector<1x16xf32> to vector<16xf32>
      %max3A_371 = arith.constant 0.000000e+00 : f32
      %max3A_372 = vector.broadcast %max3A_371 : f32 to vector<16xf32>
      %max3A_373 = arith.maximumf %get3A_370, %max3A_372 : vector<16xf32>
      %swap3A_374 = arith.index_cast %add3A_343 : i32 to index
      %swap3A_375 = arith.constant 32 : index
      %swap3A_376 = tpu.vector_load %arg23[%swap3A_374, %swap3A_375] {strides = array<i32>} : memref<96x64xf32, #tpu.memory_space<vmem>>, vector<1x16xf32>,
      %swap3A_377 = vector.shape_cast %swap3A_376 : vector<1x16xf32> to vector<16xf32>
      %swap3A_378 = vector.shape_cast %max3A_373 : vector<16xf32> to vector<1x16xf32>
      tpu.vector_store %arg23[%swap3A_374, %swap3A_375], %swap3A_378 {strides = array<i32>} : memref<96x64xf32, #tpu.memory_space<vmem>>, vector<1x16xf32>,
      %get3A_379 = arith.index_cast %add3A_343 : i32 to index
      %get3A_380 = arith.constant 48 : index
      %get3A_381 = tpu.vector_load %arg23[%get3A_379, %get3A_380] {strides = array<i32>} : memref<96x64xf32, #tpu.memory_space<vmem>>, vector<1x16xf32>,
      %get3A_382 = vector.shape_cast %get3A_381 : vector<1x16xf32> to vector<16xf32>
      %max3A_383 = arith.constant 0.000000e+00 : f32
      %max3A_384 = vector.broadcast %max3A_383 : f32 to vector<16xf32>
      %max3A_385 = arith.maximumf %get3A_382, %max3A_384 : vector<16xf32>
      %swap3A_386 = arith.index_cast %add3A_343 : i32 to index
      %swap3A_387 = arith.constant 48 : index
      %swap3A_388 = tpu.vector_load %arg23[%swap3A_386, %swap3A_387] {strides = array<i32>} : memref<96x64xf32, #tpu.memory_space<vmem>>, vector<1x16xf32>,
      %swap3A_389 = vector.shape_cast %swap3A_388 : vector<1x16xf32> to vector<16xf32>
      %swap3A_390 = vector.shape_cast %max3A_385 : vector<16xf32> to vector<1x16xf32>
      tpu.vector_store %arg23[%swap3A_386, %swap3A_387], %swap3A_390 {strides = array<i32>} : memref<96x64xf32, #tpu.memory_space<vmem>>, vector<1x16xf32>,
    }
    %scan3A_265 = arith.constant 49 : i32
    %add3A_266 = arith.addi %mul3A_196, %add3A_260 : i32
    "tpu.region"() ({
      %run_scoped3A = tpu.sem_alloc : memref<!tpu.dma_semaphore, #tpu.memory_space<semaphore_mem>>
      %dma_start3A_339 = arith.constant 0 : i32
      %dma_start3A_340 = arith.constant 0 : i32
      %dma_start3A_341 = tpu.memref_slice %arg23[%dma_start3A_339, %dma_start3A_340] : memref<96x64xf32, #tpu.memory_space<vmem>> -> memref<49x64xf32, #tpu.memory_space<vmem>>
      %dma_start3A_342 = arith.constant 0 : i32
      %dma_start3A_343 = tpu.memref_slice %arg7[%add3A_266, %dma_start3A_342] : memref<20000x64xf32, #tpu.memory_space<hbm>> -> memref<49x64xf32, #tpu.memory_space<hbm>>
      %dma_start3A_344 = arith.constant 0 : i32
      %dma_start3A_345 = tpu.memref_slice %arg7[%add3A_266, %dma_start3A_344] : memref<20000x64xf32, #tpu.memory_space<hbm>> -> memref<49x64xf32, #tpu.memory_space<hbm>>
      %dma_start3A_346 = arith.constant 0 : i32
      %dma_start3A_347 = arith.constant 0 : i32
      %dma_start3A_348 = tpu.memref_slice %arg23[%dma_start3A_346, %dma_start3A_347] : memref<96x64xf32, #tpu.memory_space<vmem>> -> memref<49x64xf32, #tpu.memory_space<vmem>>
      tpu.enqueue_dma source(%dma_start3A_348 : memref<49x64xf32, #tpu.memory_space<vmem>>) target(%dma_start3A_345 : memref<49x64xf32, #tpu.memory_space<hbm>>) target_semaphore(%run_scoped3A : memref<!tpu.dma_semaphore, #tpu.memory_space<semaphore_mem>>)
      %dma_wait3A = arith.constant 0 : i32
      %dma_wait3A_349 = arith.constant 0 : i32
      %dma_wait3A_350 = tpu.memref_slice %arg23[%dma_wait3A, %dma_wait3A_349] : memref<96x64xf32, #tpu.memory_space<vmem>> -> memref<49x64xf32, #tpu.memory_space<vmem>>
      %dma_wait3A_351 = arith.constant 0 : i32
      %dma_wait3A_352 = tpu.memref_slice %arg7[%add3A_266, %dma_wait3A_351] : memref<20000x64xf32, #tpu.memory_space<hbm>> -> memref<49x64xf32, #tpu.memory_space<hbm>>
      %dma_wait3A_353 = arith.constant 0 : i32
      %dma_wait3A_354 = tpu.memref_slice %arg7[%add3A_266, %dma_wait3A_353] : memref<20000x64xf32, #tpu.memory_space<hbm>> -> memref<49x64xf32, #tpu.memory_space<hbm>>
      %dma_wait3A_355 = arith.constant 0 : i32
      %dma_wait3A_356 = arith.constant 0 : i32
      %dma_wait3A_357 = tpu.memref_slice %arg23[%dma_wait3A_355, %dma_wait3A_356] : memref<96x64xf32, #tpu.memory_space<vmem>> -> memref<49x64xf32, #tpu.memory_space<vmem>>
      tpu.wait_dma2 semaphore(%run_scoped3A : memref<!tpu.dma_semaphore, #tpu.memory_space<semaphore_mem>>) src(%dma_wait3A_357 : memref<49x64xf32, #tpu.memory_space<vmem>>) dst(%dma_wait3A_354 : memref<49x64xf32, #tpu.memory_space<hbm>>)
      tpu.yield
    }) : () -> ()
    %mul3A_267 = arith.constant 10000 : i32
    %mul3A_268 = arith.muli %arg0, %mul3A_267 : i32
    %mul3A_269 = arith.constant 625 : i32
    %mul3A_270 = arith.muli %arg1, %mul3A_269 : i32
    %add3A_271 = arith.constant 0 : i32
    %add3A_272 = arith.addi %mul3A_270, %add3A_271 : i32
    "tpu.region"() ({
      %run_scoped3A = tpu.sem_alloc : memref<!tpu.dma_semaphore, #tpu.memory_space<semaphore_mem>>
      %dma_start3A_339 = arith.constant 0 : i32
      %dma_start3A_340 = arith.constant 0 : i32
      %dma_start3A_341 = tpu.memref_slice %arg23[%dma_start3A_339, %dma_start3A_340] : memref<96x64xf32, #tpu.memory_space<vmem>> -> memref<96x64xf32, #tpu.memory_space<vmem>>
      %dma_start3A_342 = arith.constant 0 : i32
      %dma_start3A_343 = tpu.memref_slice %arg10[%add3A_272, %dma_start3A_342] : memref<10008x64xf32, #tpu.memory_space<vmem_shared>> -> memref<96x64xf32, #tpu.memory_space<vmem_shared>>
      %dma_start3A_344 = arith.constant 0 : i32
      %dma_start3A_345 = arith.constant 0 : i32
      %dma_start3A_346 = tpu.memref_slice %arg23[%dma_start3A_344, %dma_start3A_345] : memref<96x64xf32, #tpu.memory_space<vmem>> -> memref<96x64xf32, #tpu.memory_space<vmem>>
      %dma_start3A_347 = arith.constant 0 : i32
      %dma_start3A_348 = tpu.memref_slice %arg10[%add3A_272, %dma_start3A_347] : memref<10008x64xf32, #tpu.memory_space<vmem_shared>> -> memref<96x64xf32, #tpu.memory_space<vmem_shared>>
      tpu.enqueue_dma source(%dma_start3A_348 : memref<96x64xf32, #tpu.memory_space<vmem_shared>>) target(%dma_start3A_346 : memref<96x64xf32, #tpu.memory_space<vmem>>) target_semaphore(%run_scoped3A : memref<!tpu.dma_semaphore, #tpu.memory_space<semaphore_mem>>)
      %dma_wait3A = arith.constant 0 : i32
      %dma_wait3A_349 = arith.constant 0 : i32
      %dma_wait3A_350 = tpu.memref_slice %arg23[%dma_wait3A, %dma_wait3A_349] : memref<96x64xf32, #tpu.memory_space<vmem>> -> memref<96x64xf32, #tpu.memory_space<vmem>>
      %dma_wait3A_351 = arith.constant 0 : i32
      %dma_wait3A_352 = tpu.memref_slice %arg10[%add3A_272, %dma_wait3A_351] : memref<10008x64xf32, #tpu.memory_space<vmem_shared>> -> memref<96x64xf32, #tpu.memory_space<vmem_shared>>
      %dma_wait3A_353 = arith.constant 0 : i32
      %dma_wait3A_354 = arith.constant 0 : i32
      %dma_wait3A_355 = tpu.memref_slice %arg23[%dma_wait3A_353, %dma_wait3A_354] : memref<96x64xf32, #tpu.memory_space<vmem>> -> memref<96x64xf32, #tpu.memory_space<vmem>>
      %dma_wait3A_356 = arith.constant 0 : i32
      %dma_wait3A_357 = tpu.memref_slice %arg10[%add3A_272, %dma_wait3A_356] : memref<10008x64xf32, #tpu.memory_space<vmem_shared>> -> memref<96x64xf32, #tpu.memory_space<vmem_shared>>
      tpu.wait_dma2 semaphore(%run_scoped3A : memref<!tpu.dma_semaphore, #tpu.memory_space<semaphore_mem>>) src(%dma_wait3A_357 : memref<96x64xf32, #tpu.memory_space<vmem_shared>>) dst(%dma_wait3A_355 : memref<96x64xf32, #tpu.memory_space<vmem>>)
      tpu.yield
    }) : () -> ()
    %scan3A_273 = arith.constant 0 : i32
    %scan3A_274 = arith.constant 96 : i32
    %scan3A_275 = arith.addi %scan3A_273, %scan3A_274 : i32
    %scan3A_276 = arith.constant 1 : i32
    scf.for %scan3A_339 = %scan3A_273 to %scan3A_275 step %scan3A_276  : i32 {
      %mul3A_340 = arith.constant 1 : i32
      %mul3A_341 = arith.muli %scan3A_339, %mul3A_340 : i32
      %add3A_342 = arith.constant 0 : i32
      %add3A_343 = arith.addi %add3A_342, %mul3A_341 : i32
      %get3A_344 = arith.index_cast %add3A_343 : i32 to index
      %get3A_345 = arith.constant 0 : index
      %get3A_346 = tpu.vector_load %arg23[%get3A_344, %get3A_345] {strides = array<i32>} : memref<96x64xf32, #tpu.memory_space<vmem>>, vector<1x16xf32>,
      %get3A_347 = vector.shape_cast %get3A_346 : vector<1x16xf32> to vector<16xf32>
      %max3A = arith.constant 0.000000e+00 : f32
      %max3A_348 = vector.broadcast %max3A : f32 to vector<16xf32>
      %max3A_349 = arith.maximumf %get3A_347, %max3A_348 : vector<16xf32>
      %swap3A_350 = arith.index_cast %add3A_343 : i32 to index
      %swap3A_351 = arith.constant 0 : index
      %swap3A_352 = tpu.vector_load %arg23[%swap3A_350, %swap3A_351] {strides = array<i32>} : memref<96x64xf32, #tpu.memory_space<vmem>>, vector<1x16xf32>,
      %swap3A_353 = vector.shape_cast %swap3A_352 : vector<1x16xf32> to vector<16xf32>
      %swap3A_354 = vector.shape_cast %max3A_349 : vector<16xf32> to vector<1x16xf32>
      tpu.vector_store %arg23[%swap3A_350, %swap3A_351], %swap3A_354 {strides = array<i32>} : memref<96x64xf32, #tpu.memory_space<vmem>>, vector<1x16xf32>,
      %get3A_355 = arith.index_cast %add3A_343 : i32 to index
      %get3A_356 = arith.constant 16 : index
      %get3A_357 = tpu.vector_load %arg23[%get3A_355, %get3A_356] {strides = array<i32>} : memref<96x64xf32, #tpu.memory_space<vmem>>, vector<1x16xf32>,
      %get3A_358 = vector.shape_cast %get3A_357 : vector<1x16xf32> to vector<16xf32>
      %max3A_359 = arith.constant 0.000000e+00 : f32
      %max3A_360 = vector.broadcast %max3A_359 : f32 to vector<16xf32>
      %max3A_361 = arith.maximumf %get3A_358, %max3A_360 : vector<16xf32>
      %swap3A_362 = arith.index_cast %add3A_343 : i32 to index
      %swap3A_363 = arith.constant 16 : index
      %swap3A_364 = tpu.vector_load %arg23[%swap3A_362, %swap3A_363] {strides = array<i32>} : memref<96x64xf32, #tpu.memory_space<vmem>>, vector<1x16xf32>,
      %swap3A_365 = vector.shape_cast %swap3A_364 : vector<1x16xf32> to vector<16xf32>
      %swap3A_366 = vector.shape_cast %max3A_361 : vector<16xf32> to vector<1x16xf32>
      tpu.vector_store %arg23[%swap3A_362, %swap3A_363], %swap3A_366 {strides = array<i32>} : memref<96x64xf32, #tpu.memory_space<vmem>>, vector<1x16xf32>,
      %get3A_367 = arith.index_cast %add3A_343 : i32 to index
      %get3A_368 = arith.constant 32 : index
      %get3A_369 = tpu.vector_load %arg23[%get3A_367, %get3A_368] {strides = array<i32>} : memref<96x64xf32, #tpu.memory_space<vmem>>, vector<1x16xf32>,
      %get3A_370 = vector.shape_cast %get3A_369 : vector<1x16xf32> to vector<16xf32>
      %max3A_371 = arith.constant 0.000000e+00 : f32
      %max3A_372 = vector.broadcast %max3A_371 : f32 to vector<16xf32>
      %max3A_373 = arith.maximumf %get3A_370, %max3A_372 : vector<16xf32>
      %swap3A_374 = arith.index_cast %add3A_343 : i32 to index
      %swap3A_375 = arith.constant 32 : index
      %swap3A_376 = tpu.vector_load %arg23[%swap3A_374, %swap3A_375] {strides = array<i32>} : memref<96x64xf32, #tpu.memory_space<vmem>>, vector<1x16xf32>,
      %swap3A_377 = vector.shape_cast %swap3A_376 : vector<1x16xf32> to vector<16xf32>
      %swap3A_378 = vector.shape_cast %max3A_373 : vector<16xf32> to vector<1x16xf32>
      tpu.vector_store %arg23[%swap3A_374, %swap3A_375], %swap3A_378 {strides = array<i32>} : memref<96x64xf32, #tpu.memory_space<vmem>>, vector<1x16xf32>,
      %get3A_379 = arith.index_cast %add3A_343 : i32 to index
      %get3A_380 = arith.constant 48 : index
      %get3A_381 = tpu.vector_load %arg23[%get3A_379, %get3A_380] {strides = array<i32>} : memref<96x64xf32, #tpu.memory_space<vmem>>, vector<1x16xf32>,
      %get3A_382 = vector.shape_cast %get3A_381 : vector<1x16xf32> to vector<16xf32>
      %max3A_383 = arith.constant 0.000000e+00 : f32
      %max3A_384 = vector.broadcast %max3A_383 : f32 to vector<16xf32>
      %max3A_385 = arith.maximumf %get3A_382, %max3A_384 : vector<16xf32>
      %swap3A_386 = arith.index_cast %add3A_343 : i32 to index
      %swap3A_387 = arith.constant 48 : index
      %swap3A_388 = tpu.vector_load %arg23[%swap3A_386, %swap3A_387] {strides = array<i32>} : memref<96x64xf32, #tpu.memory_space<vmem>>, vector<1x16xf32>,
      %swap3A_389 = vector.shape_cast %swap3A_388 : vector<1x16xf32> to vector<16xf32>
      %swap3A_390 = vector.shape_cast %max3A_385 : vector<16xf32> to vector<1x16xf32>
      tpu.vector_store %arg23[%swap3A_386, %swap3A_387], %swap3A_390 {strides = array<i32>} : memref<96x64xf32, #tpu.memory_space<vmem>>, vector<1x16xf32>,
    }
    %scan3A_277 = arith.constant 96 : i32
    %add3A_278 = arith.addi %mul3A_268, %add3A_272 : i32
    "tpu.region"() ({
      %run_scoped3A = tpu.sem_alloc : memref<!tpu.dma_semaphore, #tpu.memory_space<semaphore_mem>>
      %dma_start3A_339 = arith.constant 0 : i32
      %dma_start3A_340 = arith.constant 0 : i32
      %dma_start3A_341 = tpu.memref_slice %arg23[%dma_start3A_339, %dma_start3A_340] : memref<96x64xf32, #tpu.memory_space<vmem>> -> memref<96x64xf32, #tpu.memory_space<vmem>>
      %dma_start3A_342 = arith.constant 0 : i32
      %dma_start3A_343 = tpu.memref_slice %arg8[%add3A_278, %dma_start3A_342] : memref<20000x64xf32, #tpu.memory_space<hbm>> -> memref<96x64xf32, #tpu.memory_space<hbm>>
      %dma_start3A_344 = arith.constant 0 : i32
      %dma_start3A_345 = tpu.memref_slice %arg8[%add3A_278, %dma_start3A_344] : memref<20000x64xf32, #tpu.memory_space<hbm>> -> memref<96x64xf32, #tpu.memory_space<hbm>>
      %dma_start3A_346 = arith.constant 0 : i32
      %dma_start3A_347 = arith.constant 0 : i32
      %dma_start3A_348 = tpu.memref_slice %arg23[%dma_start3A_346, %dma_start3A_347] : memref<96x64xf32, #tpu.memory_space<vmem>> -> memref<96x64xf32, #tpu.memory_space<vmem>>
      tpu.enqueue_dma source(%dma_start3A_348 : memref<96x64xf32, #tpu.memory_space<vmem>>) target(%dma_start3A_345 : memref<96x64xf32, #tpu.memory_space<hbm>>) target_semaphore(%run_scoped3A : memref<!tpu.dma_semaphore, #tpu.memory_space<semaphore_mem>>)
      %dma_wait3A = arith.constant 0 : i32
      %dma_wait3A_349 = arith.constant 0 : i32
      %dma_wait3A_350 = tpu.memref_slice %arg23[%dma_wait3A, %dma_wait3A_349] : memref<96x64xf32, #tpu.memory_space<vmem>> -> memref<96x64xf32, #tpu.memory_space<vmem>>
      %dma_wait3A_351 = arith.constant 0 : i32
      %dma_wait3A_352 = tpu.memref_slice %arg8[%add3A_278, %dma_wait3A_351] : memref<20000x64xf32, #tpu.memory_space<hbm>> -> memref<96x64xf32, #tpu.memory_space<hbm>>
      %dma_wait3A_353 = arith.constant 0 : i32
      %dma_wait3A_354 = tpu.memref_slice %arg8[%add3A_278, %dma_wait3A_353] : memref<20000x64xf32, #tpu.memory_space<hbm>> -> memref<96x64xf32, #tpu.memory_space<hbm>>
      %dma_wait3A_355 = arith.constant 0 : i32
      %dma_wait3A_356 = arith.constant 0 : i32
      %dma_wait3A_357 = tpu.memref_slice %arg23[%dma_wait3A_355, %dma_wait3A_356] : memref<96x64xf32, #tpu.memory_space<vmem>> -> memref<96x64xf32, #tpu.memory_space<vmem>>
      tpu.wait_dma2 semaphore(%run_scoped3A : memref<!tpu.dma_semaphore, #tpu.memory_space<semaphore_mem>>) src(%dma_wait3A_357 : memref<96x64xf32, #tpu.memory_space<vmem>>) dst(%dma_wait3A_354 : memref<96x64xf32, #tpu.memory_space<hbm>>)
      tpu.yield
    }) : () -> ()
    %mul3A_279 = arith.constant 625 : i32
    %mul3A_280 = arith.muli %arg1, %mul3A_279 : i32
    %add3A_281 = arith.constant 96 : i32
    %add3A_282 = arith.addi %mul3A_280, %add3A_281 : i32
    "tpu.region"() ({
      %run_scoped3A = tpu.sem_alloc : memref<!tpu.dma_semaphore, #tpu.memory_space<semaphore_mem>>
      %dma_start3A_339 = arith.constant 0 : i32
      %dma_start3A_340 = arith.constant 0 : i32
      %dma_start3A_341 = tpu.memref_slice %arg23[%dma_start3A_339, %dma_start3A_340] : memref<96x64xf32, #tpu.memory_space<vmem>> -> memref<96x64xf32, #tpu.memory_space<vmem>>
      %dma_start3A_342 = arith.constant 0 : i32
      %dma_start3A_343 = tpu.memref_slice %arg10[%add3A_282, %dma_start3A_342] : memref<10008x64xf32, #tpu.memory_space<vmem_shared>> -> memref<96x64xf32, #tpu.memory_space<vmem_shared>>
      %dma_start3A_344 = arith.constant 0 : i32
      %dma_start3A_345 = arith.constant 0 : i32
      %dma_start3A_346 = tpu.memref_slice %arg23[%dma_start3A_344, %dma_start3A_345] : memref<96x64xf32, #tpu.memory_space<vmem>> -> memref<96x64xf32, #tpu.memory_space<vmem>>
      %dma_start3A_347 = arith.constant 0 : i32
      %dma_start3A_348 = tpu.memref_slice %arg10[%add3A_282, %dma_start3A_347] : memref<10008x64xf32, #tpu.memory_space<vmem_shared>> -> memref<96x64xf32, #tpu.memory_space<vmem_shared>>
      tpu.enqueue_dma source(%dma_start3A_348 : memref<96x64xf32, #tpu.memory_space<vmem_shared>>) target(%dma_start3A_346 : memref<96x64xf32, #tpu.memory_space<vmem>>) target_semaphore(%run_scoped3A : memref<!tpu.dma_semaphore, #tpu.memory_space<semaphore_mem>>)
      %dma_wait3A = arith.constant 0 : i32
      %dma_wait3A_349 = arith.constant 0 : i32
      %dma_wait3A_350 = tpu.memref_slice %arg23[%dma_wait3A, %dma_wait3A_349] : memref<96x64xf32, #tpu.memory_space<vmem>> -> memref<96x64xf32, #tpu.memory_space<vmem>>
      %dma_wait3A_351 = arith.constant 0 : i32
      %dma_wait3A_352 = tpu.memref_slice %arg10[%add3A_282, %dma_wait3A_351] : memref<10008x64xf32, #tpu.memory_space<vmem_shared>> -> memref<96x64xf32, #tpu.memory_space<vmem_shared>>
      %dma_wait3A_353 = arith.constant 0 : i32
      %dma_wait3A_354 = arith.constant 0 : i32
      %dma_wait3A_355 = tpu.memref_slice %arg23[%dma_wait3A_353, %dma_wait3A_354] : memref<96x64xf32, #tpu.memory_space<vmem>> -> memref<96x64xf32, #tpu.memory_space<vmem>>
      %dma_wait3A_356 = arith.constant 0 : i32
      %dma_wait3A_357 = tpu.memref_slice %arg10[%add3A_282, %dma_wait3A_356] : memref<10008x64xf32, #tpu.memory_space<vmem_shared>> -> memref<96x64xf32, #tpu.memory_space<vmem_shared>>
      tpu.wait_dma2 semaphore(%run_scoped3A : memref<!tpu.dma_semaphore, #tpu.memory_space<semaphore_mem>>) src(%dma_wait3A_357 : memref<96x64xf32, #tpu.memory_space<vmem_shared>>) dst(%dma_wait3A_355 : memref<96x64xf32, #tpu.memory_space<vmem>>)
      tpu.yield
    }) : () -> ()
    %scan3A_283 = arith.constant 0 : i32
    %scan3A_284 = arith.constant 96 : i32
    %scan3A_285 = arith.addi %scan3A_283, %scan3A_284 : i32
    %scan3A_286 = arith.constant 1 : i32
    scf.for %scan3A_339 = %scan3A_283 to %scan3A_285 step %scan3A_286  : i32 {
      %mul3A_340 = arith.constant 1 : i32
      %mul3A_341 = arith.muli %scan3A_339, %mul3A_340 : i32
      %add3A_342 = arith.constant 0 : i32
      %add3A_343 = arith.addi %add3A_342, %mul3A_341 : i32
      %get3A_344 = arith.index_cast %add3A_343 : i32 to index
      %get3A_345 = arith.constant 0 : index
      %get3A_346 = tpu.vector_load %arg23[%get3A_344, %get3A_345] {strides = array<i32>} : memref<96x64xf32, #tpu.memory_space<vmem>>, vector<1x16xf32>,
      %get3A_347 = vector.shape_cast %get3A_346 : vector<1x16xf32> to vector<16xf32>
      %max3A = arith.constant 0.000000e+00 : f32
      %max3A_348 = vector.broadcast %max3A : f32 to vector<16xf32>
      %max3A_349 = arith.maximumf %get3A_347, %max3A_348 : vector<16xf32>
      %swap3A_350 = arith.index_cast %add3A_343 : i32 to index
      %swap3A_351 = arith.constant 0 : index
      %swap3A_352 = tpu.vector_load %arg23[%swap3A_350, %swap3A_351] {strides = array<i32>} : memref<96x64xf32, #tpu.memory_space<vmem>>, vector<1x16xf32>,
      %swap3A_353 = vector.shape_cast %swap3A_352 : vector<1x16xf32> to vector<16xf32>
      %swap3A_354 = vector.shape_cast %max3A_349 : vector<16xf32> to vector<1x16xf32>
      tpu.vector_store %arg23[%swap3A_350, %swap3A_351], %swap3A_354 {strides = array<i32>} : memref<96x64xf32, #tpu.memory_space<vmem>>, vector<1x16xf32>,
      %get3A_355 = arith.index_cast %add3A_343 : i32 to index
      %get3A_356 = arith.constant 16 : index
      %get3A_357 = tpu.vector_load %arg23[%get3A_355, %get3A_356] {strides = array<i32>} : memref<96x64xf32, #tpu.memory_space<vmem>>, vector<1x16xf32>,
      %get3A_358 = vector.shape_cast %get3A_357 : vector<1x16xf32> to vector<16xf32>
      %max3A_359 = arith.constant 0.000000e+00 : f32
      %max3A_360 = vector.broadcast %max3A_359 : f32 to vector<16xf32>
      %max3A_361 = arith.maximumf %get3A_358, %max3A_360 : vector<16xf32>
      %swap3A_362 = arith.index_cast %add3A_343 : i32 to index
      %swap3A_363 = arith.constant 16 : index
      %swap3A_364 = tpu.vector_load %arg23[%swap3A_362, %swap3A_363] {strides = array<i32>} : memref<96x64xf32, #tpu.memory_space<vmem>>, vector<1x16xf32>,
      %swap3A_365 = vector.shape_cast %swap3A_364 : vector<1x16xf32> to vector<16xf32>
      %swap3A_366 = vector.shape_cast %max3A_361 : vector<16xf32> to vector<1x16xf32>
      tpu.vector_store %arg23[%swap3A_362, %swap3A_363], %swap3A_366 {strides = array<i32>} : memref<96x64xf32, #tpu.memory_space<vmem>>, vector<1x16xf32>,
      %get3A_367 = arith.index_cast %add3A_343 : i32 to index
      %get3A_368 = arith.constant 32 : index
      %get3A_369 = tpu.vector_load %arg23[%get3A_367, %get3A_368] {strides = array<i32>} : memref<96x64xf32, #tpu.memory_space<vmem>>, vector<1x16xf32>,
      %get3A_370 = vector.shape_cast %get3A_369 : vector<1x16xf32> to vector<16xf32>
      %max3A_371 = arith.constant 0.000000e+00 : f32
      %max3A_372 = vector.broadcast %max3A_371 : f32 to vector<16xf32>
      %max3A_373 = arith.maximumf %get3A_370, %max3A_372 : vector<16xf32>
      %swap3A_374 = arith.index_cast %add3A_343 : i32 to index
      %swap3A_375 = arith.constant 32 : index
      %swap3A_376 = tpu.vector_load %arg23[%swap3A_374, %swap3A_375] {strides = array<i32>} : memref<96x64xf32, #tpu.memory_space<vmem>>, vector<1x16xf32>,
      %swap3A_377 = vector.shape_cast %swap3A_376 : vector<1x16xf32> to vector<16xf32>
      %swap3A_378 = vector.shape_cast %max3A_373 : vector<16xf32> to vector<1x16xf32>
      tpu.vector_store %arg23[%swap3A_374, %swap3A_375], %swap3A_378 {strides = array<i32>} : memref<96x64xf32, #tpu.memory_space<vmem>>, vector<1x16xf32>,
      %get3A_379 = arith.index_cast %add3A_343 : i32 to index
      %get3A_380 = arith.constant 48 : index
      %get3A_381 = tpu.vector_load %arg23[%get3A_379, %get3A_380] {strides = array<i32>} : memref<96x64xf32, #tpu.memory_space<vmem>>, vector<1x16xf32>,
      %get3A_382 = vector.shape_cast %get3A_381 : vector<1x16xf32> to vector<16xf32>
      %max3A_383 = arith.constant 0.000000e+00 : f32
      %max3A_384 = vector.broadcast %max3A_383 : f32 to vector<16xf32>
      %max3A_385 = arith.maximumf %get3A_382, %max3A_384 : vector<16xf32>
      %swap3A_386 = arith.index_cast %add3A_343 : i32 to index
      %swap3A_387 = arith.constant 48 : index
      %swap3A_388 = tpu.vector_load %arg23[%swap3A_386, %swap3A_387] {strides = array<i32>} : memref<96x64xf32, #tpu.memory_space<vmem>>, vector<1x16xf32>,
      %swap3A_389 = vector.shape_cast %swap3A_388 : vector<1x16xf32> to vector<16xf32>
      %swap3A_390 = vector.shape_cast %max3A_385 : vector<16xf32> to vector<1x16xf32>
      tpu.vector_store %arg23[%swap3A_386, %swap3A_387], %swap3A_390 {strides = array<i32>} : memref<96x64xf32, #tpu.memory_space<vmem>>, vector<1x16xf32>,
    }
    %scan3A_287 = arith.constant 96 : i32
    %add3A_288 = arith.addi %mul3A_268, %add3A_282 : i32
    "tpu.region"() ({
      %run_scoped3A = tpu.sem_alloc : memref<!tpu.dma_semaphore, #tpu.memory_space<semaphore_mem>>
      %dma_start3A_339 = arith.constant 0 : i32
      %dma_start3A_340 = arith.constant 0 : i32
      %dma_start3A_341 = tpu.memref_slice %arg23[%dma_start3A_339, %dma_start3A_340] : memref<96x64xf32, #tpu.memory_space<vmem>> -> memref<96x64xf32, #tpu.memory_space<vmem>>
      %dma_start3A_342 = arith.constant 0 : i32
      %dma_start3A_343 = tpu.memref_slice %arg8[%add3A_288, %dma_start3A_342] : memref<20000x64xf32, #tpu.memory_space<hbm>> -> memref<96x64xf32, #tpu.memory_space<hbm>>
      %dma_start3A_344 = arith.constant 0 : i32
      %dma_start3A_345 = tpu.memref_slice %arg8[%add3A_288, %dma_start3A_344] : memref<20000x64xf32, #tpu.memory_space<hbm>> -> memref<96x64xf32, #tpu.memory_space<hbm>>
      %dma_start3A_346 = arith.constant 0 : i32
      %dma_start3A_347 = arith.constant 0 : i32
      %dma_start3A_348 = tpu.memref_slice %arg23[%dma_start3A_346, %dma_start3A_347] : memref<96x64xf32, #tpu.memory_space<vmem>> -> memref<96x64xf32, #tpu.memory_space<vmem>>
      tpu.enqueue_dma source(%dma_start3A_348 : memref<96x64xf32, #tpu.memory_space<vmem>>) target(%dma_start3A_345 : memref<96x64xf32, #tpu.memory_space<hbm>>) target_semaphore(%run_scoped3A : memref<!tpu.dma_semaphore, #tpu.memory_space<semaphore_mem>>)
      %dma_wait3A = arith.constant 0 : i32
      %dma_wait3A_349 = arith.constant 0 : i32
      %dma_wait3A_350 = tpu.memref_slice %arg23[%dma_wait3A, %dma_wait3A_349] : memref<96x64xf32, #tpu.memory_space<vmem>> -> memref<96x64xf32, #tpu.memory_space<vmem>>
      %dma_wait3A_351 = arith.constant 0 : i32
      %dma_wait3A_352 = tpu.memref_slice %arg8[%add3A_288, %dma_wait3A_351] : memref<20000x64xf32, #tpu.memory_space<hbm>> -> memref<96x64xf32, #tpu.memory_space<hbm>>
      %dma_wait3A_353 = arith.constant 0 : i32
      %dma_wait3A_354 = tpu.memref_slice %arg8[%add3A_288, %dma_wait3A_353] : memref<20000x64xf32, #tpu.memory_space<hbm>> -> memref<96x64xf32, #tpu.memory_space<hbm>>
      %dma_wait3A_355 = arith.constant 0 : i32
      %dma_wait3A_356 = arith.constant 0 : i32
      %dma_wait3A_357 = tpu.memref_slice %arg23[%dma_wait3A_355, %dma_wait3A_356] : memref<96x64xf32, #tpu.memory_space<vmem>> -> memref<96x64xf32, #tpu.memory_space<vmem>>
      tpu.wait_dma2 semaphore(%run_scoped3A : memref<!tpu.dma_semaphore, #tpu.memory_space<semaphore_mem>>) src(%dma_wait3A_357 : memref<96x64xf32, #tpu.memory_space<vmem>>) dst(%dma_wait3A_354 : memref<96x64xf32, #tpu.memory_space<hbm>>)
      tpu.yield
    }) : () -> ()
    %mul3A_289 = arith.constant 625 : i32
    %mul3A_290 = arith.muli %arg1, %mul3A_289 : i32
    %add3A_291 = arith.constant 192 : i32
    %add3A_292 = arith.addi %mul3A_290, %add3A_291 : i32
    "tpu.region"() ({
      %run_scoped3A = tpu.sem_alloc : memref<!tpu.dma_semaphore, #tpu.memory_space<semaphore_mem>>
      %dma_start3A_339 = arith.constant 0 : i32
      %dma_start3A_340 = arith.constant 0 : i32
      %dma_start3A_341 = tpu.memref_slice %arg23[%dma_start3A_339, %dma_start3A_340] : memref<96x64xf32, #tpu.memory_space<vmem>> -> memref<96x64xf32, #tpu.memory_space<vmem>>
      %dma_start3A_342 = arith.constant 0 : i32
      %dma_start3A_343 = tpu.memref_slice %arg10[%add3A_292, %dma_start3A_342] : memref<10008x64xf32, #tpu.memory_space<vmem_shared>> -> memref<96x64xf32, #tpu.memory_space<vmem_shared>>
      %dma_start3A_344 = arith.constant 0 : i32
      %dma_start3A_345 = arith.constant 0 : i32
      %dma_start3A_346 = tpu.memref_slice %arg23[%dma_start3A_344, %dma_start3A_345] : memref<96x64xf32, #tpu.memory_space<vmem>> -> memref<96x64xf32, #tpu.memory_space<vmem>>
      %dma_start3A_347 = arith.constant 0 : i32
      %dma_start3A_348 = tpu.memref_slice %arg10[%add3A_292, %dma_start3A_347] : memref<10008x64xf32, #tpu.memory_space<vmem_shared>> -> memref<96x64xf32, #tpu.memory_space<vmem_shared>>
      tpu.enqueue_dma source(%dma_start3A_348 : memref<96x64xf32, #tpu.memory_space<vmem_shared>>) target(%dma_start3A_346 : memref<96x64xf32, #tpu.memory_space<vmem>>) target_semaphore(%run_scoped3A : memref<!tpu.dma_semaphore, #tpu.memory_space<semaphore_mem>>)
      %dma_wait3A = arith.constant 0 : i32
      %dma_wait3A_349 = arith.constant 0 : i32
      %dma_wait3A_350 = tpu.memref_slice %arg23[%dma_wait3A, %dma_wait3A_349] : memref<96x64xf32, #tpu.memory_space<vmem>> -> memref<96x64xf32, #tpu.memory_space<vmem>>
      %dma_wait3A_351 = arith.constant 0 : i32
      %dma_wait3A_352 = tpu.memref_slice %arg10[%add3A_292, %dma_wait3A_351] : memref<10008x64xf32, #tpu.memory_space<vmem_shared>> -> memref<96x64xf32, #tpu.memory_space<vmem_shared>>
      %dma_wait3A_353 = arith.constant 0 : i32
      %dma_wait3A_354 = arith.constant 0 : i32
      %dma_wait3A_355 = tpu.memref_slice %arg23[%dma_wait3A_353, %dma_wait3A_354] : memref<96x64xf32, #tpu.memory_space<vmem>> -> memref<96x64xf32, #tpu.memory_space<vmem>>
      %dma_wait3A_356 = arith.constant 0 : i32
      %dma_wait3A_357 = tpu.memref_slice %arg10[%add3A_292, %dma_wait3A_356] : memref<10008x64xf32, #tpu.memory_space<vmem_shared>> -> memref<96x64xf32, #tpu.memory_space<vmem_shared>>
      tpu.wait_dma2 semaphore(%run_scoped3A : memref<!tpu.dma_semaphore, #tpu.memory_space<semaphore_mem>>) src(%dma_wait3A_357 : memref<96x64xf32, #tpu.memory_space<vmem_shared>>) dst(%dma_wait3A_355 : memref<96x64xf32, #tpu.memory_space<vmem>>)
      tpu.yield
    }) : () -> ()
    %scan3A_293 = arith.constant 0 : i32
    %scan3A_294 = arith.constant 96 : i32
    %scan3A_295 = arith.addi %scan3A_293, %scan3A_294 : i32
    %scan3A_296 = arith.constant 1 : i32
    scf.for %scan3A_339 = %scan3A_293 to %scan3A_295 step %scan3A_296  : i32 {
      %mul3A_340 = arith.constant 1 : i32
      %mul3A_341 = arith.muli %scan3A_339, %mul3A_340 : i32
      %add3A_342 = arith.constant 0 : i32
      %add3A_343 = arith.addi %add3A_342, %mul3A_341 : i32
      %get3A_344 = arith.index_cast %add3A_343 : i32 to index
      %get3A_345 = arith.constant 0 : index
      %get3A_346 = tpu.vector_load %arg23[%get3A_344, %get3A_345] {strides = array<i32>} : memref<96x64xf32, #tpu.memory_space<vmem>>, vector<1x16xf32>,
      %get3A_347 = vector.shape_cast %get3A_346 : vector<1x16xf32> to vector<16xf32>
      %max3A = arith.constant 0.000000e+00 : f32
      %max3A_348 = vector.broadcast %max3A : f32 to vector<16xf32>
      %max3A_349 = arith.maximumf %get3A_347, %max3A_348 : vector<16xf32>
      %swap3A_350 = arith.index_cast %add3A_343 : i32 to index
      %swap3A_351 = arith.constant 0 : index
      %swap3A_352 = tpu.vector_load %arg23[%swap3A_350, %swap3A_351] {strides = array<i32>} : memref<96x64xf32, #tpu.memory_space<vmem>>, vector<1x16xf32>,
      %swap3A_353 = vector.shape_cast %swap3A_352 : vector<1x16xf32> to vector<16xf32>
      %swap3A_354 = vector.shape_cast %max3A_349 : vector<16xf32> to vector<1x16xf32>
      tpu.vector_store %arg23[%swap3A_350, %swap3A_351], %swap3A_354 {strides = array<i32>} : memref<96x64xf32, #tpu.memory_space<vmem>>, vector<1x16xf32>,
      %get3A_355 = arith.index_cast %add3A_343 : i32 to index
      %get3A_356 = arith.constant 16 : index
      %get3A_357 = tpu.vector_load %arg23[%get3A_355, %get3A_356] {strides = array<i32>} : memref<96x64xf32, #tpu.memory_space<vmem>>, vector<1x16xf32>,
      %get3A_358 = vector.shape_cast %get3A_357 : vector<1x16xf32> to vector<16xf32>
      %max3A_359 = arith.constant 0.000000e+00 : f32
      %max3A_360 = vector.broadcast %max3A_359 : f32 to vector<16xf32>
      %max3A_361 = arith.maximumf %get3A_358, %max3A_360 : vector<16xf32>
      %swap3A_362 = arith.index_cast %add3A_343 : i32 to index
      %swap3A_363 = arith.constant 16 : index
      %swap3A_364 = tpu.vector_load %arg23[%swap3A_362, %swap3A_363] {strides = array<i32>} : memref<96x64xf32, #tpu.memory_space<vmem>>, vector<1x16xf32>,
      %swap3A_365 = vector.shape_cast %swap3A_364 : vector<1x16xf32> to vector<16xf32>
      %swap3A_366 = vector.shape_cast %max3A_361 : vector<16xf32> to vector<1x16xf32>
      tpu.vector_store %arg23[%swap3A_362, %swap3A_363], %swap3A_366 {strides = array<i32>} : memref<96x64xf32, #tpu.memory_space<vmem>>, vector<1x16xf32>,
      %get3A_367 = arith.index_cast %add3A_343 : i32 to index
      %get3A_368 = arith.constant 32 : index
      %get3A_369 = tpu.vector_load %arg23[%get3A_367, %get3A_368] {strides = array<i32>} : memref<96x64xf32, #tpu.memory_space<vmem>>, vector<1x16xf32>,
      %get3A_370 = vector.shape_cast %get3A_369 : vector<1x16xf32> to vector<16xf32>
      %max3A_371 = arith.constant 0.000000e+00 : f32
      %max3A_372 = vector.broadcast %max3A_371 : f32 to vector<16xf32>
      %max3A_373 = arith.maximumf %get3A_370, %max3A_372 : vector<16xf32>
      %swap3A_374 = arith.index_cast %add3A_343 : i32 to index
      %swap3A_375 = arith.constant 32 : index
      %swap3A_376 = tpu.vector_load %arg23[%swap3A_374, %swap3A_375] {strides = array<i32>} : memref<96x64xf32, #tpu.memory_space<vmem>>, vector<1x16xf32>,
      %swap3A_377 = vector.shape_cast %swap3A_376 : vector<1x16xf32> to vector<16xf32>
      %swap3A_378 = vector.shape_cast %max3A_373 : vector<16xf32> to vector<1x16xf32>
      tpu.vector_store %arg23[%swap3A_374, %swap3A_375], %swap3A_378 {strides = array<i32>} : memref<96x64xf32, #tpu.memory_space<vmem>>, vector<1x16xf32>,
      %get3A_379 = arith.index_cast %add3A_343 : i32 to index
      %get3A_380 = arith.constant 48 : index
      %get3A_381 = tpu.vector_load %arg23[%get3A_379, %get3A_380] {strides = array<i32>} : memref<96x64xf32, #tpu.memory_space<vmem>>, vector<1x16xf32>,
      %get3A_382 = vector.shape_cast %get3A_381 : vector<1x16xf32> to vector<16xf32>
      %max3A_383 = arith.constant 0.000000e+00 : f32
      %max3A_384 = vector.broadcast %max3A_383 : f32 to vector<16xf32>
      %max3A_385 = arith.maximumf %get3A_382, %max3A_384 : vector<16xf32>
      %swap3A_386 = arith.index_cast %add3A_343 : i32 to index
      %swap3A_387 = arith.constant 48 : index
      %swap3A_388 = tpu.vector_load %arg23[%swap3A_386, %swap3A_387] {strides = array<i32>} : memref<96x64xf32, #tpu.memory_space<vmem>>, vector<1x16xf32>,
      %swap3A_389 = vector.shape_cast %swap3A_388 : vector<1x16xf32> to vector<16xf32>
      %swap3A_390 = vector.shape_cast %max3A_385 : vector<16xf32> to vector<1x16xf32>
      tpu.vector_store %arg23[%swap3A_386, %swap3A_387], %swap3A_390 {strides = array<i32>} : memref<96x64xf32, #tpu.memory_space<vmem>>, vector<1x16xf32>,
    }
    %scan3A_297 = arith.constant 96 : i32
    %add3A_298 = arith.addi %mul3A_268, %add3A_292 : i32
    "tpu.region"() ({
      %run_scoped3A = tpu.sem_alloc : memref<!tpu.dma_semaphore, #tpu.memory_space<semaphore_mem>>
      %dma_start3A_339 = arith.constant 0 : i32
      %dma_start3A_340 = arith.constant 0 : i32
      %dma_start3A_341 = tpu.memref_slice %arg23[%dma_start3A_339, %dma_start3A_340] : memref<96x64xf32, #tpu.memory_space<vmem>> -> memref<96x64xf32, #tpu.memory_space<vmem>>
      %dma_start3A_342 = arith.constant 0 : i32
      %dma_start3A_343 = tpu.memref_slice %arg8[%add3A_298, %dma_start3A_342] : memref<20000x64xf32, #tpu.memory_space<hbm>> -> memref<96x64xf32, #tpu.memory_space<hbm>>
      %dma_start3A_344 = arith.constant 0 : i32
      %dma_start3A_345 = tpu.memref_slice %arg8[%add3A_298, %dma_start3A_344] : memref<20000x64xf32, #tpu.memory_space<hbm>> -> memref<96x64xf32, #tpu.memory_space<hbm>>
      %dma_start3A_346 = arith.constant 0 : i32
      %dma_start3A_347 = arith.constant 0 : i32
      %dma_start3A_348 = tpu.memref_slice %arg23[%dma_start3A_346, %dma_start3A_347] : memref<96x64xf32, #tpu.memory_space<vmem>> -> memref<96x64xf32, #tpu.memory_space<vmem>>
      tpu.enqueue_dma source(%dma_start3A_348 : memref<96x64xf32, #tpu.memory_space<vmem>>) target(%dma_start3A_345 : memref<96x64xf32, #tpu.memory_space<hbm>>) target_semaphore(%run_scoped3A : memref<!tpu.dma_semaphore, #tpu.memory_space<semaphore_mem>>)
      %dma_wait3A = arith.constant 0 : i32
      %dma_wait3A_349 = arith.constant 0 : i32
      %dma_wait3A_350 = tpu.memref_slice %arg23[%dma_wait3A, %dma_wait3A_349] : memref<96x64xf32, #tpu.memory_space<vmem>> -> memref<96x64xf32, #tpu.memory_space<vmem>>
      %dma_wait3A_351 = arith.constant 0 : i32
      %dma_wait3A_352 = tpu.memref_slice %arg8[%add3A_298, %dma_wait3A_351] : memref<20000x64xf32, #tpu.memory_space<hbm>> -> memref<96x64xf32, #tpu.memory_space<hbm>>
      %dma_wait3A_353 = arith.constant 0 : i32
      %dma_wait3A_354 = tpu.memref_slice %arg8[%add3A_298, %dma_wait3A_353] : memref<20000x64xf32, #tpu.memory_space<hbm>> -> memref<96x64xf32, #tpu.memory_space<hbm>>
      %dma_wait3A_355 = arith.constant 0 : i32
      %dma_wait3A_356 = arith.constant 0 : i32
      %dma_wait3A_357 = tpu.memref_slice %arg23[%dma_wait3A_355, %dma_wait3A_356] : memref<96x64xf32, #tpu.memory_space<vmem>> -> memref<96x64xf32, #tpu.memory_space<vmem>>
      tpu.wait_dma2 semaphore(%run_scoped3A : memref<!tpu.dma_semaphore, #tpu.memory_space<semaphore_mem>>) src(%dma_wait3A_357 : memref<96x64xf32, #tpu.memory_space<vmem>>) dst(%dma_wait3A_354 : memref<96x64xf32, #tpu.memory_space<hbm>>)
      tpu.yield
    }) : () -> ()
    %mul3A_299 = arith.constant 625 : i32
    %mul3A_300 = arith.muli %arg1, %mul3A_299 : i32
    %add3A_301 = arith.constant 288 : i32
    %add3A_302 = arith.addi %mul3A_300, %add3A_301 : i32
    "tpu.region"() ({
      %run_scoped3A = tpu.sem_alloc : memref<!tpu.dma_semaphore, #tpu.memory_space<semaphore_mem>>
      %dma_start3A_339 = arith.constant 0 : i32
      %dma_start3A_340 = arith.constant 0 : i32
      %dma_start3A_341 = tpu.memref_slice %arg23[%dma_start3A_339, %dma_start3A_340] : memref<96x64xf32, #tpu.memory_space<vmem>> -> memref<96x64xf32, #tpu.memory_space<vmem>>
      %dma_start3A_342 = arith.constant 0 : i32
      %dma_start3A_343 = tpu.memref_slice %arg10[%add3A_302, %dma_start3A_342] : memref<10008x64xf32, #tpu.memory_space<vmem_shared>> -> memref<96x64xf32, #tpu.memory_space<vmem_shared>>
      %dma_start3A_344 = arith.constant 0 : i32
      %dma_start3A_345 = arith.constant 0 : i32
      %dma_start3A_346 = tpu.memref_slice %arg23[%dma_start3A_344, %dma_start3A_345] : memref<96x64xf32, #tpu.memory_space<vmem>> -> memref<96x64xf32, #tpu.memory_space<vmem>>
      %dma_start3A_347 = arith.constant 0 : i32
      %dma_start3A_348 = tpu.memref_slice %arg10[%add3A_302, %dma_start3A_347] : memref<10008x64xf32, #tpu.memory_space<vmem_shared>> -> memref<96x64xf32, #tpu.memory_space<vmem_shared>>
      tpu.enqueue_dma source(%dma_start3A_348 : memref<96x64xf32, #tpu.memory_space<vmem_shared>>) target(%dma_start3A_346 : memref<96x64xf32, #tpu.memory_space<vmem>>) target_semaphore(%run_scoped3A : memref<!tpu.dma_semaphore, #tpu.memory_space<semaphore_mem>>)
      %dma_wait3A = arith.constant 0 : i32
      %dma_wait3A_349 = arith.constant 0 : i32
      %dma_wait3A_350 = tpu.memref_slice %arg23[%dma_wait3A, %dma_wait3A_349] : memref<96x64xf32, #tpu.memory_space<vmem>> -> memref<96x64xf32, #tpu.memory_space<vmem>>
      %dma_wait3A_351 = arith.constant 0 : i32
      %dma_wait3A_352 = tpu.memref_slice %arg10[%add3A_302, %dma_wait3A_351] : memref<10008x64xf32, #tpu.memory_space<vmem_shared>> -> memref<96x64xf32, #tpu.memory_space<vmem_shared>>
      %dma_wait3A_353 = arith.constant 0 : i32
      %dma_wait3A_354 = arith.constant 0 : i32
      %dma_wait3A_355 = tpu.memref_slice %arg23[%dma_wait3A_353, %dma_wait3A_354] : memref<96x64xf32, #tpu.memory_space<vmem>> -> memref<96x64xf32, #tpu.memory_space<vmem>>
      %dma_wait3A_356 = arith.constant 0 : i32
      %dma_wait3A_357 = tpu.memref_slice %arg10[%add3A_302, %dma_wait3A_356] : memref<10008x64xf32, #tpu.memory_space<vmem_shared>> -> memref<96x64xf32, #tpu.memory_space<vmem_shared>>
      tpu.wait_dma2 semaphore(%run_scoped3A : memref<!tpu.dma_semaphore, #tpu.memory_space<semaphore_mem>>) src(%dma_wait3A_357 : memref<96x64xf32, #tpu.memory_space<vmem_shared>>) dst(%dma_wait3A_355 : memref<96x64xf32, #tpu.memory_space<vmem>>)
      tpu.yield
    }) : () -> ()
    %scan3A_303 = arith.constant 0 : i32
    %scan3A_304 = arith.constant 96 : i32
    %scan3A_305 = arith.addi %scan3A_303, %scan3A_304 : i32
    %scan3A_306 = arith.constant 1 : i32
    scf.for %scan3A_339 = %scan3A_303 to %scan3A_305 step %scan3A_306  : i32 {
      %mul3A_340 = arith.constant 1 : i32
      %mul3A_341 = arith.muli %scan3A_339, %mul3A_340 : i32
      %add3A_342 = arith.constant 0 : i32
      %add3A_343 = arith.addi %add3A_342, %mul3A_341 : i32
      %get3A_344 = arith.index_cast %add3A_343 : i32 to index
      %get3A_345 = arith.constant 0 : index
      %get3A_346 = tpu.vector_load %arg23[%get3A_344, %get3A_345] {strides = array<i32>} : memref<96x64xf32, #tpu.memory_space<vmem>>, vector<1x16xf32>,
      %get3A_347 = vector.shape_cast %get3A_346 : vector<1x16xf32> to vector<16xf32>
      %max3A = arith.constant 0.000000e+00 : f32
      %max3A_348 = vector.broadcast %max3A : f32 to vector<16xf32>
      %max3A_349 = arith.maximumf %get3A_347, %max3A_348 : vector<16xf32>
      %swap3A_350 = arith.index_cast %add3A_343 : i32 to index
      %swap3A_351 = arith.constant 0 : index
      %swap3A_352 = tpu.vector_load %arg23[%swap3A_350, %swap3A_351] {strides = array<i32>} : memref<96x64xf32, #tpu.memory_space<vmem>>, vector<1x16xf32>,
      %swap3A_353 = vector.shape_cast %swap3A_352 : vector<1x16xf32> to vector<16xf32>
      %swap3A_354 = vector.shape_cast %max3A_349 : vector<16xf32> to vector<1x16xf32>
      tpu.vector_store %arg23[%swap3A_350, %swap3A_351], %swap3A_354 {strides = array<i32>} : memref<96x64xf32, #tpu.memory_space<vmem>>, vector<1x16xf32>,
      %get3A_355 = arith.index_cast %add3A_343 : i32 to index
      %get3A_356 = arith.constant 16 : index
      %get3A_357 = tpu.vector_load %arg23[%get3A_355, %get3A_356] {strides = array<i32>} : memref<96x64xf32, #tpu.memory_space<vmem>>, vector<1x16xf32>,
      %get3A_358 = vector.shape_cast %get3A_357 : vector<1x16xf32> to vector<16xf32>
      %max3A_359 = arith.constant 0.000000e+00 : f32
      %max3A_360 = vector.broadcast %max3A_359 : f32 to vector<16xf32>
      %max3A_361 = arith.maximumf %get3A_358, %max3A_360 : vector<16xf32>
      %swap3A_362 = arith.index_cast %add3A_343 : i32 to index
      %swap3A_363 = arith.constant 16 : index
      %swap3A_364 = tpu.vector_load %arg23[%swap3A_362, %swap3A_363] {strides = array<i32>} : memref<96x64xf32, #tpu.memory_space<vmem>>, vector<1x16xf32>,
      %swap3A_365 = vector.shape_cast %swap3A_364 : vector<1x16xf32> to vector<16xf32>
      %swap3A_366 = vector.shape_cast %max3A_361 : vector<16xf32> to vector<1x16xf32>
      tpu.vector_store %arg23[%swap3A_362, %swap3A_363], %swap3A_366 {strides = array<i32>} : memref<96x64xf32, #tpu.memory_space<vmem>>, vector<1x16xf32>,
      %get3A_367 = arith.index_cast %add3A_343 : i32 to index
      %get3A_368 = arith.constant 32 : index
      %get3A_369 = tpu.vector_load %arg23[%get3A_367, %get3A_368] {strides = array<i32>} : memref<96x64xf32, #tpu.memory_space<vmem>>, vector<1x16xf32>,
      %get3A_370 = vector.shape_cast %get3A_369 : vector<1x16xf32> to vector<16xf32>
      %max3A_371 = arith.constant 0.000000e+00 : f32
      %max3A_372 = vector.broadcast %max3A_371 : f32 to vector<16xf32>
      %max3A_373 = arith.maximumf %get3A_370, %max3A_372 : vector<16xf32>
      %swap3A_374 = arith.index_cast %add3A_343 : i32 to index
      %swap3A_375 = arith.constant 32 : index
      %swap3A_376 = tpu.vector_load %arg23[%swap3A_374, %swap3A_375] {strides = array<i32>} : memref<96x64xf32, #tpu.memory_space<vmem>>, vector<1x16xf32>,
      %swap3A_377 = vector.shape_cast %swap3A_376 : vector<1x16xf32> to vector<16xf32>
      %swap3A_378 = vector.shape_cast %max3A_373 : vector<16xf32> to vector<1x16xf32>
      tpu.vector_store %arg23[%swap3A_374, %swap3A_375], %swap3A_378 {strides = array<i32>} : memref<96x64xf32, #tpu.memory_space<vmem>>, vector<1x16xf32>,
      %get3A_379 = arith.index_cast %add3A_343 : i32 to index
      %get3A_380 = arith.constant 48 : index
      %get3A_381 = tpu.vector_load %arg23[%get3A_379, %get3A_380] {strides = array<i32>} : memref<96x64xf32, #tpu.memory_space<vmem>>, vector<1x16xf32>,
      %get3A_382 = vector.shape_cast %get3A_381 : vector<1x16xf32> to vector<16xf32>
      %max3A_383 = arith.constant 0.000000e+00 : f32
      %max3A_384 = vector.broadcast %max3A_383 : f32 to vector<16xf32>
      %max3A_385 = arith.maximumf %get3A_382, %max3A_384 : vector<16xf32>
      %swap3A_386 = arith.index_cast %add3A_343 : i32 to index
      %swap3A_387 = arith.constant 48 : index
      %swap3A_388 = tpu.vector_load %arg23[%swap3A_386, %swap3A_387] {strides = array<i32>} : memref<96x64xf32, #tpu.memory_space<vmem>>, vector<1x16xf32>,
      %swap3A_389 = vector.shape_cast %swap3A_388 : vector<1x16xf32> to vector<16xf32>
      %swap3A_390 = vector.shape_cast %max3A_385 : vector<16xf32> to vector<1x16xf32>
      tpu.vector_store %arg23[%swap3A_386, %swap3A_387], %swap3A_390 {strides = array<i32>} : memref<96x64xf32, #tpu.memory_space<vmem>>, vector<1x16xf32>,
    }
    %scan3A_307 = arith.constant 96 : i32
    %add3A_308 = arith.addi %mul3A_268, %add3A_302 : i32
    "tpu.region"() ({
      %run_scoped3A = tpu.sem_alloc : memref<!tpu.dma_semaphore, #tpu.memory_space<semaphore_mem>>
      %dma_start3A_339 = arith.constant 0 : i32
      %dma_start3A_340 = arith.constant 0 : i32
      %dma_start3A_341 = tpu.memref_slice %arg23[%dma_start3A_339, %dma_start3A_340] : memref<96x64xf32, #tpu.memory_space<vmem>> -> memref<96x64xf32, #tpu.memory_space<vmem>>
      %dma_start3A_342 = arith.constant 0 : i32
      %dma_start3A_343 = tpu.memref_slice %arg8[%add3A_308, %dma_start3A_342] : memref<20000x64xf32, #tpu.memory_space<hbm>> -> memref<96x64xf32, #tpu.memory_space<hbm>>
      %dma_start3A_344 = arith.constant 0 : i32
      %dma_start3A_345 = tpu.memref_slice %arg8[%add3A_308, %dma_start3A_344] : memref<20000x64xf32, #tpu.memory_space<hbm>> -> memref<96x64xf32, #tpu.memory_space<hbm>>
      %dma_start3A_346 = arith.constant 0 : i32
      %dma_start3A_347 = arith.constant 0 : i32
      %dma_start3A_348 = tpu.memref_slice %arg23[%dma_start3A_346, %dma_start3A_347] : memref<96x64xf32, #tpu.memory_space<vmem>> -> memref<96x64xf32, #tpu.memory_space<vmem>>
      tpu.enqueue_dma source(%dma_start3A_348 : memref<96x64xf32, #tpu.memory_space<vmem>>) target(%dma_start3A_345 : memref<96x64xf32, #tpu.memory_space<hbm>>) target_semaphore(%run_scoped3A : memref<!tpu.dma_semaphore, #tpu.memory_space<semaphore_mem>>)
      %dma_wait3A = arith.constant 0 : i32
      %dma_wait3A_349 = arith.constant 0 : i32
      %dma_wait3A_350 = tpu.memref_slice %arg23[%dma_wait3A, %dma_wait3A_349] : memref<96x64xf32, #tpu.memory_space<vmem>> -> memref<96x64xf32, #tpu.memory_space<vmem>>
      %dma_wait3A_351 = arith.constant 0 : i32
      %dma_wait3A_352 = tpu.memref_slice %arg8[%add3A_308, %dma_wait3A_351] : memref<20000x64xf32, #tpu.memory_space<hbm>> -> memref<96x64xf32, #tpu.memory_space<hbm>>
      %dma_wait3A_353 = arith.constant 0 : i32
      %dma_wait3A_354 = tpu.memref_slice %arg8[%add3A_308, %dma_wait3A_353] : memref<20000x64xf32, #tpu.memory_space<hbm>> -> memref<96x64xf32, #tpu.memory_space<hbm>>
      %dma_wait3A_355 = arith.constant 0 : i32
      %dma_wait3A_356 = arith.constant 0 : i32
      %dma_wait3A_357 = tpu.memref_slice %arg23[%dma_wait3A_355, %dma_wait3A_356] : memref<96x64xf32, #tpu.memory_space<vmem>> -> memref<96x64xf32, #tpu.memory_space<vmem>>
      tpu.wait_dma2 semaphore(%run_scoped3A : memref<!tpu.dma_semaphore, #tpu.memory_space<semaphore_mem>>) src(%dma_wait3A_357 : memref<96x64xf32, #tpu.memory_space<vmem>>) dst(%dma_wait3A_354 : memref<96x64xf32, #tpu.memory_space<hbm>>)
      tpu.yield
    }) : () -> ()
    %mul3A_309 = arith.constant 625 : i32
    %mul3A_310 = arith.muli %arg1, %mul3A_309 : i32
    %add3A_311 = arith.constant 384 : i32
    %add3A_312 = arith.addi %mul3A_310, %add3A_311 : i32
    "tpu.region"() ({
      %run_scoped3A = tpu.sem_alloc : memref<!tpu.dma_semaphore, #tpu.memory_space<semaphore_mem>>
      %dma_start3A_339 = arith.constant 0 : i32
      %dma_start3A_340 = arith.constant 0 : i32
      %dma_start3A_341 = tpu.memref_slice %arg23[%dma_start3A_339, %dma_start3A_340] : memref<96x64xf32, #tpu.memory_space<vmem>> -> memref<96x64xf32, #tpu.memory_space<vmem>>
      %dma_start3A_342 = arith.constant 0 : i32
      %dma_start3A_343 = tpu.memref_slice %arg10[%add3A_312, %dma_start3A_342] : memref<10008x64xf32, #tpu.memory_space<vmem_shared>> -> memref<96x64xf32, #tpu.memory_space<vmem_shared>>
      %dma_start3A_344 = arith.constant 0 : i32
      %dma_start3A_345 = arith.constant 0 : i32
      %dma_start3A_346 = tpu.memref_slice %arg23[%dma_start3A_344, %dma_start3A_345] : memref<96x64xf32, #tpu.memory_space<vmem>> -> memref<96x64xf32, #tpu.memory_space<vmem>>
      %dma_start3A_347 = arith.constant 0 : i32
      %dma_start3A_348 = tpu.memref_slice %arg10[%add3A_312, %dma_start3A_347] : memref<10008x64xf32, #tpu.memory_space<vmem_shared>> -> memref<96x64xf32, #tpu.memory_space<vmem_shared>>
      tpu.enqueue_dma source(%dma_start3A_348 : memref<96x64xf32, #tpu.memory_space<vmem_shared>>) target(%dma_start3A_346 : memref<96x64xf32, #tpu.memory_space<vmem>>) target_semaphore(%run_scoped3A : memref<!tpu.dma_semaphore, #tpu.memory_space<semaphore_mem>>)
      %dma_wait3A = arith.constant 0 : i32
      %dma_wait3A_349 = arith.constant 0 : i32
      %dma_wait3A_350 = tpu.memref_slice %arg23[%dma_wait3A, %dma_wait3A_349] : memref<96x64xf32, #tpu.memory_space<vmem>> -> memref<96x64xf32, #tpu.memory_space<vmem>>
      %dma_wait3A_351 = arith.constant 0 : i32
      %dma_wait3A_352 = tpu.memref_slice %arg10[%add3A_312, %dma_wait3A_351] : memref<10008x64xf32, #tpu.memory_space<vmem_shared>> -> memref<96x64xf32, #tpu.memory_space<vmem_shared>>
      %dma_wait3A_353 = arith.constant 0 : i32
      %dma_wait3A_354 = arith.constant 0 : i32
      %dma_wait3A_355 = tpu.memref_slice %arg23[%dma_wait3A_353, %dma_wait3A_354] : memref<96x64xf32, #tpu.memory_space<vmem>> -> memref<96x64xf32, #tpu.memory_space<vmem>>
      %dma_wait3A_356 = arith.constant 0 : i32
      %dma_wait3A_357 = tpu.memref_slice %arg10[%add3A_312, %dma_wait3A_356] : memref<10008x64xf32, #tpu.memory_space<vmem_shared>> -> memref<96x64xf32, #tpu.memory_space<vmem_shared>>
      tpu.wait_dma2 semaphore(%run_scoped3A : memref<!tpu.dma_semaphore, #tpu.memory_space<semaphore_mem>>) src(%dma_wait3A_357 : memref<96x64xf32, #tpu.memory_space<vmem_shared>>) dst(%dma_wait3A_355 : memref<96x64xf32, #tpu.memory_space<vmem>>)
      tpu.yield
    }) : () -> ()
    %scan3A_313 = arith.constant 0 : i32
    %scan3A_314 = arith.constant 96 : i32
    %scan3A_315 = arith.addi %scan3A_313, %scan3A_314 : i32
    %scan3A_316 = arith.constant 1 : i32
    scf.for %scan3A_339 = %scan3A_313 to %scan3A_315 step %scan3A_316  : i32 {
      %mul3A_340 = arith.constant 1 : i32
      %mul3A_341 = arith.muli %scan3A_339, %mul3A_340 : i32
      %add3A_342 = arith.constant 0 : i32
      %add3A_343 = arith.addi %add3A_342, %mul3A_341 : i32
      %get3A_344 = arith.index_cast %add3A_343 : i32 to index
      %get3A_345 = arith.constant 0 : index
      %get3A_346 = tpu.vector_load %arg23[%get3A_344, %get3A_345] {strides = array<i32>} : memref<96x64xf32, #tpu.memory_space<vmem>>, vector<1x16xf32>,
      %get3A_347 = vector.shape_cast %get3A_346 : vector<1x16xf32> to vector<16xf32>
      %max3A = arith.constant 0.000000e+00 : f32
      %max3A_348 = vector.broadcast %max3A : f32 to vector<16xf32>
      %max3A_349 = arith.maximumf %get3A_347, %max3A_348 : vector<16xf32>
      %swap3A_350 = arith.index_cast %add3A_343 : i32 to index
      %swap3A_351 = arith.constant 0 : index
      %swap3A_352 = tpu.vector_load %arg23[%swap3A_350, %swap3A_351] {strides = array<i32>} : memref<96x64xf32, #tpu.memory_space<vmem>>, vector<1x16xf32>,
      %swap3A_353 = vector.shape_cast %swap3A_352 : vector<1x16xf32> to vector<16xf32>
      %swap3A_354 = vector.shape_cast %max3A_349 : vector<16xf32> to vector<1x16xf32>
      tpu.vector_store %arg23[%swap3A_350, %swap3A_351], %swap3A_354 {strides = array<i32>} : memref<96x64xf32, #tpu.memory_space<vmem>>, vector<1x16xf32>,
      %get3A_355 = arith.index_cast %add3A_343 : i32 to index
      %get3A_356 = arith.constant 16 : index
      %get3A_357 = tpu.vector_load %arg23[%get3A_355, %get3A_356] {strides = array<i32>} : memref<96x64xf32, #tpu.memory_space<vmem>>, vector<1x16xf32>,
      %get3A_358 = vector.shape_cast %get3A_357 : vector<1x16xf32> to vector<16xf32>
      %max3A_359 = arith.constant 0.000000e+00 : f32
      %max3A_360 = vector.broadcast %max3A_359 : f32 to vector<16xf32>
      %max3A_361 = arith.maximumf %get3A_358, %max3A_360 : vector<16xf32>
      %swap3A_362 = arith.index_cast %add3A_343 : i32 to index
      %swap3A_363 = arith.constant 16 : index
      %swap3A_364 = tpu.vector_load %arg23[%swap3A_362, %swap3A_363] {strides = array<i32>} : memref<96x64xf32, #tpu.memory_space<vmem>>, vector<1x16xf32>,
      %swap3A_365 = vector.shape_cast %swap3A_364 : vector<1x16xf32> to vector<16xf32>
      %swap3A_366 = vector.shape_cast %max3A_361 : vector<16xf32> to vector<1x16xf32>
      tpu.vector_store %arg23[%swap3A_362, %swap3A_363], %swap3A_366 {strides = array<i32>} : memref<96x64xf32, #tpu.memory_space<vmem>>, vector<1x16xf32>,
      %get3A_367 = arith.index_cast %add3A_343 : i32 to index
      %get3A_368 = arith.constant 32 : index
      %get3A_369 = tpu.vector_load %arg23[%get3A_367, %get3A_368] {strides = array<i32>} : memref<96x64xf32, #tpu.memory_space<vmem>>, vector<1x16xf32>,
      %get3A_370 = vector.shape_cast %get3A_369 : vector<1x16xf32> to vector<16xf32>
      %max3A_371 = arith.constant 0.000000e+00 : f32
      %max3A_372 = vector.broadcast %max3A_371 : f32 to vector<16xf32>
      %max3A_373 = arith.maximumf %get3A_370, %max3A_372 : vector<16xf32>
      %swap3A_374 = arith.index_cast %add3A_343 : i32 to index
      %swap3A_375 = arith.constant 32 : index
      %swap3A_376 = tpu.vector_load %arg23[%swap3A_374, %swap3A_375] {strides = array<i32>} : memref<96x64xf32, #tpu.memory_space<vmem>>, vector<1x16xf32>,
      %swap3A_377 = vector.shape_cast %swap3A_376 : vector<1x16xf32> to vector<16xf32>
      %swap3A_378 = vector.shape_cast %max3A_373 : vector<16xf32> to vector<1x16xf32>
      tpu.vector_store %arg23[%swap3A_374, %swap3A_375], %swap3A_378 {strides = array<i32>} : memref<96x64xf32, #tpu.memory_space<vmem>>, vector<1x16xf32>,
      %get3A_379 = arith.index_cast %add3A_343 : i32 to index
      %get3A_380 = arith.constant 48 : index
      %get3A_381 = tpu.vector_load %arg23[%get3A_379, %get3A_380] {strides = array<i32>} : memref<96x64xf32, #tpu.memory_space<vmem>>, vector<1x16xf32>,
      %get3A_382 = vector.shape_cast %get3A_381 : vector<1x16xf32> to vector<16xf32>
      %max3A_383 = arith.constant 0.000000e+00 : f32
      %max3A_384 = vector.broadcast %max3A_383 : f32 to vector<16xf32>
      %max3A_385 = arith.maximumf %get3A_382, %max3A_384 : vector<16xf32>
      %swap3A_386 = arith.index_cast %add3A_343 : i32 to index
      %swap3A_387 = arith.constant 48 : index
      %swap3A_388 = tpu.vector_load %arg23[%swap3A_386, %swap3A_387] {strides = array<i32>} : memref<96x64xf32, #tpu.memory_space<vmem>>, vector<1x16xf32>,
      %swap3A_389 = vector.shape_cast %swap3A_388 : vector<1x16xf32> to vector<16xf32>
      %swap3A_390 = vector.shape_cast %max3A_385 : vector<16xf32> to vector<1x16xf32>
      tpu.vector_store %arg23[%swap3A_386, %swap3A_387], %swap3A_390 {strides = array<i32>} : memref<96x64xf32, #tpu.memory_space<vmem>>, vector<1x16xf32>,
    }
    %scan3A_317 = arith.constant 96 : i32
    %add3A_318 = arith.addi %mul3A_268, %add3A_312 : i32
    "tpu.region"() ({
      %run_scoped3A = tpu.sem_alloc : memref<!tpu.dma_semaphore, #tpu.memory_space<semaphore_mem>>
      %dma_start3A_339 = arith.constant 0 : i32
      %dma_start3A_340 = arith.constant 0 : i32
      %dma_start3A_341 = tpu.memref_slice %arg23[%dma_start3A_339, %dma_start3A_340] : memref<96x64xf32, #tpu.memory_space<vmem>> -> memref<96x64xf32, #tpu.memory_space<vmem>>
      %dma_start3A_342 = arith.constant 0 : i32
      %dma_start3A_343 = tpu.memref_slice %arg8[%add3A_318, %dma_start3A_342] : memref<20000x64xf32, #tpu.memory_space<hbm>> -> memref<96x64xf32, #tpu.memory_space<hbm>>
      %dma_start3A_344 = arith.constant 0 : i32
      %dma_start3A_345 = tpu.memref_slice %arg8[%add3A_318, %dma_start3A_344] : memref<20000x64xf32, #tpu.memory_space<hbm>> -> memref<96x64xf32, #tpu.memory_space<hbm>>
      %dma_start3A_346 = arith.constant 0 : i32
      %dma_start3A_347 = arith.constant 0 : i32
      %dma_start3A_348 = tpu.memref_slice %arg23[%dma_start3A_346, %dma_start3A_347] : memref<96x64xf32, #tpu.memory_space<vmem>> -> memref<96x64xf32, #tpu.memory_space<vmem>>
      tpu.enqueue_dma source(%dma_start3A_348 : memref<96x64xf32, #tpu.memory_space<vmem>>) target(%dma_start3A_345 : memref<96x64xf32, #tpu.memory_space<hbm>>) target_semaphore(%run_scoped3A : memref<!tpu.dma_semaphore, #tpu.memory_space<semaphore_mem>>)
      %dma_wait3A = arith.constant 0 : i32
      %dma_wait3A_349 = arith.constant 0 : i32
      %dma_wait3A_350 = tpu.memref_slice %arg23[%dma_wait3A, %dma_wait3A_349] : memref<96x64xf32, #tpu.memory_space<vmem>> -> memref<96x64xf32, #tpu.memory_space<vmem>>
      %dma_wait3A_351 = arith.constant 0 : i32
      %dma_wait3A_352 = tpu.memref_slice %arg8[%add3A_318, %dma_wait3A_351] : memref<20000x64xf32, #tpu.memory_space<hbm>> -> memref<96x64xf32, #tpu.memory_space<hbm>>
      %dma_wait3A_353 = arith.constant 0 : i32
      %dma_wait3A_354 = tpu.memref_slice %arg8[%add3A_318, %dma_wait3A_353] : memref<20000x64xf32, #tpu.memory_space<hbm>> -> memref<96x64xf32, #tpu.memory_space<hbm>>
      %dma_wait3A_355 = arith.constant 0 : i32
      %dma_wait3A_356 = arith.constant 0 : i32
      %dma_wait3A_357 = tpu.memref_slice %arg23[%dma_wait3A_355, %dma_wait3A_356] : memref<96x64xf32, #tpu.memory_space<vmem>> -> memref<96x64xf32, #tpu.memory_space<vmem>>
      tpu.wait_dma2 semaphore(%run_scoped3A : memref<!tpu.dma_semaphore, #tpu.memory_space<semaphore_mem>>) src(%dma_wait3A_357 : memref<96x64xf32, #tpu.memory_space<vmem>>) dst(%dma_wait3A_354 : memref<96x64xf32, #tpu.memory_space<hbm>>)
      tpu.yield
    }) : () -> ()
    %mul3A_319 = arith.constant 625 : i32
    %mul3A_320 = arith.muli %arg1, %mul3A_319 : i32
    %add3A_321 = arith.constant 480 : i32
    %add3A_322 = arith.addi %mul3A_320, %add3A_321 : i32
    "tpu.region"() ({
      %run_scoped3A = tpu.sem_alloc : memref<!tpu.dma_semaphore, #tpu.memory_space<semaphore_mem>>
      %dma_start3A_339 = arith.constant 0 : i32
      %dma_start3A_340 = arith.constant 0 : i32
      %dma_start3A_341 = tpu.memref_slice %arg23[%dma_start3A_339, %dma_start3A_340] : memref<96x64xf32, #tpu.memory_space<vmem>> -> memref<96x64xf32, #tpu.memory_space<vmem>>
      %dma_start3A_342 = arith.constant 0 : i32
      %dma_start3A_343 = tpu.memref_slice %arg10[%add3A_322, %dma_start3A_342] : memref<10008x64xf32, #tpu.memory_space<vmem_shared>> -> memref<96x64xf32, #tpu.memory_space<vmem_shared>>
      %dma_start3A_344 = arith.constant 0 : i32
      %dma_start3A_345 = arith.constant 0 : i32
      %dma_start3A_346 = tpu.memref_slice %arg23[%dma_start3A_344, %dma_start3A_345] : memref<96x64xf32, #tpu.memory_space<vmem>> -> memref<96x64xf32, #tpu.memory_space<vmem>>
      %dma_start3A_347 = arith.constant 0 : i32
      %dma_start3A_348 = tpu.memref_slice %arg10[%add3A_322, %dma_start3A_347] : memref<10008x64xf32, #tpu.memory_space<vmem_shared>> -> memref<96x64xf32, #tpu.memory_space<vmem_shared>>
      tpu.enqueue_dma source(%dma_start3A_348 : memref<96x64xf32, #tpu.memory_space<vmem_shared>>) target(%dma_start3A_346 : memref<96x64xf32, #tpu.memory_space<vmem>>) target_semaphore(%run_scoped3A : memref<!tpu.dma_semaphore, #tpu.memory_space<semaphore_mem>>)
      %dma_wait3A = arith.constant 0 : i32
      %dma_wait3A_349 = arith.constant 0 : i32
      %dma_wait3A_350 = tpu.memref_slice %arg23[%dma_wait3A, %dma_wait3A_349] : memref<96x64xf32, #tpu.memory_space<vmem>> -> memref<96x64xf32, #tpu.memory_space<vmem>>
      %dma_wait3A_351 = arith.constant 0 : i32
      %dma_wait3A_352 = tpu.memref_slice %arg10[%add3A_322, %dma_wait3A_351] : memref<10008x64xf32, #tpu.memory_space<vmem_shared>> -> memref<96x64xf32, #tpu.memory_space<vmem_shared>>
      %dma_wait3A_353 = arith.constant 0 : i32
      %dma_wait3A_354 = arith.constant 0 : i32
      %dma_wait3A_355 = tpu.memref_slice %arg23[%dma_wait3A_353, %dma_wait3A_354] : memref<96x64xf32, #tpu.memory_space<vmem>> -> memref<96x64xf32, #tpu.memory_space<vmem>>
      %dma_wait3A_356 = arith.constant 0 : i32
      %dma_wait3A_357 = tpu.memref_slice %arg10[%add3A_322, %dma_wait3A_356] : memref<10008x64xf32, #tpu.memory_space<vmem_shared>> -> memref<96x64xf32, #tpu.memory_space<vmem_shared>>
      tpu.wait_dma2 semaphore(%run_scoped3A : memref<!tpu.dma_semaphore, #tpu.memory_space<semaphore_mem>>) src(%dma_wait3A_357 : memref<96x64xf32, #tpu.memory_space<vmem_shared>>) dst(%dma_wait3A_355 : memref<96x64xf32, #tpu.memory_space<vmem>>)
      tpu.yield
    }) : () -> ()
    %scan3A_323 = arith.constant 0 : i32
    %scan3A_324 = arith.constant 96 : i32
    %scan3A_325 = arith.addi %scan3A_323, %scan3A_324 : i32
    %scan3A_326 = arith.constant 1 : i32
    scf.for %scan3A_339 = %scan3A_323 to %scan3A_325 step %scan3A_326  : i32 {
      %mul3A_340 = arith.constant 1 : i32
      %mul3A_341 = arith.muli %scan3A_339, %mul3A_340 : i32
      %add3A_342 = arith.constant 0 : i32
      %add3A_343 = arith.addi %add3A_342, %mul3A_341 : i32
      %get3A_344 = arith.index_cast %add3A_343 : i32 to index
      %get3A_345 = arith.constant 0 : index
      %get3A_346 = tpu.vector_load %arg23[%get3A_344, %get3A_345] {strides = array<i32>} : memref<96x64xf32, #tpu.memory_space<vmem>>, vector<1x16xf32>,
      %get3A_347 = vector.shape_cast %get3A_346 : vector<1x16xf32> to vector<16xf32>
      %max3A = arith.constant 0.000000e+00 : f32
      %max3A_348 = vector.broadcast %max3A : f32 to vector<16xf32>
      %max3A_349 = arith.maximumf %get3A_347, %max3A_348 : vector<16xf32>
      %swap3A_350 = arith.index_cast %add3A_343 : i32 to index
      %swap3A_351 = arith.constant 0 : index
      %swap3A_352 = tpu.vector_load %arg23[%swap3A_350, %swap3A_351] {strides = array<i32>} : memref<96x64xf32, #tpu.memory_space<vmem>>, vector<1x16xf32>,
      %swap3A_353 = vector.shape_cast %swap3A_352 : vector<1x16xf32> to vector<16xf32>
      %swap3A_354 = vector.shape_cast %max3A_349 : vector<16xf32> to vector<1x16xf32>
      tpu.vector_store %arg23[%swap3A_350, %swap3A_351], %swap3A_354 {strides = array<i32>} : memref<96x64xf32, #tpu.memory_space<vmem>>, vector<1x16xf32>,
      %get3A_355 = arith.index_cast %add3A_343 : i32 to index
      %get3A_356 = arith.constant 16 : index
      %get3A_357 = tpu.vector_load %arg23[%get3A_355, %get3A_356] {strides = array<i32>} : memref<96x64xf32, #tpu.memory_space<vmem>>, vector<1x16xf32>,
      %get3A_358 = vector.shape_cast %get3A_357 : vector<1x16xf32> to vector<16xf32>
      %max3A_359 = arith.constant 0.000000e+00 : f32
      %max3A_360 = vector.broadcast %max3A_359 : f32 to vector<16xf32>
      %max3A_361 = arith.maximumf %get3A_358, %max3A_360 : vector<16xf32>
      %swap3A_362 = arith.index_cast %add3A_343 : i32 to index
      %swap3A_363 = arith.constant 16 : index
      %swap3A_364 = tpu.vector_load %arg23[%swap3A_362, %swap3A_363] {strides = array<i32>} : memref<96x64xf32, #tpu.memory_space<vmem>>, vector<1x16xf32>,
      %swap3A_365 = vector.shape_cast %swap3A_364 : vector<1x16xf32> to vector<16xf32>
      %swap3A_366 = vector.shape_cast %max3A_361 : vector<16xf32> to vector<1x16xf32>
      tpu.vector_store %arg23[%swap3A_362, %swap3A_363], %swap3A_366 {strides = array<i32>} : memref<96x64xf32, #tpu.memory_space<vmem>>, vector<1x16xf32>,
      %get3A_367 = arith.index_cast %add3A_343 : i32 to index
      %get3A_368 = arith.constant 32 : index
      %get3A_369 = tpu.vector_load %arg23[%get3A_367, %get3A_368] {strides = array<i32>} : memref<96x64xf32, #tpu.memory_space<vmem>>, vector<1x16xf32>,
      %get3A_370 = vector.shape_cast %get3A_369 : vector<1x16xf32> to vector<16xf32>
      %max3A_371 = arith.constant 0.000000e+00 : f32
      %max3A_372 = vector.broadcast %max3A_371 : f32 to vector<16xf32>
      %max3A_373 = arith.maximumf %get3A_370, %max3A_372 : vector<16xf32>
      %swap3A_374 = arith.index_cast %add3A_343 : i32 to index
      %swap3A_375 = arith.constant 32 : index
      %swap3A_376 = tpu.vector_load %arg23[%swap3A_374, %swap3A_375] {strides = array<i32>} : memref<96x64xf32, #tpu.memory_space<vmem>>, vector<1x16xf32>,
      %swap3A_377 = vector.shape_cast %swap3A_376 : vector<1x16xf32> to vector<16xf32>
      %swap3A_378 = vector.shape_cast %max3A_373 : vector<16xf32> to vector<1x16xf32>
      tpu.vector_store %arg23[%swap3A_374, %swap3A_375], %swap3A_378 {strides = array<i32>} : memref<96x64xf32, #tpu.memory_space<vmem>>, vector<1x16xf32>,
      %get3A_379 = arith.index_cast %add3A_343 : i32 to index
      %get3A_380 = arith.constant 48 : index
      %get3A_381 = tpu.vector_load %arg23[%get3A_379, %get3A_380] {strides = array<i32>} : memref<96x64xf32, #tpu.memory_space<vmem>>, vector<1x16xf32>,
      %get3A_382 = vector.shape_cast %get3A_381 : vector<1x16xf32> to vector<16xf32>
      %max3A_383 = arith.constant 0.000000e+00 : f32
      %max3A_384 = vector.broadcast %max3A_383 : f32 to vector<16xf32>
      %max3A_385 = arith.maximumf %get3A_382, %max3A_384 : vector<16xf32>
      %swap3A_386 = arith.index_cast %add3A_343 : i32 to index
      %swap3A_387 = arith.constant 48 : index
      %swap3A_388 = tpu.vector_load %arg23[%swap3A_386, %swap3A_387] {strides = array<i32>} : memref<96x64xf32, #tpu.memory_space<vmem>>, vector<1x16xf32>,
      %swap3A_389 = vector.shape_cast %swap3A_388 : vector<1x16xf32> to vector<16xf32>
      %swap3A_390 = vector.shape_cast %max3A_385 : vector<16xf32> to vector<1x16xf32>
      tpu.vector_store %arg23[%swap3A_386, %swap3A_387], %swap3A_390 {strides = array<i32>} : memref<96x64xf32, #tpu.memory_space<vmem>>, vector<1x16xf32>,
    }
    %scan3A_327 = arith.constant 96 : i32
    %add3A_328 = arith.addi %mul3A_268, %add3A_322 : i32
    "tpu.region"() ({
      %run_scoped3A = tpu.sem_alloc : memref<!tpu.dma_semaphore, #tpu.memory_space<semaphore_mem>>
      %dma_start3A_339 = arith.constant 0 : i32
      %dma_start3A_340 = arith.constant 0 : i32
      %dma_start3A_341 = tpu.memref_slice %arg23[%dma_start3A_339, %dma_start3A_340] : memref<96x64xf32, #tpu.memory_space<vmem>> -> memref<96x64xf32, #tpu.memory_space<vmem>>
      %dma_start3A_342 = arith.constant 0 : i32
      %dma_start3A_343 = tpu.memref_slice %arg8[%add3A_328, %dma_start3A_342] : memref<20000x64xf32, #tpu.memory_space<hbm>> -> memref<96x64xf32, #tpu.memory_space<hbm>>
      %dma_start3A_344 = arith.constant 0 : i32
      %dma_start3A_345 = tpu.memref_slice %arg8[%add3A_328, %dma_start3A_344] : memref<20000x64xf32, #tpu.memory_space<hbm>> -> memref<96x64xf32, #tpu.memory_space<hbm>>
      %dma_start3A_346 = arith.constant 0 : i32
      %dma_start3A_347 = arith.constant 0 : i32
      %dma_start3A_348 = tpu.memref_slice %arg23[%dma_start3A_346, %dma_start3A_347] : memref<96x64xf32, #tpu.memory_space<vmem>> -> memref<96x64xf32, #tpu.memory_space<vmem>>
      tpu.enqueue_dma source(%dma_start3A_348 : memref<96x64xf32, #tpu.memory_space<vmem>>) target(%dma_start3A_345 : memref<96x64xf32, #tpu.memory_space<hbm>>) target_semaphore(%run_scoped3A : memref<!tpu.dma_semaphore, #tpu.memory_space<semaphore_mem>>)
      %dma_wait3A = arith.constant 0 : i32
      %dma_wait3A_349 = arith.constant 0 : i32
      %dma_wait3A_350 = tpu.memref_slice %arg23[%dma_wait3A, %dma_wait3A_349] : memref<96x64xf32, #tpu.memory_space<vmem>> -> memref<96x64xf32, #tpu.memory_space<vmem>>
      %dma_wait3A_351 = arith.constant 0 : i32
      %dma_wait3A_352 = tpu.memref_slice %arg8[%add3A_328, %dma_wait3A_351] : memref<20000x64xf32, #tpu.memory_space<hbm>> -> memref<96x64xf32, #tpu.memory_space<hbm>>
      %dma_wait3A_353 = arith.constant 0 : i32
      %dma_wait3A_354 = tpu.memref_slice %arg8[%add3A_328, %dma_wait3A_353] : memref<20000x64xf32, #tpu.memory_space<hbm>> -> memref<96x64xf32, #tpu.memory_space<hbm>>
      %dma_wait3A_355 = arith.constant 0 : i32
      %dma_wait3A_356 = arith.constant 0 : i32
      %dma_wait3A_357 = tpu.memref_slice %arg23[%dma_wait3A_355, %dma_wait3A_356] : memref<96x64xf32, #tpu.memory_space<vmem>> -> memref<96x64xf32, #tpu.memory_space<vmem>>
      tpu.wait_dma2 semaphore(%run_scoped3A : memref<!tpu.dma_semaphore, #tpu.memory_space<semaphore_mem>>) src(%dma_wait3A_357 : memref<96x64xf32, #tpu.memory_space<vmem>>) dst(%dma_wait3A_354 : memref<96x64xf32, #tpu.memory_space<hbm>>)
      tpu.yield
    }) : () -> ()
    %mul3A_329 = arith.constant 625 : i32
    %mul3A_330 = arith.muli %arg1, %mul3A_329 : i32
    %add3A_331 = arith.constant 576 : i32
    %add3A_332 = arith.addi %mul3A_330, %add3A_331 : i32
    "tpu.region"() ({
      %run_scoped3A = tpu.sem_alloc : memref<!tpu.dma_semaphore, #tpu.memory_space<semaphore_mem>>
      %dma_start3A_339 = arith.constant 0 : i32
      %dma_start3A_340 = arith.constant 0 : i32
      %dma_start3A_341 = tpu.memref_slice %arg23[%dma_start3A_339, %dma_start3A_340] : memref<96x64xf32, #tpu.memory_space<vmem>> -> memref<49x64xf32, #tpu.memory_space<vmem>>
      %dma_start3A_342 = arith.constant 0 : i32
      %dma_start3A_343 = tpu.memref_slice %arg10[%add3A_332, %dma_start3A_342] : memref<10008x64xf32, #tpu.memory_space<vmem_shared>> -> memref<49x64xf32, #tpu.memory_space<vmem_shared>>
      %dma_start3A_344 = arith.constant 0 : i32
      %dma_start3A_345 = arith.constant 0 : i32
      %dma_start3A_346 = tpu.memref_slice %arg23[%dma_start3A_344, %dma_start3A_345] : memref<96x64xf32, #tpu.memory_space<vmem>> -> memref<49x64xf32, #tpu.memory_space<vmem>>
      %dma_start3A_347 = arith.constant 0 : i32
      %dma_start3A_348 = tpu.memref_slice %arg10[%add3A_332, %dma_start3A_347] : memref<10008x64xf32, #tpu.memory_space<vmem_shared>> -> memref<49x64xf32, #tpu.memory_space<vmem_shared>>
      tpu.enqueue_dma source(%dma_start3A_348 : memref<49x64xf32, #tpu.memory_space<vmem_shared>>) target(%dma_start3A_346 : memref<49x64xf32, #tpu.memory_space<vmem>>) target_semaphore(%run_scoped3A : memref<!tpu.dma_semaphore, #tpu.memory_space<semaphore_mem>>)
      %dma_wait3A = arith.constant 0 : i32
      %dma_wait3A_349 = arith.constant 0 : i32
      %dma_wait3A_350 = tpu.memref_slice %arg23[%dma_wait3A, %dma_wait3A_349] : memref<96x64xf32, #tpu.memory_space<vmem>> -> memref<49x64xf32, #tpu.memory_space<vmem>>
      %dma_wait3A_351 = arith.constant 0 : i32
      %dma_wait3A_352 = tpu.memref_slice %arg10[%add3A_332, %dma_wait3A_351] : memref<10008x64xf32, #tpu.memory_space<vmem_shared>> -> memref<49x64xf32, #tpu.memory_space<vmem_shared>>
      %dma_wait3A_353 = arith.constant 0 : i32
      %dma_wait3A_354 = arith.constant 0 : i32
      %dma_wait3A_355 = tpu.memref_slice %arg23[%dma_wait3A_353, %dma_wait3A_354] : memref<96x64xf32, #tpu.memory_space<vmem>> -> memref<49x64xf32, #tpu.memory_space<vmem>>
      %dma_wait3A_356 = arith.constant 0 : i32
      %dma_wait3A_357 = tpu.memref_slice %arg10[%add3A_332, %dma_wait3A_356] : memref<10008x64xf32, #tpu.memory_space<vmem_shared>> -> memref<49x64xf32, #tpu.memory_space<vmem_shared>>
      tpu.wait_dma2 semaphore(%run_scoped3A : memref<!tpu.dma_semaphore, #tpu.memory_space<semaphore_mem>>) src(%dma_wait3A_357 : memref<49x64xf32, #tpu.memory_space<vmem_shared>>) dst(%dma_wait3A_355 : memref<49x64xf32, #tpu.memory_space<vmem>>)
      tpu.yield
    }) : () -> ()
    %scan3A_333 = arith.constant 0 : i32
    %scan3A_334 = arith.constant 49 : i32
    %scan3A_335 = arith.addi %scan3A_333, %scan3A_334 : i32
    %scan3A_336 = arith.constant 1 : i32
    scf.for %scan3A_339 = %scan3A_333 to %scan3A_335 step %scan3A_336  : i32 {
      %mul3A_340 = arith.constant 1 : i32
      %mul3A_341 = arith.muli %scan3A_339, %mul3A_340 : i32
      %add3A_342 = arith.constant 0 : i32
      %add3A_343 = arith.addi %add3A_342, %mul3A_341 : i32
      %get3A_344 = arith.index_cast %add3A_343 : i32 to index
      %get3A_345 = arith.constant 0 : index
      %get3A_346 = tpu.vector_load %arg23[%get3A_344, %get3A_345] {strides = array<i32>} : memref<96x64xf32, #tpu.memory_space<vmem>>, vector<1x16xf32>,
      %get3A_347 = vector.shape_cast %get3A_346 : vector<1x16xf32> to vector<16xf32>
      %max3A = arith.constant 0.000000e+00 : f32
      %max3A_348 = vector.broadcast %max3A : f32 to vector<16xf32>
      %max3A_349 = arith.maximumf %get3A_347, %max3A_348 : vector<16xf32>
      %swap3A_350 = arith.index_cast %add3A_343 : i32 to index
      %swap3A_351 = arith.constant 0 : index
      %swap3A_352 = tpu.vector_load %arg23[%swap3A_350, %swap3A_351] {strides = array<i32>} : memref<96x64xf32, #tpu.memory_space<vmem>>, vector<1x16xf32>,
      %swap3A_353 = vector.shape_cast %swap3A_352 : vector<1x16xf32> to vector<16xf32>
      %swap3A_354 = vector.shape_cast %max3A_349 : vector<16xf32> to vector<1x16xf32>
      tpu.vector_store %arg23[%swap3A_350, %swap3A_351], %swap3A_354 {strides = array<i32>} : memref<96x64xf32, #tpu.memory_space<vmem>>, vector<1x16xf32>,
      %get3A_355 = arith.index_cast %add3A_343 : i32 to index
      %get3A_356 = arith.constant 16 : index
      %get3A_357 = tpu.vector_load %arg23[%get3A_355, %get3A_356] {strides = array<i32>} : memref<96x64xf32, #tpu.memory_space<vmem>>, vector<1x16xf32>,
      %get3A_358 = vector.shape_cast %get3A_357 : vector<1x16xf32> to vector<16xf32>
      %max3A_359 = arith.constant 0.000000e+00 : f32
      %max3A_360 = vector.broadcast %max3A_359 : f32 to vector<16xf32>
      %max3A_361 = arith.maximumf %get3A_358, %max3A_360 : vector<16xf32>
      %swap3A_362 = arith.index_cast %add3A_343 : i32 to index
      %swap3A_363 = arith.constant 16 : index
      %swap3A_364 = tpu.vector_load %arg23[%swap3A_362, %swap3A_363] {strides = array<i32>} : memref<96x64xf32, #tpu.memory_space<vmem>>, vector<1x16xf32>,
      %swap3A_365 = vector.shape_cast %swap3A_364 : vector<1x16xf32> to vector<16xf32>
      %swap3A_366 = vector.shape_cast %max3A_361 : vector<16xf32> to vector<1x16xf32>
      tpu.vector_store %arg23[%swap3A_362, %swap3A_363], %swap3A_366 {strides = array<i32>} : memref<96x64xf32, #tpu.memory_space<vmem>>, vector<1x16xf32>,
      %get3A_367 = arith.index_cast %add3A_343 : i32 to index
      %get3A_368 = arith.constant 32 : index
      %get3A_369 = tpu.vector_load %arg23[%get3A_367, %get3A_368] {strides = array<i32>} : memref<96x64xf32, #tpu.memory_space<vmem>>, vector<1x16xf32>,
      %get3A_370 = vector.shape_cast %get3A_369 : vector<1x16xf32> to vector<16xf32>
      %max3A_371 = arith.constant 0.000000e+00 : f32
      %max3A_372 = vector.broadcast %max3A_371 : f32 to vector<16xf32>
      %max3A_373 = arith.maximumf %get3A_370, %max3A_372 : vector<16xf32>
      %swap3A_374 = arith.index_cast %add3A_343 : i32 to index
      %swap3A_375 = arith.constant 32 : index
      %swap3A_376 = tpu.vector_load %arg23[%swap3A_374, %swap3A_375] {strides = array<i32>} : memref<96x64xf32, #tpu.memory_space<vmem>>, vector<1x16xf32>,
      %swap3A_377 = vector.shape_cast %swap3A_376 : vector<1x16xf32> to vector<16xf32>
      %swap3A_378 = vector.shape_cast %max3A_373 : vector<16xf32> to vector<1x16xf32>
      tpu.vector_store %arg23[%swap3A_374, %swap3A_375], %swap3A_378 {strides = array<i32>} : memref<96x64xf32, #tpu.memory_space<vmem>>, vector<1x16xf32>,
      %get3A_379 = arith.index_cast %add3A_343 : i32 to index
      %get3A_380 = arith.constant 48 : index
      %get3A_381 = tpu.vector_load %arg23[%get3A_379, %get3A_380] {strides = array<i32>} : memref<96x64xf32, #tpu.memory_space<vmem>>, vector<1x16xf32>,
      %get3A_382 = vector.shape_cast %get3A_381 : vector<1x16xf32> to vector<16xf32>
      %max3A_383 = arith.constant 0.000000e+00 : f32
      %max3A_384 = vector.broadcast %max3A_383 : f32 to vector<16xf32>
      %max3A_385 = arith.maximumf %get3A_382, %max3A_384 : vector<16xf32>
      %swap3A_386 = arith.index_cast %add3A_343 : i32 to index
      %swap3A_387 = arith.constant 48 : index
      %swap3A_388 = tpu.vector_load %arg23[%swap3A_386, %swap3A_387] {strides = array<i32>} : memref<96x64xf32, #tpu.memory_space<vmem>>, vector<1x16xf32>,
      %swap3A_389 = vector.shape_cast %swap3A_388 : vector<1x16xf32> to vector<16xf32>
      %swap3A_390 = vector.shape_cast %max3A_385 : vector<16xf32> to vector<1x16xf32>
      tpu.vector_store %arg23[%swap3A_386, %swap3A_387], %swap3A_390 {strides = array<i32>} : memref<96x64xf32, #tpu.memory_space<vmem>>, vector<1x16xf32>,
    }
    %scan3A_337 = arith.constant 49 : i32
    %add3A_338 = arith.addi %mul3A_268, %add3A_332 : i32
    "tpu.region"() ({
      %run_scoped3A = tpu.sem_alloc : memref<!tpu.dma_semaphore, #tpu.memory_space<semaphore_mem>>
      %dma_start3A_339 = arith.constant 0 : i32
      %dma_start3A_340 = arith.constant 0 : i32
      %dma_start3A_341 = tpu.memref_slice %arg23[%dma_start3A_339, %dma_start3A_340] : memref<96x64xf32, #tpu.memory_space<vmem>> -> memref<49x64xf32, #tpu.memory_space<vmem>>
      %dma_start3A_342 = arith.constant 0 : i32
      %dma_start3A_343 = tpu.memref_slice %arg8[%add3A_338, %dma_start3A_342] : memref<20000x64xf32, #tpu.memory_space<hbm>> -> memref<49x64xf32, #tpu.memory_space<hbm>>
      %dma_start3A_344 = arith.constant 0 : i32
      %dma_start3A_345 = tpu.memref_slice %arg8[%add3A_338, %dma_start3A_344] : memref<20000x64xf32, #tpu.memory_space<hbm>> -> memref<49x64xf32, #tpu.memory_space<hbm>>
      %dma_start3A_346 = arith.constant 0 : i32
      %dma_start3A_347 = arith.constant 0 : i32
      %dma_start3A_348 = tpu.memref_slice %arg23[%dma_start3A_346, %dma_start3A_347] : memref<96x64xf32, #tpu.memory_space<vmem>> -> memref<49x64xf32, #tpu.memory_space<vmem>>
      tpu.enqueue_dma source(%dma_start3A_348 : memref<49x64xf32, #tpu.memory_space<vmem>>) target(%dma_start3A_345 : memref<49x64xf32, #tpu.memory_space<hbm>>) target_semaphore(%run_scoped3A : memref<!tpu.dma_semaphore, #tpu.memory_space<semaphore_mem>>)
      %dma_wait3A = arith.constant 0 : i32
      %dma_wait3A_349 = arith.constant 0 : i32
      %dma_wait3A_350 = tpu.memref_slice %arg23[%dma_wait3A, %dma_wait3A_349] : memref<96x64xf32, #tpu.memory_space<vmem>> -> memref<49x64xf32, #tpu.memory_space<vmem>>
      %dma_wait3A_351 = arith.constant 0 : i32
      %dma_wait3A_352 = tpu.memref_slice %arg8[%add3A_338, %dma_wait3A_351] : memref<20000x64xf32, #tpu.memory_space<hbm>> -> memref<49x64xf32, #tpu.memory_space<hbm>>
      %dma_wait3A_353 = arith.constant 0 : i32
      %dma_wait3A_354 = tpu.memref_slice %arg8[%add3A_338, %dma_wait3A_353] : memref<20000x64xf32, #tpu.memory_space<hbm>> -> memref<49x64xf32, #tpu.memory_space<hbm>>
      %dma_wait3A_355 = arith.constant 0 : i32
      %dma_wait3A_356 = arith.constant 0 : i32
      %dma_wait3A_357 = tpu.memref_slice %arg23[%dma_wait3A_355, %dma_wait3A_356] : memref<96x64xf32, #tpu.memory_space<vmem>> -> memref<49x64xf32, #tpu.memory_space<vmem>>
      tpu.wait_dma2 semaphore(%run_scoped3A : memref<!tpu.dma_semaphore, #tpu.memory_space<semaphore_mem>>) src(%dma_wait3A_357 : memref<49x64xf32, #tpu.memory_space<vmem>>) dst(%dma_wait3A_354 : memref<49x64xf32, #tpu.memory_space<hbm>>)
      tpu.yield
    }) : () -> ()
    return
  }
}

</mosaic_0001>

<sc_bundles>
// kernel: kernel.3.cloned.1.call-start
scs
__scs_entry_jumppad:
0x0: {  	(pc) =	sbr.rel $0x88, $3  }
0x1: {  	(tag) =	ssettag $0x0;
	lr =	simm.s32 $0x1  }
0x2: {  	[smem:$0x3F9E] =	sst lr;
	_ =	strace $0xD0000000  }
0x3: {  	_ = 	snop  }
0x4: {  	_ = 	snop  }
0x5: {  	_ = 	snop  }
0x6: {  	_ = 	snop  }
0x7: {  	_ = 	snop  }
__scs_overlays_trampoline_lowered:
0x8: {  	[smem:$0x3FAD] =	sst s0  }
0x9: {  	[smem:$0x3FAE] =	sst s1  }
0xa: {  	[smem:$0x3FAF] =	sst s2  }
0xb: {  	[smem:$0x3FB0] =	sst s3  }
0xc: {  	[smem:$0x3FB1] =	sst s4  }
0xd: {  	[smem:$0x3FB2] =	sst s5  }
0xe: {  	[smem:$0x3FB3] =	sst s6  }
0xf: {  	[smem:$0x3FB4] =	sst s7  }
0x10: {  	[smem:$0x3FB5] =	sst s8  }
0x11: {  	[smem:$0x3FB6] =	sst s9;
	s0 =	simm.s32 @!p0 $0x0  }
0x12: {  	s1 =	sld [smem:$0x3F9C];
	s0 =	simm.s32 @p0 $0x1  }
0x13: {  	[smem:$0x3FB7] =	sst s0;
	s0 =	simm.s32 @!p1 $0x0  }
0x14: {  	s2 =	sld [smem:$0x3F9B];
	s0 =	simm.s32 @p1 $0x1  }
0x15: {  	[smem:$0x3FB8] =	sst s0;
	s0 =	simm.s32 @!p2 $0x0  }
0x16: {  	s3 =	sld [smem:$0x3FDB];
	s0 =	simm.s32 @p2 $0x1  }
0x17: {  	s4 =	simm.s32 $0x1BF5;
	[smem:$0x3FBA] =	sst s0  }
0x18: {  	s0 =	sld [smem:$0x3F9D];
	_ =	swait.ge [sflag:s4], $0x0  }
0x19: {  	s7 =	sld [smem:$0x3F9E]  }
0x1a: {  	s8 =	sadd.s32 $0xFFFFE003, lr  }
0x1b: {  	s9 =	sadd.s32 $0xFFFFFEF7, lr;
	s5 =	simm.s32 $0xFFFFFFFF;
	p2 =	slt.u32 s8, $0xFFFFF086  }
0x1c: {  	p1 =	slt.u32 s9, $0xF7A;
	s5 =	simm.s32 @!p2 $0x0  }
0x1d: {  	s5 =	simm.s32 @p1 $0x1;
	p0 =	seq.s32 s7, s2  }
0x1e: {  	s7 =	smul.u32 @!p0 $0xF7A, s2;
	p2 =	seq.s32 @!p0 s5, $0x0  }
0x1f: {  	s9 =	smul.u32 $0xF7A, s1;
	s8 =	simm.s32 @!p0 $0x1BF5;
	p2 =	por !p2, p0  }
0x20: {  	[sflag:s8] =	ssyncset.s32 @!p0 $0xFFFFF086;
	s6 =	sadd.s32 @!p0 s3, s7;
	s7 =	simm.s32 @!p0 $0x108  }
0x21: {  	s3 =	sadd.s32 s3, s9;
	s6 =	sadd.s32 @!p0 $0x88, s6;
	s7 =	simm.s32 @p2 $0x1082  }
0x22: {  	[simem:s7], [sflag:s8] =	dma.local @!p0 [hbm:s6], $0xF7A  }
0x23: {  	s9 =	sor.u32 $0xD0000000, s2;
	s6 =	simm.s32 $0x108;
	_ =	swait.ge @!p0 [sflag:s8], $0x0  }
0x24: {  	s3 =	sadd.s32 $0x88, s3;
	s6 =	simm.s32 @!p1 $0x1082;
	[sflag:s4] =	ssyncset.s32 $0xFFFFF086  }
0x25: {  	[simem:s6], [sflag:s4] =	dma.local [hbm:s3], $0xF7A  }
0x26: {  	[smem:$0x3F9E] =	sst s1;
	(tag) =	ssettag s2;
	_ =	strace s9  }
0x27: {  	s1 =	sld [smem:$0x3FAE]  }
0x28: {  	s2 =	sld [smem:$0x3FAF]  }
0x29: {  	s4 =	sld [smem:$0x3FB1]  }
0x2a: {  	p0 =	seq.s32 s5, $0x0;
	s5 =	sld [smem:$0x3FB2]  }
0x2b: {  	s6 =	sld [smem:$0x3FB3]  }
0x2c: {  	s7 =	sld [smem:$0x3FB4]  }
0x2d: {  	s3 =	simm.s32 $0x108;
	s8 =	sld [smem:$0x3FB5]  }
0x2e: {  	s3 =	simm.s32 @!p0 $0x1082;
	s9 =	sld [smem:$0x3FB6]  }
0x2f: {  	lr =	sadd.s32 s0, s3;
	s0 =	sld [smem:$0x3FAD]  }
0x30: {  	s3 =	sld [smem:$0x3FB0]  }
0x31: {  	[smem:$0x3FB9] =	sst s10  }
0x32: {  	s10 =	sld [smem:$0x3FB7];
	_ =	sdelay $0x3  }
0x33: {  	p0 =	seq.s32 s10, $0x1;
	s10 =	sld [smem:$0x3FB9];
	_ =	sdelay $0x3  }
0x34: {  	[smem:$0x3FB9] =	sst s10  }
0x35: {  	s10 =	sld [smem:$0x3FB8];
	_ =	sdelay $0x3  }
0x36: {  	p1 =	seq.s32 s10, $0x1;
	s10 =	sld [smem:$0x3FB9];
	_ =	sdelay $0x3  }
0x37: {  	[smem:$0x3FB9] =	sst s10  }
0x38: {  	s10 =	sld [smem:$0x3FBA]  }
0x39: {  	_ = 	snop;
	(pc) =	sbr.ind lr, $3  }
0x3a: {  	_ = 	snop  }
0x3b: {  	_ = 	snop  }
0x3c: {  	p2 =	seq.s32 s10, $0x1;
	s10 =	sld [smem:$0x3FB9]  }
0x3d: {  	_ =	shalt  }
0x3e: {  	_ =	shalt  }
0x3f: {  	_ =	shalt  }
0x40: {  	_ =	shalt  }
0x41: {  	_ =	shalt  }
0x42: {  	_ =	shalt  }
0x43: {  	_ =	shalt  }
0x44: {  	_ =	shalt  }
0x45: {  	_ =	shalt  }
0x46: {  	_ =	shalt  }
0x47: {  	_ =	shalt  }
0x48: {  	_ =	shalt  }
0x49: {  	_ =	shalt  }
0x4a: {  	_ =	shalt  }
0x4b: {  	_ =	shalt  }
0x4c: {  	_ =	shalt  }
0x4d: {  	_ =	shalt  }
0x4e: {  	_ =	shalt  }
0x4f: {  	_ =	shalt  }
0x50: {  	_ =	shalt  }
0x51: {  	_ =	shalt  }
0x52: {  	_ =	shalt  }
0x53: {  	_ =	shalt  }
0x54: {  	_ =	shalt  }
0x55: {  	_ =	shalt  }
0x56: {  	_ =	shalt  }
0x57: {  	_ =	shalt  }
0x58: {  	_ =	shalt  }
0x59: {  	_ =	shalt  }
0x5a: {  	_ =	shalt  }
0x5b: {  	_ =	shalt  }
0x5c: {  	_ =	shalt  }
0x5d: {  	_ =	shalt  }
0x5e: {  	_ =	shalt  }
0x5f: {  	_ =	shalt  }
0x60: {  	_ =	shalt  }
0x61: {  	_ =	shalt  }
0x62: {  	_ =	shalt  }
0x63: {  	_ =	shalt  }
0x64: {  	_ =	shalt  }
0x65: {  	_ =	shalt  }
0x66: {  	_ =	shalt  }
0x67: {  	_ =	shalt  }
0x68: {  	_ =	shalt  }
0x69: {  	_ =	shalt  }
0x6a: {  	_ =	shalt  }
0x6b: {  	_ =	shalt  }
0x6c: {  	_ =	shalt  }
0x6d: {  	_ =	shalt  }
0x6e: {  	_ =	shalt  }
0x6f: {  	_ =	shalt  }
0x70: {  	_ =	shalt  }
0x71: {  	_ =	shalt  }
0x72: {  	_ =	shalt  }
0x73: {  	_ =	shalt  }
0x74: {  	_ =	shalt  }
0x75: {  	_ =	shalt  }
0x76: {  	_ =	shalt  }
0x77: {  	_ =	shalt  }
0x78: {  	_ =	shalt  }
0x79: {  	_ =	shalt  }
0x7a: {  	_ =	shalt  }
0x7b: {  	_ =	shalt  }
0x7c: {  	_ =	shalt  }
0x7d: {  	_ =	shalt  }
0x7e: {  	_ =	shalt  }
0x7f: {  	_ =	shalt  }
0x80: {  	_ =	shalt  }
0x81: {  	_ =	shalt  }
0x82: {  	_ =	shalt  }
0x83: {  	_ =	shalt  }
0x84: {  	_ =	shalt  }
0x85: {  	_ =	shalt  }
0x86: {  	_ =	shalt  }
0x87: {  	_ =	shalt  }
.Lfunc_end0:
.L_simem_size_0:
called_computation_lowered:
.L_overlay_start_0:
0x88: {  	s2 =	sld [smem:$0x3FD9]  }
0x89: {  	s3 =	sld [smem:$0x3FFE];
	_ =	sdelay $0x1  }
0x8a: {  	s1 =	srdreg.scid  }
0x8b: {  	s0 =	sand.u32 $0x1, s1  }
0x8c: {  	s14 =	sshll.u32 s0, $0xA;
	s2 =	sadd.s32 s3, s2  }
0x8d: {  	s2 =	sadd.s32 s2, s14  }
0x8e: {  	[smem:$0x3FC5] =	sst s2  }
0x8f: {  	_ = 	snop  }
0x90: {  	s2 =	sld [smem:$0x3FD0];
	_ =	sdelay $0x2  }
0x91: {  	s15 =	simm.s32 $0xA;
	s4 =	simm.s32 $0x10  }
0x92: {  	[smem:s4], [sflag:s15] =	dma.local [hbm:s2], $0x1  }
0x93: {  	_ =	swait.eq [sflag:s15], $0x1  }
0x94: {  	[sflag:s15] =	ssyncset.done $0x0  }
0x95: {  	s16 =	sld [smem:$0x10];
	[sflag:s15] =	ssyncadd.s32 $0xFFFFFFFF  }
0x96: {  	s17 =	sld [smem:$0x11];
	(tm) =	ssettm $0x1  }
0x97: {  	s18 =	sld [smem:$0x3FFB];
	_ =	sdelay $0x3  }
0x98: {  	_ =	strace s18  }
0x99: {  	s4 =	sld [smem:$0x3FFC];
	_ =	sdelay $0x3  }
0x9a: {  	_ =	strace s4  }
0x9b: {  	s4 =	sld [smem:$0x3FFD];
	_ =	sdelay $0x3  }
0x9c: {  	_ =	strace s4  }
0x9d: {  	_ =	strace $0x8FFFFFFF  }
0x9e: {  	s19 =	sld [smem:$0x3FDB];
	_ =	sdelay $0x1  }
0x9f: {  	s5 =	simm.s32 $_scs_section_size  }
0xa0: {  	s6 =	simm.s32 $_size__tile_overlayer_lowered;
	s7 =	simm.s32 $_tile_overlayer_lowered  }
0xa1: {  	s22 =	simm.s32 $0x1BFF;
	s21 =	sshll.u32 s7, $0x1;
	s4 =	sadd.s32 s5, s19  }
0xa2: {  	s8 =	simm.s32 $0x0;
	s20 =	sshll.u32 s6, $0x1;
	s6 =	sadd.s32 s21, s4  }
0xa3: {  	[timem:s8], [sflag:s22] =	dma.local [hbm:s6], s20  }
0xa4: {  	_ =	swait.ge [sflag:s22], s20  }
0xa5: {  	s5 =	ssub.s32 $0x0, s20;
	[sflag:s22] =	ssyncset.done $0x0  }
0xa6: {  	[sflag:s22] =	ssyncadd.s32 s5;
	_ =	sdelay $0x1  }
0xa7: {  	s23 =	simm.s32 $0x1B8B  }
0xa8: {  	_ =	swait.ge [sflag:s23], $0x1  }
0xa9: {  	[sflag:s23] =	ssyncset.done $0x0  }
0xaa: {  	s25 =	simm.s32 $0x1B8E;
	s24 =	sld [smem:$0x3FFE];
	[sflag:s23] =	ssyncadd.s32 $0xFFFFFFFF  }
0xab: {  	s26 =	simm.s32 $execute0_lowered;
	[smem:$0x3FD2] =	sst s25  }
0xac: {  	s6 =	sshll.u32 s26, $0x1;
	_ =	strace $0x80000046;
	[dreg:$0x1] =	wrdreg $0xFFFFFFFF  }
0xad: {  	s28 =	simm.s32 $_size_execute0_lowered;
	s4 =	sadd.s32 s4, s6;
	[dreg:$0x0] =	wrdreg $0x0  }
0xae: {  	s6 =	sshll.u32 s28, $0x1;
	[dreg:$0x2] =	wrdreg s4  }
0xaf: {  	[dreg:$0x3] =	wrdreg s6  }
0xb0: {  	[dreg:$0x4] =	wrdreg $0xC0  }
0xb1: {  	_ =	task [dreg:s8], $0x5FFFF  }
0xb2: {  	[dreg:$0x1] =	wrdreg $0xFFFFFFFF  }
0xb3: {  	[dreg:$0x0] =	wrdreg $0x60  }
0xb4: {  	[dreg:$0x2] =	wrdreg s24  }
0xb5: {  	[dreg:$0x3] =	wrdreg s17  }
0xb6: {  	[dreg:$0x4] =	wrdreg s16  }
0xb7: {  	[dreg:$0x5] =	wrdreg $0x0  }
0xb8: {  	[dreg:$0x6] =	wrdreg $0x9C600  }
0xb9: {  	[dreg:$0x7] =	wrdreg $0x9  }
0xba: {  	_ =	task.clear_ibuf [dreg:s8], $0x8FFFF;
	_ =	strace $0x90000046  }
0xbb: {  	s29 =	simm.s32 $0x9;
	_ =	strace $0x80000048  }
0xbc: {  	_ =	swait.ge [sflag:s29], $0x1  }
0xbd: {  	[sflag:s29] =	ssyncadd.s32 $0xFFFFFFFF  }
0xbe: {  	_ =	strace $0x90000048  }
0xbf: {  	_ =	sfence  }
0xc0: {  	s30 =	sld [smem:$0x0];
	_ =	sdelay $0x2  }
0xc1: {  	s31 =	sshll.u32 s1, $0xD;
	s1 =	sshrl.u32 s1, $0x2  }
0xc2: {  	s3 =	sand.u32 $0x4000, s31;
	s1 =	sadd.s32 s1, s30  }
0xc3: {  	s0 =	sor.u32 s3, s0;
	s1 =	sshll.u32 s1, $0x11  }
0xc4: {  	s0 =	sor.u32 s1, s0  }
0xc5: {  	s0 =	sadd.s32 $0x8F2B, s0  }
0xc6: {  	[sflag:s0] =	ssyncadd.remote.s32 $0x1  }
0xc7: {  	_ =	sfence.sel $0xFFFF  }
0xc8: {  	[dreg:$0x0] =	wrdreg $0xFFFFFFFF;
	(pc) =	sbr.abs _section_cstart, $3  }
0xc9: {  	[dreg:$0x1] =	wrdreg $0xFFFFFFFF  }
0xca: {  	_ =	task.clear_ibuf [dreg:s8], $0x2FFFF;
	_ =	strace $0x9FFFFFFF  }
0xcb: {  	(tm) =	ssettm $0x7FFFFFFF  }
tec
execute0_lowered:
.L_overlay_start_1:
0x0: {  	(tag) =	ssettag $0x1  }
0x1: {  	s0 =	srdreg.scid;
	s3 =	rddreg [dreg:$0x0]  }
0x2: {  	s24 =	stileid.u32;
	s5 =	rddreg [dreg:$0x1];
	s28 =	simm.s32 $0x0  }
0x3: {  	s26 =	rddreg [dreg:$0x2];
	s1 =	sand.u32 $0x1, s0;
	s2 =	smul.u32 $0x271, s24  }
0x4: {  	[smem:$0x7FF] =	sst s28;
	s4 =	smul.u32 $0x2710, s1;
	s0 =	ssub.s32 $0x2, s1  }
0x5: {  	s1 =	smul.u32 $0x2718, s1;
	s7 =	sshrl.u32 s0, $0x1;
	s9 =	sadd.s32 $0xC0, s2  }
0x6: {  	s10 =	sadd.s32 $0x120, s2;
	s14 =	sadd.s32 $0x180, s2;
	s16 =	sadd.s32 $0x1E0, s2  }
0x7: {  	s17 =	sadd.s32 $0x240, s2;
	s6 =	sadd.s32 s2, s4;
	s0 =	ssub.s32 s0, s7  }
0x8: {  	s7 =	sadd.s32 $0x60, s2;
	s11 =	sadd.s32 s4, s9;
	s6 =	sshll.u32 s6, $0x3  }
0x9: {  	s23 =	sadd.s32 s4, s14;
	s11 =	sshll.u32 s11, $0x3;
	s20 =	sadd.s32 s5, s6  }
0xa: {  	s18 =	sshll.u32 s23, $0x3;
	s21 =	sadd.s32 s5, s11;
	[dreg:$0x6] =	wrdreg s20  }
0xb: {  	s12 =	sadd.s32 s4, s10;
	s15 =	sadd.s32 s5, s18;
	[dreg:$0x8] =	wrdreg s21  }
0xc: {  	s25 =	sadd.s32 s4, s16;
	s6 =	sadd.s32 s26, s6;
	[dreg:$0xa] =	wrdreg s15  }
0xd: {  	s2 =	sadd.s32 s2, s1;
	s8 =	sadd.s32 s4, s7;
	[dreg:$0xd] =	wrdreg s6  }
0xe: {  	s19 =	sshll.u32 s25, $0x3;
	s23 =	sadd.s32 s26, s18;
	s15 =	rddreg [dreg:$0x4]  }
0xf: {  	s8 =	sshll.u32 s8, $0x3;
	s25 =	sadd.s32 s26, s19;
	[dreg:$0x11] =	wrdreg s23  }
0x10: {  	s9 =	sshll.u32 s9, $0x6;
	s13 =	sadd.s32 s5, s8;
	[dreg:$0x12] =	wrdreg s25  }
0x11: {  	s4 =	sadd.s32 s4, s17;
	s20 =	sadd.s32 s26, s8;
	[dreg:$0x7] =	wrdreg s13  }
0x12: {  	s2 =	sshll.u32 s2, $0x3;
	s21 =	sadd.s32 s26, s11;
	[dreg:$0xe] =	wrdreg s20  }
0x13: {  	s13 =	sshll.u32 s12, $0x3;
	s12 =	sadd.s32 s5, s19;
	[dreg:$0xf] =	wrdreg s21  }
0x14: {  	s7 =	sshll.u32 s7, $0x6;
	s0 =	smax.u32 s0, $0x1;
	[dreg:$0xb] =	wrdreg s12  }
0x15: {  	s4 =	sshll.u32 s4, $0x3;
	s22 =	sadd.s32 s5, s13;
	s12 =	rddreg [dreg:$0x3]  }
0x16: {  	s23 =	sadd.s32 $0x4EA00, s3;
	s5 =	sadd.s32 s5, s4;
	[dreg:$0x9] =	wrdreg s22  }
0x17: {  	s6 =	sshll.u32 s24, $0x6;
	s4 =	sadd.s32 s26, s4;
	[dreg:$0xc] =	wrdreg s5  }
0x18: {  	s19 =	sadd.s32 $0x27800, s3;
	s22 =	sadd.s32 s26, s13;
	[dreg:$0x13] =	wrdreg s4  }
0x19: {  	s20 =	sadd.s32 $0x600, s3;
	s4 =	sor.u32 $0x1C07, s6;
	[dreg:$0x10] =	wrdreg s22  }
0x1a: {  	s13 =	sadd.s32 s19, s2;
	_ =	strace $0x80000047;
	[dreg:$0x14] =	wrdreg s4  }
0x1b: {  	s26 =	smul.u32 $0x9C40, s24;
	s2 =	sadd.s32 s20, s2;
	[dreg:$0x17] =	wrdreg s13  }
0x1c: {  	s8 =	smul.u32 $0x60, s24;
	s21 =	sadd.s32 $0x58A00, s3;
	[dreg:$0x18] =	wrdreg s2  }
0x1d: {  	s5 =	smul.u32 $0xC, s24;
	s11 =	sadd.s32 s26, s12;
	[smem:$0x7F7] =	sst s0  }
0x1e: {  	s22 =	sadd.s32 $0x53A00, s3;
	s3 =	sadd.s32 s26, s15;
	[dreg:$0x15] =	wrdreg s11  }
0x1f: {  	s18 =	sshrl.u32 s8, $0x3;
	s25 =	sadd.s32 s21, s5;
	[dreg:$0x16] =	wrdreg s3  }
0x20: {  	s26 =	sadd.s32 s22, s5;
	s4 =	sadd.s32 s23, s5;
	[dreg:$0x19] =	wrdreg s25  }
0x21: {  	s13 =	sshll.u32 s14, $0x6;
	s14 =	sshll.u32 s16, $0x6;
	[dreg:$0x1a] =	wrdreg s26  }
0x22: {  	s16 =	sshll.u32 s17, $0x6;
	s17 =	sadd.s32 s7, s12;
	[dreg:$0x1b] =	wrdreg s4  }
0x23: {  	s2 =	sadd.s32 $0xC0, s18;
	s18 =	sadd.s32 s9, s12;
	[dreg:$0x1f] =	wrdreg s17  }
0x24: {  	s5 =	sadd.s32 s21, s2;
	[smem:$0x7ED] =	sst s18  }
0x25: {  	s6 =	sadd.s32 s22, s2;
	[dreg:$0x1c] =	wrdreg s5  }
0x26: {  	s2 =	sadd.s32 s23, s2;
	[dreg:$0x1d] =	wrdreg s6  }
0x27: {  	s25 =	sadd.s32 s9, s15;
	[dreg:$0x1e] =	wrdreg s2  }
0x28: {  	s4 =	sadd.s32 s13, s12;
	[smem:$0x7EE] =	sst s25  }
0x29: {  	s8 =	sadd.s32 s13, s15;
	[smem:$0x7F1] =	sst s4  }
0x2a: {  	s29 =	simm.s32 $0x1E540;
	s9 =	sadd.s32 s14, s12;
	[smem:$0x7F2] =	sst s8  }
0x2b: {  	s11 =	sshll.u32 s10, $0x6;
	s10 =	sadd.s32 s14, s15;
	[smem:$0x7F3] =	sst s9  }
0x2c: {  	s30 =	simm.s32 $0x1CD40;
	s13 =	sadd.s32 s16, s15;
	[smem:$0x7F4] =	sst s10  }
0x2d: {  	s31 =	simm.s32 $0x5;
	s14 =	sor.u32 $0x20, s24;
	[smem:$0x7F6] =	sst s13  }
0x2e: {  	v0 =	vmov s1;
	s1 =	simm.s32 $0x6;
	s17 =	sor.u32 $0x40, s24;
	[smem:$0x7F8] =	sst s14  }
0x2f: {  	s0 =	simm.s32 $0x13B60;
	s18 =	sor.u32 $0x50, s24;
	[smem:$0x7FA] =	sst s17  }
0x30: {  	s2 =	sadd.s32 s7, s15;
	s26 =	sadd.s32 s11, s12;
	[smem:$0x7FB] =	sst s18  }
0x31: {  	s3 =	sadd.s32 s11, s15;
	s11 =	sadd.s32 s16, s12;
	[smem:$0x7EC] =	sst s2  }
0x32: {  	s16 =	sor.u32 $0x30, s24;
	s25 =	sor.u32 $0x60, s24;
	[smem:$0x7EF] =	sst s26  }
0x33: {  	s7 =	simm.s32 $0x7;
	s14 =	simm.s32 $0x13B00;
	[smem:$0x7F0] =	sst s3  }
0x34: {  	s10 =	simm.s32 $0x60;
	s18 =	simm.s32 $0x13CE0;
	[smem:$0x7F5] =	sst s11  }
0x35: {  	s4 =	simm.s32 $0x3;
	s5 =	simm.s32 $0x0;
	[smem:$0x7F9] =	sst s16  }
0x36: {  	[smem:$0x7FC] =	sst s25;
	s26 =	sor.u32 $0x70, s24;
	s11 =	simm.s32 $0x13920  }
0x37: {  	s2 =	simm.s32 $0x13D40;
	s16 =	simm.s32 $0x13C80;
	s24 =	simm.s32 $0x1  }
0x38: {  	s25 =	simm.s32 $0x4;
	[smem:$0x7FD] =	sst s26;
	s26 =	simm.s32 $0x2  }
.LBB2_1:
0x39: {  	[smem:$0x7EB] =	sst s5  }
0x3a: {  	s3 =	rddreg [dreg:$0x15]  }
0x3b: {  	s9 =	rddreg [dreg:$0x14]  }
0x3c: {  	s6 =	rddreg [dreg:$0x17];
	s3 =	sshrl.u32 s3, $0x3  }
0x3d: {  	[spmem:s3], [sflag:s9] =	dma.local [hbm:s6], $0x1388  }
0x3e: {  	_ =	swait.ge [sflag:s7], $0x1388  }
0x3f: {  	[sflag:s7] =	ssyncset.done $0x0;
	s13 =	rddreg [dreg:$0x16]  }
0x40: {  	s17 =	rddreg [dreg:$0x18];
	[sflag:s7] =	ssyncadd.s32 $0xFFFFEC78;
	s3 =	sshrl.u32 s13, $0x3  }
0x41: {  	[spmem:s3], [sflag:s9] =	dma.local [hbm:s17], $0x1388  }
0x42: {  	_ =	swait.ge [sflag:s7], $0x1388  }
0x43: {  	[sflag:s7] =	ssyncset.done $0x0  }
0x44: {  	[sflag:s7] =	ssyncadd.s32 $0xFFFFEC78  }
0x45: {  	[bflag:$0x0] =	sbarrier.arrive $0xFFFF  }
0x46: {  	s9 =	simm.s32 $0x138C0;
	s8 =	rddreg [dreg:$0x19]  }
0x47: {  	[tilespmem:s9], [sflag:$0x7] =	stream.linear.gather [hbm4b:s8+s28], $0x60, $0x38;
	[tilespmem:$0x1FD40] =	vst v63  }
0x48: {  	_ =	swait.ge [sflag:s7], $0x60  }
0x49: {  	[sflag:s7] =	ssyncset.done $0x0  }
0x4a: {  	s17 =	simm.s32 $0x139E0;
	s13 =	rddreg [dreg:$0x1a];
	[sflag:s7] =	ssyncadd.s32 $0xFFFFFFA0  }
0x4b: {  	[tilespmem:s17], [sflag:$0x7] =	stream.linear.gather [hbm4b:s13+s28], $0x60, $0x38;
	[tilespmem:$0x1FD40] =	vst v63  }
0x4c: {  	_ =	swait.ge [sflag:s7], $0x60  }
0x4d: {  	[sflag:s7] =	ssyncset.done $0x0  }
0x4e: {  	s6 =	rddreg [dreg:$0x1b];
	[sflag:s7] =	ssyncadd.s32 $0xFFFFFFA0  }
0x4f: {  	[tilespmem:s14], [sflag:$0x7] =	stream.linear.gather [hbm4b:s6+s28], $0x60, $0x38;
	[tilespmem:$0x1FD40] =	vst v63  }
0x50: {  	_ =	swait.ge [sflag:s7], $0x60  }
0x51: {  	[sflag:s7] =	ssyncset.done $0x0  }
0x52: {  	[sflag:s7] =	ssyncadd.s32 $0xFFFFFFA0;
	s7 =	rddreg [dreg:$0x1c]  }
0x53: {  	[tilespmem:s11], [sflag:$0x4] =	stream.linear.gather [hbm4b:s7+s28], $0x60, $0x38;
	[tilespmem:$0x1FD40] =	vst v63  }
0x54: {  	s8 =	rddreg [dreg:$0x1d];
	s11 =	simm.s32 $0x13A40  }
0x55: {  	[tilespmem:s11], [sflag:$0x4] =	stream.linear.gather [hbm4b:s8+s28], $0x60, $0x38;
	[tilespmem:$0x1FD40] =	vst v63  }
0x56: {  	s9 =	rddreg [dreg:$0x1e]  }
0x57: {  	[tilespmem:s0], [sflag:$0x4] =	stream.linear.gather [hbm4b:s9+s28], $0x60, $0x38;
	[tilespmem:$0x1FD40] =	vst v63  }
0x58: {  	v1 =	vld [tilespmem:$0x138C0]  }
0x59: {  	v2 =	vld [tilespmem:$0x139E0]  }
0x5a: {  	v3 =	vld [tilespmem:$0x13B00]  }
0x5b: {  	v4 =	vld [tilespmem:$0x138D0]  }
0x5c: {  	v5 =	vld [tilespmem:$0x139F0]  }
0x5d: {  	v6 =	vld [tilespmem:$0x13B10];
	v1 =	vadd.s32 v0, v1  }
0x5e: {  	[tilespmem:$0x13C20] =	vst v1;
	v1 =	vadd.s32 v0, v2;
	v2 =	vld [tilespmem:$0x138E0]  }
0x5f: {  	[tilespmem:$0x13C80] =	vst v1;
	v1 =	vadd.s32 v0, v3;
	v3 =	vld [tilespmem:$0x13A00]  }
0x60: {  	v58 =	vld [tilespmem:$0x13B20];
	[tilespmem:$0x13CE0] =	vst v1;
	v1 =	vadd.s32 v0, v4  }
0x61: {  	v59 =	vld [tilespmem:$0x138F0];
	[tilespmem:$0x13C30] =	vst v1;
	v1 =	vadd.s32 v0, v5  }
0x62: {  	v60 =	vld [tilespmem:$0x13A10];
	[tilespmem:$0x13C90] =	vst v1;
	v1 =	vadd.s32 v0, v6  }
0x63: {  	[tilespmem:$0x13CF0] =	vst v1;
	v1 =	vadd.s32 v0, v2;
	v2 =	vld [tilespmem:$0x13B30]  }
0x64: {  	[tilespmem:$0x13C40] =	vst v1;
	v1 =	vadd.s32 v0, v3;
	v3 =	vld [tilespmem:$0x13900]  }
0x65: {  	v61 =	vld [tilespmem:$0x13A20];
	[tilespmem:$0x13CA0] =	vst v1;
	v1 =	vadd.s32 v0, v58  }
0x66: {  	v62 =	vld [tilespmem:$0x13B40];
	[tilespmem:$0x13D00] =	vst v1;
	v1 =	vadd.s32 v0, v59  }
0x67: {  	v63 =	vld [tilespmem:$0x13910];
	[tilespmem:$0x13C50] =	vst v1;
	v1 =	vadd.s32 v0, v60  }
0x68: {  	[tilespmem:$0x13CB0] =	vst v1;
	v1 =	vadd.s32 v0, v2;
	v2 =	vld [tilespmem:$0x13A30]  }
0x69: {  	[tilespmem:$0x13D10] =	vst v1;
	v1 =	vadd.s32 v0, v3;
	v3 =	vld [tilespmem:$0x13B50]  }
0x6a: {  	[tilespmem:$0x13C60] =	vst v1;
	v1 =	vadd.s32 v0, v61  }
0x6b: {  	[tilespmem:$0x13CC0] =	vst v1;
	v1 =	vadd.s32 v0, v62  }
0x6c: {  	[tilespmem:$0x13D20] =	vst v1;
	v1 =	vadd.s32 v0, v63  }
0x6d: {  	[tilespmem:$0x13C70] =	vst v1;
	v1 =	vadd.s32 v0, v2  }
0x6e: {  	[tilespmem:$0x13CD0] =	vst v1;
	v1 =	vadd.s32 v0, v3  }
0x6f: {  	s13 =	simm.s32 $0x13C20;
	[tilespmem:$0x13D30] =	vst v1  }
0x70: {  	[tilespmem:s2], [sflag:$0x1] =	stream.indirect.gather [hbm4b:s19+s10], $0x40, s13, s10, $0xb8;
	[tilespmem:$0x1FD40] =	vst v63  }
0x71: {  	s5 =	simm.s32 $0x0;
	s17 =	simm.s32 $0x16D40;
	s8 =	simm.s32 $0x13980  }
0x72: {  	[tilespmem:s17], [sflag:$0x1] =	stream.indirect.gather [hbm4b:s20+s10], $0x40, s16, s10, $0xb8;
	[tilespmem:$0x1FD40] =	vst v63  }
0x73: {  	s28 =	simm.s32 $0x19D40;
	s9 =	simm.s32 $0x13AA0;
	s13 =	simm.s32 $0x13BC0  }
0x74: {  	[tilespmem:s28], [sflag:$0x1] =	stream.indirect.gather [hbm4b:s19+s10], $0x40, s18, s10, $0xb8;
	[tilespmem:$0x1FD40] =	vst v63  }
.LBB2_2:
0x75: {  	_ =	swait.ge [sflag:s24], $0x1800  }
0x76: {  	[sflag:s24] =	ssyncset.done $0x0  }
0x77: {  	[sflag:s24] =	ssyncadd.s32 $0xFFFFE800  }
0x78: {  	_ =	swait.ge [sflag:s24], $0x1800  }
0x79: {  	[sflag:s24] =	ssyncset.done $0x0  }
0x7a: {  	[sflag:s24] =	ssyncadd.s32 $0xFFFFE800  }
0x7b: {  	_ =	swait.ge [sflag:s24], $0x1800  }
0x7c: {  	[sflag:s24] =	ssyncset.done $0x0  }
0x7d: {  	[sflag:s24] =	ssyncadd.s32 $0xFFFFE800  }
0x7e: {  	_ =	swait.ge [sflag:s25], $0x60  }
0x7f: {  	[sflag:s25] =	ssyncset.done $0x0  }
0x80: {  	[sflag:s25] =	ssyncadd.s32 $0xFFFFFFA0  }
0x81: {  	_ =	swait.ge [sflag:s25], $0x60  }
0x82: {  	[sflag:s25] =	ssyncset.done $0x0  }
0x83: {  	[sflag:s25] =	ssyncadd.s32 $0xFFFFFFA0  }
0x84: {  	_ =	swait.ge [sflag:s25], $0x60  }
0x85: {  	[sflag:s25] =	ssyncset.done $0x0  }
0x86: {  	[sflag:s25] =	ssyncadd.s32 $0xFFFFFFA0  }
0x87: {  	v1 =	vld [tilespmem:$0x13920]  }
0x88: {  	v2 =	vld [tilespmem:$0x13A40]  }
0x89: {  	v3 =	vld [tilespmem:$0x13B60]  }
0x8a: {  	v4 =	vld [tilespmem:$0x13930]  }
0x8b: {  	v5 =	vld [tilespmem:$0x13A50]  }
0x8c: {  	v6 =	vld [tilespmem:$0x13B70];
	v1 =	vadd.s32 v0, v1  }
0x8d: {  	[tilespmem:$0x13C20] =	vst v1;
	v1 =	vadd.s32 v0, v2;
	v2 =	vld [tilespmem:$0x13940]  }
0x8e: {  	[tilespmem:$0x13C80] =	vst v1;
	v1 =	vadd.s32 v0, v3;
	v3 =	vld [tilespmem:$0x13A60]  }
0x8f: {  	[tilespmem:$0x13CE0] =	vst v1;
	v1 =	vadd.s32 v0, v4;
	v4 =	vld [tilespmem:$0x13B80]  }
0x90: {  	[tilespmem:$0x13C30] =	vst v1;
	v1 =	vadd.s32 v0, v5;
	v5 =	vld [tilespmem:$0x13950]  }
0x91: {  	[tilespmem:$0x13C90] =	vst v1;
	v1 =	vadd.s32 v0, v6;
	v6 =	vld [tilespmem:$0x13A70]  }
0x92: {  	[tilespmem:$0x13CF0] =	vst v1;
	v1 =	vadd.s32 v0, v2;
	v2 =	vld [tilespmem:$0x13B90]  }
0x93: {  	[tilespmem:$0x13C40] =	vst v1;
	v1 =	vadd.s32 v0, v3;
	v3 =	vld [tilespmem:$0x13960]  }
0x94: {  	[tilespmem:$0x13CA0] =	vst v1;
	v1 =	vadd.s32 v0, v4;
	v4 =	vld [tilespmem:$0x13A80]  }
0x95: {  	[tilespmem:$0x13D00] =	vst v1;
	v1 =	vadd.s32 v0, v5;
	v5 =	vld [tilespmem:$0x13BA0]  }
0x96: {  	[tilespmem:$0x13C50] =	vst v1;
	v1 =	vadd.s32 v0, v6;
	v6 =	vld [tilespmem:$0x13970]  }
0x97: {  	[tilespmem:$0x13CB0] =	vst v1;
	v1 =	vadd.s32 v0, v2;
	v2 =	vld [tilespmem:$0x13A90]  }
0x98: {  	[tilespmem:$0x13D10] =	vst v1;
	v1 =	vadd.s32 v0, v3;
	v3 =	vld [tilespmem:$0x13BB0]  }
0x99: {  	[tilespmem:$0x13C60] =	vst v1;
	v1 =	vadd.s32 v0, v4  }
0x9a: {  	[tilespmem:$0x13CC0] =	vst v1;
	v1 =	vadd.s32 v0, v5  }
0x9b: {  	[tilespmem:$0x13D20] =	vst v1;
	v1 =	vadd.s32 v0, v6  }
0x9c: {  	[tilespmem:$0x13C70] =	vst v1;
	v1 =	vadd.s32 v0, v2  }
0x9d: {  	[tilespmem:$0x13CD0] =	vst v1;
	v1 =	vadd.s32 v0, v3  }
0x9e: {  	s3 =	simm.s32 $0x15540;
	s6 =	simm.s32 $0x13C20;
	s7 =	smul.u32 $0x6, s5;
	[tilespmem:$0x13D30] =	vst v1  }
0x9f: {  	[tilespmem:s3], [sflag:$0x2] =	stream.indirect.gather [hbm4b:s19+s10], $0x40, s6, s10, $0xb8;
	[tilespmem:$0x1FD40] =	vst v63  }
0xa0: {  	s3 =	sadd.s32 $0xFFFFFFFF, s7  }
0xa1: {  	s6 =	simm.s32 $0x18540;
	p0 =	sgt.u32 s3, $0x68  }
0xa2: {  	[tilespmem:s6], [sflag:$0x2] =	stream.indirect.gather [hbm4b:s20+s10], $0x40, s16, s10, $0xb8;
	[tilespmem:$0x1FD40] =	vst v63  }
0xa3: {  	s17 =	simm.s32 $0x1B540;
	s3 =	simm.s32 @!p0 $0x6  }
0xa4: {  	[tilespmem:s17], [sflag:$0x2] =	stream.indirect.gather [hbm4b:s19+s10], $0x40, s18, s10, $0xb8;
	[tilespmem:$0x1FD40] =	vst v63  }
0xa5: {  	_ =	swait.ge @!p0 [sflag:s3], $0x1800  }
0xa6: {  	[sflag:s3] =	ssyncset.done @!p0 $0x0  }
0xa7: {  	[sflag:s3] =	ssyncadd.s32 @!p0 $0xFFFFE800  }
0xa8: {  	_ =	swait.ge @!p0 [sflag:s3], $0x1800  }
0xa9: {  	s7 =	sld [smem:$0x7F8]  }
0xaa: {  	s6 =	smul.u32 $0x60, s5  }
0xab: {  	[sflag:s3] =	ssyncset.done @!p0 $0x0  }
0xac: {  	[sflag:s3] =	ssyncadd.s32 @!p0 $0xFFFFE800;
	s17 =	sadd.s32 s7, s6  }
0xad: {  	_ =	swait.ge @!p0 [sflag:s3], $0x1800;
	s17 =	smul.u32 $0xC, s17  }
0xae: {  	[sflag:s3] =	ssyncset.done @!p0 $0x0  }
0xaf: {  	s28 =	simm.s32 $0x0;
	[sflag:s3] =	ssyncadd.s32 @!p0 $0xFFFFE800;
	s7 =	sadd.s32 s21, s17  }
0xb0: {  	[tilespmem:s8], [sflag:$0x5] =	stream.linear.gather [hbm4b:s7+s28], $0x60, $0x38;
	[tilespmem:$0x1FD40] =	vst v63  }
0xb1: {  	s8 =	sadd.s32 s22, s17  }
0xb2: {  	[tilespmem:s9], [sflag:$0x5] =	stream.linear.gather [hbm4b:s8+s28], $0x60, $0x38;
	[tilespmem:$0x1FD40] =	vst v63  }
0xb3: {  	s17 =	sadd.s32 s23, s17  }
0xb4: {  	[tilespmem:s13], [sflag:$0x5] =	stream.linear.gather [hbm4b:s17+s28], $0x60, $0x38;
	[tilespmem:$0x1FD40] =	vst v63  }
0xb5: {  	s17 =	simm.s32 $0x0  }
0xb6: {  	v1 =	vld [tilespmem:s17+$0x13D70]  }
0xb7: {  	v2 =	vld [tilespmem:s17+$0x16D70]  }
0xb8: {  	v7 =	vld [tilespmem:s17+$0x13D40]  }
0xb9: {  	v4 =	vld [tilespmem:s17+$0x19D70]  }
0xba: {  	v8 =	vld [tilespmem:s17+$0x16D40]  }
0xbb: {  	v9 =	vld [tilespmem:s17+$0x13D50]  }
0xbc: {  	v10 =	vld [tilespmem:s17+$0x16D50];
	v2 =	vadd.f32 v2, v1  }
0xbd: {  	v3 =	vld [tilespmem:s17+$0x16D60]  }
0xbe: {  	v1 =	vld [tilespmem:s17+$0x13D60];
	v2 =	vsub.f32 v2, v4  }
0xbf: {  	v6 =	vld [tilespmem:s17+$0x19D40]  }
0xc0: {  	v5 =	vld [tilespmem:s17+$0x19D50];
	v11 =	vsub.f32 $0.0e+00, v2  }
0xc1: {  	s28 =	simm.s32 $0x40;
	v4 =	vld [tilespmem:s17+$0x19D60];
	[tilespmem:s17+$0x1CD70] =	vst v2  }
0xc2: {  	s3 =	simm.s32 $0x200;
	s9 =	simm.s32 $0x13BC0;
	v7 =	vadd.f32 v8, v7;
	v8 =	vadd.f32 v10, v9;
	v2 =	vld [tilespmem:s28+$0x13D70];
	[tilespmem:s17+$0x1E570] =	vst v11  }
.LBB2_3:
0xc3: {  	p0 =	sne.s32 s3, $0x5F00;
	v9 =	vld [tilespmem:s28+$0x16D70];
	v1 =	vadd.f32 v3, v1  }
0xc4: {  	v10 =	vld [tilespmem:s28+$0x13D40];
	v3 =	vsub.f32 v7, v6  }
0xc5: {  	v6 =	vld [tilespmem:s28+$0x19D70];
	v5 =	vsub.f32 v8, v5  }
0xc6: {  	v7 =	vld [tilespmem:s28+$0x16D40];
	[tilespmem:s17+$0x1CD40] =	vst v3;
	v3 =	vsub.f32 $0.0e+00, v3;
	v4 =	vsub.f32 v1, v4  }
0xc7: {  	v8 =	vld [tilespmem:s28+$0x13D50];
	[tilespmem:s17+$0x1CD50] =	vst v5;
	v5 =	vsub.f32 $0.0e+00, v5  }
0xc8: {  	v11 =	vld [tilespmem:s28+$0x16D50];
	v2 =	vadd.f32 v9, v2;
	[tilespmem:s17+$0x1E540] =	vst v3;
	v9 =	vsub.f32 $0.0e+00, v4  }
0xc9: {  	v1 =	vld [tilespmem:s28+$0x13D60];
	[tilespmem:s17+$0x1E550] =	vst v5  }
.Ltmp0:
0xca: {  	v3 =	vld [tilespmem:s28+$0x16D60];
	v2 =	vsub.f32 v2, v6;
	[tilespmem:s17+$0x1E560] =	vst v9;
	(pc) =	sbr.rel @p0 .LBB2_3-.Ltmp0, $4  }
0xcb: {  	v7 =	vadd.f32 v7, v10;
	v6 =	vld [tilespmem:s28+$0x19D40];
	[tilespmem:s17+$0x1CD60] =	vst v4;
	s17 =	smov.u32 s28  }
0xcc: {  	v5 =	vld [tilespmem:s17+$0x19D50];
	[tilespmem:s17+$0x1CD70] =	vst v2;
	v9 =	vsub.f32 $0.0e+00, v2  }
0xcd: {  	s28 =	sshra.s32 s3, $0x2;
	v8 =	vadd.f32 v11, v8;
	v4 =	vld [tilespmem:s17+$0x19D60]  }
0xce: {  	s3 =	sadd.s32 $0x100, s3;
	v2 =	vld [tilespmem:s28+$0x13D70];
	[tilespmem:s17+$0x1E570] =	vst v9  }
0xcf: {  	v9 =	vld [tilespmem:s28+$0x16D70]  }
0xd0: {  	v10 =	vld [tilespmem:s28+$0x13D40];
	v1 =	vadd.f32 v3, v1;
	v6 =	vsub.f32 v7, v6  }
0xd1: {  	v11 =	vld [tilespmem:s28+$0x16D40];
	v5 =	vsub.f32 v8, v5  }
0xd2: {  	v7 =	vld [tilespmem:s28+$0x19D70];
	[tilespmem:s17+$0x1CD40] =	vst v6;
	v3 =	vsub.f32 $0.0e+00, v6;
	v1 =	vsub.f32 v1, v4  }
0xd3: {  	v8 =	vld [tilespmem:s28+$0x13D50];
	[tilespmem:s17+$0x1CD50] =	vst v5;
	v4 =	vsub.f32 $0.0e+00, v5  }
0xd4: {  	v6 =	vld [tilespmem:s28+$0x16D50];
	[tilespmem:s17+$0x1E540] =	vst v3;
	v5 =	vsub.f32 $0.0e+00, v1  }
0xd5: {  	v3 =	vld [tilespmem:s28+$0x13D60];
	[tilespmem:s17+$0x1E550] =	vst v4  }
0xd6: {  	v4 =	vld [tilespmem:s28+$0x16D60];
	[tilespmem:s17+$0x1E560] =	vst v5  }
0xd7: {  	v2 =	vadd.f32 v9, v2;
	v5 =	vld [tilespmem:s28+$0x19D40];
	[tilespmem:s17+$0x1CD60] =	vst v1  }
0xd8: {  	v1 =	vld [tilespmem:s28+$0x19D50]  }
0xd9: {  	v2 =	vsub.f32 v2, v7;
	v7 =	vld [tilespmem:s28+$0x19D60]  }
0xda: {  	v9 =	vadd.f32 v11, v10  }
0xdb: {  	[tilespmem:s28+$0x1CD70] =	vst v2;
	v2 =	vsub.f32 $0.0e+00, v2;
	v6 =	vadd.f32 v6, v8  }
0xdc: {  	v3 =	vadd.f32 v4, v3;
	v4 =	vsub.f32 v9, v5  }
0xdd: {  	[tilespmem:s28+$0x1E570] =	vst v2;
	v1 =	vsub.f32 v6, v1  }
0xde: {  	v3 =	vsub.f32 v3, v7;
	[tilespmem:s28+$0x1CD40] =	vst v4  }
0xdf: {  	v2 =	vsub.f32 $0.0e+00, v4;
	[tilespmem:s28+$0x1CD50] =	vst v1  }
0xe0: {  	v1 =	vsub.f32 $0.0e+00, v1;
	[tilespmem:s28+$0x1CD60] =	vst v3  }
0xe1: {  	[tilespmem:s28+$0x1E540] =	vst v2;
	v2 =	vsub.f32 $0.0e+00, v3  }
0xe2: {  	[tilespmem:s28+$0x1E550] =	vst v1  }
0xe3: {  	s3 =	simm.s32 $0x138C0;
	[tilespmem:s28+$0x1E560] =	vst v2  }
0xe4: {  	[spmem:s12] =	stream.indirect.scatter.add.f32 [tilespmem:s29], [sflag:$0x6], $0x40, s3, s10, $0xb8;
	[tilespmem:$0x1FD40] =	vst v63  }
0xe5: {  	_ = 	snop  }
0xe6: {  	[spmem:s12] =	stream.indirect.scatter.add.f32 [tilespmem:s30], [sflag:$0x6], $0x40, s14, s10, $0xb8;
	[tilespmem:$0x1FD40] =	vst v63  }
0xe7: {  	s7 =	simm.s32 $0x139E0  }
0xe8: {  	[spmem:s15] =	stream.indirect.scatter.add.f32 [tilespmem:s29], [sflag:$0x6], $0x40, s7, s10, $0xb8;
	[tilespmem:$0x1FD40] =	vst v63  }
0xe9: {  	_ =	swait.ge [sflag:s26], $0x1800  }
0xea: {  	[sflag:s26] =	ssyncset.done $0x0  }
0xeb: {  	[sflag:s26] =	ssyncadd.s32 $0xFFFFE800  }
0xec: {  	_ =	swait.ge [sflag:s26], $0x1800  }
0xed: {  	[sflag:s26] =	ssyncset.done $0x0  }
0xee: {  	[sflag:s26] =	ssyncadd.s32 $0xFFFFE800  }
0xef: {  	_ =	swait.ge [sflag:s26], $0x1800  }
0xf0: {  	[sflag:s26] =	ssyncset.done $0x0  }
0xf1: {  	[sflag:s26] =	ssyncadd.s32 $0xFFFFE800  }
0xf2: {  	_ =	swait.ge [sflag:s31], $0x60  }
0xf3: {  	[sflag:s31] =	ssyncset.done $0x0  }
0xf4: {  	[sflag:s31] =	ssyncadd.s32 $0xFFFFFFA0  }
0xf5: {  	_ =	swait.ge [sflag:s31], $0x60  }
0xf6: {  	[sflag:s31] =	ssyncset.done $0x0  }
0xf7: {  	[sflag:s31] =	ssyncadd.s32 $0xFFFFFFA0  }
0xf8: {  	_ =	swait.ge [sflag:s31], $0x60  }
0xf9: {  	[sflag:s31] =	ssyncset.done $0x0  }
0xfa: {  	[sflag:s31] =	ssyncadd.s32 $0xFFFFFFA0  }
0xfb: {  	v1 =	vld [tilespmem:$0x13980]  }
0xfc: {  	v2 =	vld [tilespmem:$0x13AA0]  }
0xfd: {  	v3 =	vld [tilespmem:$0x13BC0]  }
0xfe: {  	v4 =	vld [tilespmem:$0x13990]  }
0xff: {  	v5 =	vld [tilespmem:$0x13AB0]  }
0x100: {  	v6 =	vld [tilespmem:$0x13BD0];
	v1 =	vadd.s32 v0, v1  }
0x101: {  	[tilespmem:$0x13C20] =	vst v1;
	v1 =	vadd.s32 v0, v2;
	v2 =	vld [tilespmem:$0x139A0]  }
0x102: {  	[tilespmem:$0x13C80] =	vst v1;
	v1 =	vadd.s32 v0, v3;
	v3 =	vld [tilespmem:$0x13AC0]  }
0x103: {  	[tilespmem:$0x13CE0] =	vst v1;
	v1 =	vadd.s32 v0, v4;
	v4 =	vld [tilespmem:$0x13BE0]  }
0x104: {  	[tilespmem:$0x13C30] =	vst v1;
	v1 =	vadd.s32 v0, v5;
	v5 =	vld [tilespmem:$0x139B0]  }
0x105: {  	[tilespmem:$0x13C90] =	vst v1;
	v1 =	vadd.s32 v0, v6;
	v6 =	vld [tilespmem:$0x13AD0]  }
0x106: {  	[tilespmem:$0x13CF0] =	vst v1;
	v1 =	vadd.s32 v0, v2;
	v2 =	vld [tilespmem:$0x13BF0]  }
0x107: {  	[tilespmem:$0x13C40] =	vst v1;
	v1 =	vadd.s32 v0, v3;
	v3 =	vld [tilespmem:$0x139C0]  }
0x108: {  	[tilespmem:$0x13CA0] =	vst v1;
	v1 =	vadd.s32 v0, v4;
	v4 =	vld [tilespmem:$0x13AE0]  }
0x109: {  	[tilespmem:$0x13D00] =	vst v1;
	v1 =	vadd.s32 v0, v5;
	v5 =	vld [tilespmem:$0x13C00]  }
0x10a: {  	[tilespmem:$0x13C50] =	vst v1;
	v1 =	vadd.s32 v0, v6;
	v6 =	vld [tilespmem:$0x139D0]  }
0x10b: {  	[tilespmem:$0x13CB0] =	vst v1;
	v1 =	vadd.s32 v0, v2;
	v2 =	vld [tilespmem:$0x13AF0]  }
0x10c: {  	[tilespmem:$0x13D10] =	vst v1;
	v1 =	vadd.s32 v0, v3;
	v3 =	vld [tilespmem:$0x13C10]  }
0x10d: {  	[tilespmem:$0x13C60] =	vst v1;
	v1 =	vadd.s32 v0, v4  }
0x10e: {  	[tilespmem:$0x13CC0] =	vst v1;
	v1 =	vadd.s32 v0, v5  }
0x10f: {  	[tilespmem:$0x13D20] =	vst v1;
	v1 =	vadd.s32 v0, v6  }
0x110: {  	[tilespmem:$0x13C70] =	vst v1;
	v1 =	vadd.s32 v0, v2  }
0x111: {  	[tilespmem:$0x13CD0] =	vst v1;
	v1 =	vadd.s32 v0, v3  }
0x112: {  	s8 =	simm.s32 $0x13C20;
	[tilespmem:$0x13D30] =	vst v1  }
0x113: {  	[tilespmem:s2], [sflag:$0x1] =	stream.indirect.gather [hbm4b:s19+s10], $0x40, s8, s10, $0xb8;
	[tilespmem:$0x1FD40] =	vst v63  }
0x114: {  	s13 =	simm.s32 $0x16D40  }
0x115: {  	[tilespmem:s13], [sflag:$0x1] =	stream.indirect.gather [hbm4b:s20+s10], $0x40, s16, s10, $0xb8;
	[tilespmem:$0x1FD40] =	vst v63  }
0x116: {  	s17 =	simm.s32 $0x19D40  }
0x117: {  	[tilespmem:s17], [sflag:$0x1] =	stream.indirect.gather [hbm4b:s19+s10], $0x40, s18, s10, $0xb8;
	[tilespmem:$0x1FD40] =	vst v63  }
0x118: {  	_ =	swait.ge [sflag:s1], $0x1800  }
0x119: {  	[sflag:s1] =	ssyncset.done $0x0  }
0x11a: {  	[sflag:s1] =	ssyncadd.s32 $0xFFFFE800  }
0x11b: {  	_ =	swait.ge [sflag:s1], $0x1800  }
0x11c: {  	[sflag:s1] =	ssyncset.done $0x0  }
0x11d: {  	[sflag:s1] =	ssyncadd.s32 $0xFFFFE800  }
0x11e: {  	_ =	swait.ge [sflag:s1], $0x1800  }
0x11f: {  	s3 =	sld [smem:$0x7F9];
	_ =	sdelay $0x1  }
0x120: {  	p0 =	seq.s32 s5, $0x11  }
0x121: {  	s3 =	sadd.s32 @!p0 s3, s6  }
0x122: {  	s3 =	smul.u32 @!p0 $0xC, s3  }
0x123: {  	s28 =	simm.s32 @!p0 $0x0;
	[sflag:s1] =	ssyncset.done $0x0  }
0x124: {  	s7 =	simm.s32 @!p0 $0x138C0;
	[sflag:s1] =	ssyncadd.s32 $0xFFFFE800;
	s17 =	sadd.s32 @!p0 s21, s3  }
0x125: {  	[tilespmem:s7], [sflag:$0x3] =	stream.linear.gather @!p0 [hbm4b:s17+s28], $0x60, $0x38;
	[tilespmem:$0x1FD40] =	vst v63  }
0x126: {  	s7 =	sadd.s32 @!p0 s22, s3;
	s17 =	simm.s32 @!p0 $0x139E0  }
0x127: {  	[tilespmem:s17], [sflag:$0x3] =	stream.linear.gather @!p0 [hbm4b:s7+s28], $0x60, $0x38;
	[tilespmem:$0x1FD40] =	vst v63  }
0x128: {  	s3 =	sadd.s32 @!p0 s23, s3;
	s7 =	simm.s32 @!p0 $0x13B00;
	s17 =	simm.s32 $0x0  }
0x129: {  	[tilespmem:s7], [sflag:$0x3] =	stream.linear.gather @!p0 [hbm4b:s3+s28], $0x60, $0x38;
	[tilespmem:$0x1FD40] =	vst v63  }
0x12a: {  	v1 =	vld [tilespmem:s17+$0x15570]  }
0x12b: {  	v2 =	vld [tilespmem:s17+$0x18570]  }
0x12c: {  	v7 =	vld [tilespmem:s17+$0x15540]  }
0x12d: {  	v4 =	vld [tilespmem:s17+$0x1B570]  }
0x12e: {  	v8 =	vld [tilespmem:s17+$0x18540]  }
0x12f: {  	v9 =	vld [tilespmem:s17+$0x15550]  }
0x130: {  	v10 =	vld [tilespmem:s17+$0x18550];
	v2 =	vadd.f32 v2, v1  }
0x131: {  	v3 =	vld [tilespmem:s17+$0x18560]  }
0x132: {  	v1 =	vld [tilespmem:s17+$0x15560];
	v2 =	vsub.f32 v2, v4  }
0x133: {  	v6 =	vld [tilespmem:s17+$0x1B540]  }
0x134: {  	v5 =	vld [tilespmem:s17+$0x1B550];
	v11 =	vsub.f32 $0.0e+00, v2  }
0x135: {  	s28 =	simm.s32 $0x40;
	v4 =	vld [tilespmem:s17+$0x1B560];
	[tilespmem:s17+$0x1CD70] =	vst v2  }
0x136: {  	s3 =	simm.s32 $0x200;
	v7 =	vadd.f32 v8, v7;
	v8 =	vadd.f32 v10, v9;
	v2 =	vld [tilespmem:s28+$0x15570];
	[tilespmem:s17+$0x1E570] =	vst v11  }
.LBB2_5:
0x137: {  	p1 =	sne.s32 s3, $0x5F00;
	v9 =	vld [tilespmem:s28+$0x18570];
	v1 =	vadd.f32 v3, v1  }
0x138: {  	v10 =	vld [tilespmem:s28+$0x15540];
	v3 =	vsub.f32 v7, v6  }
0x139: {  	v6 =	vld [tilespmem:s28+$0x1B570];
	v5 =	vsub.f32 v8, v5  }
0x13a: {  	v7 =	vld [tilespmem:s28+$0x18540];
	[tilespmem:s17+$0x1CD40] =	vst v3;
	v3 =	vsub.f32 $0.0e+00, v3;
	v4 =	vsub.f32 v1, v4  }
0x13b: {  	v8 =	vld [tilespmem:s28+$0x15550];
	[tilespmem:s17+$0x1CD50] =	vst v5;
	v5 =	vsub.f32 $0.0e+00, v5  }
0x13c: {  	v11 =	vld [tilespmem:s28+$0x18550];
	v2 =	vadd.f32 v9, v2;
	[tilespmem:s17+$0x1E540] =	vst v3;
	v9 =	vsub.f32 $0.0e+00, v4  }
0x13d: {  	v1 =	vld [tilespmem:s28+$0x15560];
	[tilespmem:s17+$0x1E550] =	vst v5  }
.Ltmp1:
0x13e: {  	v3 =	vld [tilespmem:s28+$0x18560];
	v2 =	vsub.f32 v2, v6;
	[tilespmem:s17+$0x1E560] =	vst v9;
	(pc) =	sbr.rel @p1 .LBB2_5-.Ltmp1, $4  }
0x13f: {  	v7 =	vadd.f32 v7, v10;
	v6 =	vld [tilespmem:s28+$0x1B540];
	[tilespmem:s17+$0x1CD60] =	vst v4;
	s17 =	smov.u32 s28  }
0x140: {  	v5 =	vld [tilespmem:s17+$0x1B550];
	[tilespmem:s17+$0x1CD70] =	vst v2;
	v9 =	vsub.f32 $0.0e+00, v2  }
0x141: {  	s28 =	sshra.s32 s3, $0x2;
	v8 =	vadd.f32 v11, v8;
	v4 =	vld [tilespmem:s17+$0x1B560]  }
0x142: {  	s3 =	sadd.s32 $0x100, s3;
	v2 =	vld [tilespmem:s28+$0x15570];
	[tilespmem:s17+$0x1E570] =	vst v9  }
0x143: {  	v9 =	vld [tilespmem:s28+$0x18570]  }
0x144: {  	v10 =	vld [tilespmem:s28+$0x15540];
	v1 =	vadd.f32 v3, v1;
	v6 =	vsub.f32 v7, v6  }
0x145: {  	v56 =	vld [tilespmem:s28+$0x1B570];
	v5 =	vsub.f32 v8, v5  }
0x146: {  	v11 =	vld [tilespmem:s28+$0x18540];
	[tilespmem:s17+$0x1CD40] =	vst v6;
	v3 =	vsub.f32 $0.0e+00, v6;
	v1 =	vsub.f32 v1, v4  }
0x147: {  	v57 =	vld [tilespmem:s28+$0x15550];
	[tilespmem:s17+$0x1CD50] =	vst v5;
	v59 =	vsub.f32 $0.0e+00, v5  }
0x148: {  	v58 =	vld [tilespmem:s28+$0x18550];
	[tilespmem:s17+$0x1E540] =	vst v3;
	v60 =	vsub.f32 $0.0e+00, v1  }
0x149: {  	v3 =	vld [tilespmem:s28+$0x15560];
	[tilespmem:s17+$0x1E550] =	vst v59  }
0x14a: {  	v4 =	vld [tilespmem:s28+$0x18560];
	[tilespmem:s17+$0x1E560] =	vst v60  }
0x14b: {  	v2 =	vadd.f32 v9, v2;
	v5 =	vld [tilespmem:s28+$0x1B540];
	[tilespmem:s17+$0x1CD60] =	vst v1  }
0x14c: {  	v1 =	vld [tilespmem:s28+$0x1B550]  }
0x14d: {  	v2 =	vsub.f32 v2, v56;
	v61 =	vld [tilespmem:s28+$0x1B560]  }
0x14e: {  	v62 =	vadd.f32 v11, v10  }
0x14f: {  	[tilespmem:s28+$0x1CD70] =	vst v2;
	v2 =	vsub.f32 $0.0e+00, v2;
	v6 =	vadd.f32 v58, v57  }
0x150: {  	v3 =	vadd.f32 v4, v3;
	v63 =	vsub.f32 v62, v5  }
0x151: {  	[tilespmem:s28+$0x1E570] =	vst v2;
	v1 =	vsub.f32 v6, v1  }
0x152: {  	v3 =	vsub.f32 v3, v61;
	[tilespmem:s28+$0x1CD40] =	vst v63  }
0x153: {  	v2 =	vsub.f32 $0.0e+00, v63;
	[tilespmem:s28+$0x1CD50] =	vst v1  }
0x154: {  	v1 =	vsub.f32 $0.0e+00, v1;
	[tilespmem:s28+$0x1CD60] =	vst v3  }
0x155: {  	[tilespmem:s28+$0x1E540] =	vst v2;
	v2 =	vsub.f32 $0.0e+00, v3  }
0x156: {  	[tilespmem:s28+$0x1E550] =	vst v1  }
0x157: {  	[tilespmem:s28+$0x1E560] =	vst v2;
	s28 =	simm.s32 $0x13920  }
0x158: {  	[spmem:s12] =	stream.indirect.scatter.add.f32 [tilespmem:s29], [sflag:$0x6], $0x40, s28, s10, $0xb8;
	[tilespmem:$0x1FD40] =	vst v63  }
0x159: {  	_ = 	snop  }
0x15a: {  	[spmem:s12] =	stream.indirect.scatter.add.f32 [tilespmem:s30], [sflag:$0x6], $0x40, s0, s10, $0xb8;
	[tilespmem:$0x1FD40] =	vst v63  }
0x15b: {  	_ = 	snop  }
0x15c: {  	[spmem:s15] =	stream.indirect.scatter.add.f32 [tilespmem:s29], [sflag:$0x6], $0x40, s11, s10, $0xb8;
	[tilespmem:$0x1FD40] =	vst v63  }
0x15d: {  	_ =	swait.ge [sflag:s24], $0x1800  }
0x15e: {  	[sflag:s24] =	ssyncset.done $0x0  }
0x15f: {  	[sflag:s24] =	ssyncadd.s32 $0xFFFFE800  }
0x160: {  	_ =	swait.ge [sflag:s24], $0x1800  }
.Ltmp2:
0x161: {  	[sflag:s24] =	ssyncset.done $0x0;
	(pc) =	sbr.rel @!p0 .LBB2_7-.Ltmp2, $4  }
0x162: {  	[sflag:s24] =	ssyncadd.s32 $0xFFFFE800  }
0x163: {  	_ =	swait.ge [sflag:s24], $0x1800  }
0x164: {  	[sflag:s24] =	ssyncset.done $0x0  }
0x165: {  	s2 =	simm.s32 $0x13B60;
	s0 =	simm.s32 $0x13A40;
	[sflag:s24] =	ssyncadd.s32 $0xFFFFE800  }
0x166: {  	_ =	swait.ge [sflag:s1], $0x1800  }
0x167: {  	[sflag:s1] =	ssyncset.done $0x0  }
0x168: {  	[sflag:s1] =	ssyncadd.s32 $0xFFFFE800  }
0x169: {  	_ =	swait.ge [sflag:s1], $0x1800  }
.Ltmp3:
0x16a: {  	[sflag:s1] =	ssyncset.done $0x0;
	(pc) =	sbr.rel .LBB2_9-.Ltmp3, $4  }
0x16b: {  	[sflag:s1] =	ssyncadd.s32 $0xFFFFE800  }
0x16c: {  	_ =	swait.ge [sflag:s1], $0x1800  }
0x16d: {  	[sflag:s1] =	ssyncset.done $0x0  }
0x16e: {  	s11 =	simm.s32 $0x13920;
	s0 =	simm.s32 $0x13B60;
	[sflag:s1] =	ssyncadd.s32 $0xFFFFE800  }
.LBB2_7:
0x16f: {  	_ =	swait.ge [sflag:s4], $0x60  }
0x170: {  	[sflag:s4] =	ssyncset.done $0x0  }
0x171: {  	[sflag:s4] =	ssyncadd.s32 $0xFFFFFFA0  }
0x172: {  	_ =	swait.ge [sflag:s4], $0x60  }
0x173: {  	[sflag:s4] =	ssyncset.done $0x0  }
0x174: {  	[sflag:s4] =	ssyncadd.s32 $0xFFFFFFA0  }
0x175: {  	_ =	swait.ge [sflag:s4], $0x60  }
0x176: {  	[sflag:s4] =	ssyncset.done $0x0  }
0x177: {  	[sflag:s4] =	ssyncadd.s32 $0xFFFFFFA0  }
0x178: {  	v1 =	vld [tilespmem:$0x138C0]  }
0x179: {  	v2 =	vld [tilespmem:$0x139E0]  }
0x17a: {  	v3 =	vld [tilespmem:$0x13B00]  }
0x17b: {  	v4 =	vld [tilespmem:$0x138D0]  }
0x17c: {  	v5 =	vld [tilespmem:$0x139F0]  }
0x17d: {  	v6 =	vld [tilespmem:$0x13B10];
	v1 =	vadd.s32 v0, v1  }
0x17e: {  	[tilespmem:$0x13C20] =	vst v1;
	v1 =	vadd.s32 v0, v2;
	v2 =	vld [tilespmem:$0x138E0]  }
0x17f: {  	[tilespmem:$0x13C80] =	vst v1;
	v1 =	vadd.s32 v0, v3;
	v3 =	vld [tilespmem:$0x13A00]  }
0x180: {  	v58 =	vld [tilespmem:$0x13B20];
	[tilespmem:$0x13CE0] =	vst v1;
	v1 =	vadd.s32 v0, v4  }
0x181: {  	v59 =	vld [tilespmem:$0x138F0];
	[tilespmem:$0x13C30] =	vst v1;
	v1 =	vadd.s32 v0, v5  }
0x182: {  	v60 =	vld [tilespmem:$0x13A10];
	[tilespmem:$0x13C90] =	vst v1;
	v1 =	vadd.s32 v0, v6  }
0x183: {  	[tilespmem:$0x13CF0] =	vst v1;
	v1 =	vadd.s32 v0, v2;
	v2 =	vld [tilespmem:$0x13B30]  }
0x184: {  	[tilespmem:$0x13C40] =	vst v1;
	v1 =	vadd.s32 v0, v3;
	v3 =	vld [tilespmem:$0x13900]  }
0x185: {  	v61 =	vld [tilespmem:$0x13A20];
	[tilespmem:$0x13CA0] =	vst v1;
	v1 =	vadd.s32 v0, v58  }
0x186: {  	v62 =	vld [tilespmem:$0x13B40];
	[tilespmem:$0x13D00] =	vst v1;
	v1 =	vadd.s32 v0, v59  }
0x187: {  	v63 =	vld [tilespmem:$0x13910];
	[tilespmem:$0x13C50] =	vst v1;
	v1 =	vadd.s32 v0, v60  }
0x188: {  	[tilespmem:$0x13CB0] =	vst v1;
	v1 =	vadd.s32 v0, v2;
	v2 =	vld [tilespmem:$0x13A30]  }
0x189: {  	[tilespmem:$0x13D10] =	vst v1;
	v1 =	vadd.s32 v0, v3;
	v3 =	vld [tilespmem:$0x13B50]  }
0x18a: {  	[tilespmem:$0x13C60] =	vst v1;
	v1 =	vadd.s32 v0, v61  }
0x18b: {  	[tilespmem:$0x13CC0] =	vst v1;
	v1 =	vadd.s32 v0, v62  }
0x18c: {  	[tilespmem:$0x13D20] =	vst v1;
	v1 =	vadd.s32 v0, v63  }
0x18d: {  	[tilespmem:$0x13C70] =	vst v1;
	v1 =	vadd.s32 v0, v2  }
0x18e: {  	[tilespmem:$0x13CD0] =	vst v1;
	v1 =	vadd.s32 v0, v3  }
0x18f: {  	s3 =	simm.s32 $0x15540;
	s7 =	simm.s32 $0x13C20;
	[tilespmem:$0x13D30] =	vst v1  }
0x190: {  	[tilespmem:s3], [sflag:$0x2] =	stream.indirect.gather [hbm4b:s19+s10], $0x40, s7, s10, $0xb8;
	[tilespmem:$0x1FD40] =	vst v63  }
0x191: {  	s7 =	simm.s32 $0x18540  }
0x192: {  	[tilespmem:s7], [sflag:$0x2] =	stream.indirect.gather [hbm4b:s20+s10], $0x40, s16, s10, $0xb8;
	[tilespmem:$0x1FD40] =	vst v63  }
0x193: {  	s8 =	simm.s32 $0x1B540  }
0x194: {  	[tilespmem:s8], [sflag:$0x2] =	stream.indirect.gather [hbm4b:s19+s10], $0x40, s18, s10, $0xb8;
	[tilespmem:$0x1FD40] =	vst v63  }
0x195: {  	_ =	swait.ge [sflag:s1], $0x1800  }
0x196: {  	[sflag:s1] =	ssyncset.done $0x0  }
0x197: {  	[sflag:s1] =	ssyncadd.s32 $0xFFFFE800  }
0x198: {  	_ =	swait.ge [sflag:s1], $0x1800  }
0x199: {  	s11 =	sld [smem:$0x7FA];
	_ =	sdelay $0x1  }
0x19a: {  	[sflag:s1] =	ssyncset.done $0x0  }
0x19b: {  	[sflag:s1] =	ssyncadd.s32 $0xFFFFE800;
	s3 =	sadd.s32 s11, s6  }
0x19c: {  	_ =	swait.ge [sflag:s1], $0x1800;
	s3 =	smul.u32 $0xC, s3  }
0x19d: {  	[sflag:s1] =	ssyncset.done $0x0  }
0x19e: {  	s17 =	simm.s32 $0x0;
	[sflag:s1] =	ssyncadd.s32 $0xFFFFE800;
	s13 =	sadd.s32 s21, s3  }
0x19f: {  	[tilespmem:s28], [sflag:$0x4] =	stream.linear.gather [hbm4b:s13+s17], $0x60, $0x38;
	[tilespmem:$0x1FD40] =	vst v63  }
0x1a0: {  	s28 =	sadd.s32 s22, s3  }
0x1a1: {  	[tilespmem:s0], [sflag:$0x4] =	stream.linear.gather [hbm4b:s28+s17], $0x60, $0x38;
	[tilespmem:$0x1FD40] =	vst v63  }
0x1a2: {  	s11 =	simm.s32 $0x13920;
	s3 =	sadd.s32 s23, s3;
	s0 =	simm.s32 $0x13B60  }
0x1a3: {  	[tilespmem:s2], [sflag:$0x4] =	stream.linear.gather [hbm4b:s3+s17], $0x60, $0x38;
	[tilespmem:$0x1FD40] =	vst v63  }
.LBB2_9:
0x1a4: {  	s17 =	simm.s32 $0x0  }
0x1a5: {  	v1 =	vld [tilespmem:s17+$0x13D70]  }
0x1a6: {  	v2 =	vld [tilespmem:s17+$0x16D70]  }
0x1a7: {  	v7 =	vld [tilespmem:s17+$0x13D40]  }
0x1a8: {  	v4 =	vld [tilespmem:s17+$0x19D70]  }
0x1a9: {  	v8 =	vld [tilespmem:s17+$0x16D40]  }
0x1aa: {  	v9 =	vld [tilespmem:s17+$0x13D50]  }
0x1ab: {  	v10 =	vld [tilespmem:s17+$0x16D50];
	v2 =	vadd.f32 v2, v1  }
0x1ac: {  	v3 =	vld [tilespmem:s17+$0x16D60]  }
0x1ad: {  	v1 =	vld [tilespmem:s17+$0x13D60];
	v2 =	vsub.f32 v2, v4  }
0x1ae: {  	v6 =	vld [tilespmem:s17+$0x19D40]  }
0x1af: {  	v5 =	vld [tilespmem:s17+$0x19D50];
	v11 =	vsub.f32 $0.0e+00, v2  }
0x1b0: {  	s28 =	simm.s32 $0x40;
	v4 =	vld [tilespmem:s17+$0x19D60];
	[tilespmem:s17+$0x1CD70] =	vst v2  }
0x1b1: {  	s3 =	simm.s32 $0x200;
	s2 =	simm.s32 $0x13D40;
	v7 =	vadd.f32 v8, v7;
	v8 =	vadd.f32 v10, v9;
	v2 =	vld [tilespmem:s28+$0x13D70];
	[tilespmem:s17+$0x1E570] =	vst v11  }
.LBB2_10:
0x1b2: {  	p1 =	sne.s32 s3, $0x5F00;
	v9 =	vld [tilespmem:s28+$0x16D70];
	v1 =	vadd.f32 v3, v1  }
0x1b3: {  	v10 =	vld [tilespmem:s28+$0x13D40];
	v3 =	vsub.f32 v7, v6  }
0x1b4: {  	v6 =	vld [tilespmem:s28+$0x19D70];
	v5 =	vsub.f32 v8, v5  }
0x1b5: {  	v7 =	vld [tilespmem:s28+$0x16D40];
	[tilespmem:s17+$0x1CD40] =	vst v3;
	v3 =	vsub.f32 $0.0e+00, v3;
	v4 =	vsub.f32 v1, v4  }
0x1b6: {  	v8 =	vld [tilespmem:s28+$0x13D50];
	[tilespmem:s17+$0x1CD50] =	vst v5;
	v5 =	vsub.f32 $0.0e+00, v5  }
0x1b7: {  	v11 =	vld [tilespmem:s28+$0x16D50];
	v2 =	vadd.f32 v9, v2;
	[tilespmem:s17+$0x1E540] =	vst v3;
	v9 =	vsub.f32 $0.0e+00, v4  }
0x1b8: {  	v1 =	vld [tilespmem:s28+$0x13D60];
	[tilespmem:s17+$0x1E550] =	vst v5  }
.Ltmp4:
0x1b9: {  	v3 =	vld [tilespmem:s28+$0x16D60];
	v2 =	vsub.f32 v2, v6;
	[tilespmem:s17+$0x1E560] =	vst v9;
	(pc) =	sbr.rel @p1 .LBB2_10-.Ltmp4, $4  }
0x1ba: {  	v7 =	vadd.f32 v7, v10;
	v6 =	vld [tilespmem:s28+$0x19D40];
	[tilespmem:s17+$0x1CD60] =	vst v4;
	s17 =	smov.u32 s28  }
0x1bb: {  	v5 =	vld [tilespmem:s17+$0x19D50];
	[tilespmem:s17+$0x1CD70] =	vst v2;
	v9 =	vsub.f32 $0.0e+00, v2  }
0x1bc: {  	s28 =	sshra.s32 s3, $0x2;
	v8 =	vadd.f32 v11, v8;
	v4 =	vld [tilespmem:s17+$0x19D60]  }
0x1bd: {  	s3 =	sadd.s32 $0x100, s3;
	v2 =	vld [tilespmem:s28+$0x13D70];
	[tilespmem:s17+$0x1E570] =	vst v9  }
0x1be: {  	v9 =	vld [tilespmem:s28+$0x16D70]  }
0x1bf: {  	v10 =	vld [tilespmem:s28+$0x13D40];
	v1 =	vadd.f32 v3, v1;
	v6 =	vsub.f32 v7, v6  }
0x1c0: {  	v56 =	vld [tilespmem:s28+$0x19D70];
	v5 =	vsub.f32 v8, v5  }
0x1c1: {  	v11 =	vld [tilespmem:s28+$0x16D40];
	[tilespmem:s17+$0x1CD40] =	vst v6;
	v3 =	vsub.f32 $0.0e+00, v6;
	v1 =	vsub.f32 v1, v4  }
0x1c2: {  	v57 =	vld [tilespmem:s28+$0x13D50];
	[tilespmem:s17+$0x1CD50] =	vst v5;
	v59 =	vsub.f32 $0.0e+00, v5  }
0x1c3: {  	v58 =	vld [tilespmem:s28+$0x16D50];
	[tilespmem:s17+$0x1E540] =	vst v3;
	v60 =	vsub.f32 $0.0e+00, v1  }
0x1c4: {  	v3 =	vld [tilespmem:s28+$0x13D60];
	[tilespmem:s17+$0x1E550] =	vst v59  }
0x1c5: {  	v4 =	vld [tilespmem:s28+$0x16D60];
	[tilespmem:s17+$0x1E560] =	vst v60  }
0x1c6: {  	v2 =	vadd.f32 v9, v2;
	v5 =	vld [tilespmem:s28+$0x19D40];
	[tilespmem:s17+$0x1CD60] =	vst v1  }
0x1c7: {  	v1 =	vld [tilespmem:s28+$0x19D50]  }
0x1c8: {  	v2 =	vsub.f32 v2, v56;
	v61 =	vld [tilespmem:s28+$0x19D60]  }
0x1c9: {  	v62 =	vadd.f32 v11, v10  }
0x1ca: {  	[tilespmem:s28+$0x1CD70] =	vst v2;
	v2 =	vsub.f32 $0.0e+00, v2;
	v6 =	vadd.f32 v58, v57  }
0x1cb: {  	v3 =	vadd.f32 v4, v3;
	v63 =	vsub.f32 v62, v5  }
0x1cc: {  	[tilespmem:s28+$0x1E570] =	vst v2;
	v1 =	vsub.f32 v6, v1  }
0x1cd: {  	v3 =	vsub.f32 v3, v61;
	[tilespmem:s28+$0x1CD40] =	vst v63  }
0x1ce: {  	v2 =	vsub.f32 $0.0e+00, v63;
	[tilespmem:s28+$0x1CD50] =	vst v1  }
0x1cf: {  	v1 =	vsub.f32 $0.0e+00, v1;
	[tilespmem:s28+$0x1CD60] =	vst v3  }
0x1d0: {  	[tilespmem:s28+$0x1E540] =	vst v2;
	v2 =	vsub.f32 $0.0e+00, v3  }
0x1d1: {  	[tilespmem:s28+$0x1E550] =	vst v1  }
0x1d2: {  	s8 =	simm.s32 $0x13980;
	[tilespmem:s28+$0x1E560] =	vst v2  }
0x1d3: {  	[spmem:s12] =	stream.indirect.scatter.add.f32 [tilespmem:s29], [sflag:$0x6], $0x40, s8, s10, $0xb8;
	[tilespmem:$0x1FD40] =	vst v63  }
.Ltmp5:
0x1d4: {  	_ = 	snop;
	(pc) =	sbr.rel @p0 .LBB2_19-.Ltmp5, $4  }
0x1d5: {  	_ = 	snop  }
0x1d6: {  	[spmem:s12] =	stream.indirect.scatter.add.f32 [tilespmem:s30], [sflag:$0x6], $0x40, s9, s10, $0xb8;
	[tilespmem:$0x1FD40] =	vst v63  }
0x1d7: {  	s13 =	simm.s32 $0x13BC0;
	s9 =	simm.s32 $0x13AA0  }
0x1d8: {  	[spmem:s15] =	stream.indirect.scatter.add.f32 [tilespmem:s29], [sflag:$0x6], $0x40, s9, s10, $0xb8;
	[tilespmem:$0x1FD40] =	vst v63  }
0x1d9: {  	_ =	swait.ge [sflag:s26], $0x1800  }
0x1da: {  	[sflag:s26] =	ssyncset.done $0x0  }
0x1db: {  	[sflag:s26] =	ssyncadd.s32 $0xFFFFE800  }
0x1dc: {  	_ =	swait.ge [sflag:s26], $0x1800  }
0x1dd: {  	[sflag:s26] =	ssyncset.done $0x0  }
0x1de: {  	[sflag:s26] =	ssyncadd.s32 $0xFFFFE800  }
0x1df: {  	_ =	swait.ge [sflag:s26], $0x1800  }
0x1e0: {  	[sflag:s26] =	ssyncset.done $0x0  }
0x1e1: {  	[sflag:s26] =	ssyncadd.s32 $0xFFFFE800  }
0x1e2: {  	_ =	swait.ge [sflag:s25], $0x60  }
0x1e3: {  	[sflag:s25] =	ssyncset.done $0x0  }
0x1e4: {  	[sflag:s25] =	ssyncadd.s32 $0xFFFFFFA0  }
0x1e5: {  	_ =	swait.ge [sflag:s25], $0x60  }
0x1e6: {  	[sflag:s25] =	ssyncset.done $0x0  }
0x1e7: {  	[sflag:s25] =	ssyncadd.s32 $0xFFFFFFA0  }
0x1e8: {  	_ =	swait.ge [sflag:s25], $0x60  }
0x1e9: {  	[sflag:s25] =	ssyncset.done $0x0  }
0x1ea: {  	[sflag:s25] =	ssyncadd.s32 $0xFFFFFFA0  }
0x1eb: {  	v1 =	vld [tilespmem:$0x13920]  }
0x1ec: {  	v2 =	vld [tilespmem:$0x13A40]  }
0x1ed: {  	v3 =	vld [tilespmem:$0x13B60]  }
0x1ee: {  	v4 =	vld [tilespmem:$0x13930]  }
0x1ef: {  	v5 =	vld [tilespmem:$0x13A50]  }
0x1f0: {  	v6 =	vld [tilespmem:$0x13B70];
	v1 =	vadd.s32 v0, v1  }
0x1f1: {  	[tilespmem:$0x13C20] =	vst v1;
	v1 =	vadd.s32 v0, v2;
	v2 =	vld [tilespmem:$0x13940]  }
0x1f2: {  	[tilespmem:$0x13C80] =	vst v1;
	v1 =	vadd.s32 v0, v3;
	v3 =	vld [tilespmem:$0x13A60]  }
0x1f3: {  	[tilespmem:$0x13CE0] =	vst v1;
	v1 =	vadd.s32 v0, v4;
	v4 =	vld [tilespmem:$0x13B80]  }
0x1f4: {  	[tilespmem:$0x13C30] =	vst v1;
	v1 =	vadd.s32 v0, v5;
	v5 =	vld [tilespmem:$0x13950]  }
0x1f5: {  	[tilespmem:$0x13C90] =	vst v1;
	v1 =	vadd.s32 v0, v6;
	v6 =	vld [tilespmem:$0x13A70]  }
0x1f6: {  	[tilespmem:$0x13CF0] =	vst v1;
	v1 =	vadd.s32 v0, v2;
	v2 =	vld [tilespmem:$0x13B90]  }
0x1f7: {  	[tilespmem:$0x13C40] =	vst v1;
	v1 =	vadd.s32 v0, v3;
	v3 =	vld [tilespmem:$0x13960]  }
0x1f8: {  	[tilespmem:$0x13CA0] =	vst v1;
	v1 =	vadd.s32 v0, v4;
	v4 =	vld [tilespmem:$0x13A80]  }
0x1f9: {  	[tilespmem:$0x13D00] =	vst v1;
	v1 =	vadd.s32 v0, v5;
	v5 =	vld [tilespmem:$0x13BA0]  }
0x1fa: {  	[tilespmem:$0x13C50] =	vst v1;
	v1 =	vadd.s32 v0, v6;
	v6 =	vld [tilespmem:$0x13970]  }
0x1fb: {  	[tilespmem:$0x13CB0] =	vst v1;
	v1 =	vadd.s32 v0, v2;
	v2 =	vld [tilespmem:$0x13A90]  }
0x1fc: {  	[tilespmem:$0x13D10] =	vst v1;
	v1 =	vadd.s32 v0, v3;
	v3 =	vld [tilespmem:$0x13BB0]  }
0x1fd: {  	[tilespmem:$0x13C60] =	vst v1;
	v1 =	vadd.s32 v0, v4  }
0x1fe: {  	[tilespmem:$0x13CC0] =	vst v1;
	v1 =	vadd.s32 v0, v5  }
0x1ff: {  	[tilespmem:$0x13D20] =	vst v1;
	v1 =	vadd.s32 v0, v6  }
0x200: {  	[tilespmem:$0x13C70] =	vst v1;
	v1 =	vadd.s32 v0, v2  }
0x201: {  	[tilespmem:$0x13CD0] =	vst v1;
	v1 =	vadd.s32 v0, v3  }
0x202: {  	s3 =	simm.s32 $0x13C20;
	[tilespmem:$0x13D30] =	vst v1  }
0x203: {  	[tilespmem:s2], [sflag:$0x1] =	stream.indirect.gather [hbm4b:s19+s10], $0x40, s3, s10, $0xb8;
	[tilespmem:$0x1FD40] =	vst v63  }
0x204: {  	s11 =	simm.s32 $0x16D40  }
0x205: {  	[tilespmem:s11], [sflag:$0x1] =	stream.indirect.gather [hbm4b:s20+s10], $0x40, s16, s10, $0xb8;
	[tilespmem:$0x1FD40] =	vst v63  }
0x206: {  	s17 =	simm.s32 $0x19D40  }
0x207: {  	[tilespmem:s17], [sflag:$0x1] =	stream.indirect.gather [hbm4b:s19+s10], $0x40, s18, s10, $0xb8;
	[tilespmem:$0x1FD40] =	vst v63  }
0x208: {  	_ =	swait.ge [sflag:s1], $0x1800  }
0x209: {  	[sflag:s1] =	ssyncset.done $0x0  }
0x20a: {  	[sflag:s1] =	ssyncadd.s32 $0xFFFFE800  }
0x20b: {  	_ =	swait.ge [sflag:s1], $0x1800  }
0x20c: {  	s7 =	sld [smem:$0x7FB];
	_ =	sdelay $0x1  }
0x20d: {  	[sflag:s1] =	ssyncset.done $0x0  }
0x20e: {  	[sflag:s1] =	ssyncadd.s32 $0xFFFFE800;
	s3 =	sadd.s32 s7, s6  }
0x20f: {  	_ =	swait.ge [sflag:s1], $0x1800;
	s3 =	smul.u32 $0xC, s3  }
0x210: {  	[sflag:s1] =	ssyncset.done $0x0  }
0x211: {  	s17 =	simm.s32 $0x0;
	[sflag:s1] =	ssyncadd.s32 $0xFFFFE800;
	s7 =	sadd.s32 s21, s3  }
0x212: {  	[tilespmem:s8], [sflag:$0x5] =	stream.linear.gather [hbm4b:s7+s17], $0x60, $0x38;
	[tilespmem:$0x1FD40] =	vst v63  }
0x213: {  	s11 =	sadd.s32 s22, s3  }
0x214: {  	[tilespmem:s9], [sflag:$0x5] =	stream.linear.gather [hbm4b:s11+s17], $0x60, $0x38;
	[tilespmem:$0x1FD40] =	vst v63  }
0x215: {  	s3 =	sadd.s32 s23, s3  }
0x216: {  	[tilespmem:s13], [sflag:$0x5] =	stream.linear.gather [hbm4b:s3+s17], $0x60, $0x38;
	[tilespmem:$0x1FD40] =	vst v63  }
0x217: {  	s17 =	simm.s32 $0x0  }
0x218: {  	v1 =	vld [tilespmem:s17+$0x15570]  }
0x219: {  	v2 =	vld [tilespmem:s17+$0x18570]  }
0x21a: {  	v7 =	vld [tilespmem:s17+$0x15540]  }
0x21b: {  	v4 =	vld [tilespmem:s17+$0x1B570]  }
0x21c: {  	v8 =	vld [tilespmem:s17+$0x18540]  }
0x21d: {  	v9 =	vld [tilespmem:s17+$0x15550]  }
0x21e: {  	v10 =	vld [tilespmem:s17+$0x18550];
	v2 =	vadd.f32 v2, v1  }
0x21f: {  	v3 =	vld [tilespmem:s17+$0x18560]  }
0x220: {  	v1 =	vld [tilespmem:s17+$0x15560];
	v2 =	vsub.f32 v2, v4  }
0x221: {  	v6 =	vld [tilespmem:s17+$0x1B540]  }
0x222: {  	v5 =	vld [tilespmem:s17+$0x1B550];
	v11 =	vsub.f32 $0.0e+00, v2  }
0x223: {  	s28 =	simm.s32 $0x40;
	v4 =	vld [tilespmem:s17+$0x1B560];
	[tilespmem:s17+$0x1CD70] =	vst v2  }
0x224: {  	s9 =	simm.s32 $0x13BC0;
	s3 =	simm.s32 $0x200;
	v7 =	vadd.f32 v8, v7;
	v8 =	vadd.f32 v10, v9;
	v2 =	vld [tilespmem:s28+$0x15570];
	[tilespmem:s17+$0x1E570] =	vst v11  }
.LBB2_13:
0x225: {  	p0 =	sne.s32 s3, $0x5F00;
	v9 =	vld [tilespmem:s28+$0x18570];
	v1 =	vadd.f32 v3, v1  }
0x226: {  	v10 =	vld [tilespmem:s28+$0x15540];
	v3 =	vsub.f32 v7, v6  }
0x227: {  	v6 =	vld [tilespmem:s28+$0x1B570];
	v5 =	vsub.f32 v8, v5  }
0x228: {  	v7 =	vld [tilespmem:s28+$0x18540];
	[tilespmem:s17+$0x1CD40] =	vst v3;
	v3 =	vsub.f32 $0.0e+00, v3;
	v4 =	vsub.f32 v1, v4  }
0x229: {  	v8 =	vld [tilespmem:s28+$0x15550];
	[tilespmem:s17+$0x1CD50] =	vst v5;
	v5 =	vsub.f32 $0.0e+00, v5  }
0x22a: {  	v11 =	vld [tilespmem:s28+$0x18550];
	v2 =	vadd.f32 v9, v2;
	[tilespmem:s17+$0x1E540] =	vst v3;
	v9 =	vsub.f32 $0.0e+00, v4  }
0x22b: {  	v1 =	vld [tilespmem:s28+$0x15560];
	[tilespmem:s17+$0x1E550] =	vst v5  }
.Ltmp6:
0x22c: {  	v3 =	vld [tilespmem:s28+$0x18560];
	v2 =	vsub.f32 v2, v6;
	[tilespmem:s17+$0x1E560] =	vst v9;
	(pc) =	sbr.rel @p0 .LBB2_13-.Ltmp6, $4  }
0x22d: {  	v7 =	vadd.f32 v7, v10;
	v6 =	vld [tilespmem:s28+$0x1B540];
	[tilespmem:s17+$0x1CD60] =	vst v4;
	s17 =	smov.u32 s28  }
0x22e: {  	v5 =	vld [tilespmem:s17+$0x1B550];
	[tilespmem:s17+$0x1CD70] =	vst v2;
	v9 =	vsub.f32 $0.0e+00, v2  }
0x22f: {  	s28 =	sshra.s32 s3, $0x2;
	v8 =	vadd.f32 v11, v8;
	v4 =	vld [tilespmem:s17+$0x1B560]  }
0x230: {  	s3 =	sadd.s32 $0x100, s3;
	v2 =	vld [tilespmem:s28+$0x15570];
	[tilespmem:s17+$0x1E570] =	vst v9  }
0x231: {  	v9 =	vld [tilespmem:s28+$0x18570]  }
0x232: {  	v10 =	vld [tilespmem:s28+$0x15540];
	v1 =	vadd.f32 v3, v1;
	v6 =	vsub.f32 v7, v6  }
0x233: {  	v11 =	vld [tilespmem:s28+$0x18540];
	v5 =	vsub.f32 v8, v5  }
0x234: {  	v7 =	vld [tilespmem:s28+$0x1B570];
	[tilespmem:s17+$0x1CD40] =	vst v6;
	v3 =	vsub.f32 $0.0e+00, v6;
	v1 =	vsub.f32 v1, v4  }
0x235: {  	v8 =	vld [tilespmem:s28+$0x15550];
	[tilespmem:s17+$0x1CD50] =	vst v5;
	v4 =	vsub.f32 $0.0e+00, v5  }
0x236: {  	v6 =	vld [tilespmem:s28+$0x18550];
	[tilespmem:s17+$0x1E540] =	vst v3;
	v5 =	vsub.f32 $0.0e+00, v1  }
0x237: {  	v3 =	vld [tilespmem:s28+$0x15560];
	[tilespmem:s17+$0x1E550] =	vst v4  }
0x238: {  	v4 =	vld [tilespmem:s28+$0x18560];
	[tilespmem:s17+$0x1E560] =	vst v5  }
0x239: {  	v2 =	vadd.f32 v9, v2;
	v5 =	vld [tilespmem:s28+$0x1B540];
	[tilespmem:s17+$0x1CD60] =	vst v1  }
0x23a: {  	v1 =	vld [tilespmem:s28+$0x1B550]  }
0x23b: {  	v2 =	vsub.f32 v2, v7;
	v7 =	vld [tilespmem:s28+$0x1B560]  }
0x23c: {  	v9 =	vadd.f32 v11, v10  }
0x23d: {  	[tilespmem:s28+$0x1CD70] =	vst v2;
	v2 =	vsub.f32 $0.0e+00, v2;
	v6 =	vadd.f32 v6, v8  }
0x23e: {  	v3 =	vadd.f32 v4, v3;
	v4 =	vsub.f32 v9, v5  }
0x23f: {  	[tilespmem:s28+$0x1E570] =	vst v2;
	v1 =	vsub.f32 v6, v1  }
0x240: {  	v3 =	vsub.f32 v3, v7;
	[tilespmem:s28+$0x1CD40] =	vst v4  }
0x241: {  	v2 =	vsub.f32 $0.0e+00, v4;
	[tilespmem:s28+$0x1CD50] =	vst v1  }
0x242: {  	v1 =	vsub.f32 $0.0e+00, v1;
	[tilespmem:s28+$0x1CD60] =	vst v3  }
0x243: {  	[tilespmem:s28+$0x1E540] =	vst v2;
	v2 =	vsub.f32 $0.0e+00, v3  }
0x244: {  	[tilespmem:s28+$0x1E550] =	vst v1  }
0x245: {  	[tilespmem:s28+$0x1E560] =	vst v2;
	s28 =	simm.s32 $0x138C0  }
0x246: {  	[spmem:s12] =	stream.indirect.scatter.add.f32 [tilespmem:s29], [sflag:$0x6], $0x40, s28, s10, $0xb8;
	[tilespmem:$0x1FD40] =	vst v63  }
0x247: {  	_ = 	snop  }
0x248: {  	[spmem:s12] =	stream.indirect.scatter.add.f32 [tilespmem:s30], [sflag:$0x6], $0x40, s14, s10, $0xb8;
	[tilespmem:$0x1FD40] =	vst v63  }
0x249: {  	s14 =	simm.s32 $0x139E0  }
0x24a: {  	[spmem:s15] =	stream.indirect.scatter.add.f32 [tilespmem:s29], [sflag:$0x6], $0x40, s14, s10, $0xb8;
	[tilespmem:$0x1FD40] =	vst v63  }
0x24b: {  	_ =	swait.ge [sflag:s24], $0x1800  }
0x24c: {  	[sflag:s24] =	ssyncset.done $0x0  }
0x24d: {  	[sflag:s24] =	ssyncadd.s32 $0xFFFFE800  }
0x24e: {  	_ =	swait.ge [sflag:s24], $0x1800  }
0x24f: {  	[sflag:s24] =	ssyncset.done $0x0  }
0x250: {  	[sflag:s24] =	ssyncadd.s32 $0xFFFFE800  }
0x251: {  	_ =	swait.ge [sflag:s24], $0x1800  }
0x252: {  	[sflag:s24] =	ssyncset.done $0x0  }
0x253: {  	[sflag:s24] =	ssyncadd.s32 $0xFFFFE800  }
0x254: {  	_ =	swait.ge [sflag:s31], $0x60  }
0x255: {  	[sflag:s31] =	ssyncset.done $0x0  }
0x256: {  	[sflag:s31] =	ssyncadd.s32 $0xFFFFFFA0  }
0x257: {  	_ =	swait.ge [sflag:s31], $0x60  }
0x258: {  	[sflag:s31] =	ssyncset.done $0x0  }
0x259: {  	[sflag:s31] =	ssyncadd.s32 $0xFFFFFFA0  }
0x25a: {  	_ =	swait.ge [sflag:s31], $0x60  }
0x25b: {  	[sflag:s31] =	ssyncset.done $0x0  }
0x25c: {  	[sflag:s31] =	ssyncadd.s32 $0xFFFFFFA0  }
0x25d: {  	v1 =	vld [tilespmem:$0x13980]  }
0x25e: {  	v2 =	vld [tilespmem:$0x13AA0]  }
0x25f: {  	v3 =	vld [tilespmem:$0x13BC0]  }
0x260: {  	v4 =	vld [tilespmem:$0x13990]  }
0x261: {  	v5 =	vld [tilespmem:$0x13AB0]  }
0x262: {  	v6 =	vld [tilespmem:$0x13BD0];
	v1 =	vadd.s32 v0, v1  }
0x263: {  	[tilespmem:$0x13C20] =	vst v1;
	v1 =	vadd.s32 v0, v2;
	v2 =	vld [tilespmem:$0x139A0]  }
0x264: {  	[tilespmem:$0x13C80] =	vst v1;
	v1 =	vadd.s32 v0, v3;
	v3 =	vld [tilespmem:$0x13AC0]  }
0x265: {  	[tilespmem:$0x13CE0] =	vst v1;
	v1 =	vadd.s32 v0, v4;
	v4 =	vld [tilespmem:$0x13BE0]  }
0x266: {  	[tilespmem:$0x13C30] =	vst v1;
	v1 =	vadd.s32 v0, v5;
	v5 =	vld [tilespmem:$0x139B0]  }
0x267: {  	[tilespmem:$0x13C90] =	vst v1;
	v1 =	vadd.s32 v0, v6;
	v6 =	vld [tilespmem:$0x13AD0]  }
0x268: {  	[tilespmem:$0x13CF0] =	vst v1;
	v1 =	vadd.s32 v0, v2;
	v2 =	vld [tilespmem:$0x13BF0]  }
0x269: {  	[tilespmem:$0x13C40] =	vst v1;
	v1 =	vadd.s32 v0, v3;
	v3 =	vld [tilespmem:$0x139C0]  }
0x26a: {  	[tilespmem:$0x13CA0] =	vst v1;
	v1 =	vadd.s32 v0, v4;
	v4 =	vld [tilespmem:$0x13AE0]  }
0x26b: {  	[tilespmem:$0x13D00] =	vst v1;
	v1 =	vadd.s32 v0, v5;
	v5 =	vld [tilespmem:$0x13C00]  }
0x26c: {  	[tilespmem:$0x13C50] =	vst v1;
	v1 =	vadd.s32 v0, v6;
	v6 =	vld [tilespmem:$0x139D0]  }
0x26d: {  	[tilespmem:$0x13CB0] =	vst v1;
	v1 =	vadd.s32 v0, v2;
	v2 =	vld [tilespmem:$0x13AF0]  }
0x26e: {  	[tilespmem:$0x13D10] =	vst v1;
	v1 =	vadd.s32 v0, v3;
	v3 =	vld [tilespmem:$0x13C10]  }
0x26f: {  	[tilespmem:$0x13C60] =	vst v1;
	v1 =	vadd.s32 v0, v4  }
0x270: {  	[tilespmem:$0x13CC0] =	vst v1;
	v1 =	vadd.s32 v0, v5  }
0x271: {  	[tilespmem:$0x13D20] =	vst v1;
	v1 =	vadd.s32 v0, v6  }
0x272: {  	[tilespmem:$0x13C70] =	vst v1;
	v1 =	vadd.s32 v0, v2  }
0x273: {  	[tilespmem:$0x13CD0] =	vst v1;
	v1 =	vadd.s32 v0, v3  }
0x274: {  	s3 =	simm.s32 $0x15540;
	s7 =	simm.s32 $0x13C20;
	[tilespmem:$0x13D30] =	vst v1  }
0x275: {  	[tilespmem:s3], [sflag:$0x2] =	stream.indirect.gather [hbm4b:s19+s10], $0x40, s7, s10, $0xb8;
	[tilespmem:$0x1FD40] =	vst v63  }
0x276: {  	s13 =	simm.s32 $0x18540  }
0x277: {  	[tilespmem:s13], [sflag:$0x2] =	stream.indirect.gather [hbm4b:s20+s10], $0x40, s16, s10, $0xb8;
	[tilespmem:$0x1FD40] =	vst v63  }
0x278: {  	s17 =	simm.s32 $0x1B540  }
0x279: {  	[tilespmem:s17], [sflag:$0x2] =	stream.indirect.gather [hbm4b:s19+s10], $0x40, s18, s10, $0xb8;
	[tilespmem:$0x1FD40] =	vst v63  }
0x27a: {  	_ =	swait.ge [sflag:s1], $0x1800  }
0x27b: {  	[sflag:s1] =	ssyncset.done $0x0  }
0x27c: {  	[sflag:s1] =	ssyncadd.s32 $0xFFFFE800  }
0x27d: {  	_ =	swait.ge [sflag:s1], $0x1800  }
0x27e: {  	s7 =	sld [smem:$0x7FC];
	_ =	sdelay $0x1  }
0x27f: {  	[sflag:s1] =	ssyncset.done $0x0  }
0x280: {  	[sflag:s1] =	ssyncadd.s32 $0xFFFFE800;
	s3 =	sadd.s32 s7, s6  }
0x281: {  	_ =	swait.ge [sflag:s1], $0x1800;
	s3 =	smul.u32 $0xC, s3  }
0x282: {  	[sflag:s1] =	ssyncset.done $0x0  }
0x283: {  	s11 =	simm.s32 $0x0;
	[sflag:s1] =	ssyncadd.s32 $0xFFFFE800;
	s8 =	sadd.s32 s21, s3  }
0x284: {  	[tilespmem:s28], [sflag:$0x3] =	stream.linear.gather [hbm4b:s8+s11], $0x60, $0x38;
	[tilespmem:$0x1FD40] =	vst v63  }
0x285: {  	s13 =	sadd.s32 s22, s3  }
0x286: {  	[tilespmem:s14], [sflag:$0x3] =	stream.linear.gather [hbm4b:s13+s11], $0x60, $0x38;
	[tilespmem:$0x1FD40] =	vst v63  }
0x287: {  	s17 =	simm.s32 $0x0;
	s3 =	sadd.s32 s23, s3;
	s14 =	simm.s32 $0x13B00  }
0x288: {  	[tilespmem:s14], [sflag:$0x3] =	stream.linear.gather [hbm4b:s3+s11], $0x60, $0x38;
	[tilespmem:$0x1FD40] =	vst v63  }
0x289: {  	v1 =	vld [tilespmem:s17+$0x13D70]  }
0x28a: {  	v2 =	vld [tilespmem:s17+$0x16D70]  }
0x28b: {  	v7 =	vld [tilespmem:s17+$0x13D40]  }
0x28c: {  	v4 =	vld [tilespmem:s17+$0x19D70]  }
0x28d: {  	v8 =	vld [tilespmem:s17+$0x16D40]  }
0x28e: {  	v9 =	vld [tilespmem:s17+$0x13D50]  }
0x28f: {  	v10 =	vld [tilespmem:s17+$0x16D50];
	v2 =	vadd.f32 v2, v1  }
0x290: {  	v3 =	vld [tilespmem:s17+$0x16D60]  }
0x291: {  	v1 =	vld [tilespmem:s17+$0x13D60];
	v2 =	vsub.f32 v2, v4  }
0x292: {  	v6 =	vld [tilespmem:s17+$0x19D40]  }
0x293: {  	v5 =	vld [tilespmem:s17+$0x19D50];
	v11 =	vsub.f32 $0.0e+00, v2  }
0x294: {  	s28 =	simm.s32 $0x40;
	v4 =	vld [tilespmem:s17+$0x19D60];
	[tilespmem:s17+$0x1CD70] =	vst v2  }
0x295: {  	s3 =	simm.s32 $0x200;
	v7 =	vadd.f32 v8, v7;
	v8 =	vadd.f32 v10, v9;
	v2 =	vld [tilespmem:s28+$0x13D70];
	[tilespmem:s17+$0x1E570] =	vst v11  }
.LBB2_15:
0x296: {  	p0 =	sne.s32 s3, $0x5F00;
	v9 =	vld [tilespmem:s28+$0x16D70];
	v1 =	vadd.f32 v3, v1  }
0x297: {  	v10 =	vld [tilespmem:s28+$0x13D40];
	v3 =	vsub.f32 v7, v6  }
0x298: {  	v6 =	vld [tilespmem:s28+$0x19D70];
	v5 =	vsub.f32 v8, v5  }
0x299: {  	v7 =	vld [tilespmem:s28+$0x16D40];
	[tilespmem:s17+$0x1CD40] =	vst v3;
	v3 =	vsub.f32 $0.0e+00, v3;
	v4 =	vsub.f32 v1, v4  }
0x29a: {  	v8 =	vld [tilespmem:s28+$0x13D50];
	[tilespmem:s17+$0x1CD50] =	vst v5;
	v5 =	vsub.f32 $0.0e+00, v5  }
0x29b: {  	v11 =	vld [tilespmem:s28+$0x16D50];
	v2 =	vadd.f32 v9, v2;
	[tilespmem:s17+$0x1E540] =	vst v3;
	v9 =	vsub.f32 $0.0e+00, v4  }
0x29c: {  	v1 =	vld [tilespmem:s28+$0x13D60];
	[tilespmem:s17+$0x1E550] =	vst v5  }
.Ltmp7:
0x29d: {  	v3 =	vld [tilespmem:s28+$0x16D60];
	v2 =	vsub.f32 v2, v6;
	[tilespmem:s17+$0x1E560] =	vst v9;
	(pc) =	sbr.rel @p0 .LBB2_15-.Ltmp7, $4  }
0x29e: {  	v7 =	vadd.f32 v7, v10;
	v6 =	vld [tilespmem:s28+$0x19D40];
	[tilespmem:s17+$0x1CD60] =	vst v4;
	s17 =	smov.u32 s28  }
0x29f: {  	v5 =	vld [tilespmem:s17+$0x19D50];
	[tilespmem:s17+$0x1CD70] =	vst v2;
	v9 =	vsub.f32 $0.0e+00, v2  }
0x2a0: {  	s28 =	sshra.s32 s3, $0x2;
	v8 =	vadd.f32 v11, v8;
	v4 =	vld [tilespmem:s17+$0x19D60]  }
0x2a1: {  	s3 =	sadd.s32 $0x100, s3;
	v2 =	vld [tilespmem:s28+$0x13D70];
	[tilespmem:s17+$0x1E570] =	vst v9  }
0x2a2: {  	v9 =	vld [tilespmem:s28+$0x16D70]  }
0x2a3: {  	v10 =	vld [tilespmem:s28+$0x13D40];
	v1 =	vadd.f32 v3, v1;
	v6 =	vsub.f32 v7, v6  }
0x2a4: {  	v11 =	vld [tilespmem:s28+$0x16D40];
	v5 =	vsub.f32 v8, v5  }
0x2a5: {  	v7 =	vld [tilespmem:s28+$0x19D70];
	[tilespmem:s17+$0x1CD40] =	vst v6;
	v3 =	vsub.f32 $0.0e+00, v6;
	v1 =	vsub.f32 v1, v4  }
0x2a6: {  	v8 =	vld [tilespmem:s28+$0x13D50];
	[tilespmem:s17+$0x1CD50] =	vst v5;
	v4 =	vsub.f32 $0.0e+00, v5  }
0x2a7: {  	v6 =	vld [tilespmem:s28+$0x16D50];
	[tilespmem:s17+$0x1E540] =	vst v3;
	v5 =	vsub.f32 $0.0e+00, v1  }
0x2a8: {  	v3 =	vld [tilespmem:s28+$0x13D60];
	[tilespmem:s17+$0x1E550] =	vst v4  }
0x2a9: {  	v4 =	vld [tilespmem:s28+$0x16D60];
	[tilespmem:s17+$0x1E560] =	vst v5  }
0x2aa: {  	v2 =	vadd.f32 v9, v2;
	v5 =	vld [tilespmem:s28+$0x19D40];
	[tilespmem:s17+$0x1CD60] =	vst v1  }
0x2ab: {  	v1 =	vld [tilespmem:s28+$0x19D50]  }
0x2ac: {  	v2 =	vsub.f32 v2, v7;
	v7 =	vld [tilespmem:s28+$0x19D60]  }
0x2ad: {  	v9 =	vadd.f32 v11, v10  }
0x2ae: {  	[tilespmem:s28+$0x1CD70] =	vst v2;
	v2 =	vsub.f32 $0.0e+00, v2;
	v6 =	vadd.f32 v6, v8  }
0x2af: {  	v3 =	vadd.f32 v4, v3;
	v4 =	vsub.f32 v9, v5  }
0x2b0: {  	[tilespmem:s28+$0x1E570] =	vst v2;
	v1 =	vsub.f32 v6, v1  }
0x2b1: {  	v3 =	vsub.f32 v3, v7;
	[tilespmem:s28+$0x1CD40] =	vst v4  }
0x2b2: {  	v2 =	vsub.f32 $0.0e+00, v4;
	[tilespmem:s28+$0x1CD50] =	vst v1  }
0x2b3: {  	v1 =	vsub.f32 $0.0e+00, v1;
	[tilespmem:s28+$0x1CD60] =	vst v3  }
0x2b4: {  	[tilespmem:s28+$0x1E540] =	vst v2;
	v2 =	vsub.f32 $0.0e+00, v3  }
0x2b5: {  	[tilespmem:s28+$0x1E550] =	vst v1  }
0x2b6: {  	s11 =	simm.s32 $0x13920;
	[tilespmem:s28+$0x1E560] =	vst v2  }
0x2b7: {  	[spmem:s12] =	stream.indirect.scatter.add.f32 [tilespmem:s29], [sflag:$0x6], $0x40, s11, s10, $0xb8;
	[tilespmem:$0x1FD40] =	vst v63  }
0x2b8: {  	_ = 	snop  }
0x2b9: {  	[spmem:s12] =	stream.indirect.scatter.add.f32 [tilespmem:s30], [sflag:$0x6], $0x40, s0, s10, $0xb8;
	[tilespmem:$0x1FD40] =	vst v63  }
0x2ba: {  	s3 =	simm.s32 $0x13A40  }
0x2bb: {  	[spmem:s15] =	stream.indirect.scatter.add.f32 [tilespmem:s29], [sflag:$0x6], $0x40, s3, s10, $0xb8;
	[tilespmem:$0x1FD40] =	vst v63  }
0x2bc: {  	_ =	swait.ge [sflag:s26], $0x1800  }
0x2bd: {  	[sflag:s26] =	ssyncset.done $0x0  }
0x2be: {  	[sflag:s26] =	ssyncadd.s32 $0xFFFFE800  }
0x2bf: {  	_ =	swait.ge [sflag:s26], $0x1800  }
0x2c0: {  	[sflag:s26] =	ssyncset.done $0x0  }
0x2c1: {  	[sflag:s26] =	ssyncadd.s32 $0xFFFFE800  }
0x2c2: {  	_ =	swait.ge [sflag:s26], $0x1800  }
0x2c3: {  	[sflag:s26] =	ssyncset.done $0x0  }
0x2c4: {  	[sflag:s26] =	ssyncadd.s32 $0xFFFFE800  }
0x2c5: {  	_ =	swait.ge [sflag:s4], $0x60  }
0x2c6: {  	[sflag:s4] =	ssyncset.done $0x0  }
0x2c7: {  	[sflag:s4] =	ssyncadd.s32 $0xFFFFFFA0  }
0x2c8: {  	_ =	swait.ge [sflag:s4], $0x60  }
0x2c9: {  	[sflag:s4] =	ssyncset.done $0x0  }
0x2ca: {  	[sflag:s4] =	ssyncadd.s32 $0xFFFFFFA0  }
0x2cb: {  	_ =	swait.ge [sflag:s4], $0x60  }
0x2cc: {  	[sflag:s4] =	ssyncset.done $0x0  }
0x2cd: {  	[sflag:s4] =	ssyncadd.s32 $0xFFFFFFA0  }
0x2ce: {  	v1 =	vld [tilespmem:$0x138C0]  }
0x2cf: {  	v2 =	vld [tilespmem:$0x139E0]  }
0x2d0: {  	v3 =	vld [tilespmem:$0x13B00]  }
0x2d1: {  	v4 =	vld [tilespmem:$0x138D0]  }
0x2d2: {  	v5 =	vld [tilespmem:$0x139F0]  }
0x2d3: {  	v6 =	vld [tilespmem:$0x13B10];
	v1 =	vadd.s32 v0, v1  }
0x2d4: {  	[tilespmem:$0x13C20] =	vst v1;
	v1 =	vadd.s32 v0, v2;
	v2 =	vld [tilespmem:$0x138E0]  }
0x2d5: {  	[tilespmem:$0x13C80] =	vst v1;
	v1 =	vadd.s32 v0, v3;
	v3 =	vld [tilespmem:$0x13A00]  }
0x2d6: {  	[tilespmem:$0x13CE0] =	vst v1;
	v1 =	vadd.s32 v0, v4;
	v4 =	vld [tilespmem:$0x13B20]  }
0x2d7: {  	[tilespmem:$0x13C30] =	vst v1;
	v1 =	vadd.s32 v0, v5;
	v5 =	vld [tilespmem:$0x138F0]  }
0x2d8: {  	[tilespmem:$0x13C90] =	vst v1;
	v1 =	vadd.s32 v0, v6;
	v6 =	vld [tilespmem:$0x13A10]  }
0x2d9: {  	[tilespmem:$0x13CF0] =	vst v1;
	v1 =	vadd.s32 v0, v2;
	v2 =	vld [tilespmem:$0x13B30]  }
0x2da: {  	[tilespmem:$0x13C40] =	vst v1;
	v1 =	vadd.s32 v0, v3;
	v3 =	vld [tilespmem:$0x13900]  }
0x2db: {  	[tilespmem:$0x13CA0] =	vst v1;
	v1 =	vadd.s32 v0, v4;
	v4 =	vld [tilespmem:$0x13A20]  }
0x2dc: {  	[tilespmem:$0x13D00] =	vst v1;
	v1 =	vadd.s32 v0, v5;
	v5 =	vld [tilespmem:$0x13B40]  }
0x2dd: {  	[tilespmem:$0x13C50] =	vst v1;
	v1 =	vadd.s32 v0, v6;
	v6 =	vld [tilespmem:$0x13910]  }
0x2de: {  	[tilespmem:$0x13CB0] =	vst v1;
	v1 =	vadd.s32 v0, v2;
	v2 =	vld [tilespmem:$0x13A30]  }
0x2df: {  	[tilespmem:$0x13D10] =	vst v1;
	v1 =	vadd.s32 v0, v3;
	v3 =	vld [tilespmem:$0x13B50]  }
0x2e0: {  	[tilespmem:$0x13C60] =	vst v1;
	v1 =	vadd.s32 v0, v4  }
0x2e1: {  	[tilespmem:$0x13CC0] =	vst v1;
	v1 =	vadd.s32 v0, v5  }
0x2e2: {  	[tilespmem:$0x13D20] =	vst v1;
	v1 =	vadd.s32 v0, v6  }
0x2e3: {  	[tilespmem:$0x13C70] =	vst v1;
	v1 =	vadd.s32 v0, v2  }
0x2e4: {  	[tilespmem:$0x13CD0] =	vst v1;
	v1 =	vadd.s32 v0, v3  }
0x2e5: {  	s3 =	simm.s32 $0x13C20;
	[tilespmem:$0x13D30] =	vst v1  }
0x2e6: {  	[tilespmem:s2], [sflag:$0x1] =	stream.indirect.gather [hbm4b:s19+s10], $0x40, s3, s10, $0xb8;
	[tilespmem:$0x1FD40] =	vst v63  }
0x2e7: {  	s7 =	simm.s32 $0x16D40  }
0x2e8: {  	[tilespmem:s7], [sflag:$0x1] =	stream.indirect.gather [hbm4b:s20+s10], $0x40, s16, s10, $0xb8;
	[tilespmem:$0x1FD40] =	vst v63  }
0x2e9: {  	s8 =	simm.s32 $0x19D40  }
0x2ea: {  	[tilespmem:s8], [sflag:$0x1] =	stream.indirect.gather [hbm4b:s19+s10], $0x40, s18, s10, $0xb8;
	[tilespmem:$0x1FD40] =	vst v63  }
0x2eb: {  	_ =	swait.ge [sflag:s1], $0x1800  }
0x2ec: {  	[sflag:s1] =	ssyncset.done $0x0  }
0x2ed: {  	[sflag:s1] =	ssyncadd.s32 $0xFFFFE800  }
0x2ee: {  	_ =	swait.ge [sflag:s1], $0x1800  }
0x2ef: {  	s13 =	sld [smem:$0x7FD];
	_ =	sdelay $0x1  }
0x2f0: {  	[sflag:s1] =	ssyncset.done $0x0  }
0x2f1: {  	[sflag:s1] =	ssyncadd.s32 $0xFFFFE800;
	s3 =	sadd.s32 s13, s6  }
0x2f2: {  	_ =	swait.ge [sflag:s1], $0x1800;
	s3 =	smul.u32 $0xC, s3  }
0x2f3: {  	[sflag:s1] =	ssyncset.done $0x0  }
0x2f4: {  	s7 =	simm.s32 $0x0;
	[sflag:s1] =	ssyncadd.s32 $0xFFFFE800;
	s17 =	sadd.s32 s21, s3  }
0x2f5: {  	[tilespmem:s11], [sflag:$0x4] =	stream.linear.gather [hbm4b:s17+s7], $0x60, $0x38;
	[tilespmem:$0x1FD40] =	vst v63  }
0x2f6: {  	s28 =	sadd.s32 s22, s3;
	s11 =	simm.s32 $0x13A40  }
0x2f7: {  	[tilespmem:s11], [sflag:$0x4] =	stream.linear.gather [hbm4b:s28+s7], $0x60, $0x38;
	[tilespmem:$0x1FD40] =	vst v63  }
0x2f8: {  	s0 =	simm.s32 $0x13B60;
	s6 =	simm.s32 $0x0;
	s3 =	sadd.s32 s23, s3  }
0x2f9: {  	[tilespmem:s0], [sflag:$0x4] =	stream.linear.gather [hbm4b:s3+s7], $0x60, $0x38;
	[tilespmem:$0x1FD40] =	vst v63  }
0x2fa: {  	v1 =	vld [tilespmem:s6+$0x15570]  }
0x2fb: {  	v2 =	vld [tilespmem:s6+$0x18570]  }
0x2fc: {  	v7 =	vld [tilespmem:s6+$0x15540]  }
0x2fd: {  	v4 =	vld [tilespmem:s6+$0x1B570]  }
0x2fe: {  	v8 =	vld [tilespmem:s6+$0x18540]  }
0x2ff: {  	v9 =	vld [tilespmem:s6+$0x15550]  }
0x300: {  	v10 =	vld [tilespmem:s6+$0x18550];
	v2 =	vadd.f32 v2, v1  }
0x301: {  	v3 =	vld [tilespmem:s6+$0x18560]  }
0x302: {  	v1 =	vld [tilespmem:s6+$0x15560];
	v2 =	vsub.f32 v2, v4  }
0x303: {  	v6 =	vld [tilespmem:s6+$0x1B540]  }
0x304: {  	v5 =	vld [tilespmem:s6+$0x1B550];
	v11 =	vsub.f32 $0.0e+00, v2  }
0x305: {  	s17 =	simm.s32 $0x40;
	v4 =	vld [tilespmem:s6+$0x1B560];
	[tilespmem:s6+$0x1CD70] =	vst v2  }
0x306: {  	s3 =	simm.s32 $0x200;
	v7 =	vadd.f32 v8, v7;
	v8 =	vadd.f32 v10, v9;
	v2 =	vld [tilespmem:s17+$0x15570];
	[tilespmem:s6+$0x1E570] =	vst v11  }
.LBB2_17:
0x307: {  	p0 =	sne.s32 s3, $0x5F00;
	v9 =	vld [tilespmem:s17+$0x18570];
	v1 =	vadd.f32 v3, v1  }
0x308: {  	v10 =	vld [tilespmem:s17+$0x15540];
	v3 =	vsub.f32 v7, v6  }
0x309: {  	v6 =	vld [tilespmem:s17+$0x1B570];
	v5 =	vsub.f32 v8, v5  }
0x30a: {  	v7 =	vld [tilespmem:s17+$0x18540];
	[tilespmem:s6+$0x1CD40] =	vst v3;
	v3 =	vsub.f32 $0.0e+00, v3;
	v4 =	vsub.f32 v1, v4  }
0x30b: {  	v8 =	vld [tilespmem:s17+$0x15550];
	[tilespmem:s6+$0x1CD50] =	vst v5;
	v5 =	vsub.f32 $0.0e+00, v5  }
0x30c: {  	v11 =	vld [tilespmem:s17+$0x18550];
	v2 =	vadd.f32 v9, v2;
	[tilespmem:s6+$0x1E540] =	vst v3;
	v9 =	vsub.f32 $0.0e+00, v4  }
0x30d: {  	v1 =	vld [tilespmem:s17+$0x15560];
	[tilespmem:s6+$0x1E550] =	vst v5  }
.Ltmp8:
0x30e: {  	v3 =	vld [tilespmem:s17+$0x18560];
	v2 =	vsub.f32 v2, v6;
	[tilespmem:s6+$0x1E560] =	vst v9;
	(pc) =	sbr.rel @p0 .LBB2_17-.Ltmp8, $4  }
0x30f: {  	v7 =	vadd.f32 v7, v10;
	v6 =	vld [tilespmem:s17+$0x1B540];
	[tilespmem:s6+$0x1CD60] =	vst v4;
	s6 =	smov.u32 s17  }
0x310: {  	v5 =	vld [tilespmem:s6+$0x1B550];
	[tilespmem:s6+$0x1CD70] =	vst v2;
	v9 =	vsub.f32 $0.0e+00, v2  }
0x311: {  	s17 =	sshra.s32 s3, $0x2;
	v8 =	vadd.f32 v11, v8;
	v4 =	vld [tilespmem:s6+$0x1B560]  }
0x312: {  	s3 =	sadd.s32 $0x100, s3;
	v2 =	vld [tilespmem:s17+$0x15570];
	[tilespmem:s6+$0x1E570] =	vst v9  }
0x313: {  	v9 =	vld [tilespmem:s17+$0x18570]  }
0x314: {  	v10 =	vld [tilespmem:s17+$0x15540];
	v1 =	vadd.f32 v3, v1;
	v6 =	vsub.f32 v7, v6  }
0x315: {  	v56 =	vld [tilespmem:s17+$0x1B570];
	v5 =	vsub.f32 v8, v5  }
0x316: {  	v11 =	vld [tilespmem:s17+$0x18540];
	[tilespmem:s6+$0x1CD40] =	vst v6;
	v3 =	vsub.f32 $0.0e+00, v6;
	v1 =	vsub.f32 v1, v4  }
0x317: {  	v57 =	vld [tilespmem:s17+$0x15550];
	[tilespmem:s6+$0x1CD50] =	vst v5;
	v59 =	vsub.f32 $0.0e+00, v5  }
0x318: {  	v58 =	vld [tilespmem:s17+$0x18550];
	[tilespmem:s6+$0x1E540] =	vst v3;
	v60 =	vsub.f32 $0.0e+00, v1  }
0x319: {  	v3 =	vld [tilespmem:s17+$0x15560];
	[tilespmem:s6+$0x1E550] =	vst v59  }
0x31a: {  	v4 =	vld [tilespmem:s17+$0x18560];
	[tilespmem:s6+$0x1E560] =	vst v60  }
0x31b: {  	v2 =	vadd.f32 v9, v2;
	v5 =	vld [tilespmem:s17+$0x1B540];
	[tilespmem:s6+$0x1CD60] =	vst v1  }
0x31c: {  	v1 =	vld [tilespmem:s17+$0x1B550]  }
0x31d: {  	v2 =	vsub.f32 v2, v56;
	v61 =	vld [tilespmem:s17+$0x1B560]  }
0x31e: {  	v62 =	vadd.f32 v11, v10  }
0x31f: {  	[tilespmem:s17+$0x1CD70] =	vst v2;
	v2 =	vsub.f32 $0.0e+00, v2;
	v6 =	vadd.f32 v58, v57  }
0x320: {  	v3 =	vadd.f32 v4, v3;
	v63 =	vsub.f32 v62, v5  }
0x321: {  	[tilespmem:s17+$0x1E570] =	vst v2;
	v1 =	vsub.f32 v6, v1  }
0x322: {  	v3 =	vsub.f32 v3, v61;
	[tilespmem:s17+$0x1CD40] =	vst v63  }
0x323: {  	v2 =	vsub.f32 $0.0e+00, v63;
	[tilespmem:s17+$0x1CD50] =	vst v1  }
0x324: {  	v1 =	vsub.f32 $0.0e+00, v1;
	[tilespmem:s17+$0x1CD60] =	vst v3  }
0x325: {  	[tilespmem:s17+$0x1E540] =	vst v2;
	v2 =	vsub.f32 $0.0e+00, v3  }
0x326: {  	[tilespmem:s17+$0x1E550] =	vst v1  }
0x327: {  	s8 =	simm.s32 $0x13980;
	[tilespmem:s17+$0x1E560] =	vst v2  }
0x328: {  	[spmem:s12] =	stream.indirect.scatter.add.f32 [tilespmem:s29], [sflag:$0x6], $0x40, s8, s10, $0xb8;
	[tilespmem:$0x1FD40] =	vst v63  }
.Ltmp9:
0x329: {  	_ = 	snop;
	(pc) =	sbr.rel .LBB2_2-.Ltmp9, $4  }
0x32a: {  	_ = 	snop  }
0x32b: {  	[spmem:s12] =	stream.indirect.scatter.add.f32 [tilespmem:s30], [sflag:$0x6], $0x40, s9, s10, $0xb8;
	[tilespmem:$0x1FD40] =	vst v63  }
0x32c: {  	s13 =	simm.s32 $0x13BC0;
	s5 =	sadd.s32 $0x1, s5;
	s9 =	simm.s32 $0x13AA0  }
0x32d: {  	[spmem:s15] =	stream.indirect.scatter.add.f32 [tilespmem:s29], [sflag:$0x6], $0x40, s9, s10, $0xb8;
	[tilespmem:$0x1FD40] =	vst v63  }
.LBB2_19:
0x32e: {  	_ =	swait.ge [sflag:s1], $0x1800  }
0x32f: {  	[sflag:s1] =	ssyncset.done $0x0  }
0x330: {  	[sflag:s1] =	ssyncadd.s32 $0xFFFFE800  }
0x331: {  	_ =	swait.ge [sflag:s1], $0x1800  }
0x332: {  	[sflag:s1] =	ssyncset.done $0x0  }
0x333: {  	[sflag:s1] =	ssyncadd.s32 $0xFFFFE800  }
0x334: {  	_ =	swait.ge [sflag:s1], $0x1800  }
0x335: {  	[sflag:s1] =	ssyncset.done $0x0  }
0x336: {  	[sflag:s1] =	ssyncadd.s32 $0xFFFFE800  }
0x337: {  	[bflag:$0x0] =	sbarrier.arrive $0xFFFF  }
0x338: {  	s7 =	simm.s32 $0x7;
	s3 =	rddreg [dreg:$0x15]  }
0x339: {  	[tilespmem:s2], [sflag:$0x7] =	stream.linear.gather [spmem:s3], $0x1800, $0x38;
	[tilespmem:$0x1FD40] =	vst v63  }
0x33a: {  	_ =	swait.ge [sflag:s7], $0x1800  }
0x33b: {  	[sflag:s7] =	ssyncset.done $0x0  }
0x33c: {  	s3 =	simm.s32 $0x0;
	[sflag:s7] =	ssyncadd.s32 $0xFFFFE800  }
0x33d: {  	v3 =	vld [tilespmem:s3+$0x13D40]  }
0x33e: {  	v2 =	vld [tilespmem:s3+$0x13D50]  }
0x33f: {  	s5 =	simm.s32 $0x100;
	v1 =	vld [tilespmem:s3+$0x13D60]  }
.LBB2_20:
0x340: {  	p0 =	sne.s32 s5, $0x5F00;
	v4 =	vld [tilespmem:s3+$0x13D70];
	_ =	sdelay $0x1  }
.Ltmp10:
0x341: {  	v3 =	vmax.f32 v3, $0.0e+00;
	(pc) =	sbr.rel @p0 .LBB2_20-.Ltmp10, $4  }
0x342: {  	s6 =	sshra.s32 s5, $0x2;
	[tilespmem:s3+$0x13D40] =	vst v3;
	v2 =	vmax.f32 v2, $0.0e+00  }
0x343: {  	v3 =	vld [tilespmem:s6+$0x13D40];
	[tilespmem:s3+$0x13D50] =	vst v2;
	v1 =	vmax.f32 v1, $0.0e+00  }
0x344: {  	v2 =	vld [tilespmem:s6+$0x13D50];
	[tilespmem:s3+$0x13D60] =	vst v1;
	v4 =	vmax.f32 v4, $0.0e+00  }
0x345: {  	s5 =	sadd.s32 $0x100, s5;
	v1 =	vld [tilespmem:s6+$0x13D60];
	[tilespmem:s3+$0x13D70] =	vst v4;
	s3 =	smov.u32 s6  }
0x346: {  	v4 =	vld [tilespmem:s3+$0x13D70];
	_ =	sdelay $0x1  }
0x347: {  	v3 =	vmax.f32 v3, $0.0e+00  }
0x348: {  	[tilespmem:s3+$0x13D40] =	vst v3;
	v2 =	vmax.f32 v2, $0.0e+00  }
0x349: {  	[tilespmem:s3+$0x13D50] =	vst v2;
	v1 =	vmax.f32 v1, $0.0e+00  }
0x34a: {  	[tilespmem:s3+$0x13D60] =	vst v1;
	v1 =	vmax.f32 v4, $0.0e+00  }
0x34b: {  	s13 =	simm.s32 $0x0;
	s5 =	rddreg [dreg:$0x6];
	[tilespmem:s3+$0x13D70] =	vst v1  }
0x34c: {  	[hbm4b:s5+s13] =	stream.linear.scatter [tilespmem:s2], [sflag:$0x7], $0x1800, $0x38;
	[tilespmem:$0x1FD40] =	vst v63  }
0x34d: {  	_ =	swait.ge [sflag:s7], $0x1800  }
0x34e: {  	[sflag:s7] =	ssyncset.done $0x0  }
0x34f: {  	s17 =	rddreg [dreg:$0x1f];
	[sflag:s7] =	ssyncadd.s32 $0xFFFFE800  }
0x350: {  	[tilespmem:s2], [sflag:$0x7] =	stream.linear.gather [spmem:s17], $0x1800, $0x38;
	[tilespmem:$0x1FD40] =	vst v63  }
0x351: {  	_ =	swait.ge [sflag:s7], $0x1800  }
0x352: {  	[sflag:s7] =	ssyncset.done $0x0  }
0x353: {  	s3 =	simm.s32 $0x0;
	[sflag:s7] =	ssyncadd.s32 $0xFFFFE800  }
0x354: {  	v3 =	vld [tilespmem:s3+$0x13D40]  }
0x355: {  	v2 =	vld [tilespmem:s3+$0x13D50]  }
0x356: {  	s28 =	simm.s32 $0x0;
	s5 =	simm.s32 $0x100;
	v1 =	vld [tilespmem:s3+$0x13D60]  }
.LBB2_22:
0x357: {  	p0 =	sne.s32 s5, $0x5F00;
	v4 =	vld [tilespmem:s3+$0x13D70];
	_ =	sdelay $0x1  }
.Ltmp11:
0x358: {  	v3 =	vmax.f32 v3, $0.0e+00;
	(pc) =	sbr.rel @p0 .LBB2_22-.Ltmp11, $4  }
0x359: {  	s6 =	sshra.s32 s5, $0x2;
	[tilespmem:s3+$0x13D40] =	vst v3;
	v2 =	vmax.f32 v2, $0.0e+00  }
0x35a: {  	v3 =	vld [tilespmem:s6+$0x13D40];
	[tilespmem:s3+$0x13D50] =	vst v2;
	v1 =	vmax.f32 v1, $0.0e+00  }
0x35b: {  	v2 =	vld [tilespmem:s6+$0x13D50];
	[tilespmem:s3+$0x13D60] =	vst v1;
	v4 =	vmax.f32 v4, $0.0e+00  }
0x35c: {  	s5 =	sadd.s32 $0x100, s5;
	v1 =	vld [tilespmem:s6+$0x13D60];
	[tilespmem:s3+$0x13D70] =	vst v4;
	s3 =	smov.u32 s6  }
0x35d: {  	v4 =	vld [tilespmem:s3+$0x13D70];
	_ =	sdelay $0x1  }
0x35e: {  	v3 =	vmax.f32 v3, $0.0e+00  }
0x35f: {  	[tilespmem:s3+$0x13D40] =	vst v3;
	v2 =	vmax.f32 v2, $0.0e+00  }
0x360: {  	[tilespmem:s3+$0x13D50] =	vst v2;
	v1 =	vmax.f32 v1, $0.0e+00  }
0x361: {  	[tilespmem:s3+$0x13D60] =	vst v1;
	v1 =	vmax.f32 v4, $0.0e+00  }
0x362: {  	s13 =	simm.s32 $0x0;
	s5 =	rddreg [dreg:$0x7];
	[tilespmem:s3+$0x13D70] =	vst v1  }
0x363: {  	[hbm4b:s5+s13] =	stream.linear.scatter [tilespmem:s2], [sflag:$0x7], $0x1800, $0x38;
	[tilespmem:$0x1FD40] =	vst v63  }
0x364: {  	_ =	swait.ge [sflag:s7], $0x1800  }
0x365: {  	s17 =	sld [smem:$0x7ED]  }
0x366: {  	[sflag:s7] =	ssyncset.done $0x0  }
0x367: {  	[sflag:s7] =	ssyncadd.s32 $0xFFFFE800  }
0x368: {  	[tilespmem:s2], [sflag:$0x7] =	stream.linear.gather [spmem:s17], $0x1800, $0x38;
	[tilespmem:$0x1FD40] =	vst v63  }
0x369: {  	_ =	swait.ge [sflag:s7], $0x1800  }
0x36a: {  	[sflag:s7] =	ssyncset.done $0x0  }
0x36b: {  	s3 =	simm.s32 $0x0;
	[sflag:s7] =	ssyncadd.s32 $0xFFFFE800  }
0x36c: {  	v3 =	vld [tilespmem:s3+$0x13D40]  }
0x36d: {  	v2 =	vld [tilespmem:s3+$0x13D50]  }
0x36e: {  	s5 =	simm.s32 $0x100;
	v1 =	vld [tilespmem:s3+$0x13D60]  }
.LBB2_24:
0x36f: {  	p0 =	sne.s32 s5, $0x5F00;
	v4 =	vld [tilespmem:s3+$0x13D70];
	_ =	sdelay $0x1  }
.Ltmp12:
0x370: {  	v3 =	vmax.f32 v3, $0.0e+00;
	(pc) =	sbr.rel @p0 .LBB2_24-.Ltmp12, $4  }
0x371: {  	s6 =	sshra.s32 s5, $0x2;
	[tilespmem:s3+$0x13D40] =	vst v3;
	v2 =	vmax.f32 v2, $0.0e+00  }
0x372: {  	v3 =	vld [tilespmem:s6+$0x13D40];
	[tilespmem:s3+$0x13D50] =	vst v2;
	v1 =	vmax.f32 v1, $0.0e+00  }
0x373: {  	v2 =	vld [tilespmem:s6+$0x13D50];
	[tilespmem:s3+$0x13D60] =	vst v1;
	v4 =	vmax.f32 v4, $0.0e+00  }
0x374: {  	s5 =	sadd.s32 $0x100, s5;
	v1 =	vld [tilespmem:s6+$0x13D60];
	[tilespmem:s3+$0x13D70] =	vst v4;
	s3 =	smov.u32 s6  }
0x375: {  	v4 =	vld [tilespmem:s3+$0x13D70];
	_ =	sdelay $0x1  }
0x376: {  	v3 =	vmax.f32 v3, $0.0e+00  }
0x377: {  	[tilespmem:s3+$0x13D40] =	vst v3;
	v2 =	vmax.f32 v2, $0.0e+00  }
0x378: {  	[tilespmem:s3+$0x13D50] =	vst v2;
	v1 =	vmax.f32 v1, $0.0e+00  }
0x379: {  	[tilespmem:s3+$0x13D60] =	vst v1;
	v1 =	vmax.f32 v4, $0.0e+00  }
0x37a: {  	s13 =	simm.s32 $0x0;
	s5 =	rddreg [dreg:$0x8];
	[tilespmem:s3+$0x13D70] =	vst v1  }
0x37b: {  	[hbm4b:s5+s13] =	stream.linear.scatter [tilespmem:s2], [sflag:$0x7], $0x1800, $0x38;
	[tilespmem:$0x1FD40] =	vst v63  }
0x37c: {  	_ =	swait.ge [sflag:s7], $0x1800  }
0x37d: {  	s17 =	sld [smem:$0x7EF]  }
0x37e: {  	[sflag:s7] =	ssyncset.done $0x0  }
0x37f: {  	[sflag:s7] =	ssyncadd.s32 $0xFFFFE800  }
0x380: {  	[tilespmem:s2], [sflag:$0x7] =	stream.linear.gather [spmem:s17], $0x1800, $0x38;
	[tilespmem:$0x1FD40] =	vst v63  }
0x381: {  	_ =	swait.ge [sflag:s7], $0x1800  }
0x382: {  	[sflag:s7] =	ssyncset.done $0x0  }
0x383: {  	s3 =	simm.s32 $0x0;
	[sflag:s7] =	ssyncadd.s32 $0xFFFFE800  }
0x384: {  	v3 =	vld [tilespmem:s3+$0x13D40]  }
0x385: {  	v2 =	vld [tilespmem:s3+$0x13D50]  }
0x386: {  	s5 =	simm.s32 $0x100;
	v1 =	vld [tilespmem:s3+$0x13D60]  }
.LBB2_26:
0x387: {  	p0 =	sne.s32 s5, $0x5F00;
	v4 =	vld [tilespmem:s3+$0x13D70];
	_ =	sdelay $0x1  }
.Ltmp13:
0x388: {  	v3 =	vmax.f32 v3, $0.0e+00;
	(pc) =	sbr.rel @p0 .LBB2_26-.Ltmp13, $4  }
0x389: {  	s6 =	sshra.s32 s5, $0x2;
	[tilespmem:s3+$0x13D40] =	vst v3;
	v2 =	vmax.f32 v2, $0.0e+00  }
0x38a: {  	v3 =	vld [tilespmem:s6+$0x13D40];
	[tilespmem:s3+$0x13D50] =	vst v2;
	v1 =	vmax.f32 v1, $0.0e+00  }
0x38b: {  	v2 =	vld [tilespmem:s6+$0x13D50];
	[tilespmem:s3+$0x13D60] =	vst v1;
	v4 =	vmax.f32 v4, $0.0e+00  }
0x38c: {  	s5 =	sadd.s32 $0x100, s5;
	v1 =	vld [tilespmem:s6+$0x13D60];
	[tilespmem:s3+$0x13D70] =	vst v4;
	s3 =	smov.u32 s6  }
0x38d: {  	v4 =	vld [tilespmem:s3+$0x13D70];
	_ =	sdelay $0x1  }
0x38e: {  	v3 =	vmax.f32 v3, $0.0e+00  }
0x38f: {  	[tilespmem:s3+$0x13D40] =	vst v3;
	v2 =	vmax.f32 v2, $0.0e+00  }
0x390: {  	[tilespmem:s3+$0x13D50] =	vst v2;
	v1 =	vmax.f32 v1, $0.0e+00  }
0x391: {  	[tilespmem:s3+$0x13D60] =	vst v1;
	v1 =	vmax.f32 v4, $0.0e+00  }
0x392: {  	s13 =	simm.s32 $0x0;
	s5 =	rddreg [dreg:$0x9];
	[tilespmem:s3+$0x13D70] =	vst v1  }
0x393: {  	[hbm4b:s5+s13] =	stream.linear.scatter [tilespmem:s2], [sflag:$0x7], $0x1800, $0x38;
	[tilespmem:$0x1FD40] =	vst v63  }
0x394: {  	_ =	swait.ge [sflag:s7], $0x1800  }
0x395: {  	s17 =	sld [smem:$0x7F1]  }
0x396: {  	[sflag:s7] =	ssyncset.done $0x0  }
0x397: {  	[sflag:s7] =	ssyncadd.s32 $0xFFFFE800  }
0x398: {  	[tilespmem:s2], [sflag:$0x7] =	stream.linear.gather [spmem:s17], $0x1800, $0x38;
	[tilespmem:$0x1FD40] =	vst v63  }
0x399: {  	_ =	swait.ge [sflag:s7], $0x1800  }
0x39a: {  	[sflag:s7] =	ssyncset.done $0x0  }
0x39b: {  	s3 =	simm.s32 $0x0;
	[sflag:s7] =	ssyncadd.s32 $0xFFFFE800  }
0x39c: {  	v3 =	vld [tilespmem:s3+$0x13D40]  }
0x39d: {  	v2 =	vld [tilespmem:s3+$0x13D50]  }
0x39e: {  	s5 =	simm.s32 $0x100;
	v1 =	vld [tilespmem:s3+$0x13D60]  }
.LBB2_28:
0x39f: {  	p0 =	sne.s32 s5, $0x5F00;
	v4 =	vld [tilespmem:s3+$0x13D70];
	_ =	sdelay $0x1  }
.Ltmp14:
0x3a0: {  	v3 =	vmax.f32 v3, $0.0e+00;
	(pc) =	sbr.rel @p0 .LBB2_28-.Ltmp14, $4  }
0x3a1: {  	s6 =	sshra.s32 s5, $0x2;
	[tilespmem:s3+$0x13D40] =	vst v3;
	v2 =	vmax.f32 v2, $0.0e+00  }
0x3a2: {  	v3 =	vld [tilespmem:s6+$0x13D40];
	[tilespmem:s3+$0x13D50] =	vst v2;
	v1 =	vmax.f32 v1, $0.0e+00  }
0x3a3: {  	v2 =	vld [tilespmem:s6+$0x13D50];
	[tilespmem:s3+$0x13D60] =	vst v1;
	v4 =	vmax.f32 v4, $0.0e+00  }
0x3a4: {  	s5 =	sadd.s32 $0x100, s5;
	v1 =	vld [tilespmem:s6+$0x13D60];
	[tilespmem:s3+$0x13D70] =	vst v4;
	s3 =	smov.u32 s6  }
0x3a5: {  	v4 =	vld [tilespmem:s3+$0x13D70];
	_ =	sdelay $0x1  }
0x3a6: {  	v3 =	vmax.f32 v3, $0.0e+00  }
0x3a7: {  	[tilespmem:s3+$0x13D40] =	vst v3;
	v2 =	vmax.f32 v2, $0.0e+00  }
0x3a8: {  	[tilespmem:s3+$0x13D50] =	vst v2;
	v1 =	vmax.f32 v1, $0.0e+00  }
0x3a9: {  	[tilespmem:s3+$0x13D60] =	vst v1;
	v1 =	vmax.f32 v4, $0.0e+00  }
0x3aa: {  	s13 =	simm.s32 $0x0;
	s5 =	rddreg [dreg:$0xa];
	[tilespmem:s3+$0x13D70] =	vst v1  }
0x3ab: {  	[hbm4b:s5+s13] =	stream.linear.scatter [tilespmem:s2], [sflag:$0x7], $0x1800, $0x38;
	[tilespmem:$0x1FD40] =	vst v63  }
0x3ac: {  	_ =	swait.ge [sflag:s7], $0x1800  }
0x3ad: {  	s17 =	sld [smem:$0x7F3]  }
0x3ae: {  	[sflag:s7] =	ssyncset.done $0x0  }
0x3af: {  	[sflag:s7] =	ssyncadd.s32 $0xFFFFE800  }
0x3b0: {  	[tilespmem:s2], [sflag:$0x7] =	stream.linear.gather [spmem:s17], $0x1800, $0x38;
	[tilespmem:$0x1FD40] =	vst v63  }
0x3b1: {  	_ =	swait.ge [sflag:s7], $0x1800  }
0x3b2: {  	[sflag:s7] =	ssyncset.done $0x0  }
0x3b3: {  	s3 =	simm.s32 $0x0;
	[sflag:s7] =	ssyncadd.s32 $0xFFFFE800  }
0x3b4: {  	v3 =	vld [tilespmem:s3+$0x13D40]  }
0x3b5: {  	v2 =	vld [tilespmem:s3+$0x13D50]  }
0x3b6: {  	s5 =	simm.s32 $0x100;
	v1 =	vld [tilespmem:s3+$0x13D60]  }
.LBB2_30:
0x3b7: {  	p0 =	sne.s32 s5, $0x5F00;
	v4 =	vld [tilespmem:s3+$0x13D70];
	_ =	sdelay $0x1  }
.Ltmp15:
0x3b8: {  	v3 =	vmax.f32 v3, $0.0e+00;
	(pc) =	sbr.rel @p0 .LBB2_30-.Ltmp15, $4  }
0x3b9: {  	s6 =	sshra.s32 s5, $0x2;
	[tilespmem:s3+$0x13D40] =	vst v3;
	v2 =	vmax.f32 v2, $0.0e+00  }
0x3ba: {  	v3 =	vld [tilespmem:s6+$0x13D40];
	[tilespmem:s3+$0x13D50] =	vst v2;
	v1 =	vmax.f32 v1, $0.0e+00  }
0x3bb: {  	v2 =	vld [tilespmem:s6+$0x13D50];
	[tilespmem:s3+$0x13D60] =	vst v1;
	v4 =	vmax.f32 v4, $0.0e+00  }
0x3bc: {  	s5 =	sadd.s32 $0x100, s5;
	v1 =	vld [tilespmem:s6+$0x13D60];
	[tilespmem:s3+$0x13D70] =	vst v4;
	s3 =	smov.u32 s6  }
0x3bd: {  	v4 =	vld [tilespmem:s3+$0x13D70];
	_ =	sdelay $0x1  }
0x3be: {  	v3 =	vmax.f32 v3, $0.0e+00  }
0x3bf: {  	[tilespmem:s3+$0x13D40] =	vst v3;
	v2 =	vmax.f32 v2, $0.0e+00  }
0x3c0: {  	[tilespmem:s3+$0x13D50] =	vst v2;
	v1 =	vmax.f32 v1, $0.0e+00  }
0x3c1: {  	[tilespmem:s3+$0x13D60] =	vst v1;
	v1 =	vmax.f32 v4, $0.0e+00  }
0x3c2: {  	s13 =	simm.s32 $0x0;
	s5 =	rddreg [dreg:$0xb];
	[tilespmem:s3+$0x13D70] =	vst v1  }
0x3c3: {  	[hbm4b:s5+s13] =	stream.linear.scatter [tilespmem:s2], [sflag:$0x7], $0x1800, $0x38;
	[tilespmem:$0x1FD40] =	vst v63  }
0x3c4: {  	_ =	swait.ge [sflag:s7], $0x1800  }
0x3c5: {  	s17 =	sld [smem:$0x7F5]  }
0x3c6: {  	[sflag:s7] =	ssyncset.done $0x0  }
0x3c7: {  	[sflag:s7] =	ssyncadd.s32 $0xFFFFE800  }
0x3c8: {  	[tilespmem:s2], [sflag:$0x7] =	stream.linear.gather [spmem:s17], $0xC40, $0x38;
	[tilespmem:$0x1FD40] =	vst v63  }
0x3c9: {  	_ =	swait.ge [sflag:s7], $0xC40  }
0x3ca: {  	[sflag:s7] =	ssyncset.done $0x0  }
0x3cb: {  	s3 =	simm.s32 $0x0;
	[sflag:s7] =	ssyncadd.s32 $0xFFFFF3C0  }
0x3cc: {  	v3 =	vld [tilespmem:s3+$0x13D40]  }
0x3cd: {  	v2 =	vld [tilespmem:s3+$0x13D50]  }
0x3ce: {  	s5 =	simm.s32 $0x100;
	v1 =	vld [tilespmem:s3+$0x13D60]  }
.LBB2_32:
0x3cf: {  	p0 =	sne.s32 s5, $0x3000;
	v4 =	vld [tilespmem:s3+$0x13D70];
	_ =	sdelay $0x1  }
.Ltmp16:
0x3d0: {  	v3 =	vmax.f32 v3, $0.0e+00;
	(pc) =	sbr.rel @p0 .LBB2_32-.Ltmp16, $4  }
0x3d1: {  	s6 =	sshra.s32 s5, $0x2;
	[tilespmem:s3+$0x13D40] =	vst v3;
	v2 =	vmax.f32 v2, $0.0e+00  }
0x3d2: {  	v3 =	vld [tilespmem:s6+$0x13D40];
	[tilespmem:s3+$0x13D50] =	vst v2;
	v1 =	vmax.f32 v1, $0.0e+00  }
0x3d3: {  	v2 =	vld [tilespmem:s6+$0x13D50];
	[tilespmem:s3+$0x13D60] =	vst v1;
	v4 =	vmax.f32 v4, $0.0e+00  }
0x3d4: {  	s5 =	sadd.s32 $0x100, s5;
	v1 =	vld [tilespmem:s6+$0x13D60];
	[tilespmem:s3+$0x13D70] =	vst v4;
	s3 =	smov.u32 s6  }
0x3d5: {  	v4 =	vld [tilespmem:s3+$0x13D70];
	_ =	sdelay $0x1  }
0x3d6: {  	v3 =	vmax.f32 v3, $0.0e+00  }
0x3d7: {  	[tilespmem:s3+$0x13D40] =	vst v3;
	v2 =	vmax.f32 v2, $0.0e+00  }
0x3d8: {  	[tilespmem:s3+$0x13D50] =	vst v2;
	v1 =	vmax.f32 v1, $0.0e+00  }
0x3d9: {  	[tilespmem:s3+$0x13D60] =	vst v1;
	v1 =	vmax.f32 v4, $0.0e+00  }
0x3da: {  	s13 =	simm.s32 $0x0;
	s5 =	rddreg [dreg:$0xc];
	[tilespmem:s3+$0x13D70] =	vst v1  }
0x3db: {  	[hbm4b:s5+s13] =	stream.linear.scatter [tilespmem:s2], [sflag:$0x7], $0xC40, $0x38;
	[tilespmem:$0x1FD40] =	vst v63  }
0x3dc: {  	_ =	swait.ge [sflag:s7], $0xC40  }
0x3dd: {  	[sflag:s7] =	ssyncset.done $0x0  }
0x3de: {  	s17 =	rddreg [dreg:$0x16];
	[sflag:s7] =	ssyncadd.s32 $0xFFFFF3C0  }
0x3df: {  	[tilespmem:s2], [sflag:$0x7] =	stream.linear.gather [spmem:s17], $0x1800, $0x38;
	[tilespmem:$0x1FD40] =	vst v63  }
0x3e0: {  	_ =	swait.ge [sflag:s7], $0x1800  }
0x3e1: {  	[sflag:s7] =	ssyncset.done $0x0  }
0x3e2: {  	s3 =	simm.s32 $0x0;
	[sflag:s7] =	ssyncadd.s32 $0xFFFFE800  }
0x3e3: {  	v3 =	vld [tilespmem:s3+$0x13D40]  }
0x3e4: {  	v2 =	vld [tilespmem:s3+$0x13D50]  }
0x3e5: {  	s5 =	simm.s32 $0x100;
	v1 =	vld [tilespmem:s3+$0x13D60]  }
.LBB2_34:
0x3e6: {  	p0 =	sne.s32 s5, $0x5F00;
	v4 =	vld [tilespmem:s3+$0x13D70];
	_ =	sdelay $0x1  }
.Ltmp17:
0x3e7: {  	v3 =	vmax.f32 v3, $0.0e+00;
	(pc) =	sbr.rel @p0 .LBB2_34-.Ltmp17, $4  }
0x3e8: {  	s6 =	sshra.s32 s5, $0x2;
	[tilespmem:s3+$0x13D40] =	vst v3;
	v2 =	vmax.f32 v2, $0.0e+00  }
0x3e9: {  	v3 =	vld [tilespmem:s6+$0x13D40];
	[tilespmem:s3+$0x13D50] =	vst v2;
	v1 =	vmax.f32 v1, $0.0e+00  }
0x3ea: {  	v2 =	vld [tilespmem:s6+$0x13D50];
	[tilespmem:s3+$0x13D60] =	vst v1;
	v4 =	vmax.f32 v4, $0.0e+00  }
0x3eb: {  	s5 =	sadd.s32 $0x100, s5;
	v1 =	vld [tilespmem:s6+$0x13D60];
	[tilespmem:s3+$0x13D70] =	vst v4;
	s3 =	smov.u32 s6  }
0x3ec: {  	v4 =	vld [tilespmem:s3+$0x13D70];
	_ =	sdelay $0x1  }
0x3ed: {  	v3 =	vmax.f32 v3, $0.0e+00  }
0x3ee: {  	[tilespmem:s3+$0x13D40] =	vst v3;
	v2 =	vmax.f32 v2, $0.0e+00  }
0x3ef: {  	[tilespmem:s3+$0x13D50] =	vst v2;
	v1 =	vmax.f32 v1, $0.0e+00  }
0x3f0: {  	[tilespmem:s3+$0x13D60] =	vst v1;
	v1 =	vmax.f32 v4, $0.0e+00  }
0x3f1: {  	s13 =	simm.s32 $0x0;
	s5 =	rddreg [dreg:$0xd];
	[tilespmem:s3+$0x13D70] =	vst v1  }
0x3f2: {  	[hbm4b:s5+s13] =	stream.linear.scatter [tilespmem:s2], [sflag:$0x7], $0x1800, $0x38;
	[tilespmem:$0x1FD40] =	vst v63  }
0x3f3: {  	_ =	swait.ge [sflag:s7], $0x1800  }
0x3f4: {  	s17 =	sld [smem:$0x7EC]  }
0x3f5: {  	[sflag:s7] =	ssyncset.done $0x0  }
0x3f6: {  	[sflag:s7] =	ssyncadd.s32 $0xFFFFE800  }
0x3f7: {  	[tilespmem:s2], [sflag:$0x7] =	stream.linear.gather [spmem:s17], $0x1800, $0x38;
	[tilespmem:$0x1FD40] =	vst v63  }
0x3f8: {  	_ =	swait.ge [sflag:s7], $0x1800  }
0x3f9: {  	[sflag:s7] =	ssyncset.done $0x0  }
0x3fa: {  	s3 =	simm.s32 $0x0;
	[sflag:s7] =	ssyncadd.s32 $0xFFFFE800  }
0x3fb: {  	v3 =	vld [tilespmem:s3+$0x13D40]  }
0x3fc: {  	v2 =	vld [tilespmem:s3+$0x13D50]  }
0x3fd: {  	s5 =	simm.s32 $0x100;
	v1 =	vld [tilespmem:s3+$0x13D60]  }
.LBB2_36:
0x3fe: {  	p0 =	sne.s32 s5, $0x5F00;
	v4 =	vld [tilespmem:s3+$0x13D70];
	_ =	sdelay $0x1  }
.Ltmp18:
0x3ff: {  	v3 =	vmax.f32 v3, $0.0e+00;
	(pc) =	sbr.rel @p0 .LBB2_36-.Ltmp18, $4  }
0x400: {  	s6 =	sshra.s32 s5, $0x2;
	[tilespmem:s3+$0x13D40] =	vst v3;
	v2 =	vmax.f32 v2, $0.0e+00  }
0x401: {  	v3 =	vld [tilespmem:s6+$0x13D40];
	[tilespmem:s3+$0x13D50] =	vst v2;
	v1 =	vmax.f32 v1, $0.0e+00  }
0x402: {  	v2 =	vld [tilespmem:s6+$0x13D50];
	[tilespmem:s3+$0x13D60] =	vst v1;
	v4 =	vmax.f32 v4, $0.0e+00  }
0x403: {  	s5 =	sadd.s32 $0x100, s5;
	v1 =	vld [tilespmem:s6+$0x13D60];
	[tilespmem:s3+$0x13D70] =	vst v4;
	s3 =	smov.u32 s6  }
0x404: {  	v4 =	vld [tilespmem:s3+$0x13D70];
	_ =	sdelay $0x1  }
0x405: {  	v3 =	vmax.f32 v3, $0.0e+00  }
0x406: {  	[tilespmem:s3+$0x13D40] =	vst v3;
	v2 =	vmax.f32 v2, $0.0e+00  }
0x407: {  	[tilespmem:s3+$0x13D50] =	vst v2;
	v1 =	vmax.f32 v1, $0.0e+00  }
0x408: {  	[tilespmem:s3+$0x13D60] =	vst v1;
	v1 =	vmax.f32 v4, $0.0e+00  }
0x409: {  	s13 =	simm.s32 $0x0;
	s5 =	rddreg [dreg:$0xe];
	[tilespmem:s3+$0x13D70] =	vst v1  }
0x40a: {  	[hbm4b:s5+s13] =	stream.linear.scatter [tilespmem:s2], [sflag:$0x7], $0x1800, $0x38;
	[tilespmem:$0x1FD40] =	vst v63  }
0x40b: {  	_ =	swait.ge [sflag:s7], $0x1800  }
0x40c: {  	s17 =	sld [smem:$0x7EE]  }
0x40d: {  	[sflag:s7] =	ssyncset.done $0x0  }
0x40e: {  	[sflag:s7] =	ssyncadd.s32 $0xFFFFE800  }
0x40f: {  	[tilespmem:s2], [sflag:$0x7] =	stream.linear.gather [spmem:s17], $0x1800, $0x38;
	[tilespmem:$0x1FD40] =	vst v63  }
0x410: {  	_ =	swait.ge [sflag:s7], $0x1800  }
0x411: {  	[sflag:s7] =	ssyncset.done $0x0  }
0x412: {  	s3 =	simm.s32 $0x0;
	[sflag:s7] =	ssyncadd.s32 $0xFFFFE800  }
0x413: {  	v3 =	vld [tilespmem:s3+$0x13D40]  }
0x414: {  	v2 =	vld [tilespmem:s3+$0x13D50]  }
0x415: {  	s5 =	simm.s32 $0x100;
	v1 =	vld [tilespmem:s3+$0x13D60]  }
.LBB2_38:
0x416: {  	p0 =	sne.s32 s5, $0x5F00;
	v4 =	vld [tilespmem:s3+$0x13D70];
	_ =	sdelay $0x1  }
.Ltmp19:
0x417: {  	v3 =	vmax.f32 v3, $0.0e+00;
	(pc) =	sbr.rel @p0 .LBB2_38-.Ltmp19, $4  }
0x418: {  	s6 =	sshra.s32 s5, $0x2;
	[tilespmem:s3+$0x13D40] =	vst v3;
	v2 =	vmax.f32 v2, $0.0e+00  }
0x419: {  	v3 =	vld [tilespmem:s6+$0x13D40];
	[tilespmem:s3+$0x13D50] =	vst v2;
	v1 =	vmax.f32 v1, $0.0e+00  }
0x41a: {  	v2 =	vld [tilespmem:s6+$0x13D50];
	[tilespmem:s3+$0x13D60] =	vst v1;
	v4 =	vmax.f32 v4, $0.0e+00  }
0x41b: {  	s5 =	sadd.s32 $0x100, s5;
	v1 =	vld [tilespmem:s6+$0x13D60];
	[tilespmem:s3+$0x13D70] =	vst v4;
	s3 =	smov.u32 s6  }
0x41c: {  	v4 =	vld [tilespmem:s3+$0x13D70];
	_ =	sdelay $0x1  }
0x41d: {  	v3 =	vmax.f32 v3, $0.0e+00  }
0x41e: {  	[tilespmem:s3+$0x13D40] =	vst v3;
	v2 =	vmax.f32 v2, $0.0e+00  }
0x41f: {  	[tilespmem:s3+$0x13D50] =	vst v2;
	v1 =	vmax.f32 v1, $0.0e+00  }
0x420: {  	[tilespmem:s3+$0x13D60] =	vst v1;
	v1 =	vmax.f32 v4, $0.0e+00  }
0x421: {  	s13 =	simm.s32 $0x0;
	s5 =	rddreg [dreg:$0xf];
	[tilespmem:s3+$0x13D70] =	vst v1  }
0x422: {  	[hbm4b:s5+s13] =	stream.linear.scatter [tilespmem:s2], [sflag:$0x7], $0x1800, $0x38;
	[tilespmem:$0x1FD40] =	vst v63  }
0x423: {  	_ =	swait.ge [sflag:s7], $0x1800  }
0x424: {  	s17 =	sld [smem:$0x7F0]  }
0x425: {  	[sflag:s7] =	ssyncset.done $0x0  }
0x426: {  	[sflag:s7] =	ssyncadd.s32 $0xFFFFE800  }
0x427: {  	[tilespmem:s2], [sflag:$0x7] =	stream.linear.gather [spmem:s17], $0x1800, $0x38;
	[tilespmem:$0x1FD40] =	vst v63  }
0x428: {  	_ =	swait.ge [sflag:s7], $0x1800  }
0x429: {  	[sflag:s7] =	ssyncset.done $0x0  }
0x42a: {  	s3 =	simm.s32 $0x0;
	[sflag:s7] =	ssyncadd.s32 $0xFFFFE800  }
0x42b: {  	v3 =	vld [tilespmem:s3+$0x13D40]  }
0x42c: {  	v2 =	vld [tilespmem:s3+$0x13D50]  }
0x42d: {  	s5 =	simm.s32 $0x100;
	v1 =	vld [tilespmem:s3+$0x13D60]  }
.LBB2_40:
0x42e: {  	p0 =	sne.s32 s5, $0x5F00;
	v4 =	vld [tilespmem:s3+$0x13D70];
	_ =	sdelay $0x1  }
.Ltmp20:
0x42f: {  	v3 =	vmax.f32 v3, $0.0e+00;
	(pc) =	sbr.rel @p0 .LBB2_40-.Ltmp20, $4  }
0x430: {  	s6 =	sshra.s32 s5, $0x2;
	[tilespmem:s3+$0x13D40] =	vst v3;
	v2 =	vmax.f32 v2, $0.0e+00  }
0x431: {  	v3 =	vld [tilespmem:s6+$0x13D40];
	[tilespmem:s3+$0x13D50] =	vst v2;
	v1 =	vmax.f32 v1, $0.0e+00  }
0x432: {  	v2 =	vld [tilespmem:s6+$0x13D50];
	[tilespmem:s3+$0x13D60] =	vst v1;
	v4 =	vmax.f32 v4, $0.0e+00  }
0x433: {  	s5 =	sadd.s32 $0x100, s5;
	v1 =	vld [tilespmem:s6+$0x13D60];
	[tilespmem:s3+$0x13D70] =	vst v4;
	s3 =	smov.u32 s6  }
0x434: {  	v4 =	vld [tilespmem:s3+$0x13D70];
	_ =	sdelay $0x1  }
0x435: {  	v3 =	vmax.f32 v3, $0.0e+00  }
0x436: {  	[tilespmem:s3+$0x13D40] =	vst v3;
	v2 =	vmax.f32 v2, $0.0e+00  }
0x437: {  	[tilespmem:s3+$0x13D50] =	vst v2;
	v1 =	vmax.f32 v1, $0.0e+00  }
0x438: {  	[tilespmem:s3+$0x13D60] =	vst v1;
	v1 =	vmax.f32 v4, $0.0e+00  }
0x439: {  	s13 =	simm.s32 $0x0;
	s5 =	rddreg [dreg:$0x10];
	[tilespmem:s3+$0x13D70] =	vst v1  }
0x43a: {  	[hbm4b:s5+s13] =	stream.linear.scatter [tilespmem:s2], [sflag:$0x7], $0x1800, $0x38;
	[tilespmem:$0x1FD40] =	vst v63  }
0x43b: {  	_ =	swait.ge [sflag:s7], $0x1800  }
0x43c: {  	s17 =	sld [smem:$0x7F2]  }
0x43d: {  	[sflag:s7] =	ssyncset.done $0x0  }
0x43e: {  	[sflag:s7] =	ssyncadd.s32 $0xFFFFE800  }
0x43f: {  	[tilespmem:s2], [sflag:$0x7] =	stream.linear.gather [spmem:s17], $0x1800, $0x38;
	[tilespmem:$0x1FD40] =	vst v63  }
0x440: {  	_ =	swait.ge [sflag:s7], $0x1800  }
0x441: {  	[sflag:s7] =	ssyncset.done $0x0  }
0x442: {  	s3 =	simm.s32 $0x0;
	[sflag:s7] =	ssyncadd.s32 $0xFFFFE800  }
0x443: {  	v3 =	vld [tilespmem:s3+$0x13D40]  }
0x444: {  	v2 =	vld [tilespmem:s3+$0x13D50]  }
0x445: {  	s5 =	simm.s32 $0x100;
	v1 =	vld [tilespmem:s3+$0x13D60]  }
.LBB2_42:
0x446: {  	p0 =	sne.s32 s5, $0x5F00;
	v4 =	vld [tilespmem:s3+$0x13D70];
	_ =	sdelay $0x1  }
.Ltmp21:
0x447: {  	v3 =	vmax.f32 v3, $0.0e+00;
	(pc) =	sbr.rel @p0 .LBB2_42-.Ltmp21, $4  }
0x448: {  	s6 =	sshra.s32 s5, $0x2;
	[tilespmem:s3+$0x13D40] =	vst v3;
	v2 =	vmax.f32 v2, $0.0e+00  }
0x449: {  	v3 =	vld [tilespmem:s6+$0x13D40];
	[tilespmem:s3+$0x13D50] =	vst v2;
	v1 =	vmax.f32 v1, $0.0e+00  }
0x44a: {  	v2 =	vld [tilespmem:s6+$0x13D50];
	[tilespmem:s3+$0x13D60] =	vst v1;
	v4 =	vmax.f32 v4, $0.0e+00  }
0x44b: {  	s5 =	sadd.s32 $0x100, s5;
	v1 =	vld [tilespmem:s6+$0x13D60];
	[tilespmem:s3+$0x13D70] =	vst v4;
	s3 =	smov.u32 s6  }
0x44c: {  	v4 =	vld [tilespmem:s3+$0x13D70];
	_ =	sdelay $0x1  }
0x44d: {  	v3 =	vmax.f32 v3, $0.0e+00  }
0x44e: {  	[tilespmem:s3+$0x13D40] =	vst v3;
	v2 =	vmax.f32 v2, $0.0e+00  }
0x44f: {  	[tilespmem:s3+$0x13D50] =	vst v2;
	v1 =	vmax.f32 v1, $0.0e+00  }
0x450: {  	[tilespmem:s3+$0x13D60] =	vst v1;
	v1 =	vmax.f32 v4, $0.0e+00  }
0x451: {  	s13 =	simm.s32 $0x0;
	s5 =	rddreg [dreg:$0x11];
	[tilespmem:s3+$0x13D70] =	vst v1  }
0x452: {  	[hbm4b:s5+s13] =	stream.linear.scatter [tilespmem:s2], [sflag:$0x7], $0x1800, $0x38;
	[tilespmem:$0x1FD40] =	vst v63  }
0x453: {  	_ =	swait.ge [sflag:s7], $0x1800  }
0x454: {  	s17 =	sld [smem:$0x7F4]  }
0x455: {  	[sflag:s7] =	ssyncset.done $0x0  }
0x456: {  	[sflag:s7] =	ssyncadd.s32 $0xFFFFE800  }
0x457: {  	[tilespmem:s2], [sflag:$0x7] =	stream.linear.gather [spmem:s17], $0x1800, $0x38;
	[tilespmem:$0x1FD40] =	vst v63  }
0x458: {  	_ =	swait.ge [sflag:s7], $0x1800  }
0x459: {  	[sflag:s7] =	ssyncset.done $0x0  }
0x45a: {  	s3 =	simm.s32 $0x0;
	[sflag:s7] =	ssyncadd.s32 $0xFFFFE800  }
0x45b: {  	v3 =	vld [tilespmem:s3+$0x13D40]  }
0x45c: {  	v2 =	vld [tilespmem:s3+$0x13D50]  }
0x45d: {  	s5 =	simm.s32 $0x100;
	v1 =	vld [tilespmem:s3+$0x13D60]  }
.LBB2_44:
0x45e: {  	p0 =	sne.s32 s5, $0x5F00;
	v4 =	vld [tilespmem:s3+$0x13D70];
	_ =	sdelay $0x1  }
.Ltmp22:
0x45f: {  	v3 =	vmax.f32 v3, $0.0e+00;
	(pc) =	sbr.rel @p0 .LBB2_44-.Ltmp22, $4  }
0x460: {  	s6 =	sshra.s32 s5, $0x2;
	[tilespmem:s3+$0x13D40] =	vst v3;
	v2 =	vmax.f32 v2, $0.0e+00  }
0x461: {  	v3 =	vld [tilespmem:s6+$0x13D40];
	[tilespmem:s3+$0x13D50] =	vst v2;
	v1 =	vmax.f32 v1, $0.0e+00  }
0x462: {  	v2 =	vld [tilespmem:s6+$0x13D50];
	[tilespmem:s3+$0x13D60] =	vst v1;
	v4 =	vmax.f32 v4, $0.0e+00  }
0x463: {  	s5 =	sadd.s32 $0x100, s5;
	v1 =	vld [tilespmem:s6+$0x13D60];
	[tilespmem:s3+$0x13D70] =	vst v4;
	s3 =	smov.u32 s6  }
0x464: {  	v4 =	vld [tilespmem:s3+$0x13D70];
	_ =	sdelay $0x1  }
0x465: {  	v3 =	vmax.f32 v3, $0.0e+00  }
0x466: {  	[tilespmem:s3+$0x13D40] =	vst v3;
	v2 =	vmax.f32 v2, $0.0e+00  }
0x467: {  	[tilespmem:s3+$0x13D50] =	vst v2;
	v1 =	vmax.f32 v1, $0.0e+00  }
0x468: {  	[tilespmem:s3+$0x13D60] =	vst v1;
	v1 =	vmax.f32 v4, $0.0e+00  }
0x469: {  	s13 =	simm.s32 $0x0;
	s5 =	rddreg [dreg:$0x12];
	[tilespmem:s3+$0x13D70] =	vst v1  }
0x46a: {  	[hbm4b:s5+s13] =	stream.linear.scatter [tilespmem:s2], [sflag:$0x7], $0x1800, $0x38;
	[tilespmem:$0x1FD40] =	vst v63  }
0x46b: {  	_ =	swait.ge [sflag:s7], $0x1800  }
0x46c: {  	s17 =	sld [smem:$0x7F6]  }
0x46d: {  	[sflag:s7] =	ssyncset.done $0x0  }
0x46e: {  	[sflag:s7] =	ssyncadd.s32 $0xFFFFE800  }
0x46f: {  	[tilespmem:s2], [sflag:$0x7] =	stream.linear.gather [spmem:s17], $0xC40, $0x38;
	[tilespmem:$0x1FD40] =	vst v63  }
0x470: {  	_ =	swait.ge [sflag:s7], $0xC40  }
0x471: {  	[sflag:s7] =	ssyncset.done $0x0  }
0x472: {  	s3 =	simm.s32 $0x0;
	[sflag:s7] =	ssyncadd.s32 $0xFFFFF3C0  }
0x473: {  	v3 =	vld [tilespmem:s3+$0x13D40]  }
0x474: {  	v2 =	vld [tilespmem:s3+$0x13D50]  }
0x475: {  	s5 =	simm.s32 $0x100;
	v1 =	vld [tilespmem:s3+$0x13D60]  }
.LBB2_46:
0x476: {  	p0 =	sne.s32 s5, $0x3000;
	v4 =	vld [tilespmem:s3+$0x13D70];
	_ =	sdelay $0x1  }
.Ltmp23:
0x477: {  	v3 =	vmax.f32 v3, $0.0e+00;
	(pc) =	sbr.rel @p0 .LBB2_46-.Ltmp23, $4  }
0x478: {  	s6 =	sshra.s32 s5, $0x2;
	[tilespmem:s3+$0x13D40] =	vst v3;
	v2 =	vmax.f32 v2, $0.0e+00  }
0x479: {  	v3 =	vld [tilespmem:s6+$0x13D40];
	[tilespmem:s3+$0x13D50] =	vst v2;
	v1 =	vmax.f32 v1, $0.0e+00  }
0x47a: {  	v2 =	vld [tilespmem:s6+$0x13D50];
	[tilespmem:s3+$0x13D60] =	vst v1;
	v4 =	vmax.f32 v4, $0.0e+00  }
0x47b: {  	s5 =	sadd.s32 $0x100, s5;
	v1 =	vld [tilespmem:s6+$0x13D60];
	[tilespmem:s3+$0x13D70] =	vst v4;
	s3 =	smov.u32 s6  }
0x47c: {  	v4 =	vld [tilespmem:s3+$0x13D70];
	_ =	sdelay $0x1  }
0x47d: {  	v3 =	vmax.f32 v3, $0.0e+00  }
0x47e: {  	[tilespmem:s3+$0x13D40] =	vst v3;
	v2 =	vmax.f32 v2, $0.0e+00  }
0x47f: {  	[tilespmem:s3+$0x13D50] =	vst v2;
	v1 =	vmax.f32 v1, $0.0e+00  }
0x480: {  	[tilespmem:s3+$0x13D60] =	vst v1;
	v1 =	vmax.f32 v4, $0.0e+00  }
0x481: {  	s13 =	rddreg [dreg:$0x13];
	[tilespmem:s3+$0x13D70] =	vst v1  }
0x482: {  	[hbm4b:s13+s28] =	stream.linear.scatter [tilespmem:s2], [sflag:$0x7], $0xC40, $0x38;
	[tilespmem:$0x1FD40] =	vst v63  }
0x483: {  	_ =	swait.ge [sflag:s7], $0xC40  }
0x484: {  	s5 =	sld [smem:$0x7EB]  }
0x485: {  	s17 =	sld [smem:$0x7F7];
	_ =	sdelay $0x1  }
0x486: {  	s5 =	sadd.s32 $0x1, s5  }
0x487: {  	p0 =	sne.s32 s5, s17  }
.Ltmp24:
0x488: {  	_ = 	snop;
	(pc) =	sbr.rel @p0 .LBB2_1-.Ltmp24, $3  }
0x489: {  	_ =	sdelay $0x1  }
0x48a: {  	[sflag:s7] =	ssyncset.done $0x0  }
0x48b: {  	[sflag:s7] =	ssyncadd.s32 $0xFFFFF3C0  }
0x48c: {  	_ =	sfence.sel $0x180000  }
0x48d: {  	[bflag:$0x0] =	sbarrier.arrive $0xFFFF  }
0x48e: {  	_ =	strace $0x90000047  }
0x48f: {  	s0 =	stileid.u32;
	[bflag:$0x2] =	sbarrier.arrive $0xFFFF  }
0x490: {  	p0 =	sne.s32 s0, $0x0;
	s0 =	rddreg [dreg:$0x5]  }
0x491: {  	s0 =	sadd.s32 @!p0 $0x100000, s0  }
0x492: {  	[sflag:s0] =	ssyncadd.tile.s32 @!p0 $0x1;
	_ =	shalt  }
.Lfunc_end2:
_tile_overlayer_lowered:
.L_overlay_start_2:
0x493: {  	(tag) =	ssettag $0x2  }
0x494: {  	s0 =	rddreg [dreg:$0x0];
	s2 =	stileid.u32  }
0x495: {  	s1 =	rddreg [dreg:$0x1];
	p0 =	sne.s32 s2, $0x0  }
0x496: {  	s3 =	rddreg [dreg:$0x2];
	[bflag:$0x3] =	sbarrier.arrive $0xFFFF;
	s2 =	simm.s32 @!p0 $0x1C07  }
0x497: {  	[timem:s3], [sflag:s2] =	dma.local @!p0 [hbm:s0], s1  }
0x498: {  	s0 =	simm.s32 @!p0 $0x7  }
0x499: {  	_ =	swait.ge @!p0 [sflag:s0], s1  }
0x49a: {  	s1 =	ssub.s32 @!p0 $0x0, s1;
	[sflag:s0] =	ssyncset.done @!p0 $0x0  }
0x49b: {  	[sflag:s0] =	ssyncadd.s32 @!p0 s1  }
0x49c: {  	[bflag:$0x3] =	sbarrier.arrive $0xFFFF  }
0x49d: {  	_ =	shalt  }

</sc_bundles>
